<compile_context>
chip_gen: v7x
topology: tpu7x:2x2x1
jax: 0.10.2.dev20260603
libtpu: 0.0.44.dev20260713+nightly
codegen_flags: <defaults>
</compile_context>

<pallas_src>
import dataclasses
import functools

import jax
import jax.numpy as jnp
from jax import lax
from jax.experimental import pallas as pl
from jax.experimental.pallas import tpu as pltpu
from jax.experimental.pallas import tpu_sc as plsc

BATCH = 16384
HIDDEN = 32
PACK = 128 // HIDDEN
NUM_CORES = 2
NUM_SUBCORES = 16
NUM_WORKERS = NUM_CORES * NUM_SUBCORES
B_PER_W = BATCH // NUM_WORKERS
LANES = 16
GROUPS = B_PER_W // LANES
IDX_CHUNK = 128
N_CHUNKS = B_PER_W // IDX_CHUNK
HALF = B_PER_W // 2
H_CHUNKS = N_CHUNKS // 2


def _mf_kernel(uid_hbm, iid_hbm, avg_hbm, uemb_hbm, iemb_hbm, ubias_hbm,
               ibias_hbm, out_hbm, uid_v, iid_v, pidx_u, pidx_i, avg_v,
               rows_u, rows_i, ub_v, ib_v, out_v, sem0, sem1, sem2, sem3):
  wid = lax.axis_index("s") * NUM_CORES + lax.axis_index("c")
  base = wid * B_PER_W

  for k in range(N_CHUNKS):
    pltpu.sync_copy(uid_hbm.at[pl.ds(base + k * IDX_CHUNK, IDX_CHUNK)],
                    uid_v.at[k])
    pltpu.sync_copy(iid_hbm.at[pl.ds(base + k * IDX_CHUNK, IDX_CHUNK)],
                    iid_v.at[k])
  pltpu.sync_copy(avg_hbm.at[pl.ds(base, B_PER_W)], avg_v)

  copies = []
  for k in range(N_CHUNKS):
    lo = k * IDX_CHUNK
    copies.append(pltpu.async_copy(
        ubias_hbm.at[uid_v.at[k]], ub_v.at[pl.ds(lo, IDX_CHUNK)], sem2))
    copies.append(pltpu.async_copy(
        ibias_hbm.at[iid_v.at[k]], ib_v.at[pl.ds(lo, IDX_CHUNK)], sem3))

  for k in range(N_CHUNKS):
    for j0 in range(0, IDX_CHUNK, LANES):
      pidx_u[k, pl.ds(j0, LANES)] = uid_v[k, pl.ds(j0, LANES)] >> 2
      pidx_i[k, pl.ds(j0, LANES)] = iid_v[k, pl.ds(j0, LANES)] >> 2

  lane_iota = lax.iota(jnp.int32, LANES)

  for half in range(2):
    hbase = half * HALF
    gcopies = []
    for k in range(H_CHUNKS):
      kk = half * H_CHUNKS + k
      lo = k * IDX_CHUNK
      gcopies.append(pltpu.async_copy(
          uemb_hbm.at[pidx_u.at[kk]], rows_u.at[pl.ds(lo, IDX_CHUNK), :],
          sem0))
      gcopies.append(pltpu.async_copy(
          iemb_hbm.at[pidx_i.at[kk]], rows_i.at[pl.ds(lo, IDX_CHUNK), :],
          sem1))
    for c in gcopies:
      c.wait()

    @pl.loop(0, GROUPS // 2)
    def _(g):
      b0 = g * LANES
      kk = (hbase + b0) >> 7
      j0 = (hbase + b0) & (IDX_CHUNK - 1)
      qu = (uid_v[kk, pl.ds(j0, LANES)] & (PACK - 1)) * HIDDEN
      qi = (iid_v[kk, pl.ds(j0, LANES)] & (PACK - 1)) * HIDDEN
      acc = jnp.zeros((LANES,), jnp.float32)
      for j in range(LANES):
        b = b0 + j
        bvec = jnp.full((LANES,), 0, jnp.int32) + b
        cu = jnp.take(qu, lane_iota * 0 + j) + lane_iota
        ci = jnp.take(qi, lane_iota * 0 + j) + lane_iota
        u0 = plsc.load_gather(rows_u, [bvec, cu])
        u1 = plsc.load_gather(rows_u, [bvec, cu + LANES])
        v0 = plsc.load_gather(rows_i, [bvec, ci])
        v1 = plsc.load_gather(rows_i, [bvec, ci + LANES])
        s = jnp.sum(u0 * v0 + u1 * v1)
        acc = jnp.where(lane_iota == j, s, acc)
      out_v[pl.ds(hbase + b0, LANES)] = acc

  for c in copies:
    c.wait()

  @pl.loop(0, GROUPS)
  def _(g):
    b0 = g * LANES
    out_v[pl.ds(b0, LANES)] = (out_v[pl.ds(b0, LANES)] + avg_v[pl.ds(b0, LANES)]
                               + ub_v[pl.ds(b0, LANES)] + ib_v[pl.ds(b0, LANES)])

  pltpu.sync_copy(out_v, out_hbm.at[pl.ds(base, B_PER_W)])


@jax.jit
def _mf(user_id, item_id, avg_score, uemb4, iemb4, ubias_flat, ibias_flat):
  mesh = plsc.VectorSubcoreMesh(core_axis_name="c", subcore_axis_name="s")
  cp = pltpu.CompilerParams()
  for field, val in (("needs_layout_passes", False),
                     ("use_tc_tiling_on_sc", False)):
    if field in pltpu.CompilerParams.__dataclass_fields__:
      cp = dataclasses.replace(cp, **{field: val})
  run = functools.partial(
      pl.kernel,
      compiler_params=cp,
      out_type=jax.ShapeDtypeStruct((BATCH,), jnp.float32),
      mesh=mesh,
      scratch_types=[
          pltpu.VMEM((N_CHUNKS, IDX_CHUNK), jnp.int32),
          pltpu.VMEM((N_CHUNKS, IDX_CHUNK), jnp.int32),
          pltpu.VMEM((N_CHUNKS, IDX_CHUNK), jnp.int32),
          pltpu.VMEM((N_CHUNKS, IDX_CHUNK), jnp.int32),
          pltpu.VMEM((B_PER_W,), jnp.float32),
          pltpu.VMEM((HALF, PACK * HIDDEN), jnp.float32),
          pltpu.VMEM((HALF, PACK * HIDDEN), jnp.float32),
          pltpu.VMEM((B_PER_W,), jnp.float32),
          pltpu.VMEM((B_PER_W,), jnp.float32),
          pltpu.VMEM((B_PER_W,), jnp.float32),
          pltpu.SemaphoreType.DMA,
          pltpu.SemaphoreType.DMA,
          pltpu.SemaphoreType.DMA,
          pltpu.SemaphoreType.DMA,
      ],
  )(_mf_kernel)
  return run(user_id, item_id, avg_score, uemb4, iemb4, ubias_flat,
             ibias_flat)


def kernel(user_id, item_id, avg_score, user_embed, item_embed, user_bias,
           item_bias):
  n_pack = user_embed.shape[0] // PACK
  return _mf(user_id.astype(jnp.int32), item_id.astype(jnp.int32), avg_score,
             user_embed.reshape(n_pack, PACK * HIDDEN),
             item_embed.reshape(n_pack, PACK * HIDDEN),
             user_bias.reshape(-1), item_bias.reshape(-1))

# --- scband reference (transcript-rebuilt; emitter-appended) ---
"""Pipeline reference for scband-mf-84181359001707 (READ-ONLY COPY).

The authoritative reference and input builder live on the scoring server;
editing this copy changes nothing except your own understanding.
"""

import jax, jax.numpy as jnp
import numpy as np

USER_NUM = 1000000
ITEM_NUM = 1000000
HIDDEN = 32
BATCH = 16384

def setup_inputs(seed: int = 0) -> dict:
    key = jax.random.key(seed)
    k1, k2, k3, k4, k5, k6, k7 = jax.random.split(key, 7)
    user_id = jax.random.randint(k1, (BATCH,), 0, USER_NUM, dtype=jnp.int64) if jax.config.jax_enable_x64 else jax.random.randint(k1, (BATCH,), 0, USER_NUM).astype(jnp.int32)
    item_id = jax.random.randint(k2, (BATCH,), 0, ITEM_NUM).astype(user_id.dtype)
    avg_score = jax.random.uniform(k3, (BATCH,), dtype=jnp.float32)
    # xavier_normal for [N, H]: std = sqrt(2/(N+H))
    std_u = float(np.sqrt(2.0 / (USER_NUM + HIDDEN)))
    std_i = float(np.sqrt(2.0 / (ITEM_NUM + HIDDEN)))
    user_embed = jax.random.normal(k4, (USER_NUM, HIDDEN), dtype=jnp.float32) * std_u
    item_embed = jax.random.normal(k5, (ITEM_NUM, HIDDEN), dtype=jnp.float32) * std_i
    user_bias = jax.random.normal(k6, (USER_NUM, 1), dtype=jnp.float32) * 0.01
    item_bias = jax.random.normal(k7, (ITEM_NUM, 1), dtype=jnp.float32) * 0.01
    return {"user_id": user_id, "item_id": item_id, "avg_score": avg_score,
            "user_embed": user_embed, "item_embed": item_embed,
            "user_bias": user_bias, "item_bias": item_bias}

def reference(user_id, item_id, avg_score, user_embed, item_embed, user_bias, item_bias):
    user_vec = jnp.take(user_embed, user_id, axis=0)          # [B, H]
    item_vec = jnp.take(item_embed, item_id, axis=0)          # [B, H]
    u_bias = jnp.take(user_bias, user_id, axis=0).reshape(-1) # [B]
    i_bias = jnp.take(item_bias, item_id, axis=0).reshape(-1) # [B]
    rating = (user_vec * item_vec).sum(axis=1)
    rating = rating + avg_score + u_bias + i_bias
    return rating

if __name__ == "__main__":
    import jax
    _d = setup_inputs()
    print(jax.jit(kernel)(*tuple(_d.values())))

</pallas_src>

<mosaic_0001>
#map = affine_map<(d0, d1) -> (0)>
#map1 = affine_map<(d0, d1) -> (0, 0)>
module attributes {stable_mosaic.version = 14 : i64} {
  func.func @_mf_kernel(%arg0: i32, %arg1: i32, %arg2: memref<16384xi32, #tpu.memory_space<hbm>>, %arg3: memref<16384xi32, #tpu.memory_space<hbm>>, %arg4: memref<16384xf32, #tpu.memory_space<hbm>>, %arg5: memref<250000x128xf32, #tpu.memory_space<hbm>>, %arg6: memref<250000x128xf32, #tpu.memory_space<hbm>>, %arg7: memref<1000000xf32, #tpu.memory_space<hbm>>, %arg8: memref<1000000xf32, #tpu.memory_space<hbm>>, %arg9: memref<16384xf32, #tpu.memory_space<hbm>>, %arg10: memref<4x128xi32, #tpu.memory_space<vmem>>, %arg11: memref<4x128xi32, #tpu.memory_space<vmem>>, %arg12: memref<4x128xi32, #tpu.memory_space<vmem>>, %arg13: memref<4x128xi32, #tpu.memory_space<vmem>>, %arg14: memref<512xf32, #tpu.memory_space<vmem>>, %arg15: memref<256x128xf32, #tpu.memory_space<vmem>>, %arg16: memref<256x128xf32, #tpu.memory_space<vmem>>, %arg17: memref<512xf32, #tpu.memory_space<vmem>>, %arg18: memref<512xf32, #tpu.memory_space<vmem>>, %arg19: memref<512xf32, #tpu.memory_space<vmem>>, %arg20: memref<!tpu.dma_semaphore, #tpu.memory_space<semaphore_mem>>, %arg21: memref<!tpu.dma_semaphore, #tpu.memory_space<semaphore_mem>>, %arg22: memref<!tpu.dma_semaphore, #tpu.memory_space<semaphore_mem>>, %arg23: memref<!tpu.dma_semaphore, #tpu.memory_space<semaphore_mem>>) attributes {dimension_semantics = [#tpu.dimension_semantics<core_parallel>, #tpu.dimension_semantics<subcore_parallel>], iteration_bounds = array<i64: 2, 16>, scalar_prefetch = 0 : i64, scratch_operands = 14 : i64, tpu.core_type = #tpu.core_type<sc_vector_subcore>, window_params = [{transform_indices = #map}, {transform_indices = #map}, {transform_indices = #map}, {transform_indices = #map1}, {transform_indices = #map1}, {transform_indices = #map}, {transform_indices = #map}, {transform_indices = #map}]} {
    %mul3A = arith.constant 2 : i32
    %mul3A_0 = arith.muli %arg1, %mul3A : i32
    %add3A = arith.addi %mul3A_0, %arg0 : i32
    %mul3A_1 = arith.constant 512 : i32
    %mul3A_2 = arith.muli %add3A, %mul3A_1 : i32
    %add3A_3 = arith.constant 0 : i32
    %add3A_4 = arith.addi %mul3A_2, %add3A_3 : i32
    %run_scoped3A = arith.constant 0 : i32
    "tpu.region"() ({
      %run_scoped3A_1027 = tpu.sem_alloc : memref<!tpu.dma_semaphore, #tpu.memory_space<semaphore_mem>>
      %dma_start3A_1028 = arith.constant 0 : i32
      %dma_start3A_1029 = tpu.memref_slice %arg10[%run_scoped3A, %dma_start3A_1028] : memref<4x128xi32, #tpu.memory_space<vmem>> -> memref<1x128xi32, #tpu.memory_space<vmem>>
      %dma_start3A_1030 = tpu.memref_squeeze %dma_start3A_1029 : memref<1x128xi32, #tpu.memory_space<vmem>> -> memref<128xi32, #tpu.memory_space<vmem>>
      %dma_start3A_1031 = tpu.memref_slice %arg2[%add3A_4] : memref<16384xi32, #tpu.memory_space<hbm>> -> memref<128xi32, #tpu.memory_space<hbm>>
      %dma_start3A_1032 = arith.constant 0 : i32
      %dma_start3A_1033 = tpu.memref_slice %arg10[%run_scoped3A, %dma_start3A_1032] : memref<4x128xi32, #tpu.memory_space<vmem>> -> memref<1x128xi32, #tpu.memory_space<vmem>>
      %dma_start3A_1034 = tpu.memref_squeeze %dma_start3A_1033 : memref<1x128xi32, #tpu.memory_space<vmem>> -> memref<128xi32, #tpu.memory_space<vmem>>
      %dma_start3A_1035 = tpu.memref_slice %arg2[%add3A_4] : memref<16384xi32, #tpu.memory_space<hbm>> -> memref<128xi32, #tpu.memory_space<hbm>>
      tpu.enqueue_dma source(%dma_start3A_1035 : memref<128xi32, #tpu.memory_space<hbm>>) target(%dma_start3A_1034 : memref<128xi32, #tpu.memory_space<vmem>>) target_semaphore(%run_scoped3A_1027 : memref<!tpu.dma_semaphore, #tpu.memory_space<semaphore_mem>>)
      %dma_wait3A_1036 = arith.constant 0 : i32
      %dma_wait3A_1037 = tpu.memref_slice %arg10[%run_scoped3A, %dma_wait3A_1036] : memref<4x128xi32, #tpu.memory_space<vmem>> -> memref<1x128xi32, #tpu.memory_space<vmem>>
      %dma_wait3A_1038 = tpu.memref_squeeze %dma_wait3A_1037 : memref<1x128xi32, #tpu.memory_space<vmem>> -> memref<128xi32, #tpu.memory_space<vmem>>
      %dma_wait3A_1039 = tpu.memref_slice %arg2[%add3A_4] : memref<16384xi32, #tpu.memory_space<hbm>> -> memref<128xi32, #tpu.memory_space<hbm>>
      %dma_wait3A_1040 = arith.constant 0 : i32
      %dma_wait3A_1041 = tpu.memref_slice %arg10[%run_scoped3A, %dma_wait3A_1040] : memref<4x128xi32, #tpu.memory_space<vmem>> -> memref<1x128xi32, #tpu.memory_space<vmem>>
      %dma_wait3A_1042 = tpu.memref_squeeze %dma_wait3A_1041 : memref<1x128xi32, #tpu.memory_space<vmem>> -> memref<128xi32, #tpu.memory_space<vmem>>
      %dma_wait3A_1043 = tpu.memref_slice %arg2[%add3A_4] : memref<16384xi32, #tpu.memory_space<hbm>> -> memref<128xi32, #tpu.memory_space<hbm>>
      tpu.wait_dma2 semaphore(%run_scoped3A_1027 : memref<!tpu.dma_semaphore, #tpu.memory_space<semaphore_mem>>) src(%dma_wait3A_1043 : memref<128xi32, #tpu.memory_space<hbm>>) dst(%dma_wait3A_1042 : memref<128xi32, #tpu.memory_space<vmem>>)
      tpu.yield
    }) : () -> ()
    %add3A_5 = arith.constant 0 : i32
    %add3A_6 = arith.addi %mul3A_2, %add3A_5 : i32
    %run_scoped3A_7 = arith.constant 0 : i32
    "tpu.region"() ({
      %run_scoped3A_1027 = tpu.sem_alloc : memref<!tpu.dma_semaphore, #tpu.memory_space<semaphore_mem>>
      %dma_start3A_1028 = arith.constant 0 : i32
      %dma_start3A_1029 = tpu.memref_slice %arg11[%run_scoped3A_7, %dma_start3A_1028] : memref<4x128xi32, #tpu.memory_space<vmem>> -> memref<1x128xi32, #tpu.memory_space<vmem>>
      %dma_start3A_1030 = tpu.memref_squeeze %dma_start3A_1029 : memref<1x128xi32, #tpu.memory_space<vmem>> -> memref<128xi32, #tpu.memory_space<vmem>>
      %dma_start3A_1031 = tpu.memref_slice %arg3[%add3A_6] : memref<16384xi32, #tpu.memory_space<hbm>> -> memref<128xi32, #tpu.memory_space<hbm>>
      %dma_start3A_1032 = arith.constant 0 : i32
      %dma_start3A_1033 = tpu.memref_slice %arg11[%run_scoped3A_7, %dma_start3A_1032] : memref<4x128xi32, #tpu.memory_space<vmem>> -> memref<1x128xi32, #tpu.memory_space<vmem>>
      %dma_start3A_1034 = tpu.memref_squeeze %dma_start3A_1033 : memref<1x128xi32, #tpu.memory_space<vmem>> -> memref<128xi32, #tpu.memory_space<vmem>>
      %dma_start3A_1035 = tpu.memref_slice %arg3[%add3A_6] : memref<16384xi32, #tpu.memory_space<hbm>> -> memref<128xi32, #tpu.memory_space<hbm>>
      tpu.enqueue_dma source(%dma_start3A_1035 : memref<128xi32, #tpu.memory_space<hbm>>) target(%dma_start3A_1034 : memref<128xi32, #tpu.memory_space<vmem>>) target_semaphore(%run_scoped3A_1027 : memref<!tpu.dma_semaphore, #tpu.memory_space<semaphore_mem>>)
      %dma_wait3A_1036 = arith.constant 0 : i32
      %dma_wait3A_1037 = tpu.memref_slice %arg11[%run_scoped3A_7, %dma_wait3A_1036] : memref<4x128xi32, #tpu.memory_space<vmem>> -> memref<1x128xi32, #tpu.memory_space<vmem>>
      %dma_wait3A_1038 = tpu.memref_squeeze %dma_wait3A_1037 : memref<1x128xi32, #tpu.memory_space<vmem>> -> memref<128xi32, #tpu.memory_space<vmem>>
      %dma_wait3A_1039 = tpu.memref_slice %arg3[%add3A_6] : memref<16384xi32, #tpu.memory_space<hbm>> -> memref<128xi32, #tpu.memory_space<hbm>>
      %dma_wait3A_1040 = arith.constant 0 : i32
      %dma_wait3A_1041 = tpu.memref_slice %arg11[%run_scoped3A_7, %dma_wait3A_1040] : memref<4x128xi32, #tpu.memory_space<vmem>> -> memref<1x128xi32, #tpu.memory_space<vmem>>
      %dma_wait3A_1042 = tpu.memref_squeeze %dma_wait3A_1041 : memref<1x128xi32, #tpu.memory_space<vmem>> -> memref<128xi32, #tpu.memory_space<vmem>>
      %dma_wait3A_1043 = tpu.memref_slice %arg3[%add3A_6] : memref<16384xi32, #tpu.memory_space<hbm>> -> memref<128xi32, #tpu.memory_space<hbm>>
      tpu.wait_dma2 semaphore(%run_scoped3A_1027 : memref<!tpu.dma_semaphore, #tpu.memory_space<semaphore_mem>>) src(%dma_wait3A_1043 : memref<128xi32, #tpu.memory_space<hbm>>) dst(%dma_wait3A_1042 : memref<128xi32, #tpu.memory_space<vmem>>)
      tpu.yield
    }) : () -> ()
    %add3A_8 = arith.constant 128 : i32
    %add3A_9 = arith.addi %mul3A_2, %add3A_8 : i32
    %run_scoped3A_10 = arith.constant 1 : i32
    "tpu.region"() ({
      %run_scoped3A_1027 = tpu.sem_alloc : memref<!tpu.dma_semaphore, #tpu.memory_space<semaphore_mem>>
      %dma_start3A_1028 = arith.constant 0 : i32
      %dma_start3A_1029 = tpu.memref_slice %arg10[%run_scoped3A_10, %dma_start3A_1028] : memref<4x128xi32, #tpu.memory_space<vmem>> -> memref<1x128xi32, #tpu.memory_space<vmem>>
      %dma_start3A_1030 = tpu.memref_squeeze %dma_start3A_1029 : memref<1x128xi32, #tpu.memory_space<vmem>> -> memref<128xi32, #tpu.memory_space<vmem>>
      %dma_start3A_1031 = tpu.memref_slice %arg2[%add3A_9] : memref<16384xi32, #tpu.memory_space<hbm>> -> memref<128xi32, #tpu.memory_space<hbm>>
      %dma_start3A_1032 = arith.constant 0 : i32
      %dma_start3A_1033 = tpu.memref_slice %arg10[%run_scoped3A_10, %dma_start3A_1032] : memref<4x128xi32, #tpu.memory_space<vmem>> -> memref<1x128xi32, #tpu.memory_space<vmem>>
      %dma_start3A_1034 = tpu.memref_squeeze %dma_start3A_1033 : memref<1x128xi32, #tpu.memory_space<vmem>> -> memref<128xi32, #tpu.memory_space<vmem>>
      %dma_start3A_1035 = tpu.memref_slice %arg2[%add3A_9] : memref<16384xi32, #tpu.memory_space<hbm>> -> memref<128xi32, #tpu.memory_space<hbm>>
      tpu.enqueue_dma source(%dma_start3A_1035 : memref<128xi32, #tpu.memory_space<hbm>>) target(%dma_start3A_1034 : memref<128xi32, #tpu.memory_space<vmem>>) target_semaphore(%run_scoped3A_1027 : memref<!tpu.dma_semaphore, #tpu.memory_space<semaphore_mem>>)
      %dma_wait3A_1036 = arith.constant 0 : i32
      %dma_wait3A_1037 = tpu.memref_slice %arg10[%run_scoped3A_10, %dma_wait3A_1036] : memref<4x128xi32, #tpu.memory_space<vmem>> -> memref<1x128xi32, #tpu.memory_space<vmem>>
      %dma_wait3A_1038 = tpu.memref_squeeze %dma_wait3A_1037 : memref<1x128xi32, #tpu.memory_space<vmem>> -> memref<128xi32, #tpu.memory_space<vmem>>
      %dma_wait3A_1039 = tpu.memref_slice %arg2[%add3A_9] : memref<16384xi32, #tpu.memory_space<hbm>> -> memref<128xi32, #tpu.memory_space<hbm>>
      %dma_wait3A_1040 = arith.constant 0 : i32
      %dma_wait3A_1041 = tpu.memref_slice %arg10[%run_scoped3A_10, %dma_wait3A_1040] : memref<4x128xi32, #tpu.memory_space<vmem>> -> memref<1x128xi32, #tpu.memory_space<vmem>>
      %dma_wait3A_1042 = tpu.memref_squeeze %dma_wait3A_1041 : memref<1x128xi32, #tpu.memory_space<vmem>> -> memref<128xi32, #tpu.memory_space<vmem>>
      %dma_wait3A_1043 = tpu.memref_slice %arg2[%add3A_9] : memref<16384xi32, #tpu.memory_space<hbm>> -> memref<128xi32, #tpu.memory_space<hbm>>
      tpu.wait_dma2 semaphore(%run_scoped3A_1027 : memref<!tpu.dma_semaphore, #tpu.memory_space<semaphore_mem>>) src(%dma_wait3A_1043 : memref<128xi32, #tpu.memory_space<hbm>>) dst(%dma_wait3A_1042 : memref<128xi32, #tpu.memory_space<vmem>>)
      tpu.yield
    }) : () -> ()
    %add3A_11 = arith.constant 128 : i32
    %add3A_12 = arith.addi %mul3A_2, %add3A_11 : i32
    %run_scoped3A_13 = arith.constant 1 : i32
    "tpu.region"() ({
      %run_scoped3A_1027 = tpu.sem_alloc : memref<!tpu.dma_semaphore, #tpu.memory_space<semaphore_mem>>
      %dma_start3A_1028 = arith.constant 0 : i32
      %dma_start3A_1029 = tpu.memref_slice %arg11[%run_scoped3A_13, %dma_start3A_1028] : memref<4x128xi32, #tpu.memory_space<vmem>> -> memref<1x128xi32, #tpu.memory_space<vmem>>
      %dma_start3A_1030 = tpu.memref_squeeze %dma_start3A_1029 : memref<1x128xi32, #tpu.memory_space<vmem>> -> memref<128xi32, #tpu.memory_space<vmem>>
      %dma_start3A_1031 = tpu.memref_slice %arg3[%add3A_12] : memref<16384xi32, #tpu.memory_space<hbm>> -> memref<128xi32, #tpu.memory_space<hbm>>
      %dma_start3A_1032 = arith.constant 0 : i32
      %dma_start3A_1033 = tpu.memref_slice %arg11[%run_scoped3A_13, %dma_start3A_1032] : memref<4x128xi32, #tpu.memory_space<vmem>> -> memref<1x128xi32, #tpu.memory_space<vmem>>
      %dma_start3A_1034 = tpu.memref_squeeze %dma_start3A_1033 : memref<1x128xi32, #tpu.memory_space<vmem>> -> memref<128xi32, #tpu.memory_space<vmem>>
      %dma_start3A_1035 = tpu.memref_slice %arg3[%add3A_12] : memref<16384xi32, #tpu.memory_space<hbm>> -> memref<128xi32, #tpu.memory_space<hbm>>
      tpu.enqueue_dma source(%dma_start3A_1035 : memref<128xi32, #tpu.memory_space<hbm>>) target(%dma_start3A_1034 : memref<128xi32, #tpu.memory_space<vmem>>) target_semaphore(%run_scoped3A_1027 : memref<!tpu.dma_semaphore, #tpu.memory_space<semaphore_mem>>)
      %dma_wait3A_1036 = arith.constant 0 : i32
      %dma_wait3A_1037 = tpu.memref_slice %arg11[%run_scoped3A_13, %dma_wait3A_1036] : memref<4x128xi32, #tpu.memory_space<vmem>> -> memref<1x128xi32, #tpu.memory_space<vmem>>
      %dma_wait3A_1038 = tpu.memref_squeeze %dma_wait3A_1037 : memref<1x128xi32, #tpu.memory_space<vmem>> -> memref<128xi32, #tpu.memory_space<vmem>>
      %dma_wait3A_1039 = tpu.memref_slice %arg3[%add3A_12] : memref<16384xi32, #tpu.memory_space<hbm>> -> memref<128xi32, #tpu.memory_space<hbm>>
      %dma_wait3A_1040 = arith.constant 0 : i32
      %dma_wait3A_1041 = tpu.memref_slice %arg11[%run_scoped3A_13, %dma_wait3A_1040] : memref<4x128xi32, #tpu.memory_space<vmem>> -> memref<1x128xi32, #tpu.memory_space<vmem>>
      %dma_wait3A_1042 = tpu.memref_squeeze %dma_wait3A_1041 : memref<1x128xi32, #tpu.memory_space<vmem>> -> memref<128xi32, #tpu.memory_space<vmem>>
      %dma_wait3A_1043 = tpu.memref_slice %arg3[%add3A_12] : memref<16384xi32, #tpu.memory_space<hbm>> -> memref<128xi32, #tpu.memory_space<hbm>>
      tpu.wait_dma2 semaphore(%run_scoped3A_1027 : memref<!tpu.dma_semaphore, #tpu.memory_space<semaphore_mem>>) src(%dma_wait3A_1043 : memref<128xi32, #tpu.memory_space<hbm>>) dst(%dma_wait3A_1042 : memref<128xi32, #tpu.memory_space<vmem>>)
      tpu.yield
    }) : () -> ()
    %add3A_14 = arith.constant 256 : i32
    %add3A_15 = arith.addi %mul3A_2, %add3A_14 : i32
    %run_scoped3A_16 = arith.constant 2 : i32
    "tpu.region"() ({
      %run_scoped3A_1027 = tpu.sem_alloc : memref<!tpu.dma_semaphore, #tpu.memory_space<semaphore_mem>>
      %dma_start3A_1028 = arith.constant 0 : i32
      %dma_start3A_1029 = tpu.memref_slice %arg10[%run_scoped3A_16, %dma_start3A_1028] : memref<4x128xi32, #tpu.memory_space<vmem>> -> memref<1x128xi32, #tpu.memory_space<vmem>>
      %dma_start3A_1030 = tpu.memref_squeeze %dma_start3A_1029 : memref<1x128xi32, #tpu.memory_space<vmem>> -> memref<128xi32, #tpu.memory_space<vmem>>
      %dma_start3A_1031 = tpu.memref_slice %arg2[%add3A_15] : memref<16384xi32, #tpu.memory_space<hbm>> -> memref<128xi32, #tpu.memory_space<hbm>>
      %dma_start3A_1032 = arith.constant 0 : i32
      %dma_start3A_1033 = tpu.memref_slice %arg10[%run_scoped3A_16, %dma_start3A_1032] : memref<4x128xi32, #tpu.memory_space<vmem>> -> memref<1x128xi32, #tpu.memory_space<vmem>>
      %dma_start3A_1034 = tpu.memref_squeeze %dma_start3A_1033 : memref<1x128xi32, #tpu.memory_space<vmem>> -> memref<128xi32, #tpu.memory_space<vmem>>
      %dma_start3A_1035 = tpu.memref_slice %arg2[%add3A_15] : memref<16384xi32, #tpu.memory_space<hbm>> -> memref<128xi32, #tpu.memory_space<hbm>>
      tpu.enqueue_dma source(%dma_start3A_1035 : memref<128xi32, #tpu.memory_space<hbm>>) target(%dma_start3A_1034 : memref<128xi32, #tpu.memory_space<vmem>>) target_semaphore(%run_scoped3A_1027 : memref<!tpu.dma_semaphore, #tpu.memory_space<semaphore_mem>>)
      %dma_wait3A_1036 = arith.constant 0 : i32
      %dma_wait3A_1037 = tpu.memref_slice %arg10[%run_scoped3A_16, %dma_wait3A_1036] : memref<4x128xi32, #tpu.memory_space<vmem>> -> memref<1x128xi32, #tpu.memory_space<vmem>>
      %dma_wait3A_1038 = tpu.memref_squeeze %dma_wait3A_1037 : memref<1x128xi32, #tpu.memory_space<vmem>> -> memref<128xi32, #tpu.memory_space<vmem>>
      %dma_wait3A_1039 = tpu.memref_slice %arg2[%add3A_15] : memref<16384xi32, #tpu.memory_space<hbm>> -> memref<128xi32, #tpu.memory_space<hbm>>
      %dma_wait3A_1040 = arith.constant 0 : i32
      %dma_wait3A_1041 = tpu.memref_slice %arg10[%run_scoped3A_16, %dma_wait3A_1040] : memref<4x128xi32, #tpu.memory_space<vmem>> -> memref<1x128xi32, #tpu.memory_space<vmem>>
      %dma_wait3A_1042 = tpu.memref_squeeze %dma_wait3A_1041 : memref<1x128xi32, #tpu.memory_space<vmem>> -> memref<128xi32, #tpu.memory_space<vmem>>
      %dma_wait3A_1043 = tpu.memref_slice %arg2[%add3A_15] : memref<16384xi32, #tpu.memory_space<hbm>> -> memref<128xi32, #tpu.memory_space<hbm>>
      tpu.wait_dma2 semaphore(%run_scoped3A_1027 : memref<!tpu.dma_semaphore, #tpu.memory_space<semaphore_mem>>) src(%dma_wait3A_1043 : memref<128xi32, #tpu.memory_space<hbm>>) dst(%dma_wait3A_1042 : memref<128xi32, #tpu.memory_space<vmem>>)
      tpu.yield
    }) : () -> ()
    %add3A_17 = arith.constant 256 : i32
    %add3A_18 = arith.addi %mul3A_2, %add3A_17 : i32
    %run_scoped3A_19 = arith.constant 2 : i32
    "tpu.region"() ({
      %run_scoped3A_1027 = tpu.sem_alloc : memref<!tpu.dma_semaphore, #tpu.memory_space<semaphore_mem>>
      %dma_start3A_1028 = arith.constant 0 : i32
      %dma_start3A_1029 = tpu.memref_slice %arg11[%run_scoped3A_19, %dma_start3A_1028] : memref<4x128xi32, #tpu.memory_space<vmem>> -> memref<1x128xi32, #tpu.memory_space<vmem>>
      %dma_start3A_1030 = tpu.memref_squeeze %dma_start3A_1029 : memref<1x128xi32, #tpu.memory_space<vmem>> -> memref<128xi32, #tpu.memory_space<vmem>>
      %dma_start3A_1031 = tpu.memref_slice %arg3[%add3A_18] : memref<16384xi32, #tpu.memory_space<hbm>> -> memref<128xi32, #tpu.memory_space<hbm>>
      %dma_start3A_1032 = arith.constant 0 : i32
      %dma_start3A_1033 = tpu.memref_slice %arg11[%run_scoped3A_19, %dma_start3A_1032] : memref<4x128xi32, #tpu.memory_space<vmem>> -> memref<1x128xi32, #tpu.memory_space<vmem>>
      %dma_start3A_1034 = tpu.memref_squeeze %dma_start3A_1033 : memref<1x128xi32, #tpu.memory_space<vmem>> -> memref<128xi32, #tpu.memory_space<vmem>>
      %dma_start3A_1035 = tpu.memref_slice %arg3[%add3A_18] : memref<16384xi32, #tpu.memory_space<hbm>> -> memref<128xi32, #tpu.memory_space<hbm>>
      tpu.enqueue_dma source(%dma_start3A_1035 : memref<128xi32, #tpu.memory_space<hbm>>) target(%dma_start3A_1034 : memref<128xi32, #tpu.memory_space<vmem>>) target_semaphore(%run_scoped3A_1027 : memref<!tpu.dma_semaphore, #tpu.memory_space<semaphore_mem>>)
      %dma_wait3A_1036 = arith.constant 0 : i32
      %dma_wait3A_1037 = tpu.memref_slice %arg11[%run_scoped3A_19, %dma_wait3A_1036] : memref<4x128xi32, #tpu.memory_space<vmem>> -> memref<1x128xi32, #tpu.memory_space<vmem>>
      %dma_wait3A_1038 = tpu.memref_squeeze %dma_wait3A_1037 : memref<1x128xi32, #tpu.memory_space<vmem>> -> memref<128xi32, #tpu.memory_space<vmem>>
      %dma_wait3A_1039 = tpu.memref_slice %arg3[%add3A_18] : memref<16384xi32, #tpu.memory_space<hbm>> -> memref<128xi32, #tpu.memory_space<hbm>>
      %dma_wait3A_1040 = arith.constant 0 : i32
      %dma_wait3A_1041 = tpu.memref_slice %arg11[%run_scoped3A_19, %dma_wait3A_1040] : memref<4x128xi32, #tpu.memory_space<vmem>> -> memref<1x128xi32, #tpu.memory_space<vmem>>
      %dma_wait3A_1042 = tpu.memref_squeeze %dma_wait3A_1041 : memref<1x128xi32, #tpu.memory_space<vmem>> -> memref<128xi32, #tpu.memory_space<vmem>>
      %dma_wait3A_1043 = tpu.memref_slice %arg3[%add3A_18] : memref<16384xi32, #tpu.memory_space<hbm>> -> memref<128xi32, #tpu.memory_space<hbm>>
      tpu.wait_dma2 semaphore(%run_scoped3A_1027 : memref<!tpu.dma_semaphore, #tpu.memory_space<semaphore_mem>>) src(%dma_wait3A_1043 : memref<128xi32, #tpu.memory_space<hbm>>) dst(%dma_wait3A_1042 : memref<128xi32, #tpu.memory_space<vmem>>)
      tpu.yield
    }) : () -> ()
    %add3A_20 = arith.constant 384 : i32
    %add3A_21 = arith.addi %mul3A_2, %add3A_20 : i32
    %run_scoped3A_22 = arith.constant 3 : i32
    "tpu.region"() ({
      %run_scoped3A_1027 = tpu.sem_alloc : memref<!tpu.dma_semaphore, #tpu.memory_space<semaphore_mem>>
      %dma_start3A_1028 = arith.constant 0 : i32
      %dma_start3A_1029 = tpu.memref_slice %arg10[%run_scoped3A_22, %dma_start3A_1028] : memref<4x128xi32, #tpu.memory_space<vmem>> -> memref<1x128xi32, #tpu.memory_space<vmem>>
      %dma_start3A_1030 = tpu.memref_squeeze %dma_start3A_1029 : memref<1x128xi32, #tpu.memory_space<vmem>> -> memref<128xi32, #tpu.memory_space<vmem>>
      %dma_start3A_1031 = tpu.memref_slice %arg2[%add3A_21] : memref<16384xi32, #tpu.memory_space<hbm>> -> memref<128xi32, #tpu.memory_space<hbm>>
      %dma_start3A_1032 = arith.constant 0 : i32
      %dma_start3A_1033 = tpu.memref_slice %arg10[%run_scoped3A_22, %dma_start3A_1032] : memref<4x128xi32, #tpu.memory_space<vmem>> -> memref<1x128xi32, #tpu.memory_space<vmem>>
      %dma_start3A_1034 = tpu.memref_squeeze %dma_start3A_1033 : memref<1x128xi32, #tpu.memory_space<vmem>> -> memref<128xi32, #tpu.memory_space<vmem>>
      %dma_start3A_1035 = tpu.memref_slice %arg2[%add3A_21] : memref<16384xi32, #tpu.memory_space<hbm>> -> memref<128xi32, #tpu.memory_space<hbm>>
      tpu.enqueue_dma source(%dma_start3A_1035 : memref<128xi32, #tpu.memory_space<hbm>>) target(%dma_start3A_1034 : memref<128xi32, #tpu.memory_space<vmem>>) target_semaphore(%run_scoped3A_1027 : memref<!tpu.dma_semaphore, #tpu.memory_space<semaphore_mem>>)
      %dma_wait3A_1036 = arith.constant 0 : i32
      %dma_wait3A_1037 = tpu.memref_slice %arg10[%run_scoped3A_22, %dma_wait3A_1036] : memref<4x128xi32, #tpu.memory_space<vmem>> -> memref<1x128xi32, #tpu.memory_space<vmem>>
      %dma_wait3A_1038 = tpu.memref_squeeze %dma_wait3A_1037 : memref<1x128xi32, #tpu.memory_space<vmem>> -> memref<128xi32, #tpu.memory_space<vmem>>
      %dma_wait3A_1039 = tpu.memref_slice %arg2[%add3A_21] : memref<16384xi32, #tpu.memory_space<hbm>> -> memref<128xi32, #tpu.memory_space<hbm>>
      %dma_wait3A_1040 = arith.constant 0 : i32
      %dma_wait3A_1041 = tpu.memref_slice %arg10[%run_scoped3A_22, %dma_wait3A_1040] : memref<4x128xi32, #tpu.memory_space<vmem>> -> memref<1x128xi32, #tpu.memory_space<vmem>>
      %dma_wait3A_1042 = tpu.memref_squeeze %dma_wait3A_1041 : memref<1x128xi32, #tpu.memory_space<vmem>> -> memref<128xi32, #tpu.memory_space<vmem>>
      %dma_wait3A_1043 = tpu.memref_slice %arg2[%add3A_21] : memref<16384xi32, #tpu.memory_space<hbm>> -> memref<128xi32, #tpu.memory_space<hbm>>
      tpu.wait_dma2 semaphore(%run_scoped3A_1027 : memref<!tpu.dma_semaphore, #tpu.memory_space<semaphore_mem>>) src(%dma_wait3A_1043 : memref<128xi32, #tpu.memory_space<hbm>>) dst(%dma_wait3A_1042 : memref<128xi32, #tpu.memory_space<vmem>>)
      tpu.yield
    }) : () -> ()
    %add3A_23 = arith.constant 384 : i32
    %add3A_24 = arith.addi %mul3A_2, %add3A_23 : i32
    %run_scoped3A_25 = arith.constant 3 : i32
    "tpu.region"() ({
      %run_scoped3A_1027 = tpu.sem_alloc : memref<!tpu.dma_semaphore, #tpu.memory_space<semaphore_mem>>
      %dma_start3A_1028 = arith.constant 0 : i32
      %dma_start3A_1029 = tpu.memref_slice %arg11[%run_scoped3A_25, %dma_start3A_1028] : memref<4x128xi32, #tpu.memory_space<vmem>> -> memref<1x128xi32, #tpu.memory_space<vmem>>
      %dma_start3A_1030 = tpu.memref_squeeze %dma_start3A_1029 : memref<1x128xi32, #tpu.memory_space<vmem>> -> memref<128xi32, #tpu.memory_space<vmem>>
      %dma_start3A_1031 = tpu.memref_slice %arg3[%add3A_24] : memref<16384xi32, #tpu.memory_space<hbm>> -> memref<128xi32, #tpu.memory_space<hbm>>
      %dma_start3A_1032 = arith.constant 0 : i32
      %dma_start3A_1033 = tpu.memref_slice %arg11[%run_scoped3A_25, %dma_start3A_1032] : memref<4x128xi32, #tpu.memory_space<vmem>> -> memref<1x128xi32, #tpu.memory_space<vmem>>
      %dma_start3A_1034 = tpu.memref_squeeze %dma_start3A_1033 : memref<1x128xi32, #tpu.memory_space<vmem>> -> memref<128xi32, #tpu.memory_space<vmem>>
      %dma_start3A_1035 = tpu.memref_slice %arg3[%add3A_24] : memref<16384xi32, #tpu.memory_space<hbm>> -> memref<128xi32, #tpu.memory_space<hbm>>
      tpu.enqueue_dma source(%dma_start3A_1035 : memref<128xi32, #tpu.memory_space<hbm>>) target(%dma_start3A_1034 : memref<128xi32, #tpu.memory_space<vmem>>) target_semaphore(%run_scoped3A_1027 : memref<!tpu.dma_semaphore, #tpu.memory_space<semaphore_mem>>)
      %dma_wait3A_1036 = arith.constant 0 : i32
      %dma_wait3A_1037 = tpu.memref_slice %arg11[%run_scoped3A_25, %dma_wait3A_1036] : memref<4x128xi32, #tpu.memory_space<vmem>> -> memref<1x128xi32, #tpu.memory_space<vmem>>
      %dma_wait3A_1038 = tpu.memref_squeeze %dma_wait3A_1037 : memref<1x128xi32, #tpu.memory_space<vmem>> -> memref<128xi32, #tpu.memory_space<vmem>>
      %dma_wait3A_1039 = tpu.memref_slice %arg3[%add3A_24] : memref<16384xi32, #tpu.memory_space<hbm>> -> memref<128xi32, #tpu.memory_space<hbm>>
      %dma_wait3A_1040 = arith.constant 0 : i32
      %dma_wait3A_1041 = tpu.memref_slice %arg11[%run_scoped3A_25, %dma_wait3A_1040] : memref<4x128xi32, #tpu.memory_space<vmem>> -> memref<1x128xi32, #tpu.memory_space<vmem>>
      %dma_wait3A_1042 = tpu.memref_squeeze %dma_wait3A_1041 : memref<1x128xi32, #tpu.memory_space<vmem>> -> memref<128xi32, #tpu.memory_space<vmem>>
      %dma_wait3A_1043 = tpu.memref_slice %arg3[%add3A_24] : memref<16384xi32, #tpu.memory_space<hbm>> -> memref<128xi32, #tpu.memory_space<hbm>>
      tpu.wait_dma2 semaphore(%run_scoped3A_1027 : memref<!tpu.dma_semaphore, #tpu.memory_space<semaphore_mem>>) src(%dma_wait3A_1043 : memref<128xi32, #tpu.memory_space<hbm>>) dst(%dma_wait3A_1042 : memref<128xi32, #tpu.memory_space<vmem>>)
      tpu.yield
    }) : () -> ()
    "tpu.region"() ({
      %run_scoped3A_1027 = tpu.sem_alloc : memref<!tpu.dma_semaphore, #tpu.memory_space<semaphore_mem>>
      %dma_start3A_1028 = tpu.memref_slice %arg4[%mul3A_2] : memref<16384xf32, #tpu.memory_space<hbm>> -> memref<512xf32, #tpu.memory_space<hbm>>
      %dma_start3A_1029 = tpu.memref_slice %arg4[%mul3A_2] : memref<16384xf32, #tpu.memory_space<hbm>> -> memref<512xf32, #tpu.memory_space<hbm>>
      tpu.enqueue_dma source(%dma_start3A_1029 : memref<512xf32, #tpu.memory_space<hbm>>) target(%arg14 : memref<512xf32, #tpu.memory_space<vmem>>) target_semaphore(%run_scoped3A_1027 : memref<!tpu.dma_semaphore, #tpu.memory_space<semaphore_mem>>)
      %dma_wait3A_1030 = tpu.memref_slice %arg4[%mul3A_2] : memref<16384xf32, #tpu.memory_space<hbm>> -> memref<512xf32, #tpu.memory_space<hbm>>
      %dma_wait3A_1031 = tpu.memref_slice %arg4[%mul3A_2] : memref<16384xf32, #tpu.memory_space<hbm>> -> memref<512xf32, #tpu.memory_space<hbm>>
      tpu.wait_dma2 semaphore(%run_scoped3A_1027 : memref<!tpu.dma_semaphore, #tpu.memory_space<semaphore_mem>>) src(%dma_wait3A_1031 : memref<512xf32, #tpu.memory_space<hbm>>) dst(%arg14 : memref<512xf32, #tpu.memory_space<vmem>>)
      tpu.yield
    }) : () -> ()
    %dma_start3A = arith.constant 0 : i32
    %dma_start3A_26 = arith.constant 0 : i32
    %dma_start3A_27 = tpu.memref_slice %arg17[%dma_start3A_26] : memref<512xf32, #tpu.memory_space<vmem>> -> memref<128xf32, #tpu.memory_space<vmem>>
    %dma_start3A_28 = arith.constant 0 : i32
    %dma_start3A_29 = tpu.memref_slice %arg10[%dma_start3A, %dma_start3A_28] : memref<4x128xi32, #tpu.memory_space<vmem>> -> memref<1x128xi32, #tpu.memory_space<vmem>>
    %dma_start3A_30 = tpu.memref_squeeze %dma_start3A_29 : memref<1x128xi32, #tpu.memory_space<vmem>> -> memref<128xi32, #tpu.memory_space<vmem>>
    %dma_start3A_31 = arith.constant 0 : i32
    %dma_start3A_32 = tpu.memref_slice %arg7[%dma_start3A_31] : memref<1000000xf32, #tpu.memory_space<hbm>> -> memref<1000000xf32, #tpu.memory_space<hbm>>
    tpu.enqueue_indirect_dma source(%dma_start3A_32 : memref<1000000xf32, #tpu.memory_space<hbm>>) target(%dma_start3A_27 : memref<128xf32, #tpu.memory_space<vmem>>) offsets(%dma_start3A_30 : memref<128xi32, #tpu.memory_space<vmem>>) semaphore(%arg22 : memref<!tpu.dma_semaphore, #tpu.memory_space<semaphore_mem>>)
    %dma_start3A_33 = arith.constant 0 : i32
    %dma_start3A_34 = arith.constant 0 : i32
    %dma_start3A_35 = tpu.memref_slice %arg18[%dma_start3A_34] : memref<512xf32, #tpu.memory_space<vmem>> -> memref<128xf32, #tpu.memory_space<vmem>>
    %dma_start3A_36 = arith.constant 0 : i32
    %dma_start3A_37 = tpu.memref_slice %arg11[%dma_start3A_33, %dma_start3A_36] : memref<4x128xi32, #tpu.memory_space<vmem>> -> memref<1x128xi32, #tpu.memory_space<vmem>>
    %dma_start3A_38 = tpu.memref_squeeze %dma_start3A_37 : memref<1x128xi32, #tpu.memory_space<vmem>> -> memref<128xi32, #tpu.memory_space<vmem>>
    %dma_start3A_39 = arith.constant 0 : i32
    %dma_start3A_40 = tpu.memref_slice %arg8[%dma_start3A_39] : memref<1000000xf32, #tpu.memory_space<hbm>> -> memref<1000000xf32, #tpu.memory_space<hbm>>
    tpu.enqueue_indirect_dma source(%dma_start3A_40 : memref<1000000xf32, #tpu.memory_space<hbm>>) target(%dma_start3A_35 : memref<128xf32, #tpu.memory_space<vmem>>) offsets(%dma_start3A_38 : memref<128xi32, #tpu.memory_space<vmem>>) semaphore(%arg23 : memref<!tpu.dma_semaphore, #tpu.memory_space<semaphore_mem>>)
    %dma_start3A_41 = arith.constant 1 : i32
    %dma_start3A_42 = arith.constant 128 : i32
    %dma_start3A_43 = tpu.memref_slice %arg17[%dma_start3A_42] : memref<512xf32, #tpu.memory_space<vmem>> -> memref<128xf32, #tpu.memory_space<vmem>>
    %dma_start3A_44 = arith.constant 0 : i32
    %dma_start3A_45 = tpu.memref_slice %arg10[%dma_start3A_41, %dma_start3A_44] : memref<4x128xi32, #tpu.memory_space<vmem>> -> memref<1x128xi32, #tpu.memory_space<vmem>>
    %dma_start3A_46 = tpu.memref_squeeze %dma_start3A_45 : memref<1x128xi32, #tpu.memory_space<vmem>> -> memref<128xi32, #tpu.memory_space<vmem>>
    %dma_start3A_47 = arith.constant 0 : i32
    %dma_start3A_48 = tpu.memref_slice %arg7[%dma_start3A_47] : memref<1000000xf32, #tpu.memory_space<hbm>> -> memref<1000000xf32, #tpu.memory_space<hbm>>
    tpu.enqueue_indirect_dma source(%dma_start3A_48 : memref<1000000xf32, #tpu.memory_space<hbm>>) target(%dma_start3A_43 : memref<128xf32, #tpu.memory_space<vmem>>) offsets(%dma_start3A_46 : memref<128xi32, #tpu.memory_space<vmem>>) semaphore(%arg22 : memref<!tpu.dma_semaphore, #tpu.memory_space<semaphore_mem>>)
    %dma_start3A_49 = arith.constant 1 : i32
    %dma_start3A_50 = arith.constant 128 : i32
    %dma_start3A_51 = tpu.memref_slice %arg18[%dma_start3A_50] : memref<512xf32, #tpu.memory_space<vmem>> -> memref<128xf32, #tpu.memory_space<vmem>>
    %dma_start3A_52 = arith.constant 0 : i32
    %dma_start3A_53 = tpu.memref_slice %arg11[%dma_start3A_49, %dma_start3A_52] : memref<4x128xi32, #tpu.memory_space<vmem>> -> memref<1x128xi32, #tpu.memory_space<vmem>>
    %dma_start3A_54 = tpu.memref_squeeze %dma_start3A_53 : memref<1x128xi32, #tpu.memory_space<vmem>> -> memref<128xi32, #tpu.memory_space<vmem>>
    %dma_start3A_55 = arith.constant 0 : i32
    %dma_start3A_56 = tpu.memref_slice %arg8[%dma_start3A_55] : memref<1000000xf32, #tpu.memory_space<hbm>> -> memref<1000000xf32, #tpu.memory_space<hbm>>
    tpu.enqueue_indirect_dma source(%dma_start3A_56 : memref<1000000xf32, #tpu.memory_space<hbm>>) target(%dma_start3A_51 : memref<128xf32, #tpu.memory_space<vmem>>) offsets(%dma_start3A_54 : memref<128xi32, #tpu.memory_space<vmem>>) semaphore(%arg23 : memref<!tpu.dma_semaphore, #tpu.memory_space<semaphore_mem>>)
    %dma_start3A_57 = arith.constant 2 : i32
    %dma_start3A_58 = arith.constant 256 : i32
    %dma_start3A_59 = tpu.memref_slice %arg17[%dma_start3A_58] : memref<512xf32, #tpu.memory_space<vmem>> -> memref<128xf32, #tpu.memory_space<vmem>>
    %dma_start3A_60 = arith.constant 0 : i32
    %dma_start3A_61 = tpu.memref_slice %arg10[%dma_start3A_57, %dma_start3A_60] : memref<4x128xi32, #tpu.memory_space<vmem>> -> memref<1x128xi32, #tpu.memory_space<vmem>>
    %dma_start3A_62 = tpu.memref_squeeze %dma_start3A_61 : memref<1x128xi32, #tpu.memory_space<vmem>> -> memref<128xi32, #tpu.memory_space<vmem>>
    %dma_start3A_63 = arith.constant 0 : i32
    %dma_start3A_64 = tpu.memref_slice %arg7[%dma_start3A_63] : memref<1000000xf32, #tpu.memory_space<hbm>> -> memref<1000000xf32, #tpu.memory_space<hbm>>
    tpu.enqueue_indirect_dma source(%dma_start3A_64 : memref<1000000xf32, #tpu.memory_space<hbm>>) target(%dma_start3A_59 : memref<128xf32, #tpu.memory_space<vmem>>) offsets(%dma_start3A_62 : memref<128xi32, #tpu.memory_space<vmem>>) semaphore(%arg22 : memref<!tpu.dma_semaphore, #tpu.memory_space<semaphore_mem>>)
    %dma_start3A_65 = arith.constant 2 : i32
    %dma_start3A_66 = arith.constant 256 : i32
    %dma_start3A_67 = tpu.memref_slice %arg18[%dma_start3A_66] : memref<512xf32, #tpu.memory_space<vmem>> -> memref<128xf32, #tpu.memory_space<vmem>>
    %dma_start3A_68 = arith.constant 0 : i32
    %dma_start3A_69 = tpu.memref_slice %arg11[%dma_start3A_65, %dma_start3A_68] : memref<4x128xi32, #tpu.memory_space<vmem>> -> memref<1x128xi32, #tpu.memory_space<vmem>>
    %dma_start3A_70 = tpu.memref_squeeze %dma_start3A_69 : memref<1x128xi32, #tpu.memory_space<vmem>> -> memref<128xi32, #tpu.memory_space<vmem>>
    %dma_start3A_71 = arith.constant 0 : i32
    %dma_start3A_72 = tpu.memref_slice %arg8[%dma_start3A_71] : memref<1000000xf32, #tpu.memory_space<hbm>> -> memref<1000000xf32, #tpu.memory_space<hbm>>
    tpu.enqueue_indirect_dma source(%dma_start3A_72 : memref<1000000xf32, #tpu.memory_space<hbm>>) target(%dma_start3A_67 : memref<128xf32, #tpu.memory_space<vmem>>) offsets(%dma_start3A_70 : memref<128xi32, #tpu.memory_space<vmem>>) semaphore(%arg23 : memref<!tpu.dma_semaphore, #tpu.memory_space<semaphore_mem>>)
    %dma_start3A_73 = arith.constant 3 : i32
    %dma_start3A_74 = arith.constant 384 : i32
    %dma_start3A_75 = tpu.memref_slice %arg17[%dma_start3A_74] : memref<512xf32, #tpu.memory_space<vmem>> -> memref<128xf32, #tpu.memory_space<vmem>>
    %dma_start3A_76 = arith.constant 0 : i32
    %dma_start3A_77 = tpu.memref_slice %arg10[%dma_start3A_73, %dma_start3A_76] : memref<4x128xi32, #tpu.memory_space<vmem>> -> memref<1x128xi32, #tpu.memory_space<vmem>>
    %dma_start3A_78 = tpu.memref_squeeze %dma_start3A_77 : memref<1x128xi32, #tpu.memory_space<vmem>> -> memref<128xi32, #tpu.memory_space<vmem>>
    %dma_start3A_79 = arith.constant 0 : i32
    %dma_start3A_80 = tpu.memref_slice %arg7[%dma_start3A_79] : memref<1000000xf32, #tpu.memory_space<hbm>> -> memref<1000000xf32, #tpu.memory_space<hbm>>
    tpu.enqueue_indirect_dma source(%dma_start3A_80 : memref<1000000xf32, #tpu.memory_space<hbm>>) target(%dma_start3A_75 : memref<128xf32, #tpu.memory_space<vmem>>) offsets(%dma_start3A_78 : memref<128xi32, #tpu.memory_space<vmem>>) semaphore(%arg22 : memref<!tpu.dma_semaphore, #tpu.memory_space<semaphore_mem>>)
    %dma_start3A_81 = arith.constant 3 : i32
    %dma_start3A_82 = arith.constant 384 : i32
    %dma_start3A_83 = tpu.memref_slice %arg18[%dma_start3A_82] : memref<512xf32, #tpu.memory_space<vmem>> -> memref<128xf32, #tpu.memory_space<vmem>>
    %dma_start3A_84 = arith.constant 0 : i32
    %dma_start3A_85 = tpu.memref_slice %arg11[%dma_start3A_81, %dma_start3A_84] : memref<4x128xi32, #tpu.memory_space<vmem>> -> memref<1x128xi32, #tpu.memory_space<vmem>>
    %dma_start3A_86 = tpu.memref_squeeze %dma_start3A_85 : memref<1x128xi32, #tpu.memory_space<vmem>> -> memref<128xi32, #tpu.memory_space<vmem>>
    %dma_start3A_87 = arith.constant 0 : i32
    %dma_start3A_88 = tpu.memref_slice %arg8[%dma_start3A_87] : memref<1000000xf32, #tpu.memory_space<hbm>> -> memref<1000000xf32, #tpu.memory_space<hbm>>
    tpu.enqueue_indirect_dma source(%dma_start3A_88 : memref<1000000xf32, #tpu.memory_space<hbm>>) target(%dma_start3A_83 : memref<128xf32, #tpu.memory_space<vmem>>) offsets(%dma_start3A_86 : memref<128xi32, #tpu.memory_space<vmem>>) semaphore(%arg23 : memref<!tpu.dma_semaphore, #tpu.memory_space<semaphore_mem>>)
    %get3A = arith.constant 0 : i32
    %get3A_89 = arith.index_cast %get3A : i32 to index
    %get3A_90 = arith.constant 0 : index
    %get3A_91 = tpu.vector_load %arg10[%get3A_89, %get3A_90] {strides = array<i32>} : memref<4x128xi32, #tpu.memory_space<vmem>>, vector<16xi32>,
    %shift_right_arithmetic3A = arith.constant 2 : i32
    %shift_right_arithmetic3A_92 = vector.broadcast %shift_right_arithmetic3A : i32 to vector<16xi32>
    %shift_right_arithmetic3A_93 = arith.shrsi %get3A_91, %shift_right_arithmetic3A_92 : vector<16xi32>
    %swap3A = arith.constant 0 : i32
    %swap3A_94 = arith.index_cast %swap3A : i32 to index
    %swap3A_95 = arith.constant 0 : index
    %swap3A_96 = tpu.vector_load %arg12[%swap3A_94, %swap3A_95] {strides = array<i32>} : memref<4x128xi32, #tpu.memory_space<vmem>>, vector<16xi32>,
    tpu.vector_store %arg12[%swap3A_94, %swap3A_95], %shift_right_arithmetic3A_93 {strides = array<i32>} : memref<4x128xi32, #tpu.memory_space<vmem>>, vector<16xi32>,
    %get3A_97 = arith.constant 0 : i32
    %get3A_98 = arith.index_cast %get3A_97 : i32 to index
    %get3A_99 = arith.constant 0 : index
    %get3A_100 = tpu.vector_load %arg11[%get3A_98, %get3A_99] {strides = array<i32>} : memref<4x128xi32, #tpu.memory_space<vmem>>, vector<16xi32>,
    %shift_right_arithmetic3A_101 = arith.constant 2 : i32
    %shift_right_arithmetic3A_102 = vector.broadcast %shift_right_arithmetic3A_101 : i32 to vector<16xi32>
    %shift_right_arithmetic3A_103 = arith.shrsi %get3A_100, %shift_right_arithmetic3A_102 : vector<16xi32>
    %swap3A_104 = arith.constant 0 : i32
    %swap3A_105 = arith.index_cast %swap3A_104 : i32 to index
    %swap3A_106 = arith.constant 0 : index
    %swap3A_107 = tpu.vector_load %arg13[%swap3A_105, %swap3A_106] {strides = array<i32>} : memref<4x128xi32, #tpu.memory_space<vmem>>, vector<16xi32>,
    tpu.vector_store %arg13[%swap3A_105, %swap3A_106], %shift_right_arithmetic3A_103 {strides = array<i32>} : memref<4x128xi32, #tpu.memory_space<vmem>>, vector<16xi32>,
    %get3A_108 = arith.constant 0 : i32
    %get3A_109 = arith.index_cast %get3A_108 : i32 to index
    %get3A_110 = arith.constant 16 : index
    %get3A_111 = tpu.vector_load %arg10[%get3A_109, %get3A_110] {strides = array<i32>} : memref<4x128xi32, #tpu.memory_space<vmem>>, vector<16xi32>,
    %shift_right_arithmetic3A_112 = arith.constant 2 : i32
    %shift_right_arithmetic3A_113 = vector.broadcast %shift_right_arithmetic3A_112 : i32 to vector<16xi32>
    %shift_right_arithmetic3A_114 = arith.shrsi %get3A_111, %shift_right_arithmetic3A_113 : vector<16xi32>
    %swap3A_115 = arith.constant 0 : i32
    %swap3A_116 = arith.index_cast %swap3A_115 : i32 to index
    %swap3A_117 = arith.constant 16 : index
    %swap3A_118 = tpu.vector_load %arg12[%swap3A_116, %swap3A_117] {strides = array<i32>} : memref<4x128xi32, #tpu.memory_space<vmem>>, vector<16xi32>,
    tpu.vector_store %arg12[%swap3A_116, %swap3A_117], %shift_right_arithmetic3A_114 {strides = array<i32>} : memref<4x128xi32, #tpu.memory_space<vmem>>, vector<16xi32>,
    %get3A_119 = arith.constant 0 : i32
    %get3A_120 = arith.index_cast %get3A_119 : i32 to index
    %get3A_121 = arith.constant 16 : index
    %get3A_122 = tpu.vector_load %arg11[%get3A_120, %get3A_121] {strides = array<i32>} : memref<4x128xi32, #tpu.memory_space<vmem>>, vector<16xi32>,
    %shift_right_arithmetic3A_123 = arith.constant 2 : i32
    %shift_right_arithmetic3A_124 = vector.broadcast %shift_right_arithmetic3A_123 : i32 to vector<16xi32>
    %shift_right_arithmetic3A_125 = arith.shrsi %get3A_122, %shift_right_arithmetic3A_124 : vector<16xi32>
    %swap3A_126 = arith.constant 0 : i32
    %swap3A_127 = arith.index_cast %swap3A_126 : i32 to index
    %swap3A_128 = arith.constant 16 : index
    %swap3A_129 = tpu.vector_load %arg13[%swap3A_127, %swap3A_128] {strides = array<i32>} : memref<4x128xi32, #tpu.memory_space<vmem>>, vector<16xi32>,
    tpu.vector_store %arg13[%swap3A_127, %swap3A_128], %shift_right_arithmetic3A_125 {strides = array<i32>} : memref<4x128xi32, #tpu.memory_space<vmem>>, vector<16xi32>,
    %get3A_130 = arith.constant 0 : i32
    %get3A_131 = arith.index_cast %get3A_130 : i32 to index
    %get3A_132 = arith.constant 32 : index
    %get3A_133 = tpu.vector_load %arg10[%get3A_131, %get3A_132] {strides = array<i32>} : memref<4x128xi32, #tpu.memory_space<vmem>>, vector<16xi32>,
    %shift_right_arithmetic3A_134 = arith.constant 2 : i32
    %shift_right_arithmetic3A_135 = vector.broadcast %shift_right_arithmetic3A_134 : i32 to vector<16xi32>
    %shift_right_arithmetic3A_136 = arith.shrsi %get3A_133, %shift_right_arithmetic3A_135 : vector<16xi32>
    %swap3A_137 = arith.constant 0 : i32
    %swap3A_138 = arith.index_cast %swap3A_137 : i32 to index
    %swap3A_139 = arith.constant 32 : index
    %swap3A_140 = tpu.vector_load %arg12[%swap3A_138, %swap3A_139] {strides = array<i32>} : memref<4x128xi32, #tpu.memory_space<vmem>>, vector<16xi32>,
    tpu.vector_store %arg12[%swap3A_138, %swap3A_139], %shift_right_arithmetic3A_136 {strides = array<i32>} : memref<4x128xi32, #tpu.memory_space<vmem>>, vector<16xi32>,
    %get3A_141 = arith.constant 0 : i32
    %get3A_142 = arith.index_cast %get3A_141 : i32 to index
    %get3A_143 = arith.constant 32 : index
    %get3A_144 = tpu.vector_load %arg11[%get3A_142, %get3A_143] {strides = array<i32>} : memref<4x128xi32, #tpu.memory_space<vmem>>, vector<16xi32>,
    %shift_right_arithmetic3A_145 = arith.constant 2 : i32
    %shift_right_arithmetic3A_146 = vector.broadcast %shift_right_arithmetic3A_145 : i32 to vector<16xi32>
    %shift_right_arithmetic3A_147 = arith.shrsi %get3A_144, %shift_right_arithmetic3A_146 : vector<16xi32>
    %swap3A_148 = arith.constant 0 : i32
    %swap3A_149 = arith.index_cast %swap3A_148 : i32 to index
    %swap3A_150 = arith.constant 32 : index
    %swap3A_151 = tpu.vector_load %arg13[%swap3A_149, %swap3A_150] {strides = array<i32>} : memref<4x128xi32, #tpu.memory_space<vmem>>, vector<16xi32>,
    tpu.vector_store %arg13[%swap3A_149, %swap3A_150], %shift_right_arithmetic3A_147 {strides = array<i32>} : memref<4x128xi32, #tpu.memory_space<vmem>>, vector<16xi32>,
    %get3A_152 = arith.constant 0 : i32
    %get3A_153 = arith.index_cast %get3A_152 : i32 to index
    %get3A_154 = arith.constant 48 : index
    %get3A_155 = tpu.vector_load %arg10[%get3A_153, %get3A_154] {strides = array<i32>} : memref<4x128xi32, #tpu.memory_space<vmem>>, vector<16xi32>,
    %shift_right_arithmetic3A_156 = arith.constant 2 : i32
    %shift_right_arithmetic3A_157 = vector.broadcast %shift_right_arithmetic3A_156 : i32 to vector<16xi32>
    %shift_right_arithmetic3A_158 = arith.shrsi %get3A_155, %shift_right_arithmetic3A_157 : vector<16xi32>
    %swap3A_159 = arith.constant 0 : i32
    %swap3A_160 = arith.index_cast %swap3A_159 : i32 to index
    %swap3A_161 = arith.constant 48 : index
    %swap3A_162 = tpu.vector_load %arg12[%swap3A_160, %swap3A_161] {strides = array<i32>} : memref<4x128xi32, #tpu.memory_space<vmem>>, vector<16xi32>,
    tpu.vector_store %arg12[%swap3A_160, %swap3A_161], %shift_right_arithmetic3A_158 {strides = array<i32>} : memref<4x128xi32, #tpu.memory_space<vmem>>, vector<16xi32>,
    %get3A_163 = arith.constant 0 : i32
    %get3A_164 = arith.index_cast %get3A_163 : i32 to index
    %get3A_165 = arith.constant 48 : index
    %get3A_166 = tpu.vector_load %arg11[%get3A_164, %get3A_165] {strides = array<i32>} : memref<4x128xi32, #tpu.memory_space<vmem>>, vector<16xi32>,
    %shift_right_arithmetic3A_167 = arith.constant 2 : i32
    %shift_right_arithmetic3A_168 = vector.broadcast %shift_right_arithmetic3A_167 : i32 to vector<16xi32>
    %shift_right_arithmetic3A_169 = arith.shrsi %get3A_166, %shift_right_arithmetic3A_168 : vector<16xi32>
    %swap3A_170 = arith.constant 0 : i32
    %swap3A_171 = arith.index_cast %swap3A_170 : i32 to index
    %swap3A_172 = arith.constant 48 : index
    %swap3A_173 = tpu.vector_load %arg13[%swap3A_171, %swap3A_172] {strides = array<i32>} : memref<4x128xi32, #tpu.memory_space<vmem>>, vector<16xi32>,
    tpu.vector_store %arg13[%swap3A_171, %swap3A_172], %shift_right_arithmetic3A_169 {strides = array<i32>} : memref<4x128xi32, #tpu.memory_space<vmem>>, vector<16xi32>,
    %get3A_174 = arith.constant 0 : i32
    %get3A_175 = arith.index_cast %get3A_174 : i32 to index
    %get3A_176 = arith.constant 64 : index
    %get3A_177 = tpu.vector_load %arg10[%get3A_175, %get3A_176] {strides = array<i32>} : memref<4x128xi32, #tpu.memory_space<vmem>>, vector<16xi32>,
    %shift_right_arithmetic3A_178 = arith.constant 2 : i32
    %shift_right_arithmetic3A_179 = vector.broadcast %shift_right_arithmetic3A_178 : i32 to vector<16xi32>
    %shift_right_arithmetic3A_180 = arith.shrsi %get3A_177, %shift_right_arithmetic3A_179 : vector<16xi32>
    %swap3A_181 = arith.constant 0 : i32
    %swap3A_182 = arith.index_cast %swap3A_181 : i32 to index
    %swap3A_183 = arith.constant 64 : index
    %swap3A_184 = tpu.vector_load %arg12[%swap3A_182, %swap3A_183] {strides = array<i32>} : memref<4x128xi32, #tpu.memory_space<vmem>>, vector<16xi32>,
    tpu.vector_store %arg12[%swap3A_182, %swap3A_183], %shift_right_arithmetic3A_180 {strides = array<i32>} : memref<4x128xi32, #tpu.memory_space<vmem>>, vector<16xi32>,
    %get3A_185 = arith.constant 0 : i32
    %get3A_186 = arith.index_cast %get3A_185 : i32 to index
    %get3A_187 = arith.constant 64 : index
    %get3A_188 = tpu.vector_load %arg11[%get3A_186, %get3A_187] {strides = array<i32>} : memref<4x128xi32, #tpu.memory_space<vmem>>, vector<16xi32>,
    %shift_right_arithmetic3A_189 = arith.constant 2 : i32
    %shift_right_arithmetic3A_190 = vector.broadcast %shift_right_arithmetic3A_189 : i32 to vector<16xi32>
    %shift_right_arithmetic3A_191 = arith.shrsi %get3A_188, %shift_right_arithmetic3A_190 : vector<16xi32>
    %swap3A_192 = arith.constant 0 : i32
    %swap3A_193 = arith.index_cast %swap3A_192 : i32 to index
    %swap3A_194 = arith.constant 64 : index
    %swap3A_195 = tpu.vector_load %arg13[%swap3A_193, %swap3A_194] {strides = array<i32>} : memref<4x128xi32, #tpu.memory_space<vmem>>, vector<16xi32>,
    tpu.vector_store %arg13[%swap3A_193, %swap3A_194], %shift_right_arithmetic3A_191 {strides = array<i32>} : memref<4x128xi32, #tpu.memory_space<vmem>>, vector<16xi32>,
    %get3A_196 = arith.constant 0 : i32
    %get3A_197 = arith.index_cast %get3A_196 : i32 to index
    %get3A_198 = arith.constant 80 : index
    %get3A_199 = tpu.vector_load %arg10[%get3A_197, %get3A_198] {strides = array<i32>} : memref<4x128xi32, #tpu.memory_space<vmem>>, vector<16xi32>,
    %shift_right_arithmetic3A_200 = arith.constant 2 : i32
    %shift_right_arithmetic3A_201 = vector.broadcast %shift_right_arithmetic3A_200 : i32 to vector<16xi32>
    %shift_right_arithmetic3A_202 = arith.shrsi %get3A_199, %shift_right_arithmetic3A_201 : vector<16xi32>
    %swap3A_203 = arith.constant 0 : i32
    %swap3A_204 = arith.index_cast %swap3A_203 : i32 to index
    %swap3A_205 = arith.constant 80 : index
    %swap3A_206 = tpu.vector_load %arg12[%swap3A_204, %swap3A_205] {strides = array<i32>} : memref<4x128xi32, #tpu.memory_space<vmem>>, vector<16xi32>,
    tpu.vector_store %arg12[%swap3A_204, %swap3A_205], %shift_right_arithmetic3A_202 {strides = array<i32>} : memref<4x128xi32, #tpu.memory_space<vmem>>, vector<16xi32>,
    %get3A_207 = arith.constant 0 : i32
    %get3A_208 = arith.index_cast %get3A_207 : i32 to index
    %get3A_209 = arith.constant 80 : index
    %get3A_210 = tpu.vector_load %arg11[%get3A_208, %get3A_209] {strides = array<i32>} : memref<4x128xi32, #tpu.memory_space<vmem>>, vector<16xi32>,
    %shift_right_arithmetic3A_211 = arith.constant 2 : i32
    %shift_right_arithmetic3A_212 = vector.broadcast %shift_right_arithmetic3A_211 : i32 to vector<16xi32>
    %shift_right_arithmetic3A_213 = arith.shrsi %get3A_210, %shift_right_arithmetic3A_212 : vector<16xi32>
    %swap3A_214 = arith.constant 0 : i32
    %swap3A_215 = arith.index_cast %swap3A_214 : i32 to index
    %swap3A_216 = arith.constant 80 : index
    %swap3A_217 = tpu.vector_load %arg13[%swap3A_215, %swap3A_216] {strides = array<i32>} : memref<4x128xi32, #tpu.memory_space<vmem>>, vector<16xi32>,
    tpu.vector_store %arg13[%swap3A_215, %swap3A_216], %shift_right_arithmetic3A_213 {strides = array<i32>} : memref<4x128xi32, #tpu.memory_space<vmem>>, vector<16xi32>,
    %get3A_218 = arith.constant 0 : i32
    %get3A_219 = arith.index_cast %get3A_218 : i32 to index
    %get3A_220 = arith.constant 96 : index
    %get3A_221 = tpu.vector_load %arg10[%get3A_219, %get3A_220] {strides = array<i32>} : memref<4x128xi32, #tpu.memory_space<vmem>>, vector<16xi32>,
    %shift_right_arithmetic3A_222 = arith.constant 2 : i32
    %shift_right_arithmetic3A_223 = vector.broadcast %shift_right_arithmetic3A_222 : i32 to vector<16xi32>
    %shift_right_arithmetic3A_224 = arith.shrsi %get3A_221, %shift_right_arithmetic3A_223 : vector<16xi32>
    %swap3A_225 = arith.constant 0 : i32
    %swap3A_226 = arith.index_cast %swap3A_225 : i32 to index
    %swap3A_227 = arith.constant 96 : index
    %swap3A_228 = tpu.vector_load %arg12[%swap3A_226, %swap3A_227] {strides = array<i32>} : memref<4x128xi32, #tpu.memory_space<vmem>>, vector<16xi32>,
    tpu.vector_store %arg12[%swap3A_226, %swap3A_227], %shift_right_arithmetic3A_224 {strides = array<i32>} : memref<4x128xi32, #tpu.memory_space<vmem>>, vector<16xi32>,
    %get3A_229 = arith.constant 0 : i32
    %get3A_230 = arith.index_cast %get3A_229 : i32 to index
    %get3A_231 = arith.constant 96 : index
    %get3A_232 = tpu.vector_load %arg11[%get3A_230, %get3A_231] {strides = array<i32>} : memref<4x128xi32, #tpu.memory_space<vmem>>, vector<16xi32>,
    %shift_right_arithmetic3A_233 = arith.constant 2 : i32
    %shift_right_arithmetic3A_234 = vector.broadcast %shift_right_arithmetic3A_233 : i32 to vector<16xi32>
    %shift_right_arithmetic3A_235 = arith.shrsi %get3A_232, %shift_right_arithmetic3A_234 : vector<16xi32>
    %swap3A_236 = arith.constant 0 : i32
    %swap3A_237 = arith.index_cast %swap3A_236 : i32 to index
    %swap3A_238 = arith.constant 96 : index
    %swap3A_239 = tpu.vector_load %arg13[%swap3A_237, %swap3A_238] {strides = array<i32>} : memref<4x128xi32, #tpu.memory_space<vmem>>, vector<16xi32>,
    tpu.vector_store %arg13[%swap3A_237, %swap3A_238], %shift_right_arithmetic3A_235 {strides = array<i32>} : memref<4x128xi32, #tpu.memory_space<vmem>>, vector<16xi32>,
    %get3A_240 = arith.constant 0 : i32
    %get3A_241 = arith.index_cast %get3A_240 : i32 to index
    %get3A_242 = arith.constant 112 : index
    %get3A_243 = tpu.vector_load %arg10[%get3A_241, %get3A_242] {strides = array<i32>} : memref<4x128xi32, #tpu.memory_space<vmem>>, vector<16xi32>,
    %shift_right_arithmetic3A_244 = arith.constant 2 : i32
    %shift_right_arithmetic3A_245 = vector.broadcast %shift_right_arithmetic3A_244 : i32 to vector<16xi32>
    %shift_right_arithmetic3A_246 = arith.shrsi %get3A_243, %shift_right_arithmetic3A_245 : vector<16xi32>
    %swap3A_247 = arith.constant 0 : i32
    %swap3A_248 = arith.index_cast %swap3A_247 : i32 to index
    %swap3A_249 = arith.constant 112 : index
    %swap3A_250 = tpu.vector_load %arg12[%swap3A_248, %swap3A_249] {strides = array<i32>} : memref<4x128xi32, #tpu.memory_space<vmem>>, vector<16xi32>,
    tpu.vector_store %arg12[%swap3A_248, %swap3A_249], %shift_right_arithmetic3A_246 {strides = array<i32>} : memref<4x128xi32, #tpu.memory_space<vmem>>, vector<16xi32>,
    %get3A_251 = arith.constant 0 : i32
    %get3A_252 = arith.index_cast %get3A_251 : i32 to index
    %get3A_253 = arith.constant 112 : index
    %get3A_254 = tpu.vector_load %arg11[%get3A_252, %get3A_253] {strides = array<i32>} : memref<4x128xi32, #tpu.memory_space<vmem>>, vector<16xi32>,
    %shift_right_arithmetic3A_255 = arith.constant 2 : i32
    %shift_right_arithmetic3A_256 = vector.broadcast %shift_right_arithmetic3A_255 : i32 to vector<16xi32>
    %shift_right_arithmetic3A_257 = arith.shrsi %get3A_254, %shift_right_arithmetic3A_256 : vector<16xi32>
    %swap3A_258 = arith.constant 0 : i32
    %swap3A_259 = arith.index_cast %swap3A_258 : i32 to index
    %swap3A_260 = arith.constant 112 : index
    %swap3A_261 = tpu.vector_load %arg13[%swap3A_259, %swap3A_260] {strides = array<i32>} : memref<4x128xi32, #tpu.memory_space<vmem>>, vector<16xi32>,
    tpu.vector_store %arg13[%swap3A_259, %swap3A_260], %shift_right_arithmetic3A_257 {strides = array<i32>} : memref<4x128xi32, #tpu.memory_space<vmem>>, vector<16xi32>,
    %get3A_262 = arith.constant 1 : i32
    %get3A_263 = arith.index_cast %get3A_262 : i32 to index
    %get3A_264 = arith.constant 0 : index
    %get3A_265 = tpu.vector_load %arg10[%get3A_263, %get3A_264] {strides = array<i32>} : memref<4x128xi32, #tpu.memory_space<vmem>>, vector<16xi32>,
    %shift_right_arithmetic3A_266 = arith.constant 2 : i32
    %shift_right_arithmetic3A_267 = vector.broadcast %shift_right_arithmetic3A_266 : i32 to vector<16xi32>
    %shift_right_arithmetic3A_268 = arith.shrsi %get3A_265, %shift_right_arithmetic3A_267 : vector<16xi32>
    %swap3A_269 = arith.constant 1 : i32
    %swap3A_270 = arith.index_cast %swap3A_269 : i32 to index
    %swap3A_271 = arith.constant 0 : index
    %swap3A_272 = tpu.vector_load %arg12[%swap3A_270, %swap3A_271] {strides = array<i32>} : memref<4x128xi32, #tpu.memory_space<vmem>>, vector<16xi32>,
    tpu.vector_store %arg12[%swap3A_270, %swap3A_271], %shift_right_arithmetic3A_268 {strides = array<i32>} : memref<4x128xi32, #tpu.memory_space<vmem>>, vector<16xi32>,
    %get3A_273 = arith.constant 1 : i32
    %get3A_274 = arith.index_cast %get3A_273 : i32 to index
    %get3A_275 = arith.constant 0 : index
    %get3A_276 = tpu.vector_load %arg11[%get3A_274, %get3A_275] {strides = array<i32>} : memref<4x128xi32, #tpu.memory_space<vmem>>, vector<16xi32>,
    %shift_right_arithmetic3A_277 = arith.constant 2 : i32
    %shift_right_arithmetic3A_278 = vector.broadcast %shift_right_arithmetic3A_277 : i32 to vector<16xi32>
    %shift_right_arithmetic3A_279 = arith.shrsi %get3A_276, %shift_right_arithmetic3A_278 : vector<16xi32>
    %swap3A_280 = arith.constant 1 : i32
    %swap3A_281 = arith.index_cast %swap3A_280 : i32 to index
    %swap3A_282 = arith.constant 0 : index
    %swap3A_283 = tpu.vector_load %arg13[%swap3A_281, %swap3A_282] {strides = array<i32>} : memref<4x128xi32, #tpu.memory_space<vmem>>, vector<16xi32>,
    tpu.vector_store %arg13[%swap3A_281, %swap3A_282], %shift_right_arithmetic3A_279 {strides = array<i32>} : memref<4x128xi32, #tpu.memory_space<vmem>>, vector<16xi32>,
    %get3A_284 = arith.constant 1 : i32
    %get3A_285 = arith.index_cast %get3A_284 : i32 to index
    %get3A_286 = arith.constant 16 : index
    %get3A_287 = tpu.vector_load %arg10[%get3A_285, %get3A_286] {strides = array<i32>} : memref<4x128xi32, #tpu.memory_space<vmem>>, vector<16xi32>,
    %shift_right_arithmetic3A_288 = arith.constant 2 : i32
    %shift_right_arithmetic3A_289 = vector.broadcast %shift_right_arithmetic3A_288 : i32 to vector<16xi32>
    %shift_right_arithmetic3A_290 = arith.shrsi %get3A_287, %shift_right_arithmetic3A_289 : vector<16xi32>
    %swap3A_291 = arith.constant 1 : i32
    %swap3A_292 = arith.index_cast %swap3A_291 : i32 to index
    %swap3A_293 = arith.constant 16 : index
    %swap3A_294 = tpu.vector_load %arg12[%swap3A_292, %swap3A_293] {strides = array<i32>} : memref<4x128xi32, #tpu.memory_space<vmem>>, vector<16xi32>,
    tpu.vector_store %arg12[%swap3A_292, %swap3A_293], %shift_right_arithmetic3A_290 {strides = array<i32>} : memref<4x128xi32, #tpu.memory_space<vmem>>, vector<16xi32>,
    %get3A_295 = arith.constant 1 : i32
    %get3A_296 = arith.index_cast %get3A_295 : i32 to index
    %get3A_297 = arith.constant 16 : index
    %get3A_298 = tpu.vector_load %arg11[%get3A_296, %get3A_297] {strides = array<i32>} : memref<4x128xi32, #tpu.memory_space<vmem>>, vector<16xi32>,
    %shift_right_arithmetic3A_299 = arith.constant 2 : i32
    %shift_right_arithmetic3A_300 = vector.broadcast %shift_right_arithmetic3A_299 : i32 to vector<16xi32>
    %shift_right_arithmetic3A_301 = arith.shrsi %get3A_298, %shift_right_arithmetic3A_300 : vector<16xi32>
    %swap3A_302 = arith.constant 1 : i32
    %swap3A_303 = arith.index_cast %swap3A_302 : i32 to index
    %swap3A_304 = arith.constant 16 : index
    %swap3A_305 = tpu.vector_load %arg13[%swap3A_303, %swap3A_304] {strides = array<i32>} : memref<4x128xi32, #tpu.memory_space<vmem>>, vector<16xi32>,
    tpu.vector_store %arg13[%swap3A_303, %swap3A_304], %shift_right_arithmetic3A_301 {strides = array<i32>} : memref<4x128xi32, #tpu.memory_space<vmem>>, vector<16xi32>,
    %get3A_306 = arith.constant 1 : i32
    %get3A_307 = arith.index_cast %get3A_306 : i32 to index
    %get3A_308 = arith.constant 32 : index
    %get3A_309 = tpu.vector_load %arg10[%get3A_307, %get3A_308] {strides = array<i32>} : memref<4x128xi32, #tpu.memory_space<vmem>>, vector<16xi32>,
    %shift_right_arithmetic3A_310 = arith.constant 2 : i32
    %shift_right_arithmetic3A_311 = vector.broadcast %shift_right_arithmetic3A_310 : i32 to vector<16xi32>
    %shift_right_arithmetic3A_312 = arith.shrsi %get3A_309, %shift_right_arithmetic3A_311 : vector<16xi32>
    %swap3A_313 = arith.constant 1 : i32
    %swap3A_314 = arith.index_cast %swap3A_313 : i32 to index
    %swap3A_315 = arith.constant 32 : index
    %swap3A_316 = tpu.vector_load %arg12[%swap3A_314, %swap3A_315] {strides = array<i32>} : memref<4x128xi32, #tpu.memory_space<vmem>>, vector<16xi32>,
    tpu.vector_store %arg12[%swap3A_314, %swap3A_315], %shift_right_arithmetic3A_312 {strides = array<i32>} : memref<4x128xi32, #tpu.memory_space<vmem>>, vector<16xi32>,
    %get3A_317 = arith.constant 1 : i32
    %get3A_318 = arith.index_cast %get3A_317 : i32 to index
    %get3A_319 = arith.constant 32 : index
    %get3A_320 = tpu.vector_load %arg11[%get3A_318, %get3A_319] {strides = array<i32>} : memref<4x128xi32, #tpu.memory_space<vmem>>, vector<16xi32>,
    %shift_right_arithmetic3A_321 = arith.constant 2 : i32
    %shift_right_arithmetic3A_322 = vector.broadcast %shift_right_arithmetic3A_321 : i32 to vector<16xi32>
    %shift_right_arithmetic3A_323 = arith.shrsi %get3A_320, %shift_right_arithmetic3A_322 : vector<16xi32>
    %swap3A_324 = arith.constant 1 : i32
    %swap3A_325 = arith.index_cast %swap3A_324 : i32 to index
    %swap3A_326 = arith.constant 32 : index
    %swap3A_327 = tpu.vector_load %arg13[%swap3A_325, %swap3A_326] {strides = array<i32>} : memref<4x128xi32, #tpu.memory_space<vmem>>, vector<16xi32>,
    tpu.vector_store %arg13[%swap3A_325, %swap3A_326], %shift_right_arithmetic3A_323 {strides = array<i32>} : memref<4x128xi32, #tpu.memory_space<vmem>>, vector<16xi32>,
    %get3A_328 = arith.constant 1 : i32
    %get3A_329 = arith.index_cast %get3A_328 : i32 to index
    %get3A_330 = arith.constant 48 : index
    %get3A_331 = tpu.vector_load %arg10[%get3A_329, %get3A_330] {strides = array<i32>} : memref<4x128xi32, #tpu.memory_space<vmem>>, vector<16xi32>,
    %shift_right_arithmetic3A_332 = arith.constant 2 : i32
    %shift_right_arithmetic3A_333 = vector.broadcast %shift_right_arithmetic3A_332 : i32 to vector<16xi32>
    %shift_right_arithmetic3A_334 = arith.shrsi %get3A_331, %shift_right_arithmetic3A_333 : vector<16xi32>
    %swap3A_335 = arith.constant 1 : i32
    %swap3A_336 = arith.index_cast %swap3A_335 : i32 to index
    %swap3A_337 = arith.constant 48 : index
    %swap3A_338 = tpu.vector_load %arg12[%swap3A_336, %swap3A_337] {strides = array<i32>} : memref<4x128xi32, #tpu.memory_space<vmem>>, vector<16xi32>,
    tpu.vector_store %arg12[%swap3A_336, %swap3A_337], %shift_right_arithmetic3A_334 {strides = array<i32>} : memref<4x128xi32, #tpu.memory_space<vmem>>, vector<16xi32>,
    %get3A_339 = arith.constant 1 : i32
    %get3A_340 = arith.index_cast %get3A_339 : i32 to index
    %get3A_341 = arith.constant 48 : index
    %get3A_342 = tpu.vector_load %arg11[%get3A_340, %get3A_341] {strides = array<i32>} : memref<4x128xi32, #tpu.memory_space<vmem>>, vector<16xi32>,
    %shift_right_arithmetic3A_343 = arith.constant 2 : i32
    %shift_right_arithmetic3A_344 = vector.broadcast %shift_right_arithmetic3A_343 : i32 to vector<16xi32>
    %shift_right_arithmetic3A_345 = arith.shrsi %get3A_342, %shift_right_arithmetic3A_344 : vector<16xi32>
    %swap3A_346 = arith.constant 1 : i32
    %swap3A_347 = arith.index_cast %swap3A_346 : i32 to index
    %swap3A_348 = arith.constant 48 : index
    %swap3A_349 = tpu.vector_load %arg13[%swap3A_347, %swap3A_348] {strides = array<i32>} : memref<4x128xi32, #tpu.memory_space<vmem>>, vector<16xi32>,
    tpu.vector_store %arg13[%swap3A_347, %swap3A_348], %shift_right_arithmetic3A_345 {strides = array<i32>} : memref<4x128xi32, #tpu.memory_space<vmem>>, vector<16xi32>,
    %get3A_350 = arith.constant 1 : i32
    %get3A_351 = arith.index_cast %get3A_350 : i32 to index
    %get3A_352 = arith.constant 64 : index
    %get3A_353 = tpu.vector_load %arg10[%get3A_351, %get3A_352] {strides = array<i32>} : memref<4x128xi32, #tpu.memory_space<vmem>>, vector<16xi32>,
    %shift_right_arithmetic3A_354 = arith.constant 2 : i32
    %shift_right_arithmetic3A_355 = vector.broadcast %shift_right_arithmetic3A_354 : i32 to vector<16xi32>
    %shift_right_arithmetic3A_356 = arith.shrsi %get3A_353, %shift_right_arithmetic3A_355 : vector<16xi32>
    %swap3A_357 = arith.constant 1 : i32
    %swap3A_358 = arith.index_cast %swap3A_357 : i32 to index
    %swap3A_359 = arith.constant 64 : index
    %swap3A_360 = tpu.vector_load %arg12[%swap3A_358, %swap3A_359] {strides = array<i32>} : memref<4x128xi32, #tpu.memory_space<vmem>>, vector<16xi32>,
    tpu.vector_store %arg12[%swap3A_358, %swap3A_359], %shift_right_arithmetic3A_356 {strides = array<i32>} : memref<4x128xi32, #tpu.memory_space<vmem>>, vector<16xi32>,
    %get3A_361 = arith.constant 1 : i32
    %get3A_362 = arith.index_cast %get3A_361 : i32 to index
    %get3A_363 = arith.constant 64 : index
    %get3A_364 = tpu.vector_load %arg11[%get3A_362, %get3A_363] {strides = array<i32>} : memref<4x128xi32, #tpu.memory_space<vmem>>, vector<16xi32>,
    %shift_right_arithmetic3A_365 = arith.constant 2 : i32
    %shift_right_arithmetic3A_366 = vector.broadcast %shift_right_arithmetic3A_365 : i32 to vector<16xi32>
    %shift_right_arithmetic3A_367 = arith.shrsi %get3A_364, %shift_right_arithmetic3A_366 : vector<16xi32>
    %swap3A_368 = arith.constant 1 : i32
    %swap3A_369 = arith.index_cast %swap3A_368 : i32 to index
    %swap3A_370 = arith.constant 64 : index
    %swap3A_371 = tpu.vector_load %arg13[%swap3A_369, %swap3A_370] {strides = array<i32>} : memref<4x128xi32, #tpu.memory_space<vmem>>, vector<16xi32>,
    tpu.vector_store %arg13[%swap3A_369, %swap3A_370], %shift_right_arithmetic3A_367 {strides = array<i32>} : memref<4x128xi32, #tpu.memory_space<vmem>>, vector<16xi32>,
    %get3A_372 = arith.constant 1 : i32
    %get3A_373 = arith.index_cast %get3A_372 : i32 to index
    %get3A_374 = arith.constant 80 : index
    %get3A_375 = tpu.vector_load %arg10[%get3A_373, %get3A_374] {strides = array<i32>} : memref<4x128xi32, #tpu.memory_space<vmem>>, vector<16xi32>,
    %shift_right_arithmetic3A_376 = arith.constant 2 : i32
    %shift_right_arithmetic3A_377 = vector.broadcast %shift_right_arithmetic3A_376 : i32 to vector<16xi32>
    %shift_right_arithmetic3A_378 = arith.shrsi %get3A_375, %shift_right_arithmetic3A_377 : vector<16xi32>
    %swap3A_379 = arith.constant 1 : i32
    %swap3A_380 = arith.index_cast %swap3A_379 : i32 to index
    %swap3A_381 = arith.constant 80 : index
    %swap3A_382 = tpu.vector_load %arg12[%swap3A_380, %swap3A_381] {strides = array<i32>} : memref<4x128xi32, #tpu.memory_space<vmem>>, vector<16xi32>,
    tpu.vector_store %arg12[%swap3A_380, %swap3A_381], %shift_right_arithmetic3A_378 {strides = array<i32>} : memref<4x128xi32, #tpu.memory_space<vmem>>, vector<16xi32>,
    %get3A_383 = arith.constant 1 : i32
    %get3A_384 = arith.index_cast %get3A_383 : i32 to index
    %get3A_385 = arith.constant 80 : index
    %get3A_386 = tpu.vector_load %arg11[%get3A_384, %get3A_385] {strides = array<i32>} : memref<4x128xi32, #tpu.memory_space<vmem>>, vector<16xi32>,
    %shift_right_arithmetic3A_387 = arith.constant 2 : i32
    %shift_right_arithmetic3A_388 = vector.broadcast %shift_right_arithmetic3A_387 : i32 to vector<16xi32>
    %shift_right_arithmetic3A_389 = arith.shrsi %get3A_386, %shift_right_arithmetic3A_388 : vector<16xi32>
    %swap3A_390 = arith.constant 1 : i32
    %swap3A_391 = arith.index_cast %swap3A_390 : i32 to index
    %swap3A_392 = arith.constant 80 : index
    %swap3A_393 = tpu.vector_load %arg13[%swap3A_391, %swap3A_392] {strides = array<i32>} : memref<4x128xi32, #tpu.memory_space<vmem>>, vector<16xi32>,
    tpu.vector_store %arg13[%swap3A_391, %swap3A_392], %shift_right_arithmetic3A_389 {strides = array<i32>} : memref<4x128xi32, #tpu.memory_space<vmem>>, vector<16xi32>,
    %get3A_394 = arith.constant 1 : i32
    %get3A_395 = arith.index_cast %get3A_394 : i32 to index
    %get3A_396 = arith.constant 96 : index
    %get3A_397 = tpu.vector_load %arg10[%get3A_395, %get3A_396] {strides = array<i32>} : memref<4x128xi32, #tpu.memory_space<vmem>>, vector<16xi32>,
    %shift_right_arithmetic3A_398 = arith.constant 2 : i32
    %shift_right_arithmetic3A_399 = vector.broadcast %shift_right_arithmetic3A_398 : i32 to vector<16xi32>
    %shift_right_arithmetic3A_400 = arith.shrsi %get3A_397, %shift_right_arithmetic3A_399 : vector<16xi32>
    %swap3A_401 = arith.constant 1 : i32
    %swap3A_402 = arith.index_cast %swap3A_401 : i32 to index
    %swap3A_403 = arith.constant 96 : index
    %swap3A_404 = tpu.vector_load %arg12[%swap3A_402, %swap3A_403] {strides = array<i32>} : memref<4x128xi32, #tpu.memory_space<vmem>>, vector<16xi32>,
    tpu.vector_store %arg12[%swap3A_402, %swap3A_403], %shift_right_arithmetic3A_400 {strides = array<i32>} : memref<4x128xi32, #tpu.memory_space<vmem>>, vector<16xi32>,
    %get3A_405 = arith.constant 1 : i32
    %get3A_406 = arith.index_cast %get3A_405 : i32 to index
    %get3A_407 = arith.constant 96 : index
    %get3A_408 = tpu.vector_load %arg11[%get3A_406, %get3A_407] {strides = array<i32>} : memref<4x128xi32, #tpu.memory_space<vmem>>, vector<16xi32>,
    %shift_right_arithmetic3A_409 = arith.constant 2 : i32
    %shift_right_arithmetic3A_410 = vector.broadcast %shift_right_arithmetic3A_409 : i32 to vector<16xi32>
    %shift_right_arithmetic3A_411 = arith.shrsi %get3A_408, %shift_right_arithmetic3A_410 : vector<16xi32>
    %swap3A_412 = arith.constant 1 : i32
    %swap3A_413 = arith.index_cast %swap3A_412 : i32 to index
    %swap3A_414 = arith.constant 96 : index
    %swap3A_415 = tpu.vector_load %arg13[%swap3A_413, %swap3A_414] {strides = array<i32>} : memref<4x128xi32, #tpu.memory_space<vmem>>, vector<16xi32>,
    tpu.vector_store %arg13[%swap3A_413, %swap3A_414], %shift_right_arithmetic3A_411 {strides = array<i32>} : memref<4x128xi32, #tpu.memory_space<vmem>>, vector<16xi32>,
    %get3A_416 = arith.constant 1 : i32
    %get3A_417 = arith.index_cast %get3A_416 : i32 to index
    %get3A_418 = arith.constant 112 : index
    %get3A_419 = tpu.vector_load %arg10[%get3A_417, %get3A_418] {strides = array<i32>} : memref<4x128xi32, #tpu.memory_space<vmem>>, vector<16xi32>,
    %shift_right_arithmetic3A_420 = arith.constant 2 : i32
    %shift_right_arithmetic3A_421 = vector.broadcast %shift_right_arithmetic3A_420 : i32 to vector<16xi32>
    %shift_right_arithmetic3A_422 = arith.shrsi %get3A_419, %shift_right_arithmetic3A_421 : vector<16xi32>
    %swap3A_423 = arith.constant 1 : i32
    %swap3A_424 = arith.index_cast %swap3A_423 : i32 to index
    %swap3A_425 = arith.constant 112 : index
    %swap3A_426 = tpu.vector_load %arg12[%swap3A_424, %swap3A_425] {strides = array<i32>} : memref<4x128xi32, #tpu.memory_space<vmem>>, vector<16xi32>,
    tpu.vector_store %arg12[%swap3A_424, %swap3A_425], %shift_right_arithmetic3A_422 {strides = array<i32>} : memref<4x128xi32, #tpu.memory_space<vmem>>, vector<16xi32>,
    %get3A_427 = arith.constant 1 : i32
    %get3A_428 = arith.index_cast %get3A_427 : i32 to index
    %get3A_429 = arith.constant 112 : index
    %get3A_430 = tpu.vector_load %arg11[%get3A_428, %get3A_429] {strides = array<i32>} : memref<4x128xi32, #tpu.memory_space<vmem>>, vector<16xi32>,
    %shift_right_arithmetic3A_431 = arith.constant 2 : i32
    %shift_right_arithmetic3A_432 = vector.broadcast %shift_right_arithmetic3A_431 : i32 to vector<16xi32>
    %shift_right_arithmetic3A_433 = arith.shrsi %get3A_430, %shift_right_arithmetic3A_432 : vector<16xi32>
    %swap3A_434 = arith.constant 1 : i32
    %swap3A_435 = arith.index_cast %swap3A_434 : i32 to index
    %swap3A_436 = arith.constant 112 : index
    %swap3A_437 = tpu.vector_load %arg13[%swap3A_435, %swap3A_436] {strides = array<i32>} : memref<4x128xi32, #tpu.memory_space<vmem>>, vector<16xi32>,
    tpu.vector_store %arg13[%swap3A_435, %swap3A_436], %shift_right_arithmetic3A_433 {strides = array<i32>} : memref<4x128xi32, #tpu.memory_space<vmem>>, vector<16xi32>,
    %get3A_438 = arith.constant 2 : i32
    %get3A_439 = arith.index_cast %get3A_438 : i32 to index
    %get3A_440 = arith.constant 0 : index
    %get3A_441 = tpu.vector_load %arg10[%get3A_439, %get3A_440] {strides = array<i32>} : memref<4x128xi32, #tpu.memory_space<vmem>>, vector<16xi32>,
    %shift_right_arithmetic3A_442 = arith.constant 2 : i32
    %shift_right_arithmetic3A_443 = vector.broadcast %shift_right_arithmetic3A_442 : i32 to vector<16xi32>
    %shift_right_arithmetic3A_444 = arith.shrsi %get3A_441, %shift_right_arithmetic3A_443 : vector<16xi32>
    %swap3A_445 = arith.constant 2 : i32
    %swap3A_446 = arith.index_cast %swap3A_445 : i32 to index
    %swap3A_447 = arith.constant 0 : index
    %swap3A_448 = tpu.vector_load %arg12[%swap3A_446, %swap3A_447] {strides = array<i32>} : memref<4x128xi32, #tpu.memory_space<vmem>>, vector<16xi32>,
    tpu.vector_store %arg12[%swap3A_446, %swap3A_447], %shift_right_arithmetic3A_444 {strides = array<i32>} : memref<4x128xi32, #tpu.memory_space<vmem>>, vector<16xi32>,
    %get3A_449 = arith.constant 2 : i32
    %get3A_450 = arith.index_cast %get3A_449 : i32 to index
    %get3A_451 = arith.constant 0 : index
    %get3A_452 = tpu.vector_load %arg11[%get3A_450, %get3A_451] {strides = array<i32>} : memref<4x128xi32, #tpu.memory_space<vmem>>, vector<16xi32>,
    %shift_right_arithmetic3A_453 = arith.constant 2 : i32
    %shift_right_arithmetic3A_454 = vector.broadcast %shift_right_arithmetic3A_453 : i32 to vector<16xi32>
    %shift_right_arithmetic3A_455 = arith.shrsi %get3A_452, %shift_right_arithmetic3A_454 : vector<16xi32>
    %swap3A_456 = arith.constant 2 : i32
    %swap3A_457 = arith.index_cast %swap3A_456 : i32 to index
    %swap3A_458 = arith.constant 0 : index
    %swap3A_459 = tpu.vector_load %arg13[%swap3A_457, %swap3A_458] {strides = array<i32>} : memref<4x128xi32, #tpu.memory_space<vmem>>, vector<16xi32>,
    tpu.vector_store %arg13[%swap3A_457, %swap3A_458], %shift_right_arithmetic3A_455 {strides = array<i32>} : memref<4x128xi32, #tpu.memory_space<vmem>>, vector<16xi32>,
    %get3A_460 = arith.constant 2 : i32
    %get3A_461 = arith.index_cast %get3A_460 : i32 to index
    %get3A_462 = arith.constant 16 : index
    %get3A_463 = tpu.vector_load %arg10[%get3A_461, %get3A_462] {strides = array<i32>} : memref<4x128xi32, #tpu.memory_space<vmem>>, vector<16xi32>,
    %shift_right_arithmetic3A_464 = arith.constant 2 : i32
    %shift_right_arithmetic3A_465 = vector.broadcast %shift_right_arithmetic3A_464 : i32 to vector<16xi32>
    %shift_right_arithmetic3A_466 = arith.shrsi %get3A_463, %shift_right_arithmetic3A_465 : vector<16xi32>
    %swap3A_467 = arith.constant 2 : i32
    %swap3A_468 = arith.index_cast %swap3A_467 : i32 to index
    %swap3A_469 = arith.constant 16 : index
    %swap3A_470 = tpu.vector_load %arg12[%swap3A_468, %swap3A_469] {strides = array<i32>} : memref<4x128xi32, #tpu.memory_space<vmem>>, vector<16xi32>,
    tpu.vector_store %arg12[%swap3A_468, %swap3A_469], %shift_right_arithmetic3A_466 {strides = array<i32>} : memref<4x128xi32, #tpu.memory_space<vmem>>, vector<16xi32>,
    %get3A_471 = arith.constant 2 : i32
    %get3A_472 = arith.index_cast %get3A_471 : i32 to index
    %get3A_473 = arith.constant 16 : index
    %get3A_474 = tpu.vector_load %arg11[%get3A_472, %get3A_473] {strides = array<i32>} : memref<4x128xi32, #tpu.memory_space<vmem>>, vector<16xi32>,
    %shift_right_arithmetic3A_475 = arith.constant 2 : i32
    %shift_right_arithmetic3A_476 = vector.broadcast %shift_right_arithmetic3A_475 : i32 to vector<16xi32>
    %shift_right_arithmetic3A_477 = arith.shrsi %get3A_474, %shift_right_arithmetic3A_476 : vector<16xi32>
    %swap3A_478 = arith.constant 2 : i32
    %swap3A_479 = arith.index_cast %swap3A_478 : i32 to index
    %swap3A_480 = arith.constant 16 : index
    %swap3A_481 = tpu.vector_load %arg13[%swap3A_479, %swap3A_480] {strides = array<i32>} : memref<4x128xi32, #tpu.memory_space<vmem>>, vector<16xi32>,
    tpu.vector_store %arg13[%swap3A_479, %swap3A_480], %shift_right_arithmetic3A_477 {strides = array<i32>} : memref<4x128xi32, #tpu.memory_space<vmem>>, vector<16xi32>,
    %get3A_482 = arith.constant 2 : i32
    %get3A_483 = arith.index_cast %get3A_482 : i32 to index
    %get3A_484 = arith.constant 32 : index
    %get3A_485 = tpu.vector_load %arg10[%get3A_483, %get3A_484] {strides = array<i32>} : memref<4x128xi32, #tpu.memory_space<vmem>>, vector<16xi32>,
    %shift_right_arithmetic3A_486 = arith.constant 2 : i32
    %shift_right_arithmetic3A_487 = vector.broadcast %shift_right_arithmetic3A_486 : i32 to vector<16xi32>
    %shift_right_arithmetic3A_488 = arith.shrsi %get3A_485, %shift_right_arithmetic3A_487 : vector<16xi32>
    %swap3A_489 = arith.constant 2 : i32
    %swap3A_490 = arith.index_cast %swap3A_489 : i32 to index
    %swap3A_491 = arith.constant 32 : index
    %swap3A_492 = tpu.vector_load %arg12[%swap3A_490, %swap3A_491] {strides = array<i32>} : memref<4x128xi32, #tpu.memory_space<vmem>>, vector<16xi32>,
    tpu.vector_store %arg12[%swap3A_490, %swap3A_491], %shift_right_arithmetic3A_488 {strides = array<i32>} : memref<4x128xi32, #tpu.memory_space<vmem>>, vector<16xi32>,
    %get3A_493 = arith.constant 2 : i32
    %get3A_494 = arith.index_cast %get3A_493 : i32 to index
    %get3A_495 = arith.constant 32 : index
    %get3A_496 = tpu.vector_load %arg11[%get3A_494, %get3A_495] {strides = array<i32>} : memref<4x128xi32, #tpu.memory_space<vmem>>, vector<16xi32>,
    %shift_right_arithmetic3A_497 = arith.constant 2 : i32
    %shift_right_arithmetic3A_498 = vector.broadcast %shift_right_arithmetic3A_497 : i32 to vector<16xi32>
    %shift_right_arithmetic3A_499 = arith.shrsi %get3A_496, %shift_right_arithmetic3A_498 : vector<16xi32>
    %swap3A_500 = arith.constant 2 : i32
    %swap3A_501 = arith.index_cast %swap3A_500 : i32 to index
    %swap3A_502 = arith.constant 32 : index
    %swap3A_503 = tpu.vector_load %arg13[%swap3A_501, %swap3A_502] {strides = array<i32>} : memref<4x128xi32, #tpu.memory_space<vmem>>, vector<16xi32>,
    tpu.vector_store %arg13[%swap3A_501, %swap3A_502], %shift_right_arithmetic3A_499 {strides = array<i32>} : memref<4x128xi32, #tpu.memory_space<vmem>>, vector<16xi32>,
    %get3A_504 = arith.constant 2 : i32
    %get3A_505 = arith.index_cast %get3A_504 : i32 to index
    %get3A_506 = arith.constant 48 : index
    %get3A_507 = tpu.vector_load %arg10[%get3A_505, %get3A_506] {strides = array<i32>} : memref<4x128xi32, #tpu.memory_space<vmem>>, vector<16xi32>,
    %shift_right_arithmetic3A_508 = arith.constant 2 : i32
    %shift_right_arithmetic3A_509 = vector.broadcast %shift_right_arithmetic3A_508 : i32 to vector<16xi32>
    %shift_right_arithmetic3A_510 = arith.shrsi %get3A_507, %shift_right_arithmetic3A_509 : vector<16xi32>
    %swap3A_511 = arith.constant 2 : i32
    %swap3A_512 = arith.index_cast %swap3A_511 : i32 to index
    %swap3A_513 = arith.constant 48 : index
    %swap3A_514 = tpu.vector_load %arg12[%swap3A_512, %swap3A_513] {strides = array<i32>} : memref<4x128xi32, #tpu.memory_space<vmem>>, vector<16xi32>,
    tpu.vector_store %arg12[%swap3A_512, %swap3A_513], %shift_right_arithmetic3A_510 {strides = array<i32>} : memref<4x128xi32, #tpu.memory_space<vmem>>, vector<16xi32>,
    %get3A_515 = arith.constant 2 : i32
    %get3A_516 = arith.index_cast %get3A_515 : i32 to index
    %get3A_517 = arith.constant 48 : index
    %get3A_518 = tpu.vector_load %arg11[%get3A_516, %get3A_517] {strides = array<i32>} : memref<4x128xi32, #tpu.memory_space<vmem>>, vector<16xi32>,
    %shift_right_arithmetic3A_519 = arith.constant 2 : i32
    %shift_right_arithmetic3A_520 = vector.broadcast %shift_right_arithmetic3A_519 : i32 to vector<16xi32>
    %shift_right_arithmetic3A_521 = arith.shrsi %get3A_518, %shift_right_arithmetic3A_520 : vector<16xi32>
    %swap3A_522 = arith.constant 2 : i32
    %swap3A_523 = arith.index_cast %swap3A_522 : i32 to index
    %swap3A_524 = arith.constant 48 : index
    %swap3A_525 = tpu.vector_load %arg13[%swap3A_523, %swap3A_524] {strides = array<i32>} : memref<4x128xi32, #tpu.memory_space<vmem>>, vector<16xi32>,
    tpu.vector_store %arg13[%swap3A_523, %swap3A_524], %shift_right_arithmetic3A_521 {strides = array<i32>} : memref<4x128xi32, #tpu.memory_space<vmem>>, vector<16xi32>,
    %get3A_526 = arith.constant 2 : i32
    %get3A_527 = arith.index_cast %get3A_526 : i32 to index
    %get3A_528 = arith.constant 64 : index
    %get3A_529 = tpu.vector_load %arg10[%get3A_527, %get3A_528] {strides = array<i32>} : memref<4x128xi32, #tpu.memory_space<vmem>>, vector<16xi32>,
    %shift_right_arithmetic3A_530 = arith.constant 2 : i32
    %shift_right_arithmetic3A_531 = vector.broadcast %shift_right_arithmetic3A_530 : i32 to vector<16xi32>
    %shift_right_arithmetic3A_532 = arith.shrsi %get3A_529, %shift_right_arithmetic3A_531 : vector<16xi32>
    %swap3A_533 = arith.constant 2 : i32
    %swap3A_534 = arith.index_cast %swap3A_533 : i32 to index
    %swap3A_535 = arith.constant 64 : index
    %swap3A_536 = tpu.vector_load %arg12[%swap3A_534, %swap3A_535] {strides = array<i32>} : memref<4x128xi32, #tpu.memory_space<vmem>>, vector<16xi32>,
    tpu.vector_store %arg12[%swap3A_534, %swap3A_535], %shift_right_arithmetic3A_532 {strides = array<i32>} : memref<4x128xi32, #tpu.memory_space<vmem>>, vector<16xi32>,
    %get3A_537 = arith.constant 2 : i32
    %get3A_538 = arith.index_cast %get3A_537 : i32 to index
    %get3A_539 = arith.constant 64 : index
    %get3A_540 = tpu.vector_load %arg11[%get3A_538, %get3A_539] {strides = array<i32>} : memref<4x128xi32, #tpu.memory_space<vmem>>, vector<16xi32>,
    %shift_right_arithmetic3A_541 = arith.constant 2 : i32
    %shift_right_arithmetic3A_542 = vector.broadcast %shift_right_arithmetic3A_541 : i32 to vector<16xi32>
    %shift_right_arithmetic3A_543 = arith.shrsi %get3A_540, %shift_right_arithmetic3A_542 : vector<16xi32>
    %swap3A_544 = arith.constant 2 : i32
    %swap3A_545 = arith.index_cast %swap3A_544 : i32 to index
    %swap3A_546 = arith.constant 64 : index
    %swap3A_547 = tpu.vector_load %arg13[%swap3A_545, %swap3A_546] {strides = array<i32>} : memref<4x128xi32, #tpu.memory_space<vmem>>, vector<16xi32>,
    tpu.vector_store %arg13[%swap3A_545, %swap3A_546], %shift_right_arithmetic3A_543 {strides = array<i32>} : memref<4x128xi32, #tpu.memory_space<vmem>>, vector<16xi32>,
    %get3A_548 = arith.constant 2 : i32
    %get3A_549 = arith.index_cast %get3A_548 : i32 to index
    %get3A_550 = arith.constant 80 : index
    %get3A_551 = tpu.vector_load %arg10[%get3A_549, %get3A_550] {strides = array<i32>} : memref<4x128xi32, #tpu.memory_space<vmem>>, vector<16xi32>,
    %shift_right_arithmetic3A_552 = arith.constant 2 : i32
    %shift_right_arithmetic3A_553 = vector.broadcast %shift_right_arithmetic3A_552 : i32 to vector<16xi32>
    %shift_right_arithmetic3A_554 = arith.shrsi %get3A_551, %shift_right_arithmetic3A_553 : vector<16xi32>
    %swap3A_555 = arith.constant 2 : i32
    %swap3A_556 = arith.index_cast %swap3A_555 : i32 to index
    %swap3A_557 = arith.constant 80 : index
    %swap3A_558 = tpu.vector_load %arg12[%swap3A_556, %swap3A_557] {strides = array<i32>} : memref<4x128xi32, #tpu.memory_space<vmem>>, vector<16xi32>,
    tpu.vector_store %arg12[%swap3A_556, %swap3A_557], %shift_right_arithmetic3A_554 {strides = array<i32>} : memref<4x128xi32, #tpu.memory_space<vmem>>, vector<16xi32>,
    %get3A_559 = arith.constant 2 : i32
    %get3A_560 = arith.index_cast %get3A_559 : i32 to index
    %get3A_561 = arith.constant 80 : index
    %get3A_562 = tpu.vector_load %arg11[%get3A_560, %get3A_561] {strides = array<i32>} : memref<4x128xi32, #tpu.memory_space<vmem>>, vector<16xi32>,
    %shift_right_arithmetic3A_563 = arith.constant 2 : i32
    %shift_right_arithmetic3A_564 = vector.broadcast %shift_right_arithmetic3A_563 : i32 to vector<16xi32>
    %shift_right_arithmetic3A_565 = arith.shrsi %get3A_562, %shift_right_arithmetic3A_564 : vector<16xi32>
    %swap3A_566 = arith.constant 2 : i32
    %swap3A_567 = arith.index_cast %swap3A_566 : i32 to index
    %swap3A_568 = arith.constant 80 : index
    %swap3A_569 = tpu.vector_load %arg13[%swap3A_567, %swap3A_568] {strides = array<i32>} : memref<4x128xi32, #tpu.memory_space<vmem>>, vector<16xi32>,
    tpu.vector_store %arg13[%swap3A_567, %swap3A_568], %shift_right_arithmetic3A_565 {strides = array<i32>} : memref<4x128xi32, #tpu.memory_space<vmem>>, vector<16xi32>,
    %get3A_570 = arith.constant 2 : i32
    %get3A_571 = arith.index_cast %get3A_570 : i32 to index
    %get3A_572 = arith.constant 96 : index
    %get3A_573 = tpu.vector_load %arg10[%get3A_571, %get3A_572] {strides = array<i32>} : memref<4x128xi32, #tpu.memory_space<vmem>>, vector<16xi32>,
    %shift_right_arithmetic3A_574 = arith.constant 2 : i32
    %shift_right_arithmetic3A_575 = vector.broadcast %shift_right_arithmetic3A_574 : i32 to vector<16xi32>
    %shift_right_arithmetic3A_576 = arith.shrsi %get3A_573, %shift_right_arithmetic3A_575 : vector<16xi32>
    %swap3A_577 = arith.constant 2 : i32
    %swap3A_578 = arith.index_cast %swap3A_577 : i32 to index
    %swap3A_579 = arith.constant 96 : index
    %swap3A_580 = tpu.vector_load %arg12[%swap3A_578, %swap3A_579] {strides = array<i32>} : memref<4x128xi32, #tpu.memory_space<vmem>>, vector<16xi32>,
    tpu.vector_store %arg12[%swap3A_578, %swap3A_579], %shift_right_arithmetic3A_576 {strides = array<i32>} : memref<4x128xi32, #tpu.memory_space<vmem>>, vector<16xi32>,
    %get3A_581 = arith.constant 2 : i32
    %get3A_582 = arith.index_cast %get3A_581 : i32 to index
    %get3A_583 = arith.constant 96 : index
    %get3A_584 = tpu.vector_load %arg11[%get3A_582, %get3A_583] {strides = array<i32>} : memref<4x128xi32, #tpu.memory_space<vmem>>, vector<16xi32>,
    %shift_right_arithmetic3A_585 = arith.constant 2 : i32
    %shift_right_arithmetic3A_586 = vector.broadcast %shift_right_arithmetic3A_585 : i32 to vector<16xi32>
    %shift_right_arithmetic3A_587 = arith.shrsi %get3A_584, %shift_right_arithmetic3A_586 : vector<16xi32>
    %swap3A_588 = arith.constant 2 : i32
    %swap3A_589 = arith.index_cast %swap3A_588 : i32 to index
    %swap3A_590 = arith.constant 96 : index
    %swap3A_591 = tpu.vector_load %arg13[%swap3A_589, %swap3A_590] {strides = array<i32>} : memref<4x128xi32, #tpu.memory_space<vmem>>, vector<16xi32>,
    tpu.vector_store %arg13[%swap3A_589, %swap3A_590], %shift_right_arithmetic3A_587 {strides = array<i32>} : memref<4x128xi32, #tpu.memory_space<vmem>>, vector<16xi32>,
    %get3A_592 = arith.constant 2 : i32
    %get3A_593 = arith.index_cast %get3A_592 : i32 to index
    %get3A_594 = arith.constant 112 : index
    %get3A_595 = tpu.vector_load %arg10[%get3A_593, %get3A_594] {strides = array<i32>} : memref<4x128xi32, #tpu.memory_space<vmem>>, vector<16xi32>,
    %shift_right_arithmetic3A_596 = arith.constant 2 : i32
    %shift_right_arithmetic3A_597 = vector.broadcast %shift_right_arithmetic3A_596 : i32 to vector<16xi32>
    %shift_right_arithmetic3A_598 = arith.shrsi %get3A_595, %shift_right_arithmetic3A_597 : vector<16xi32>
    %swap3A_599 = arith.constant 2 : i32
    %swap3A_600 = arith.index_cast %swap3A_599 : i32 to index
    %swap3A_601 = arith.constant 112 : index
    %swap3A_602 = tpu.vector_load %arg12[%swap3A_600, %swap3A_601] {strides = array<i32>} : memref<4x128xi32, #tpu.memory_space<vmem>>, vector<16xi32>,
    tpu.vector_store %arg12[%swap3A_600, %swap3A_601], %shift_right_arithmetic3A_598 {strides = array<i32>} : memref<4x128xi32, #tpu.memory_space<vmem>>, vector<16xi32>,
    %get3A_603 = arith.constant 2 : i32
    %get3A_604 = arith.index_cast %get3A_603 : i32 to index
    %get3A_605 = arith.constant 112 : index
    %get3A_606 = tpu.vector_load %arg11[%get3A_604, %get3A_605] {strides = array<i32>} : memref<4x128xi32, #tpu.memory_space<vmem>>, vector<16xi32>,
    %shift_right_arithmetic3A_607 = arith.constant 2 : i32
    %shift_right_arithmetic3A_608 = vector.broadcast %shift_right_arithmetic3A_607 : i32 to vector<16xi32>
    %shift_right_arithmetic3A_609 = arith.shrsi %get3A_606, %shift_right_arithmetic3A_608 : vector<16xi32>
    %swap3A_610 = arith.constant 2 : i32
    %swap3A_611 = arith.index_cast %swap3A_610 : i32 to index
    %swap3A_612 = arith.constant 112 : index
    %swap3A_613 = tpu.vector_load %arg13[%swap3A_611, %swap3A_612] {strides = array<i32>} : memref<4x128xi32, #tpu.memory_space<vmem>>, vector<16xi32>,
    tpu.vector_store %arg13[%swap3A_611, %swap3A_612], %shift_right_arithmetic3A_609 {strides = array<i32>} : memref<4x128xi32, #tpu.memory_space<vmem>>, vector<16xi32>,
    %get3A_614 = arith.constant 3 : i32
    %get3A_615 = arith.index_cast %get3A_614 : i32 to index
    %get3A_616 = arith.constant 0 : index
    %get3A_617 = tpu.vector_load %arg10[%get3A_615, %get3A_616] {strides = array<i32>} : memref<4x128xi32, #tpu.memory_space<vmem>>, vector<16xi32>,
    %shift_right_arithmetic3A_618 = arith.constant 2 : i32
    %shift_right_arithmetic3A_619 = vector.broadcast %shift_right_arithmetic3A_618 : i32 to vector<16xi32>
    %shift_right_arithmetic3A_620 = arith.shrsi %get3A_617, %shift_right_arithmetic3A_619 : vector<16xi32>
    %swap3A_621 = arith.constant 3 : i32
    %swap3A_622 = arith.index_cast %swap3A_621 : i32 to index
    %swap3A_623 = arith.constant 0 : index
    %swap3A_624 = tpu.vector_load %arg12[%swap3A_622, %swap3A_623] {strides = array<i32>} : memref<4x128xi32, #tpu.memory_space<vmem>>, vector<16xi32>,
    tpu.vector_store %arg12[%swap3A_622, %swap3A_623], %shift_right_arithmetic3A_620 {strides = array<i32>} : memref<4x128xi32, #tpu.memory_space<vmem>>, vector<16xi32>,
    %get3A_625 = arith.constant 3 : i32
    %get3A_626 = arith.index_cast %get3A_625 : i32 to index
    %get3A_627 = arith.constant 0 : index
    %get3A_628 = tpu.vector_load %arg11[%get3A_626, %get3A_627] {strides = array<i32>} : memref<4x128xi32, #tpu.memory_space<vmem>>, vector<16xi32>,
    %shift_right_arithmetic3A_629 = arith.constant 2 : i32
    %shift_right_arithmetic3A_630 = vector.broadcast %shift_right_arithmetic3A_629 : i32 to vector<16xi32>
    %shift_right_arithmetic3A_631 = arith.shrsi %get3A_628, %shift_right_arithmetic3A_630 : vector<16xi32>
    %swap3A_632 = arith.constant 3 : i32
    %swap3A_633 = arith.index_cast %swap3A_632 : i32 to index
    %swap3A_634 = arith.constant 0 : index
    %swap3A_635 = tpu.vector_load %arg13[%swap3A_633, %swap3A_634] {strides = array<i32>} : memref<4x128xi32, #tpu.memory_space<vmem>>, vector<16xi32>,
    tpu.vector_store %arg13[%swap3A_633, %swap3A_634], %shift_right_arithmetic3A_631 {strides = array<i32>} : memref<4x128xi32, #tpu.memory_space<vmem>>, vector<16xi32>,
    %get3A_636 = arith.constant 3 : i32
    %get3A_637 = arith.index_cast %get3A_636 : i32 to index
    %get3A_638 = arith.constant 16 : index
    %get3A_639 = tpu.vector_load %arg10[%get3A_637, %get3A_638] {strides = array<i32>} : memref<4x128xi32, #tpu.memory_space<vmem>>, vector<16xi32>,
    %shift_right_arithmetic3A_640 = arith.constant 2 : i32
    %shift_right_arithmetic3A_641 = vector.broadcast %shift_right_arithmetic3A_640 : i32 to vector<16xi32>
    %shift_right_arithmetic3A_642 = arith.shrsi %get3A_639, %shift_right_arithmetic3A_641 : vector<16xi32>
    %swap3A_643 = arith.constant 3 : i32
    %swap3A_644 = arith.index_cast %swap3A_643 : i32 to index
    %swap3A_645 = arith.constant 16 : index
    %swap3A_646 = tpu.vector_load %arg12[%swap3A_644, %swap3A_645] {strides = array<i32>} : memref<4x128xi32, #tpu.memory_space<vmem>>, vector<16xi32>,
    tpu.vector_store %arg12[%swap3A_644, %swap3A_645], %shift_right_arithmetic3A_642 {strides = array<i32>} : memref<4x128xi32, #tpu.memory_space<vmem>>, vector<16xi32>,
    %get3A_647 = arith.constant 3 : i32
    %get3A_648 = arith.index_cast %get3A_647 : i32 to index
    %get3A_649 = arith.constant 16 : index
    %get3A_650 = tpu.vector_load %arg11[%get3A_648, %get3A_649] {strides = array<i32>} : memref<4x128xi32, #tpu.memory_space<vmem>>, vector<16xi32>,
    %shift_right_arithmetic3A_651 = arith.constant 2 : i32
    %shift_right_arithmetic3A_652 = vector.broadcast %shift_right_arithmetic3A_651 : i32 to vector<16xi32>
    %shift_right_arithmetic3A_653 = arith.shrsi %get3A_650, %shift_right_arithmetic3A_652 : vector<16xi32>
    %swap3A_654 = arith.constant 3 : i32
    %swap3A_655 = arith.index_cast %swap3A_654 : i32 to index
    %swap3A_656 = arith.constant 16 : index
    %swap3A_657 = tpu.vector_load %arg13[%swap3A_655, %swap3A_656] {strides = array<i32>} : memref<4x128xi32, #tpu.memory_space<vmem>>, vector<16xi32>,
    tpu.vector_store %arg13[%swap3A_655, %swap3A_656], %shift_right_arithmetic3A_653 {strides = array<i32>} : memref<4x128xi32, #tpu.memory_space<vmem>>, vector<16xi32>,
    %get3A_658 = arith.constant 3 : i32
    %get3A_659 = arith.index_cast %get3A_658 : i32 to index
    %get3A_660 = arith.constant 32 : index
    %get3A_661 = tpu.vector_load %arg10[%get3A_659, %get3A_660] {strides = array<i32>} : memref<4x128xi32, #tpu.memory_space<vmem>>, vector<16xi32>,
    %shift_right_arithmetic3A_662 = arith.constant 2 : i32
    %shift_right_arithmetic3A_663 = vector.broadcast %shift_right_arithmetic3A_662 : i32 to vector<16xi32>
    %shift_right_arithmetic3A_664 = arith.shrsi %get3A_661, %shift_right_arithmetic3A_663 : vector<16xi32>
    %swap3A_665 = arith.constant 3 : i32
    %swap3A_666 = arith.index_cast %swap3A_665 : i32 to index
    %swap3A_667 = arith.constant 32 : index
    %swap3A_668 = tpu.vector_load %arg12[%swap3A_666, %swap3A_667] {strides = array<i32>} : memref<4x128xi32, #tpu.memory_space<vmem>>, vector<16xi32>,
    tpu.vector_store %arg12[%swap3A_666, %swap3A_667], %shift_right_arithmetic3A_664 {strides = array<i32>} : memref<4x128xi32, #tpu.memory_space<vmem>>, vector<16xi32>,
    %get3A_669 = arith.constant 3 : i32
    %get3A_670 = arith.index_cast %get3A_669 : i32 to index
    %get3A_671 = arith.constant 32 : index
    %get3A_672 = tpu.vector_load %arg11[%get3A_670, %get3A_671] {strides = array<i32>} : memref<4x128xi32, #tpu.memory_space<vmem>>, vector<16xi32>,
    %shift_right_arithmetic3A_673 = arith.constant 2 : i32
    %shift_right_arithmetic3A_674 = vector.broadcast %shift_right_arithmetic3A_673 : i32 to vector<16xi32>
    %shift_right_arithmetic3A_675 = arith.shrsi %get3A_672, %shift_right_arithmetic3A_674 : vector<16xi32>
    %swap3A_676 = arith.constant 3 : i32
    %swap3A_677 = arith.index_cast %swap3A_676 : i32 to index
    %swap3A_678 = arith.constant 32 : index
    %swap3A_679 = tpu.vector_load %arg13[%swap3A_677, %swap3A_678] {strides = array<i32>} : memref<4x128xi32, #tpu.memory_space<vmem>>, vector<16xi32>,
    tpu.vector_store %arg13[%swap3A_677, %swap3A_678], %shift_right_arithmetic3A_675 {strides = array<i32>} : memref<4x128xi32, #tpu.memory_space<vmem>>, vector<16xi32>,
    %get3A_680 = arith.constant 3 : i32
    %get3A_681 = arith.index_cast %get3A_680 : i32 to index
    %get3A_682 = arith.constant 48 : index
    %get3A_683 = tpu.vector_load %arg10[%get3A_681, %get3A_682] {strides = array<i32>} : memref<4x128xi32, #tpu.memory_space<vmem>>, vector<16xi32>,
    %shift_right_arithmetic3A_684 = arith.constant 2 : i32
    %shift_right_arithmetic3A_685 = vector.broadcast %shift_right_arithmetic3A_684 : i32 to vector<16xi32>
    %shift_right_arithmetic3A_686 = arith.shrsi %get3A_683, %shift_right_arithmetic3A_685 : vector<16xi32>
    %swap3A_687 = arith.constant 3 : i32
    %swap3A_688 = arith.index_cast %swap3A_687 : i32 to index
    %swap3A_689 = arith.constant 48 : index
    %swap3A_690 = tpu.vector_load %arg12[%swap3A_688, %swap3A_689] {strides = array<i32>} : memref<4x128xi32, #tpu.memory_space<vmem>>, vector<16xi32>,
    tpu.vector_store %arg12[%swap3A_688, %swap3A_689], %shift_right_arithmetic3A_686 {strides = array<i32>} : memref<4x128xi32, #tpu.memory_space<vmem>>, vector<16xi32>,
    %get3A_691 = arith.constant 3 : i32
    %get3A_692 = arith.index_cast %get3A_691 : i32 to index
    %get3A_693 = arith.constant 48 : index
    %get3A_694 = tpu.vector_load %arg11[%get3A_692, %get3A_693] {strides = array<i32>} : memref<4x128xi32, #tpu.memory_space<vmem>>, vector<16xi32>,
    %shift_right_arithmetic3A_695 = arith.constant 2 : i32
    %shift_right_arithmetic3A_696 = vector.broadcast %shift_right_arithmetic3A_695 : i32 to vector<16xi32>
    %shift_right_arithmetic3A_697 = arith.shrsi %get3A_694, %shift_right_arithmetic3A_696 : vector<16xi32>
    %swap3A_698 = arith.constant 3 : i32
    %swap3A_699 = arith.index_cast %swap3A_698 : i32 to index
    %swap3A_700 = arith.constant 48 : index
    %swap3A_701 = tpu.vector_load %arg13[%swap3A_699, %swap3A_700] {strides = array<i32>} : memref<4x128xi32, #tpu.memory_space<vmem>>, vector<16xi32>,
    tpu.vector_store %arg13[%swap3A_699, %swap3A_700], %shift_right_arithmetic3A_697 {strides = array<i32>} : memref<4x128xi32, #tpu.memory_space<vmem>>, vector<16xi32>,
    %get3A_702 = arith.constant 3 : i32
    %get3A_703 = arith.index_cast %get3A_702 : i32 to index
    %get3A_704 = arith.constant 64 : index
    %get3A_705 = tpu.vector_load %arg10[%get3A_703, %get3A_704] {strides = array<i32>} : memref<4x128xi32, #tpu.memory_space<vmem>>, vector<16xi32>,
    %shift_right_arithmetic3A_706 = arith.constant 2 : i32
    %shift_right_arithmetic3A_707 = vector.broadcast %shift_right_arithmetic3A_706 : i32 to vector<16xi32>
    %shift_right_arithmetic3A_708 = arith.shrsi %get3A_705, %shift_right_arithmetic3A_707 : vector<16xi32>
    %swap3A_709 = arith.constant 3 : i32
    %swap3A_710 = arith.index_cast %swap3A_709 : i32 to index
    %swap3A_711 = arith.constant 64 : index
    %swap3A_712 = tpu.vector_load %arg12[%swap3A_710, %swap3A_711] {strides = array<i32>} : memref<4x128xi32, #tpu.memory_space<vmem>>, vector<16xi32>,
    tpu.vector_store %arg12[%swap3A_710, %swap3A_711], %shift_right_arithmetic3A_708 {strides = array<i32>} : memref<4x128xi32, #tpu.memory_space<vmem>>, vector<16xi32>,
    %get3A_713 = arith.constant 3 : i32
    %get3A_714 = arith.index_cast %get3A_713 : i32 to index
    %get3A_715 = arith.constant 64 : index
    %get3A_716 = tpu.vector_load %arg11[%get3A_714, %get3A_715] {strides = array<i32>} : memref<4x128xi32, #tpu.memory_space<vmem>>, vector<16xi32>,
    %shift_right_arithmetic3A_717 = arith.constant 2 : i32
    %shift_right_arithmetic3A_718 = vector.broadcast %shift_right_arithmetic3A_717 : i32 to vector<16xi32>
    %shift_right_arithmetic3A_719 = arith.shrsi %get3A_716, %shift_right_arithmetic3A_718 : vector<16xi32>
    %swap3A_720 = arith.constant 3 : i32
    %swap3A_721 = arith.index_cast %swap3A_720 : i32 to index
    %swap3A_722 = arith.constant 64 : index
    %swap3A_723 = tpu.vector_load %arg13[%swap3A_721, %swap3A_722] {strides = array<i32>} : memref<4x128xi32, #tpu.memory_space<vmem>>, vector<16xi32>,
    tpu.vector_store %arg13[%swap3A_721, %swap3A_722], %shift_right_arithmetic3A_719 {strides = array<i32>} : memref<4x128xi32, #tpu.memory_space<vmem>>, vector<16xi32>,
    %get3A_724 = arith.constant 3 : i32
    %get3A_725 = arith.index_cast %get3A_724 : i32 to index
    %get3A_726 = arith.constant 80 : index
    %get3A_727 = tpu.vector_load %arg10[%get3A_725, %get3A_726] {strides = array<i32>} : memref<4x128xi32, #tpu.memory_space<vmem>>, vector<16xi32>,
    %shift_right_arithmetic3A_728 = arith.constant 2 : i32
    %shift_right_arithmetic3A_729 = vector.broadcast %shift_right_arithmetic3A_728 : i32 to vector<16xi32>
    %shift_right_arithmetic3A_730 = arith.shrsi %get3A_727, %shift_right_arithmetic3A_729 : vector<16xi32>
    %swap3A_731 = arith.constant 3 : i32
    %swap3A_732 = arith.index_cast %swap3A_731 : i32 to index
    %swap3A_733 = arith.constant 80 : index
    %swap3A_734 = tpu.vector_load %arg12[%swap3A_732, %swap3A_733] {strides = array<i32>} : memref<4x128xi32, #tpu.memory_space<vmem>>, vector<16xi32>,
    tpu.vector_store %arg12[%swap3A_732, %swap3A_733], %shift_right_arithmetic3A_730 {strides = array<i32>} : memref<4x128xi32, #tpu.memory_space<vmem>>, vector<16xi32>,
    %get3A_735 = arith.constant 3 : i32
    %get3A_736 = arith.index_cast %get3A_735 : i32 to index
    %get3A_737 = arith.constant 80 : index
    %get3A_738 = tpu.vector_load %arg11[%get3A_736, %get3A_737] {strides = array<i32>} : memref<4x128xi32, #tpu.memory_space<vmem>>, vector<16xi32>,
    %shift_right_arithmetic3A_739 = arith.constant 2 : i32
    %shift_right_arithmetic3A_740 = vector.broadcast %shift_right_arithmetic3A_739 : i32 to vector<16xi32>
    %shift_right_arithmetic3A_741 = arith.shrsi %get3A_738, %shift_right_arithmetic3A_740 : vector<16xi32>
    %swap3A_742 = arith.constant 3 : i32
    %swap3A_743 = arith.index_cast %swap3A_742 : i32 to index
    %swap3A_744 = arith.constant 80 : index
    %swap3A_745 = tpu.vector_load %arg13[%swap3A_743, %swap3A_744] {strides = array<i32>} : memref<4x128xi32, #tpu.memory_space<vmem>>, vector<16xi32>,
    tpu.vector_store %arg13[%swap3A_743, %swap3A_744], %shift_right_arithmetic3A_741 {strides = array<i32>} : memref<4x128xi32, #tpu.memory_space<vmem>>, vector<16xi32>,
    %get3A_746 = arith.constant 3 : i32
    %get3A_747 = arith.index_cast %get3A_746 : i32 to index
    %get3A_748 = arith.constant 96 : index
    %get3A_749 = tpu.vector_load %arg10[%get3A_747, %get3A_748] {strides = array<i32>} : memref<4x128xi32, #tpu.memory_space<vmem>>, vector<16xi32>,
    %shift_right_arithmetic3A_750 = arith.constant 2 : i32
    %shift_right_arithmetic3A_751 = vector.broadcast %shift_right_arithmetic3A_750 : i32 to vector<16xi32>
    %shift_right_arithmetic3A_752 = arith.shrsi %get3A_749, %shift_right_arithmetic3A_751 : vector<16xi32>
    %swap3A_753 = arith.constant 3 : i32
    %swap3A_754 = arith.index_cast %swap3A_753 : i32 to index
    %swap3A_755 = arith.constant 96 : index
    %swap3A_756 = tpu.vector_load %arg12[%swap3A_754, %swap3A_755] {strides = array<i32>} : memref<4x128xi32, #tpu.memory_space<vmem>>, vector<16xi32>,
    tpu.vector_store %arg12[%swap3A_754, %swap3A_755], %shift_right_arithmetic3A_752 {strides = array<i32>} : memref<4x128xi32, #tpu.memory_space<vmem>>, vector<16xi32>,
    %get3A_757 = arith.constant 3 : i32
    %get3A_758 = arith.index_cast %get3A_757 : i32 to index
    %get3A_759 = arith.constant 96 : index
    %get3A_760 = tpu.vector_load %arg11[%get3A_758, %get3A_759] {strides = array<i32>} : memref<4x128xi32, #tpu.memory_space<vmem>>, vector<16xi32>,
    %shift_right_arithmetic3A_761 = arith.constant 2 : i32
    %shift_right_arithmetic3A_762 = vector.broadcast %shift_right_arithmetic3A_761 : i32 to vector<16xi32>
    %shift_right_arithmetic3A_763 = arith.shrsi %get3A_760, %shift_right_arithmetic3A_762 : vector<16xi32>
    %swap3A_764 = arith.constant 3 : i32
    %swap3A_765 = arith.index_cast %swap3A_764 : i32 to index
    %swap3A_766 = arith.constant 96 : index
    %swap3A_767 = tpu.vector_load %arg13[%swap3A_765, %swap3A_766] {strides = array<i32>} : memref<4x128xi32, #tpu.memory_space<vmem>>, vector<16xi32>,
    tpu.vector_store %arg13[%swap3A_765, %swap3A_766], %shift_right_arithmetic3A_763 {strides = array<i32>} : memref<4x128xi32, #tpu.memory_space<vmem>>, vector<16xi32>,
    %get3A_768 = arith.constant 3 : i32
    %get3A_769 = arith.index_cast %get3A_768 : i32 to index
    %get3A_770 = arith.constant 112 : index
    %get3A_771 = tpu.vector_load %arg10[%get3A_769, %get3A_770] {strides = array<i32>} : memref<4x128xi32, #tpu.memory_space<vmem>>, vector<16xi32>,
    %shift_right_arithmetic3A_772 = arith.constant 2 : i32
    %shift_right_arithmetic3A_773 = vector.broadcast %shift_right_arithmetic3A_772 : i32 to vector<16xi32>
    %shift_right_arithmetic3A_774 = arith.shrsi %get3A_771, %shift_right_arithmetic3A_773 : vector<16xi32>
    %swap3A_775 = arith.constant 3 : i32
    %swap3A_776 = arith.index_cast %swap3A_775 : i32 to index
    %swap3A_777 = arith.constant 112 : index
    %swap3A_778 = tpu.vector_load %arg12[%swap3A_776, %swap3A_777] {strides = array<i32>} : memref<4x128xi32, #tpu.memory_space<vmem>>, vector<16xi32>,
    tpu.vector_store %arg12[%swap3A_776, %swap3A_777], %shift_right_arithmetic3A_774 {strides = array<i32>} : memref<4x128xi32, #tpu.memory_space<vmem>>, vector<16xi32>,
    %get3A_779 = arith.constant 3 : i32
    %get3A_780 = arith.index_cast %get3A_779 : i32 to index
    %get3A_781 = arith.constant 112 : index
    %get3A_782 = tpu.vector_load %arg11[%get3A_780, %get3A_781] {strides = array<i32>} : memref<4x128xi32, #tpu.memory_space<vmem>>, vector<16xi32>,
    %shift_right_arithmetic3A_783 = arith.constant 2 : i32
    %shift_right_arithmetic3A_784 = vector.broadcast %shift_right_arithmetic3A_783 : i32 to vector<16xi32>
    %shift_right_arithmetic3A_785 = arith.shrsi %get3A_782, %shift_right_arithmetic3A_784 : vector<16xi32>
    %swap3A_786 = arith.constant 3 : i32
    %swap3A_787 = arith.index_cast %swap3A_786 : i32 to index
    %swap3A_788 = arith.constant 112 : index
    %swap3A_789 = tpu.vector_load %arg13[%swap3A_787, %swap3A_788] {strides = array<i32>} : memref<4x128xi32, #tpu.memory_space<vmem>>, vector<16xi32>,
    tpu.vector_store %arg13[%swap3A_787, %swap3A_788], %shift_right_arithmetic3A_785 {strides = array<i32>} : memref<4x128xi32, #tpu.memory_space<vmem>>, vector<16xi32>,
    %iota3A = tpu.iota {dimensions = array<i32: 0>} : vector<16xi32>
    %dma_start3A_790 = arith.constant 0 : i32
    %dma_start3A_791 = arith.constant 0 : i32
    %dma_start3A_792 = arith.constant 0 : i32
    %dma_start3A_793 = tpu.memref_slice %arg15[%dma_start3A_791, %dma_start3A_792] : memref<256x128xf32, #tpu.memory_space<vmem>> -> memref<128x128xf32, #tpu.memory_space<vmem>>
    %dma_start3A_794 = arith.constant 0 : i32
    %dma_start3A_795 = tpu.memref_slice %arg12[%dma_start3A_790, %dma_start3A_794] : memref<4x128xi32, #tpu.memory_space<vmem>> -> memref<1x128xi32, #tpu.memory_space<vmem>>
    %dma_start3A_796 = tpu.memref_squeeze %dma_start3A_795 : memref<1x128xi32, #tpu.memory_space<vmem>> -> memref<128xi32, #tpu.memory_space<vmem>>
    %dma_start3A_797 = arith.constant 0 : i32
    %dma_start3A_798 = arith.constant 0 : i32
    %dma_start3A_799 = tpu.memref_slice %arg5[%dma_start3A_797, %dma_start3A_798] : memref<250000x128xf32, #tpu.memory_space<hbm>> -> memref<250000x128xf32, #tpu.memory_space<hbm>>
    tpu.enqueue_indirect_dma source(%dma_start3A_799 : memref<250000x128xf32, #tpu.memory_space<hbm>>) target(%dma_start3A_793 : memref<128x128xf32, #tpu.memory_space<vmem>>) offsets(%dma_start3A_796 : memref<128xi32, #tpu.memory_space<vmem>>) semaphore(%arg20 : memref<!tpu.dma_semaphore, #tpu.memory_space<semaphore_mem>>)
    %dma_start3A_800 = arith.constant 0 : i32
    %dma_start3A_801 = arith.constant 0 : i32
    %dma_start3A_802 = arith.constant 0 : i32
    %dma_start3A_803 = tpu.memref_slice %arg16[%dma_start3A_801, %dma_start3A_802] : memref<256x128xf32, #tpu.memory_space<vmem>> -> memref<128x128xf32, #tpu.memory_space<vmem>>
    %dma_start3A_804 = arith.constant 0 : i32
    %dma_start3A_805 = tpu.memref_slice %arg13[%dma_start3A_800, %dma_start3A_804] : memref<4x128xi32, #tpu.memory_space<vmem>> -> memref<1x128xi32, #tpu.memory_space<vmem>>
    %dma_start3A_806 = tpu.memref_squeeze %dma_start3A_805 : memref<1x128xi32, #tpu.memory_space<vmem>> -> memref<128xi32, #tpu.memory_space<vmem>>
    %dma_start3A_807 = arith.constant 0 : i32
    %dma_start3A_808 = arith.constant 0 : i32
    %dma_start3A_809 = tpu.memref_slice %arg6[%dma_start3A_807, %dma_start3A_808] : memref<250000x128xf32, #tpu.memory_space<hbm>> -> memref<250000x128xf32, #tpu.memory_space<hbm>>
    tpu.enqueue_indirect_dma source(%dma_start3A_809 : memref<250000x128xf32, #tpu.memory_space<hbm>>) target(%dma_start3A_803 : memref<128x128xf32, #tpu.memory_space<vmem>>) offsets(%dma_start3A_806 : memref<128xi32, #tpu.memory_space<vmem>>) semaphore(%arg21 : memref<!tpu.dma_semaphore, #tpu.memory_space<semaphore_mem>>)
    %dma_start3A_810 = arith.constant 1 : i32
    %dma_start3A_811 = arith.constant 128 : i32
    %dma_start3A_812 = arith.constant 0 : i32
    %dma_start3A_813 = tpu.memref_slice %arg15[%dma_start3A_811, %dma_start3A_812] : memref<256x128xf32, #tpu.memory_space<vmem>> -> memref<128x128xf32, #tpu.memory_space<vmem>>
    %dma_start3A_814 = arith.constant 0 : i32
    %dma_start3A_815 = tpu.memref_slice %arg12[%dma_start3A_810, %dma_start3A_814] : memref<4x128xi32, #tpu.memory_space<vmem>> -> memref<1x128xi32, #tpu.memory_space<vmem>>
    %dma_start3A_816 = tpu.memref_squeeze %dma_start3A_815 : memref<1x128xi32, #tpu.memory_space<vmem>> -> memref<128xi32, #tpu.memory_space<vmem>>
    %dma_start3A_817 = arith.constant 0 : i32
    %dma_start3A_818 = arith.constant 0 : i32
    %dma_start3A_819 = tpu.memref_slice %arg5[%dma_start3A_817, %dma_start3A_818] : memref<250000x128xf32, #tpu.memory_space<hbm>> -> memref<250000x128xf32, #tpu.memory_space<hbm>>
    tpu.enqueue_indirect_dma source(%dma_start3A_819 : memref<250000x128xf32, #tpu.memory_space<hbm>>) target(%dma_start3A_813 : memref<128x128xf32, #tpu.memory_space<vmem>>) offsets(%dma_start3A_816 : memref<128xi32, #tpu.memory_space<vmem>>) semaphore(%arg20 : memref<!tpu.dma_semaphore, #tpu.memory_space<semaphore_mem>>)
    %dma_start3A_820 = arith.constant 1 : i32
    %dma_start3A_821 = arith.constant 128 : i32
    %dma_start3A_822 = arith.constant 0 : i32
    %dma_start3A_823 = tpu.memref_slice %arg16[%dma_start3A_821, %dma_start3A_822] : memref<256x128xf32, #tpu.memory_space<vmem>> -> memref<128x128xf32, #tpu.memory_space<vmem>>
    %dma_start3A_824 = arith.constant 0 : i32
    %dma_start3A_825 = tpu.memref_slice %arg13[%dma_start3A_820, %dma_start3A_824] : memref<4x128xi32, #tpu.memory_space<vmem>> -> memref<1x128xi32, #tpu.memory_space<vmem>>
    %dma_start3A_826 = tpu.memref_squeeze %dma_start3A_825 : memref<1x128xi32, #tpu.memory_space<vmem>> -> memref<128xi32, #tpu.memory_space<vmem>>
    %dma_start3A_827 = arith.constant 0 : i32
    %dma_start3A_828 = arith.constant 0 : i32
    %dma_start3A_829 = tpu.memref_slice %arg6[%dma_start3A_827, %dma_start3A_828] : memref<250000x128xf32, #tpu.memory_space<hbm>> -> memref<250000x128xf32, #tpu.memory_space<hbm>>
    tpu.enqueue_indirect_dma source(%dma_start3A_829 : memref<250000x128xf32, #tpu.memory_space<hbm>>) target(%dma_start3A_823 : memref<128x128xf32, #tpu.memory_space<vmem>>) offsets(%dma_start3A_826 : memref<128xi32, #tpu.memory_space<vmem>>) semaphore(%arg21 : memref<!tpu.dma_semaphore, #tpu.memory_space<semaphore_mem>>)
    %dma_wait3A = arith.constant 0 : i32
    %dma_wait3A_830 = arith.constant 0 : i32
    %dma_wait3A_831 = arith.constant 0 : i32
    %dma_wait3A_832 = tpu.memref_slice %arg15[%dma_wait3A_830, %dma_wait3A_831] : memref<256x128xf32, #tpu.memory_space<vmem>> -> memref<128x128xf32, #tpu.memory_space<vmem>>
    %dma_wait3A_833 = arith.constant 0 : i32
    %dma_wait3A_834 = tpu.memref_slice %arg12[%dma_wait3A, %dma_wait3A_833] : memref<4x128xi32, #tpu.memory_space<vmem>> -> memref<1x128xi32, #tpu.memory_space<vmem>>
    %dma_wait3A_835 = tpu.memref_squeeze %dma_wait3A_834 : memref<1x128xi32, #tpu.memory_space<vmem>> -> memref<128xi32, #tpu.memory_space<vmem>>
    %dma_wait3A_836 = arith.constant 0 : i32
    %dma_wait3A_837 = arith.constant 0 : i32
    %dma_wait3A_838 = tpu.memref_slice %arg5[%dma_wait3A_836, %dma_wait3A_837] : memref<250000x128xf32, #tpu.memory_space<hbm>> -> memref<250000x128xf32, #tpu.memory_space<hbm>>
    tpu.wait_indirect_dma semaphore(%arg20 : memref<!tpu.dma_semaphore, #tpu.memory_space<semaphore_mem>>) src(%dma_wait3A_838 : memref<250000x128xf32, #tpu.memory_space<hbm>>) dst(%dma_wait3A_832 : memref<128x128xf32, #tpu.memory_space<vmem>>)
    %dma_wait3A_839 = arith.constant 0 : i32
    %dma_wait3A_840 = arith.constant 0 : i32
    %dma_wait3A_841 = arith.constant 0 : i32
    %dma_wait3A_842 = tpu.memref_slice %arg16[%dma_wait3A_840, %dma_wait3A_841] : memref<256x128xf32, #tpu.memory_space<vmem>> -> memref<128x128xf32, #tpu.memory_space<vmem>>
    %dma_wait3A_843 = arith.constant 0 : i32
    %dma_wait3A_844 = tpu.memref_slice %arg13[%dma_wait3A_839, %dma_wait3A_843] : memref<4x128xi32, #tpu.memory_space<vmem>> -> memref<1x128xi32, #tpu.memory_space<vmem>>
    %dma_wait3A_845 = tpu.memref_squeeze %dma_wait3A_844 : memref<1x128xi32, #tpu.memory_space<vmem>> -> memref<128xi32, #tpu.memory_space<vmem>>
    %dma_wait3A_846 = arith.constant 0 : i32
    %dma_wait3A_847 = arith.constant 0 : i32
    %dma_wait3A_848 = tpu.memref_slice %arg6[%dma_wait3A_846, %dma_wait3A_847] : memref<250000x128xf32, #tpu.memory_space<hbm>> -> memref<250000x128xf32, #tpu.memory_space<hbm>>
    tpu.wait_indirect_dma semaphore(%arg21 : memref<!tpu.dma_semaphore, #tpu.memory_space<semaphore_mem>>) src(%dma_wait3A_848 : memref<250000x128xf32, #tpu.memory_space<hbm>>) dst(%dma_wait3A_842 : memref<128x128xf32, #tpu.memory_space<vmem>>)
    %dma_wait3A_849 = arith.constant 1 : i32
    %dma_wait3A_850 = arith.constant 128 : i32
    %dma_wait3A_851 = arith.constant 0 : i32
    %dma_wait3A_852 = tpu.memref_slice %arg15[%dma_wait3A_850, %dma_wait3A_851] : memref<256x128xf32, #tpu.memory_space<vmem>> -> memref<128x128xf32, #tpu.memory_space<vmem>>
    %dma_wait3A_853 = arith.constant 0 : i32
    %dma_wait3A_854 = tpu.memref_slice %arg12[%dma_wait3A_849, %dma_wait3A_853] : memref<4x128xi32, #tpu.memory_space<vmem>> -> memref<1x128xi32, #tpu.memory_space<vmem>>
    %dma_wait3A_855 = tpu.memref_squeeze %dma_wait3A_854 : memref<1x128xi32, #tpu.memory_space<vmem>> -> memref<128xi32, #tpu.memory_space<vmem>>
    %dma_wait3A_856 = arith.constant 0 : i32
    %dma_wait3A_857 = arith.constant 0 : i32
    %dma_wait3A_858 = tpu.memref_slice %arg5[%dma_wait3A_856, %dma_wait3A_857] : memref<250000x128xf32, #tpu.memory_space<hbm>> -> memref<250000x128xf32, #tpu.memory_space<hbm>>
    tpu.wait_indirect_dma semaphore(%arg20 : memref<!tpu.dma_semaphore, #tpu.memory_space<semaphore_mem>>) src(%dma_wait3A_858 : memref<250000x128xf32, #tpu.memory_space<hbm>>) dst(%dma_wait3A_852 : memref<128x128xf32, #tpu.memory_space<vmem>>)
    %dma_wait3A_859 = arith.constant 1 : i32
    %dma_wait3A_860 = arith.constant 128 : i32
    %dma_wait3A_861 = arith.constant 0 : i32
    %dma_wait3A_862 = tpu.memref_slice %arg16[%dma_wait3A_860, %dma_wait3A_861] : memref<256x128xf32, #tpu.memory_space<vmem>> -> memref<128x128xf32, #tpu.memory_space<vmem>>
    %dma_wait3A_863 = arith.constant 0 : i32
    %dma_wait3A_864 = tpu.memref_slice %arg13[%dma_wait3A_859, %dma_wait3A_863] : memref<4x128xi32, #tpu.memory_space<vmem>> -> memref<1x128xi32, #tpu.memory_space<vmem>>
    %dma_wait3A_865 = tpu.memref_squeeze %dma_wait3A_864 : memref<1x128xi32, #tpu.memory_space<vmem>> -> memref<128xi32, #tpu.memory_space<vmem>>
    %dma_wait3A_866 = arith.constant 0 : i32
    %dma_wait3A_867 = arith.constant 0 : i32
    %dma_wait3A_868 = tpu.memref_slice %arg6[%dma_wait3A_866, %dma_wait3A_867] : memref<250000x128xf32, #tpu.memory_space<hbm>> -> memref<250000x128xf32, #tpu.memory_space<hbm>>
    tpu.wait_indirect_dma semaphore(%arg21 : memref<!tpu.dma_semaphore, #tpu.memory_space<semaphore_mem>>) src(%dma_wait3A_868 : memref<250000x128xf32, #tpu.memory_space<hbm>>) dst(%dma_wait3A_862 : memref<128x128xf32, #tpu.memory_space<vmem>>)
    %scan3A = arith.constant 0 : i32
    %scan3A_869 = arith.constant 16 : i32
    %scan3A_870 = arith.addi %scan3A, %scan3A_869 : i32
    %scan3A_871 = arith.constant 1 : i32
    scf.for %scan3A_1027 = %scan3A to %scan3A_870 step %scan3A_871  : i32 {
      %mul3A_1028 = arith.constant 1 : i32
      %mul3A_1029 = arith.muli %scan3A_1027, %mul3A_1028 : i32
      %add3A_1030 = arith.constant 0 : i32
      %add3A_1031 = arith.addi %add3A_1030, %mul3A_1029 : i32
      %mul3A_1032 = arith.constant 16 : i32
      %mul3A_1033 = arith.muli %add3A_1031, %mul3A_1032 : i32
      %add3A_1034 = arith.constant 0 : i32
      %add3A_1035 = arith.addi %add3A_1034, %mul3A_1033 : i32
      %shift_right_arithmetic3A_1036 = arith.constant 7 : i32
      %shift_right_arithmetic3A_1037 = arith.shrsi %add3A_1035, %shift_right_arithmetic3A_1036 : i32
      %add3A_1038 = arith.constant 0 : i32
      %add3A_1039 = arith.addi %add3A_1038, %mul3A_1033 : i32
      %and3A = arith.constant 127 : i32
      %and3A_1040 = arith.andi %add3A_1039, %and3A : i32
      %get3A_1041 = arith.index_cast %shift_right_arithmetic3A_1037 : i32 to index
      %get3A_1042 = arith.index_cast %and3A_1040 : i32 to index
      %get3A_1043 = tpu.vector_load %arg10[%get3A_1041, %get3A_1042] {strides = array<i32>} : memref<4x128xi32, #tpu.memory_space<vmem>>, vector<16xi32>,
      %and3A_1044 = arith.constant 3 : i32
      %and3A_1045 = vector.broadcast %and3A_1044 : i32 to vector<16xi32>
      %and3A_1046 = arith.andi %get3A_1043, %and3A_1045 : vector<16xi32>
      %mul3A_1047 = arith.constant 32 : i32
      %mul3A_1048 = vector.broadcast %mul3A_1047 : i32 to vector<16xi32>
      %mul3A_1049 = arith.muli %and3A_1046, %mul3A_1048 : vector<16xi32>
      %get3A_1050 = arith.index_cast %shift_right_arithmetic3A_1037 : i32 to index
      %get3A_1051 = arith.index_cast %and3A_1040 : i32 to index
      %get3A_1052 = tpu.vector_load %arg11[%get3A_1050, %get3A_1051] {strides = array<i32>} : memref<4x128xi32, #tpu.memory_space<vmem>>, vector<16xi32>,
      %and3A_1053 = arith.constant 3 : i32
      %and3A_1054 = vector.broadcast %and3A_1053 : i32 to vector<16xi32>
      %and3A_1055 = arith.andi %get3A_1052, %and3A_1054 : vector<16xi32>
      %mul3A_1056 = arith.constant 32 : i32
      %mul3A_1057 = vector.broadcast %mul3A_1056 : i32 to vector<16xi32>
      %mul3A_1058 = arith.muli %and3A_1055, %mul3A_1057 : vector<16xi32>
      %broadcast_in_dim3A = arith.constant 0.000000e+00 : f32
      %broadcast_in_dim3A_1059 = vector.broadcast %broadcast_in_dim3A : f32 to vector<16xf32>
      %add3A_1060 = arith.constant 0 : i32
      %add3A_1061 = arith.addi %mul3A_1033, %add3A_1060 : i32
      %broadcast_in_dim3A_1062 = arith.constant 0 : i32
      %broadcast_in_dim3A_1063 = vector.broadcast %broadcast_in_dim3A_1062 : i32 to vector<16xi32>
      %add3A_1064 = vector.broadcast %add3A_1061 : i32 to vector<16xi32>
      %add3A_1065 = arith.addi %broadcast_in_dim3A_1063, %add3A_1064 : vector<16xi32>
      %mul3A_1066 = arith.constant 0 : i32
      %mul3A_1067 = vector.broadcast %mul3A_1066 : i32 to vector<16xi32>
      %mul3A_1068 = arith.muli %iota3A, %mul3A_1067 : vector<16xi32>
      %add3A_1069 = arith.constant 0 : i32
      %add3A_1070 = vector.broadcast %add3A_1069 : i32 to vector<16xi32>
      %add3A_1071 = arith.addi %mul3A_1068, %add3A_1070 : vector<16xi32>
      %lt3A = arith.constant 0 : i32
      %lt3A_1072 = vector.broadcast %lt3A : i32 to vector<16xi32>
      %lt3A_1073 = arith.cmpi slt, %add3A_1071, %lt3A_1072 : vector<16xi32>
      %add3A_1074 = arith.constant 16 : i32
      %add3A_1075 = vector.broadcast %add3A_1074 : i32 to vector<16xi32>
      %add3A_1076 = arith.addi %add3A_1071, %add3A_1075 : vector<16xi32>
      %select_n3A = arith.select %lt3A_1073, %add3A_1076, %add3A_1071 : vector<16xi1>, vector<16xi32>
      %broadcast_in_dim3A_1077 = vector.shape_cast %select_n3A : vector<16xi32> to vector<16x1xi32>
      %gather3A = vector.shape_cast %broadcast_in_dim3A_1077 : vector<16x1xi32> to vector<16xi32>
      %gather3A_1078 = tpu.dynamic_gather %mul3A_1049[%gather3A] in [0] : vector<16xi32>, vector<16xi32> -> vector<16xi32>
      %add3A_1079 = arith.addi %gather3A_1078, %iota3A : vector<16xi32>
      %mul3A_1080 = arith.constant 0 : i32
      %mul3A_1081 = vector.broadcast %mul3A_1080 : i32 to vector<16xi32>
      %mul3A_1082 = arith.muli %iota3A, %mul3A_1081 : vector<16xi32>
      %add3A_1083 = arith.constant 0 : i32
      %add3A_1084 = vector.broadcast %add3A_1083 : i32 to vector<16xi32>
      %add3A_1085 = arith.addi %mul3A_1082, %add3A_1084 : vector<16xi32>
      %lt3A_1086 = arith.constant 0 : i32
      %lt3A_1087 = vector.broadcast %lt3A_1086 : i32 to vector<16xi32>
      %lt3A_1088 = arith.cmpi slt, %add3A_1085, %lt3A_1087 : vector<16xi32>
      %add3A_1089 = arith.constant 16 : i32
      %add3A_1090 = vector.broadcast %add3A_1089 : i32 to vector<16xi32>
      %add3A_1091 = arith.addi %add3A_1085, %add3A_1090 : vector<16xi32>
      %select_n3A_1092 = arith.select %lt3A_1088, %add3A_1091, %add3A_1085 : vector<16xi1>, vector<16xi32>
      %broadcast_in_dim3A_1093 = vector.shape_cast %select_n3A_1092 : vector<16xi32> to vector<16x1xi32>
      %gather3A_1094 = vector.shape_cast %broadcast_in_dim3A_1093 : vector<16x1xi32> to vector<16xi32>
      %gather3A_1095 = tpu.dynamic_gather %mul3A_1058[%gather3A_1094] in [0] : vector<16xi32>, vector<16xi32> -> vector<16xi32>
      %add3A_1096 = arith.addi %gather3A_1095, %iota3A : vector<16xi32>
      %gather3A_1097 = tpu.vector_load_idx %arg15[%add3A_1065, %add3A_1079] : memref<256x128xf32, #tpu.memory_space<vmem>>[vector<16xi32>, vector<16xi32>], vector<16xf32>,
      %add3A_1098 = arith.constant 16 : i32
      %add3A_1099 = vector.broadcast %add3A_1098 : i32 to vector<16xi32>
      %add3A_1100 = arith.addi %add3A_1079, %add3A_1099 : vector<16xi32>
      %gather3A_1101 = tpu.vector_load_idx %arg15[%add3A_1065, %add3A_1100] : memref<256x128xf32, #tpu.memory_space<vmem>>[vector<16xi32>, vector<16xi32>], vector<16xf32>,
      %gather3A_1102 = tpu.vector_load_idx %arg16[%add3A_1065, %add3A_1096] : memref<256x128xf32, #tpu.memory_space<vmem>>[vector<16xi32>, vector<16xi32>], vector<16xf32>,
      %add3A_1103 = arith.constant 16 : i32
      %add3A_1104 = vector.broadcast %add3A_1103 : i32 to vector<16xi32>
      %add3A_1105 = arith.addi %add3A_1096, %add3A_1104 : vector<16xi32>
      %gather3A_1106 = tpu.vector_load_idx %arg16[%add3A_1065, %add3A_1105] : memref<256x128xf32, #tpu.memory_space<vmem>>[vector<16xi32>, vector<16xi32>], vector<16xf32>,
      %mul3A_1107 = arith.mulf %gather3A_1097, %gather3A_1102 : vector<16xf32>
      %mul3A_1108 = arith.mulf %gather3A_1101, %gather3A_1106 : vector<16xf32>
      %add3A_1109 = arith.addf %mul3A_1107, %mul3A_1108 : vector<16xf32>
      %reduce_sum3A = arith.constant true
      %reduce_sum3A_1110 = vector.broadcast %reduce_sum3A : i1 to vector<16xi1>
      %reduce_sum3A_1111 = tpu.scan <sum>, %add3A_1109 masked %reduce_sum3A_1110 : vector<16xf32>, vector<16xi1> -> vector<16xf32>
      %reduce_sum3A_1112 = vector.extract %reduce_sum3A_1111[15] : f32 from vector<16xf32>
      %eq3A = arith.constant 0 : i32
      %eq3A_1113 = vector.broadcast %eq3A : i32 to vector<16xi32>
      %eq3A_1114 = arith.cmpi eq, %iota3A, %eq3A_1113 : vector<16xi32>
      %broadcast_in_dim3A_1115 = vector.broadcast %reduce_sum3A_1112 : f32 to vector<16xf32>
      %select_n3A_1116 = arith.select %eq3A_1114, %broadcast_in_dim3A_1115, %broadcast_in_dim3A_1059 : vector<16xi1>, vector<16xf32>
      %add3A_1117 = arith.constant 1 : i32
      %add3A_1118 = arith.addi %mul3A_1033, %add3A_1117 : i32
      %broadcast_in_dim3A_1119 = arith.constant 0 : i32
      %broadcast_in_dim3A_1120 = vector.broadcast %broadcast_in_dim3A_1119 : i32 to vector<16xi32>
      %add3A_1121 = vector.broadcast %add3A_1118 : i32 to vector<16xi32>
      %add3A_1122 = arith.addi %broadcast_in_dim3A_1120, %add3A_1121 : vector<16xi32>
      %mul3A_1123 = arith.constant 0 : i32
      %mul3A_1124 = vector.broadcast %mul3A_1123 : i32 to vector<16xi32>
      %mul3A_1125 = arith.muli %iota3A, %mul3A_1124 : vector<16xi32>
      %add3A_1126 = arith.constant 1 : i32
      %add3A_1127 = vector.broadcast %add3A_1126 : i32 to vector<16xi32>
      %add3A_1128 = arith.addi %mul3A_1125, %add3A_1127 : vector<16xi32>
      %lt3A_1129 = arith.constant 0 : i32
      %lt3A_1130 = vector.broadcast %lt3A_1129 : i32 to vector<16xi32>
      %lt3A_1131 = arith.cmpi slt, %add3A_1128, %lt3A_1130 : vector<16xi32>
      %add3A_1132 = arith.constant 16 : i32
      %add3A_1133 = vector.broadcast %add3A_1132 : i32 to vector<16xi32>
      %add3A_1134 = arith.addi %add3A_1128, %add3A_1133 : vector<16xi32>
      %select_n3A_1135 = arith.select %lt3A_1131, %add3A_1134, %add3A_1128 : vector<16xi1>, vector<16xi32>
      %broadcast_in_dim3A_1136 = vector.shape_cast %select_n3A_1135 : vector<16xi32> to vector<16x1xi32>
      %gather3A_1137 = vector.shape_cast %broadcast_in_dim3A_1136 : vector<16x1xi32> to vector<16xi32>
      %gather3A_1138 = tpu.dynamic_gather %mul3A_1049[%gather3A_1137] in [0] : vector<16xi32>, vector<16xi32> -> vector<16xi32>
      %add3A_1139 = arith.addi %gather3A_1138, %iota3A : vector<16xi32>
      %mul3A_1140 = arith.constant 0 : i32
      %mul3A_1141 = vector.broadcast %mul3A_1140 : i32 to vector<16xi32>
      %mul3A_1142 = arith.muli %iota3A, %mul3A_1141 : vector<16xi32>
      %add3A_1143 = arith.constant 1 : i32
      %add3A_1144 = vector.broadcast %add3A_1143 : i32 to vector<16xi32>
      %add3A_1145 = arith.addi %mul3A_1142, %add3A_1144 : vector<16xi32>
      %lt3A_1146 = arith.constant 0 : i32
      %lt3A_1147 = vector.broadcast %lt3A_1146 : i32 to vector<16xi32>
      %lt3A_1148 = arith.cmpi slt, %add3A_1145, %lt3A_1147 : vector<16xi32>
      %add3A_1149 = arith.constant 16 : i32
      %add3A_1150 = vector.broadcast %add3A_1149 : i32 to vector<16xi32>
      %add3A_1151 = arith.addi %add3A_1145, %add3A_1150 : vector<16xi32>
      %select_n3A_1152 = arith.select %lt3A_1148, %add3A_1151, %add3A_1145 : vector<16xi1>, vector<16xi32>
      %broadcast_in_dim3A_1153 = vector.shape_cast %select_n3A_1152 : vector<16xi32> to vector<16x1xi32>
      %gather3A_1154 = vector.shape_cast %broadcast_in_dim3A_1153 : vector<16x1xi32> to vector<16xi32>
      %gather3A_1155 = tpu.dynamic_gather %mul3A_1058[%gather3A_1154] in [0] : vector<16xi32>, vector<16xi32> -> vector<16xi32>
      %add3A_1156 = arith.addi %gather3A_1155, %iota3A : vector<16xi32>
      %gather3A_1157 = tpu.vector_load_idx %arg15[%add3A_1122, %add3A_1139] : memref<256x128xf32, #tpu.memory_space<vmem>>[vector<16xi32>, vector<16xi32>], vector<16xf32>,
      %add3A_1158 = arith.constant 16 : i32
      %add3A_1159 = vector.broadcast %add3A_1158 : i32 to vector<16xi32>
      %add3A_1160 = arith.addi %add3A_1139, %add3A_1159 : vector<16xi32>
      %gather3A_1161 = tpu.vector_load_idx %arg15[%add3A_1122, %add3A_1160] : memref<256x128xf32, #tpu.memory_space<vmem>>[vector<16xi32>, vector<16xi32>], vector<16xf32>,
      %gather3A_1162 = tpu.vector_load_idx %arg16[%add3A_1122, %add3A_1156] : memref<256x128xf32, #tpu.memory_space<vmem>>[vector<16xi32>, vector<16xi32>], vector<16xf32>,
      %add3A_1163 = arith.constant 16 : i32
      %add3A_1164 = vector.broadcast %add3A_1163 : i32 to vector<16xi32>
      %add3A_1165 = arith.addi %add3A_1156, %add3A_1164 : vector<16xi32>
      %gather3A_1166 = tpu.vector_load_idx %arg16[%add3A_1122, %add3A_1165] : memref<256x128xf32, #tpu.memory_space<vmem>>[vector<16xi32>, vector<16xi32>], vector<16xf32>,
      %mul3A_1167 = arith.mulf %gather3A_1157, %gather3A_1162 : vector<16xf32>
      %mul3A_1168 = arith.mulf %gather3A_1161, %gather3A_1166 : vector<16xf32>
      %add3A_1169 = arith.addf %mul3A_1167, %mul3A_1168 : vector<16xf32>
      %reduce_sum3A_1170 = arith.constant true
      %reduce_sum3A_1171 = vector.broadcast %reduce_sum3A_1170 : i1 to vector<16xi1>
      %reduce_sum3A_1172 = tpu.scan <sum>, %add3A_1169 masked %reduce_sum3A_1171 : vector<16xf32>, vector<16xi1> -> vector<16xf32>
      %reduce_sum3A_1173 = vector.extract %reduce_sum3A_1172[15] : f32 from vector<16xf32>
      %eq3A_1174 = arith.constant 1 : i32
      %eq3A_1175 = vector.broadcast %eq3A_1174 : i32 to vector<16xi32>
      %eq3A_1176 = arith.cmpi eq, %iota3A, %eq3A_1175 : vector<16xi32>
      %broadcast_in_dim3A_1177 = vector.broadcast %reduce_sum3A_1173 : f32 to vector<16xf32>
      %select_n3A_1178 = arith.select %eq3A_1176, %broadcast_in_dim3A_1177, %select_n3A_1116 : vector<16xi1>, vector<16xf32>
      %add3A_1179 = arith.constant 2 : i32
      %add3A_1180 = arith.addi %mul3A_1033, %add3A_1179 : i32
      %broadcast_in_dim3A_1181 = arith.constant 0 : i32
      %broadcast_in_dim3A_1182 = vector.broadcast %broadcast_in_dim3A_1181 : i32 to vector<16xi32>
      %add3A_1183 = vector.broadcast %add3A_1180 : i32 to vector<16xi32>
      %add3A_1184 = arith.addi %broadcast_in_dim3A_1182, %add3A_1183 : vector<16xi32>
      %mul3A_1185 = arith.constant 0 : i32
      %mul3A_1186 = vector.broadcast %mul3A_1185 : i32 to vector<16xi32>
      %mul3A_1187 = arith.muli %iota3A, %mul3A_1186 : vector<16xi32>
      %add3A_1188 = arith.constant 2 : i32
      %add3A_1189 = vector.broadcast %add3A_1188 : i32 to vector<16xi32>
      %add3A_1190 = arith.addi %mul3A_1187, %add3A_1189 : vector<16xi32>
      %lt3A_1191 = arith.constant 0 : i32
      %lt3A_1192 = vector.broadcast %lt3A_1191 : i32 to vector<16xi32>
      %lt3A_1193 = arith.cmpi slt, %add3A_1190, %lt3A_1192 : vector<16xi32>
      %add3A_1194 = arith.constant 16 : i32
      %add3A_1195 = vector.broadcast %add3A_1194 : i32 to vector<16xi32>
      %add3A_1196 = arith.addi %add3A_1190, %add3A_1195 : vector<16xi32>
      %select_n3A_1197 = arith.select %lt3A_1193, %add3A_1196, %add3A_1190 : vector<16xi1>, vector<16xi32>
      %broadcast_in_dim3A_1198 = vector.shape_cast %select_n3A_1197 : vector<16xi32> to vector<16x1xi32>
      %gather3A_1199 = vector.shape_cast %broadcast_in_dim3A_1198 : vector<16x1xi32> to vector<16xi32>
      %gather3A_1200 = tpu.dynamic_gather %mul3A_1049[%gather3A_1199] in [0] : vector<16xi32>, vector<16xi32> -> vector<16xi32>
      %add3A_1201 = arith.addi %gather3A_1200, %iota3A : vector<16xi32>
      %mul3A_1202 = arith.constant 0 : i32
      %mul3A_1203 = vector.broadcast %mul3A_1202 : i32 to vector<16xi32>
      %mul3A_1204 = arith.muli %iota3A, %mul3A_1203 : vector<16xi32>
      %add3A_1205 = arith.constant 2 : i32
      %add3A_1206 = vector.broadcast %add3A_1205 : i32 to vector<16xi32>
      %add3A_1207 = arith.addi %mul3A_1204, %add3A_1206 : vector<16xi32>
      %lt3A_1208 = arith.constant 0 : i32
      %lt3A_1209 = vector.broadcast %lt3A_1208 : i32 to vector<16xi32>
      %lt3A_1210 = arith.cmpi slt, %add3A_1207, %lt3A_1209 : vector<16xi32>
      %add3A_1211 = arith.constant 16 : i32
      %add3A_1212 = vector.broadcast %add3A_1211 : i32 to vector<16xi32>
      %add3A_1213 = arith.addi %add3A_1207, %add3A_1212 : vector<16xi32>
      %select_n3A_1214 = arith.select %lt3A_1210, %add3A_1213, %add3A_1207 : vector<16xi1>, vector<16xi32>
      %broadcast_in_dim3A_1215 = vector.shape_cast %select_n3A_1214 : vector<16xi32> to vector<16x1xi32>
      %gather3A_1216 = vector.shape_cast %broadcast_in_dim3A_1215 : vector<16x1xi32> to vector<16xi32>
      %gather3A_1217 = tpu.dynamic_gather %mul3A_1058[%gather3A_1216] in [0] : vector<16xi32>, vector<16xi32> -> vector<16xi32>
      %add3A_1218 = arith.addi %gather3A_1217, %iota3A : vector<16xi32>
      %gather3A_1219 = tpu.vector_load_idx %arg15[%add3A_1184, %add3A_1201] : memref<256x128xf32, #tpu.memory_space<vmem>>[vector<16xi32>, vector<16xi32>], vector<16xf32>,
      %add3A_1220 = arith.constant 16 : i32
      %add3A_1221 = vector.broadcast %add3A_1220 : i32 to vector<16xi32>
      %add3A_1222 = arith.addi %add3A_1201, %add3A_1221 : vector<16xi32>
      %gather3A_1223 = tpu.vector_load_idx %arg15[%add3A_1184, %add3A_1222] : memref<256x128xf32, #tpu.memory_space<vmem>>[vector<16xi32>, vector<16xi32>], vector<16xf32>,
      %gather3A_1224 = tpu.vector_load_idx %arg16[%add3A_1184, %add3A_1218] : memref<256x128xf32, #tpu.memory_space<vmem>>[vector<16xi32>, vector<16xi32>], vector<16xf32>,
      %add3A_1225 = arith.constant 16 : i32
      %add3A_1226 = vector.broadcast %add3A_1225 : i32 to vector<16xi32>
      %add3A_1227 = arith.addi %add3A_1218, %add3A_1226 : vector<16xi32>
      %gather3A_1228 = tpu.vector_load_idx %arg16[%add3A_1184, %add3A_1227] : memref<256x128xf32, #tpu.memory_space<vmem>>[vector<16xi32>, vector<16xi32>], vector<16xf32>,
      %mul3A_1229 = arith.mulf %gather3A_1219, %gather3A_1224 : vector<16xf32>
      %mul3A_1230 = arith.mulf %gather3A_1223, %gather3A_1228 : vector<16xf32>
      %add3A_1231 = arith.addf %mul3A_1229, %mul3A_1230 : vector<16xf32>
      %reduce_sum3A_1232 = arith.constant true
      %reduce_sum3A_1233 = vector.broadcast %reduce_sum3A_1232 : i1 to vector<16xi1>
      %reduce_sum3A_1234 = tpu.scan <sum>, %add3A_1231 masked %reduce_sum3A_1233 : vector<16xf32>, vector<16xi1> -> vector<16xf32>
      %reduce_sum3A_1235 = vector.extract %reduce_sum3A_1234[15] : f32 from vector<16xf32>
      %eq3A_1236 = arith.constant 2 : i32
      %eq3A_1237 = vector.broadcast %eq3A_1236 : i32 to vector<16xi32>
      %eq3A_1238 = arith.cmpi eq, %iota3A, %eq3A_1237 : vector<16xi32>
      %broadcast_in_dim3A_1239 = vector.broadcast %reduce_sum3A_1235 : f32 to vector<16xf32>
      %select_n3A_1240 = arith.select %eq3A_1238, %broadcast_in_dim3A_1239, %select_n3A_1178 : vector<16xi1>, vector<16xf32>
      %add3A_1241 = arith.constant 3 : i32
      %add3A_1242 = arith.addi %mul3A_1033, %add3A_1241 : i32
      %broadcast_in_dim3A_1243 = arith.constant 0 : i32
      %broadcast_in_dim3A_1244 = vector.broadcast %broadcast_in_dim3A_1243 : i32 to vector<16xi32>
      %add3A_1245 = vector.broadcast %add3A_1242 : i32 to vector<16xi32>
      %add3A_1246 = arith.addi %broadcast_in_dim3A_1244, %add3A_1245 : vector<16xi32>
      %mul3A_1247 = arith.constant 0 : i32
      %mul3A_1248 = vector.broadcast %mul3A_1247 : i32 to vector<16xi32>
      %mul3A_1249 = arith.muli %iota3A, %mul3A_1248 : vector<16xi32>
      %add3A_1250 = arith.constant 3 : i32
      %add3A_1251 = vector.broadcast %add3A_1250 : i32 to vector<16xi32>
      %add3A_1252 = arith.addi %mul3A_1249, %add3A_1251 : vector<16xi32>
      %lt3A_1253 = arith.constant 0 : i32
      %lt3A_1254 = vector.broadcast %lt3A_1253 : i32 to vector<16xi32>
      %lt3A_1255 = arith.cmpi slt, %add3A_1252, %lt3A_1254 : vector<16xi32>
      %add3A_1256 = arith.constant 16 : i32
      %add3A_1257 = vector.broadcast %add3A_1256 : i32 to vector<16xi32>
      %add3A_1258 = arith.addi %add3A_1252, %add3A_1257 : vector<16xi32>
      %select_n3A_1259 = arith.select %lt3A_1255, %add3A_1258, %add3A_1252 : vector<16xi1>, vector<16xi32>
      %broadcast_in_dim3A_1260 = vector.shape_cast %select_n3A_1259 : vector<16xi32> to vector<16x1xi32>
      %gather3A_1261 = vector.shape_cast %broadcast_in_dim3A_1260 : vector<16x1xi32> to vector<16xi32>
      %gather3A_1262 = tpu.dynamic_gather %mul3A_1049[%gather3A_1261] in [0] : vector<16xi32>, vector<16xi32> -> vector<16xi32>
      %add3A_1263 = arith.addi %gather3A_1262, %iota3A : vector<16xi32>
      %mul3A_1264 = arith.constant 0 : i32
      %mul3A_1265 = vector.broadcast %mul3A_1264 : i32 to vector<16xi32>
      %mul3A_1266 = arith.muli %iota3A, %mul3A_1265 : vector<16xi32>
      %add3A_1267 = arith.constant 3 : i32
      %add3A_1268 = vector.broadcast %add3A_1267 : i32 to vector<16xi32>
      %add3A_1269 = arith.addi %mul3A_1266, %add3A_1268 : vector<16xi32>
      %lt3A_1270 = arith.constant 0 : i32
      %lt3A_1271 = vector.broadcast %lt3A_1270 : i32 to vector<16xi32>
      %lt3A_1272 = arith.cmpi slt, %add3A_1269, %lt3A_1271 : vector<16xi32>
      %add3A_1273 = arith.constant 16 : i32
      %add3A_1274 = vector.broadcast %add3A_1273 : i32 to vector<16xi32>
      %add3A_1275 = arith.addi %add3A_1269, %add3A_1274 : vector<16xi32>
      %select_n3A_1276 = arith.select %lt3A_1272, %add3A_1275, %add3A_1269 : vector<16xi1>, vector<16xi32>
      %broadcast_in_dim3A_1277 = vector.shape_cast %select_n3A_1276 : vector<16xi32> to vector<16x1xi32>
      %gather3A_1278 = vector.shape_cast %broadcast_in_dim3A_1277 : vector<16x1xi32> to vector<16xi32>
      %gather3A_1279 = tpu.dynamic_gather %mul3A_1058[%gather3A_1278] in [0] : vector<16xi32>, vector<16xi32> -> vector<16xi32>
      %add3A_1280 = arith.addi %gather3A_1279, %iota3A : vector<16xi32>
      %gather3A_1281 = tpu.vector_load_idx %arg15[%add3A_1246, %add3A_1263] : memref<256x128xf32, #tpu.memory_space<vmem>>[vector<16xi32>, vector<16xi32>], vector<16xf32>,
      %add3A_1282 = arith.constant 16 : i32
      %add3A_1283 = vector.broadcast %add3A_1282 : i32 to vector<16xi32>
      %add3A_1284 = arith.addi %add3A_1263, %add3A_1283 : vector<16xi32>
      %gather3A_1285 = tpu.vector_load_idx %arg15[%add3A_1246, %add3A_1284] : memref<256x128xf32, #tpu.memory_space<vmem>>[vector<16xi32>, vector<16xi32>], vector<16xf32>,
      %gather3A_1286 = tpu.vector_load_idx %arg16[%add3A_1246, %add3A_1280] : memref<256x128xf32, #tpu.memory_space<vmem>>[vector<16xi32>, vector<16xi32>], vector<16xf32>,
      %add3A_1287 = arith.constant 16 : i32
      %add3A_1288 = vector.broadcast %add3A_1287 : i32 to vector<16xi32>
      %add3A_1289 = arith.addi %add3A_1280, %add3A_1288 : vector<16xi32>
      %gather3A_1290 = tpu.vector_load_idx %arg16[%add3A_1246, %add3A_1289] : memref<256x128xf32, #tpu.memory_space<vmem>>[vector<16xi32>, vector<16xi32>], vector<16xf32>,
      %mul3A_1291 = arith.mulf %gather3A_1281, %gather3A_1286 : vector<16xf32>
      %mul3A_1292 = arith.mulf %gather3A_1285, %gather3A_1290 : vector<16xf32>
      %add3A_1293 = arith.addf %mul3A_1291, %mul3A_1292 : vector<16xf32>
      %reduce_sum3A_1294 = arith.constant true
      %reduce_sum3A_1295 = vector.broadcast %reduce_sum3A_1294 : i1 to vector<16xi1>
      %reduce_sum3A_1296 = tpu.scan <sum>, %add3A_1293 masked %reduce_sum3A_1295 : vector<16xf32>, vector<16xi1> -> vector<16xf32>
      %reduce_sum3A_1297 = vector.extract %reduce_sum3A_1296[15] : f32 from vector<16xf32>
      %eq3A_1298 = arith.constant 3 : i32
      %eq3A_1299 = vector.broadcast %eq3A_1298 : i32 to vector<16xi32>
      %eq3A_1300 = arith.cmpi eq, %iota3A, %eq3A_1299 : vector<16xi32>
      %broadcast_in_dim3A_1301 = vector.broadcast %reduce_sum3A_1297 : f32 to vector<16xf32>
      %select_n3A_1302 = arith.select %eq3A_1300, %broadcast_in_dim3A_1301, %select_n3A_1240 : vector<16xi1>, vector<16xf32>
      %add3A_1303 = arith.constant 4 : i32
      %add3A_1304 = arith.addi %mul3A_1033, %add3A_1303 : i32
      %broadcast_in_dim3A_1305 = arith.constant 0 : i32
      %broadcast_in_dim3A_1306 = vector.broadcast %broadcast_in_dim3A_1305 : i32 to vector<16xi32>
      %add3A_1307 = vector.broadcast %add3A_1304 : i32 to vector<16xi32>
      %add3A_1308 = arith.addi %broadcast_in_dim3A_1306, %add3A_1307 : vector<16xi32>
      %mul3A_1309 = arith.constant 0 : i32
      %mul3A_1310 = vector.broadcast %mul3A_1309 : i32 to vector<16xi32>
      %mul3A_1311 = arith.muli %iota3A, %mul3A_1310 : vector<16xi32>
      %add3A_1312 = arith.constant 4 : i32
      %add3A_1313 = vector.broadcast %add3A_1312 : i32 to vector<16xi32>
      %add3A_1314 = arith.addi %mul3A_1311, %add3A_1313 : vector<16xi32>
      %lt3A_1315 = arith.constant 0 : i32
      %lt3A_1316 = vector.broadcast %lt3A_1315 : i32 to vector<16xi32>
      %lt3A_1317 = arith.cmpi slt, %add3A_1314, %lt3A_1316 : vector<16xi32>
      %add3A_1318 = arith.constant 16 : i32
      %add3A_1319 = vector.broadcast %add3A_1318 : i32 to vector<16xi32>
      %add3A_1320 = arith.addi %add3A_1314, %add3A_1319 : vector<16xi32>
      %select_n3A_1321 = arith.select %lt3A_1317, %add3A_1320, %add3A_1314 : vector<16xi1>, vector<16xi32>
      %broadcast_in_dim3A_1322 = vector.shape_cast %select_n3A_1321 : vector<16xi32> to vector<16x1xi32>
      %gather3A_1323 = vector.shape_cast %broadcast_in_dim3A_1322 : vector<16x1xi32> to vector<16xi32>
      %gather3A_1324 = tpu.dynamic_gather %mul3A_1049[%gather3A_1323] in [0] : vector<16xi32>, vector<16xi32> -> vector<16xi32>
      %add3A_1325 = arith.addi %gather3A_1324, %iota3A : vector<16xi32>
      %mul3A_1326 = arith.constant 0 : i32
      %mul3A_1327 = vector.broadcast %mul3A_1326 : i32 to vector<16xi32>
      %mul3A_1328 = arith.muli %iota3A, %mul3A_1327 : vector<16xi32>
      %add3A_1329 = arith.constant 4 : i32
      %add3A_1330 = vector.broadcast %add3A_1329 : i32 to vector<16xi32>
      %add3A_1331 = arith.addi %mul3A_1328, %add3A_1330 : vector<16xi32>
      %lt3A_1332 = arith.constant 0 : i32
      %lt3A_1333 = vector.broadcast %lt3A_1332 : i32 to vector<16xi32>
      %lt3A_1334 = arith.cmpi slt, %add3A_1331, %lt3A_1333 : vector<16xi32>
      %add3A_1335 = arith.constant 16 : i32
      %add3A_1336 = vector.broadcast %add3A_1335 : i32 to vector<16xi32>
      %add3A_1337 = arith.addi %add3A_1331, %add3A_1336 : vector<16xi32>
      %select_n3A_1338 = arith.select %lt3A_1334, %add3A_1337, %add3A_1331 : vector<16xi1>, vector<16xi32>
      %broadcast_in_dim3A_1339 = vector.shape_cast %select_n3A_1338 : vector<16xi32> to vector<16x1xi32>
      %gather3A_1340 = vector.shape_cast %broadcast_in_dim3A_1339 : vector<16x1xi32> to vector<16xi32>
      %gather3A_1341 = tpu.dynamic_gather %mul3A_1058[%gather3A_1340] in [0] : vector<16xi32>, vector<16xi32> -> vector<16xi32>
      %add3A_1342 = arith.addi %gather3A_1341, %iota3A : vector<16xi32>
      %gather3A_1343 = tpu.vector_load_idx %arg15[%add3A_1308, %add3A_1325] : memref<256x128xf32, #tpu.memory_space<vmem>>[vector<16xi32>, vector<16xi32>], vector<16xf32>,
      %add3A_1344 = arith.constant 16 : i32
      %add3A_1345 = vector.broadcast %add3A_1344 : i32 to vector<16xi32>
      %add3A_1346 = arith.addi %add3A_1325, %add3A_1345 : vector<16xi32>
      %gather3A_1347 = tpu.vector_load_idx %arg15[%add3A_1308, %add3A_1346] : memref<256x128xf32, #tpu.memory_space<vmem>>[vector<16xi32>, vector<16xi32>], vector<16xf32>,
      %gather3A_1348 = tpu.vector_load_idx %arg16[%add3A_1308, %add3A_1342] : memref<256x128xf32, #tpu.memory_space<vmem>>[vector<16xi32>, vector<16xi32>], vector<16xf32>,
      %add3A_1349 = arith.constant 16 : i32
      %add3A_1350 = vector.broadcast %add3A_1349 : i32 to vector<16xi32>
      %add3A_1351 = arith.addi %add3A_1342, %add3A_1350 : vector<16xi32>
      %gather3A_1352 = tpu.vector_load_idx %arg16[%add3A_1308, %add3A_1351] : memref<256x128xf32, #tpu.memory_space<vmem>>[vector<16xi32>, vector<16xi32>], vector<16xf32>,
      %mul3A_1353 = arith.mulf %gather3A_1343, %gather3A_1348 : vector<16xf32>
      %mul3A_1354 = arith.mulf %gather3A_1347, %gather3A_1352 : vector<16xf32>
      %add3A_1355 = arith.addf %mul3A_1353, %mul3A_1354 : vector<16xf32>
      %reduce_sum3A_1356 = arith.constant true
      %reduce_sum3A_1357 = vector.broadcast %reduce_sum3A_1356 : i1 to vector<16xi1>
      %reduce_sum3A_1358 = tpu.scan <sum>, %add3A_1355 masked %reduce_sum3A_1357 : vector<16xf32>, vector<16xi1> -> vector<16xf32>
      %reduce_sum3A_1359 = vector.extract %reduce_sum3A_1358[15] : f32 from vector<16xf32>
      %eq3A_1360 = arith.constant 4 : i32
      %eq3A_1361 = vector.broadcast %eq3A_1360 : i32 to vector<16xi32>
      %eq3A_1362 = arith.cmpi eq, %iota3A, %eq3A_1361 : vector<16xi32>
      %broadcast_in_dim3A_1363 = vector.broadcast %reduce_sum3A_1359 : f32 to vector<16xf32>
      %select_n3A_1364 = arith.select %eq3A_1362, %broadcast_in_dim3A_1363, %select_n3A_1302 : vector<16xi1>, vector<16xf32>
      %add3A_1365 = arith.constant 5 : i32
      %add3A_1366 = arith.addi %mul3A_1033, %add3A_1365 : i32
      %broadcast_in_dim3A_1367 = arith.constant 0 : i32
      %broadcast_in_dim3A_1368 = vector.broadcast %broadcast_in_dim3A_1367 : i32 to vector<16xi32>
      %add3A_1369 = vector.broadcast %add3A_1366 : i32 to vector<16xi32>
      %add3A_1370 = arith.addi %broadcast_in_dim3A_1368, %add3A_1369 : vector<16xi32>
      %mul3A_1371 = arith.constant 0 : i32
      %mul3A_1372 = vector.broadcast %mul3A_1371 : i32 to vector<16xi32>
      %mul3A_1373 = arith.muli %iota3A, %mul3A_1372 : vector<16xi32>
      %add3A_1374 = arith.constant 5 : i32
      %add3A_1375 = vector.broadcast %add3A_1374 : i32 to vector<16xi32>
      %add3A_1376 = arith.addi %mul3A_1373, %add3A_1375 : vector<16xi32>
      %lt3A_1377 = arith.constant 0 : i32
      %lt3A_1378 = vector.broadcast %lt3A_1377 : i32 to vector<16xi32>
      %lt3A_1379 = arith.cmpi slt, %add3A_1376, %lt3A_1378 : vector<16xi32>
      %add3A_1380 = arith.constant 16 : i32
      %add3A_1381 = vector.broadcast %add3A_1380 : i32 to vector<16xi32>
      %add3A_1382 = arith.addi %add3A_1376, %add3A_1381 : vector<16xi32>
      %select_n3A_1383 = arith.select %lt3A_1379, %add3A_1382, %add3A_1376 : vector<16xi1>, vector<16xi32>
      %broadcast_in_dim3A_1384 = vector.shape_cast %select_n3A_1383 : vector<16xi32> to vector<16x1xi32>
      %gather3A_1385 = vector.shape_cast %broadcast_in_dim3A_1384 : vector<16x1xi32> to vector<16xi32>
      %gather3A_1386 = tpu.dynamic_gather %mul3A_1049[%gather3A_1385] in [0] : vector<16xi32>, vector<16xi32> -> vector<16xi32>
      %add3A_1387 = arith.addi %gather3A_1386, %iota3A : vector<16xi32>
      %mul3A_1388 = arith.constant 0 : i32
      %mul3A_1389 = vector.broadcast %mul3A_1388 : i32 to vector<16xi32>
      %mul3A_1390 = arith.muli %iota3A, %mul3A_1389 : vector<16xi32>
      %add3A_1391 = arith.constant 5 : i32
      %add3A_1392 = vector.broadcast %add3A_1391 : i32 to vector<16xi32>
      %add3A_1393 = arith.addi %mul3A_1390, %add3A_1392 : vector<16xi32>
      %lt3A_1394 = arith.constant 0 : i32
      %lt3A_1395 = vector.broadcast %lt3A_1394 : i32 to vector<16xi32>
      %lt3A_1396 = arith.cmpi slt, %add3A_1393, %lt3A_1395 : vector<16xi32>
      %add3A_1397 = arith.constant 16 : i32
      %add3A_1398 = vector.broadcast %add3A_1397 : i32 to vector<16xi32>
      %add3A_1399 = arith.addi %add3A_1393, %add3A_1398 : vector<16xi32>
      %select_n3A_1400 = arith.select %lt3A_1396, %add3A_1399, %add3A_1393 : vector<16xi1>, vector<16xi32>
      %broadcast_in_dim3A_1401 = vector.shape_cast %select_n3A_1400 : vector<16xi32> to vector<16x1xi32>
      %gather3A_1402 = vector.shape_cast %broadcast_in_dim3A_1401 : vector<16x1xi32> to vector<16xi32>
      %gather3A_1403 = tpu.dynamic_gather %mul3A_1058[%gather3A_1402] in [0] : vector<16xi32>, vector<16xi32> -> vector<16xi32>
      %add3A_1404 = arith.addi %gather3A_1403, %iota3A : vector<16xi32>
      %gather3A_1405 = tpu.vector_load_idx %arg15[%add3A_1370, %add3A_1387] : memref<256x128xf32, #tpu.memory_space<vmem>>[vector<16xi32>, vector<16xi32>], vector<16xf32>,
      %add3A_1406 = arith.constant 16 : i32
      %add3A_1407 = vector.broadcast %add3A_1406 : i32 to vector<16xi32>
      %add3A_1408 = arith.addi %add3A_1387, %add3A_1407 : vector<16xi32>
      %gather3A_1409 = tpu.vector_load_idx %arg15[%add3A_1370, %add3A_1408] : memref<256x128xf32, #tpu.memory_space<vmem>>[vector<16xi32>, vector<16xi32>], vector<16xf32>,
      %gather3A_1410 = tpu.vector_load_idx %arg16[%add3A_1370, %add3A_1404] : memref<256x128xf32, #tpu.memory_space<vmem>>[vector<16xi32>, vector<16xi32>], vector<16xf32>,
      %add3A_1411 = arith.constant 16 : i32
      %add3A_1412 = vector.broadcast %add3A_1411 : i32 to vector<16xi32>
      %add3A_1413 = arith.addi %add3A_1404, %add3A_1412 : vector<16xi32>
      %gather3A_1414 = tpu.vector_load_idx %arg16[%add3A_1370, %add3A_1413] : memref<256x128xf32, #tpu.memory_space<vmem>>[vector<16xi32>, vector<16xi32>], vector<16xf32>,
      %mul3A_1415 = arith.mulf %gather3A_1405, %gather3A_1410 : vector<16xf32>
      %mul3A_1416 = arith.mulf %gather3A_1409, %gather3A_1414 : vector<16xf32>
      %add3A_1417 = arith.addf %mul3A_1415, %mul3A_1416 : vector<16xf32>
      %reduce_sum3A_1418 = arith.constant true
      %reduce_sum3A_1419 = vector.broadcast %reduce_sum3A_1418 : i1 to vector<16xi1>
      %reduce_sum3A_1420 = tpu.scan <sum>, %add3A_1417 masked %reduce_sum3A_1419 : vector<16xf32>, vector<16xi1> -> vector<16xf32>
      %reduce_sum3A_1421 = vector.extract %reduce_sum3A_1420[15] : f32 from vector<16xf32>
      %eq3A_1422 = arith.constant 5 : i32
      %eq3A_1423 = vector.broadcast %eq3A_1422 : i32 to vector<16xi32>
      %eq3A_1424 = arith.cmpi eq, %iota3A, %eq3A_1423 : vector<16xi32>
      %broadcast_in_dim3A_1425 = vector.broadcast %reduce_sum3A_1421 : f32 to vector<16xf32>
      %select_n3A_1426 = arith.select %eq3A_1424, %broadcast_in_dim3A_1425, %select_n3A_1364 : vector<16xi1>, vector<16xf32>
      %add3A_1427 = arith.constant 6 : i32
      %add3A_1428 = arith.addi %mul3A_1033, %add3A_1427 : i32
      %broadcast_in_dim3A_1429 = arith.constant 0 : i32
      %broadcast_in_dim3A_1430 = vector.broadcast %broadcast_in_dim3A_1429 : i32 to vector<16xi32>
      %add3A_1431 = vector.broadcast %add3A_1428 : i32 to vector<16xi32>
      %add3A_1432 = arith.addi %broadcast_in_dim3A_1430, %add3A_1431 : vector<16xi32>
      %mul3A_1433 = arith.constant 0 : i32
      %mul3A_1434 = vector.broadcast %mul3A_1433 : i32 to vector<16xi32>
      %mul3A_1435 = arith.muli %iota3A, %mul3A_1434 : vector<16xi32>
      %add3A_1436 = arith.constant 6 : i32
      %add3A_1437 = vector.broadcast %add3A_1436 : i32 to vector<16xi32>
      %add3A_1438 = arith.addi %mul3A_1435, %add3A_1437 : vector<16xi32>
      %lt3A_1439 = arith.constant 0 : i32
      %lt3A_1440 = vector.broadcast %lt3A_1439 : i32 to vector<16xi32>
      %lt3A_1441 = arith.cmpi slt, %add3A_1438, %lt3A_1440 : vector<16xi32>
      %add3A_1442 = arith.constant 16 : i32
      %add3A_1443 = vector.broadcast %add3A_1442 : i32 to vector<16xi32>
      %add3A_1444 = arith.addi %add3A_1438, %add3A_1443 : vector<16xi32>
      %select_n3A_1445 = arith.select %lt3A_1441, %add3A_1444, %add3A_1438 : vector<16xi1>, vector<16xi32>
      %broadcast_in_dim3A_1446 = vector.shape_cast %select_n3A_1445 : vector<16xi32> to vector<16x1xi32>
      %gather3A_1447 = vector.shape_cast %broadcast_in_dim3A_1446 : vector<16x1xi32> to vector<16xi32>
      %gather3A_1448 = tpu.dynamic_gather %mul3A_1049[%gather3A_1447] in [0] : vector<16xi32>, vector<16xi32> -> vector<16xi32>
      %add3A_1449 = arith.addi %gather3A_1448, %iota3A : vector<16xi32>
      %mul3A_1450 = arith.constant 0 : i32
      %mul3A_1451 = vector.broadcast %mul3A_1450 : i32 to vector<16xi32>
      %mul3A_1452 = arith.muli %iota3A, %mul3A_1451 : vector<16xi32>
      %add3A_1453 = arith.constant 6 : i32
      %add3A_1454 = vector.broadcast %add3A_1453 : i32 to vector<16xi32>
      %add3A_1455 = arith.addi %mul3A_1452, %add3A_1454 : vector<16xi32>
      %lt3A_1456 = arith.constant 0 : i32
      %lt3A_1457 = vector.broadcast %lt3A_1456 : i32 to vector<16xi32>
      %lt3A_1458 = arith.cmpi slt, %add3A_1455, %lt3A_1457 : vector<16xi32>
      %add3A_1459 = arith.constant 16 : i32
      %add3A_1460 = vector.broadcast %add3A_1459 : i32 to vector<16xi32>
      %add3A_1461 = arith.addi %add3A_1455, %add3A_1460 : vector<16xi32>
      %select_n3A_1462 = arith.select %lt3A_1458, %add3A_1461, %add3A_1455 : vector<16xi1>, vector<16xi32>
      %broadcast_in_dim3A_1463 = vector.shape_cast %select_n3A_1462 : vector<16xi32> to vector<16x1xi32>
      %gather3A_1464 = vector.shape_cast %broadcast_in_dim3A_1463 : vector<16x1xi32> to vector<16xi32>
      %gather3A_1465 = tpu.dynamic_gather %mul3A_1058[%gather3A_1464] in [0] : vector<16xi32>, vector<16xi32> -> vector<16xi32>
      %add3A_1466 = arith.addi %gather3A_1465, %iota3A : vector<16xi32>
      %gather3A_1467 = tpu.vector_load_idx %arg15[%add3A_1432, %add3A_1449] : memref<256x128xf32, #tpu.memory_space<vmem>>[vector<16xi32>, vector<16xi32>], vector<16xf32>,
      %add3A_1468 = arith.constant 16 : i32
      %add3A_1469 = vector.broadcast %add3A_1468 : i32 to vector<16xi32>
      %add3A_1470 = arith.addi %add3A_1449, %add3A_1469 : vector<16xi32>
      %gather3A_1471 = tpu.vector_load_idx %arg15[%add3A_1432, %add3A_1470] : memref<256x128xf32, #tpu.memory_space<vmem>>[vector<16xi32>, vector<16xi32>], vector<16xf32>,
      %gather3A_1472 = tpu.vector_load_idx %arg16[%add3A_1432, %add3A_1466] : memref<256x128xf32, #tpu.memory_space<vmem>>[vector<16xi32>, vector<16xi32>], vector<16xf32>,
      %add3A_1473 = arith.constant 16 : i32
      %add3A_1474 = vector.broadcast %add3A_1473 : i32 to vector<16xi32>
      %add3A_1475 = arith.addi %add3A_1466, %add3A_1474 : vector<16xi32>
      %gather3A_1476 = tpu.vector_load_idx %arg16[%add3A_1432, %add3A_1475] : memref<256x128xf32, #tpu.memory_space<vmem>>[vector<16xi32>, vector<16xi32>], vector<16xf32>,
      %mul3A_1477 = arith.mulf %gather3A_1467, %gather3A_1472 : vector<16xf32>
      %mul3A_1478 = arith.mulf %gather3A_1471, %gather3A_1476 : vector<16xf32>
      %add3A_1479 = arith.addf %mul3A_1477, %mul3A_1478 : vector<16xf32>
      %reduce_sum3A_1480 = arith.constant true
      %reduce_sum3A_1481 = vector.broadcast %reduce_sum3A_1480 : i1 to vector<16xi1>
      %reduce_sum3A_1482 = tpu.scan <sum>, %add3A_1479 masked %reduce_sum3A_1481 : vector<16xf32>, vector<16xi1> -> vector<16xf32>
      %reduce_sum3A_1483 = vector.extract %reduce_sum3A_1482[15] : f32 from vector<16xf32>
      %eq3A_1484 = arith.constant 6 : i32
      %eq3A_1485 = vector.broadcast %eq3A_1484 : i32 to vector<16xi32>
      %eq3A_1486 = arith.cmpi eq, %iota3A, %eq3A_1485 : vector<16xi32>
      %broadcast_in_dim3A_1487 = vector.broadcast %reduce_sum3A_1483 : f32 to vector<16xf32>
      %select_n3A_1488 = arith.select %eq3A_1486, %broadcast_in_dim3A_1487, %select_n3A_1426 : vector<16xi1>, vector<16xf32>
      %add3A_1489 = arith.constant 7 : i32
      %add3A_1490 = arith.addi %mul3A_1033, %add3A_1489 : i32
      %broadcast_in_dim3A_1491 = arith.constant 0 : i32
      %broadcast_in_dim3A_1492 = vector.broadcast %broadcast_in_dim3A_1491 : i32 to vector<16xi32>
      %add3A_1493 = vector.broadcast %add3A_1490 : i32 to vector<16xi32>
      %add3A_1494 = arith.addi %broadcast_in_dim3A_1492, %add3A_1493 : vector<16xi32>
      %mul3A_1495 = arith.constant 0 : i32
      %mul3A_1496 = vector.broadcast %mul3A_1495 : i32 to vector<16xi32>
      %mul3A_1497 = arith.muli %iota3A, %mul3A_1496 : vector<16xi32>
      %add3A_1498 = arith.constant 7 : i32
      %add3A_1499 = vector.broadcast %add3A_1498 : i32 to vector<16xi32>
      %add3A_1500 = arith.addi %mul3A_1497, %add3A_1499 : vector<16xi32>
      %lt3A_1501 = arith.constant 0 : i32
      %lt3A_1502 = vector.broadcast %lt3A_1501 : i32 to vector<16xi32>
      %lt3A_1503 = arith.cmpi slt, %add3A_1500, %lt3A_1502 : vector<16xi32>
      %add3A_1504 = arith.constant 16 : i32
      %add3A_1505 = vector.broadcast %add3A_1504 : i32 to vector<16xi32>
      %add3A_1506 = arith.addi %add3A_1500, %add3A_1505 : vector<16xi32>
      %select_n3A_1507 = arith.select %lt3A_1503, %add3A_1506, %add3A_1500 : vector<16xi1>, vector<16xi32>
      %broadcast_in_dim3A_1508 = vector.shape_cast %select_n3A_1507 : vector<16xi32> to vector<16x1xi32>
      %gather3A_1509 = vector.shape_cast %broadcast_in_dim3A_1508 : vector<16x1xi32> to vector<16xi32>
      %gather3A_1510 = tpu.dynamic_gather %mul3A_1049[%gather3A_1509] in [0] : vector<16xi32>, vector<16xi32> -> vector<16xi32>
      %add3A_1511 = arith.addi %gather3A_1510, %iota3A : vector<16xi32>
      %mul3A_1512 = arith.constant 0 : i32
      %mul3A_1513 = vector.broadcast %mul3A_1512 : i32 to vector<16xi32>
      %mul3A_1514 = arith.muli %iota3A, %mul3A_1513 : vector<16xi32>
      %add3A_1515 = arith.constant 7 : i32
      %add3A_1516 = vector.broadcast %add3A_1515 : i32 to vector<16xi32>
      %add3A_1517 = arith.addi %mul3A_1514, %add3A_1516 : vector<16xi32>
      %lt3A_1518 = arith.constant 0 : i32
      %lt3A_1519 = vector.broadcast %lt3A_1518 : i32 to vector<16xi32>
      %lt3A_1520 = arith.cmpi slt, %add3A_1517, %lt3A_1519 : vector<16xi32>
      %add3A_1521 = arith.constant 16 : i32
      %add3A_1522 = vector.broadcast %add3A_1521 : i32 to vector<16xi32>
      %add3A_1523 = arith.addi %add3A_1517, %add3A_1522 : vector<16xi32>
      %select_n3A_1524 = arith.select %lt3A_1520, %add3A_1523, %add3A_1517 : vector<16xi1>, vector<16xi32>
      %broadcast_in_dim3A_1525 = vector.shape_cast %select_n3A_1524 : vector<16xi32> to vector<16x1xi32>
      %gather3A_1526 = vector.shape_cast %broadcast_in_dim3A_1525 : vector<16x1xi32> to vector<16xi32>
      %gather3A_1527 = tpu.dynamic_gather %mul3A_1058[%gather3A_1526] in [0] : vector<16xi32>, vector<16xi32> -> vector<16xi32>
      %add3A_1528 = arith.addi %gather3A_1527, %iota3A : vector<16xi32>
      %gather3A_1529 = tpu.vector_load_idx %arg15[%add3A_1494, %add3A_1511] : memref<256x128xf32, #tpu.memory_space<vmem>>[vector<16xi32>, vector<16xi32>], vector<16xf32>,
      %add3A_1530 = arith.constant 16 : i32
      %add3A_1531 = vector.broadcast %add3A_1530 : i32 to vector<16xi32>
      %add3A_1532 = arith.addi %add3A_1511, %add3A_1531 : vector<16xi32>
      %gather3A_1533 = tpu.vector_load_idx %arg15[%add3A_1494, %add3A_1532] : memref<256x128xf32, #tpu.memory_space<vmem>>[vector<16xi32>, vector<16xi32>], vector<16xf32>,
      %gather3A_1534 = tpu.vector_load_idx %arg16[%add3A_1494, %add3A_1528] : memref<256x128xf32, #tpu.memory_space<vmem>>[vector<16xi32>, vector<16xi32>], vector<16xf32>,
      %add3A_1535 = arith.constant 16 : i32
      %add3A_1536 = vector.broadcast %add3A_1535 : i32 to vector<16xi32>
      %add3A_1537 = arith.addi %add3A_1528, %add3A_1536 : vector<16xi32>
      %gather3A_1538 = tpu.vector_load_idx %arg16[%add3A_1494, %add3A_1537] : memref<256x128xf32, #tpu.memory_space<vmem>>[vector<16xi32>, vector<16xi32>], vector<16xf32>,
      %mul3A_1539 = arith.mulf %gather3A_1529, %gather3A_1534 : vector<16xf32>
      %mul3A_1540 = arith.mulf %gather3A_1533, %gather3A_1538 : vector<16xf32>
      %add3A_1541 = arith.addf %mul3A_1539, %mul3A_1540 : vector<16xf32>
      %reduce_sum3A_1542 = arith.constant true
      %reduce_sum3A_1543 = vector.broadcast %reduce_sum3A_1542 : i1 to vector<16xi1>
      %reduce_sum3A_1544 = tpu.scan <sum>, %add3A_1541 masked %reduce_sum3A_1543 : vector<16xf32>, vector<16xi1> -> vector<16xf32>
      %reduce_sum3A_1545 = vector.extract %reduce_sum3A_1544[15] : f32 from vector<16xf32>
      %eq3A_1546 = arith.constant 7 : i32
      %eq3A_1547 = vector.broadcast %eq3A_1546 : i32 to vector<16xi32>
      %eq3A_1548 = arith.cmpi eq, %iota3A, %eq3A_1547 : vector<16xi32>
      %broadcast_in_dim3A_1549 = vector.broadcast %reduce_sum3A_1545 : f32 to vector<16xf32>
      %select_n3A_1550 = arith.select %eq3A_1548, %broadcast_in_dim3A_1549, %select_n3A_1488 : vector<16xi1>, vector<16xf32>
      %add3A_1551 = arith.constant 8 : i32
      %add3A_1552 = arith.addi %mul3A_1033, %add3A_1551 : i32
      %broadcast_in_dim3A_1553 = arith.constant 0 : i32
      %broadcast_in_dim3A_1554 = vector.broadcast %broadcast_in_dim3A_1553 : i32 to vector<16xi32>
      %add3A_1555 = vector.broadcast %add3A_1552 : i32 to vector<16xi32>
      %add3A_1556 = arith.addi %broadcast_in_dim3A_1554, %add3A_1555 : vector<16xi32>
      %mul3A_1557 = arith.constant 0 : i32
      %mul3A_1558 = vector.broadcast %mul3A_1557 : i32 to vector<16xi32>
      %mul3A_1559 = arith.muli %iota3A, %mul3A_1558 : vector<16xi32>
      %add3A_1560 = arith.constant 8 : i32
      %add3A_1561 = vector.broadcast %add3A_1560 : i32 to vector<16xi32>
      %add3A_1562 = arith.addi %mul3A_1559, %add3A_1561 : vector<16xi32>
      %lt3A_1563 = arith.constant 0 : i32
      %lt3A_1564 = vector.broadcast %lt3A_1563 : i32 to vector<16xi32>
      %lt3A_1565 = arith.cmpi slt, %add3A_1562, %lt3A_1564 : vector<16xi32>
      %add3A_1566 = arith.constant 16 : i32
      %add3A_1567 = vector.broadcast %add3A_1566 : i32 to vector<16xi32>
      %add3A_1568 = arith.addi %add3A_1562, %add3A_1567 : vector<16xi32>
      %select_n3A_1569 = arith.select %lt3A_1565, %add3A_1568, %add3A_1562 : vector<16xi1>, vector<16xi32>
      %broadcast_in_dim3A_1570 = vector.shape_cast %select_n3A_1569 : vector<16xi32> to vector<16x1xi32>
      %gather3A_1571 = vector.shape_cast %broadcast_in_dim3A_1570 : vector<16x1xi32> to vector<16xi32>
      %gather3A_1572 = tpu.dynamic_gather %mul3A_1049[%gather3A_1571] in [0] : vector<16xi32>, vector<16xi32> -> vector<16xi32>
      %add3A_1573 = arith.addi %gather3A_1572, %iota3A : vector<16xi32>
      %mul3A_1574 = arith.constant 0 : i32
      %mul3A_1575 = vector.broadcast %mul3A_1574 : i32 to vector<16xi32>
      %mul3A_1576 = arith.muli %iota3A, %mul3A_1575 : vector<16xi32>
      %add3A_1577 = arith.constant 8 : i32
      %add3A_1578 = vector.broadcast %add3A_1577 : i32 to vector<16xi32>
      %add3A_1579 = arith.addi %mul3A_1576, %add3A_1578 : vector<16xi32>
      %lt3A_1580 = arith.constant 0 : i32
      %lt3A_1581 = vector.broadcast %lt3A_1580 : i32 to vector<16xi32>
      %lt3A_1582 = arith.cmpi slt, %add3A_1579, %lt3A_1581 : vector<16xi32>
      %add3A_1583 = arith.constant 16 : i32
      %add3A_1584 = vector.broadcast %add3A_1583 : i32 to vector<16xi32>
      %add3A_1585 = arith.addi %add3A_1579, %add3A_1584 : vector<16xi32>
      %select_n3A_1586 = arith.select %lt3A_1582, %add3A_1585, %add3A_1579 : vector<16xi1>, vector<16xi32>
      %broadcast_in_dim3A_1587 = vector.shape_cast %select_n3A_1586 : vector<16xi32> to vector<16x1xi32>
      %gather3A_1588 = vector.shape_cast %broadcast_in_dim3A_1587 : vector<16x1xi32> to vector<16xi32>
      %gather3A_1589 = tpu.dynamic_gather %mul3A_1058[%gather3A_1588] in [0] : vector<16xi32>, vector<16xi32> -> vector<16xi32>
      %add3A_1590 = arith.addi %gather3A_1589, %iota3A : vector<16xi32>
      %gather3A_1591 = tpu.vector_load_idx %arg15[%add3A_1556, %add3A_1573] : memref<256x128xf32, #tpu.memory_space<vmem>>[vector<16xi32>, vector<16xi32>], vector<16xf32>,
      %add3A_1592 = arith.constant 16 : i32
      %add3A_1593 = vector.broadcast %add3A_1592 : i32 to vector<16xi32>
      %add3A_1594 = arith.addi %add3A_1573, %add3A_1593 : vector<16xi32>
      %gather3A_1595 = tpu.vector_load_idx %arg15[%add3A_1556, %add3A_1594] : memref<256x128xf32, #tpu.memory_space<vmem>>[vector<16xi32>, vector<16xi32>], vector<16xf32>,
      %gather3A_1596 = tpu.vector_load_idx %arg16[%add3A_1556, %add3A_1590] : memref<256x128xf32, #tpu.memory_space<vmem>>[vector<16xi32>, vector<16xi32>], vector<16xf32>,
      %add3A_1597 = arith.constant 16 : i32
      %add3A_1598 = vector.broadcast %add3A_1597 : i32 to vector<16xi32>
      %add3A_1599 = arith.addi %add3A_1590, %add3A_1598 : vector<16xi32>
      %gather3A_1600 = tpu.vector_load_idx %arg16[%add3A_1556, %add3A_1599] : memref<256x128xf32, #tpu.memory_space<vmem>>[vector<16xi32>, vector<16xi32>], vector<16xf32>,
      %mul3A_1601 = arith.mulf %gather3A_1591, %gather3A_1596 : vector<16xf32>
      %mul3A_1602 = arith.mulf %gather3A_1595, %gather3A_1600 : vector<16xf32>
      %add3A_1603 = arith.addf %mul3A_1601, %mul3A_1602 : vector<16xf32>
      %reduce_sum3A_1604 = arith.constant true
      %reduce_sum3A_1605 = vector.broadcast %reduce_sum3A_1604 : i1 to vector<16xi1>
      %reduce_sum3A_1606 = tpu.scan <sum>, %add3A_1603 masked %reduce_sum3A_1605 : vector<16xf32>, vector<16xi1> -> vector<16xf32>
      %reduce_sum3A_1607 = vector.extract %reduce_sum3A_1606[15] : f32 from vector<16xf32>
      %eq3A_1608 = arith.constant 8 : i32
      %eq3A_1609 = vector.broadcast %eq3A_1608 : i32 to vector<16xi32>
      %eq3A_1610 = arith.cmpi eq, %iota3A, %eq3A_1609 : vector<16xi32>
      %broadcast_in_dim3A_1611 = vector.broadcast %reduce_sum3A_1607 : f32 to vector<16xf32>
      %select_n3A_1612 = arith.select %eq3A_1610, %broadcast_in_dim3A_1611, %select_n3A_1550 : vector<16xi1>, vector<16xf32>
      %add3A_1613 = arith.constant 9 : i32
      %add3A_1614 = arith.addi %mul3A_1033, %add3A_1613 : i32
      %broadcast_in_dim3A_1615 = arith.constant 0 : i32
      %broadcast_in_dim3A_1616 = vector.broadcast %broadcast_in_dim3A_1615 : i32 to vector<16xi32>
      %add3A_1617 = vector.broadcast %add3A_1614 : i32 to vector<16xi32>
      %add3A_1618 = arith.addi %broadcast_in_dim3A_1616, %add3A_1617 : vector<16xi32>
      %mul3A_1619 = arith.constant 0 : i32
      %mul3A_1620 = vector.broadcast %mul3A_1619 : i32 to vector<16xi32>
      %mul3A_1621 = arith.muli %iota3A, %mul3A_1620 : vector<16xi32>
      %add3A_1622 = arith.constant 9 : i32
      %add3A_1623 = vector.broadcast %add3A_1622 : i32 to vector<16xi32>
      %add3A_1624 = arith.addi %mul3A_1621, %add3A_1623 : vector<16xi32>
      %lt3A_1625 = arith.constant 0 : i32
      %lt3A_1626 = vector.broadcast %lt3A_1625 : i32 to vector<16xi32>
      %lt3A_1627 = arith.cmpi slt, %add3A_1624, %lt3A_1626 : vector<16xi32>
      %add3A_1628 = arith.constant 16 : i32
      %add3A_1629 = vector.broadcast %add3A_1628 : i32 to vector<16xi32>
      %add3A_1630 = arith.addi %add3A_1624, %add3A_1629 : vector<16xi32>
      %select_n3A_1631 = arith.select %lt3A_1627, %add3A_1630, %add3A_1624 : vector<16xi1>, vector<16xi32>
      %broadcast_in_dim3A_1632 = vector.shape_cast %select_n3A_1631 : vector<16xi32> to vector<16x1xi32>
      %gather3A_1633 = vector.shape_cast %broadcast_in_dim3A_1632 : vector<16x1xi32> to vector<16xi32>
      %gather3A_1634 = tpu.dynamic_gather %mul3A_1049[%gather3A_1633] in [0] : vector<16xi32>, vector<16xi32> -> vector<16xi32>
      %add3A_1635 = arith.addi %gather3A_1634, %iota3A : vector<16xi32>
      %mul3A_1636 = arith.constant 0 : i32
      %mul3A_1637 = vector.broadcast %mul3A_1636 : i32 to vector<16xi32>
      %mul3A_1638 = arith.muli %iota3A, %mul3A_1637 : vector<16xi32>
      %add3A_1639 = arith.constant 9 : i32
      %add3A_1640 = vector.broadcast %add3A_1639 : i32 to vector<16xi32>
      %add3A_1641 = arith.addi %mul3A_1638, %add3A_1640 : vector<16xi32>
      %lt3A_1642 = arith.constant 0 : i32
      %lt3A_1643 = vector.broadcast %lt3A_1642 : i32 to vector<16xi32>
      %lt3A_1644 = arith.cmpi slt, %add3A_1641, %lt3A_1643 : vector<16xi32>
      %add3A_1645 = arith.constant 16 : i32
      %add3A_1646 = vector.broadcast %add3A_1645 : i32 to vector<16xi32>
      %add3A_1647 = arith.addi %add3A_1641, %add3A_1646 : vector<16xi32>
      %select_n3A_1648 = arith.select %lt3A_1644, %add3A_1647, %add3A_1641 : vector<16xi1>, vector<16xi32>
      %broadcast_in_dim3A_1649 = vector.shape_cast %select_n3A_1648 : vector<16xi32> to vector<16x1xi32>
      %gather3A_1650 = vector.shape_cast %broadcast_in_dim3A_1649 : vector<16x1xi32> to vector<16xi32>
      %gather3A_1651 = tpu.dynamic_gather %mul3A_1058[%gather3A_1650] in [0] : vector<16xi32>, vector<16xi32> -> vector<16xi32>
      %add3A_1652 = arith.addi %gather3A_1651, %iota3A : vector<16xi32>
      %gather3A_1653 = tpu.vector_load_idx %arg15[%add3A_1618, %add3A_1635] : memref<256x128xf32, #tpu.memory_space<vmem>>[vector<16xi32>, vector<16xi32>], vector<16xf32>,
      %add3A_1654 = arith.constant 16 : i32
      %add3A_1655 = vector.broadcast %add3A_1654 : i32 to vector<16xi32>
      %add3A_1656 = arith.addi %add3A_1635, %add3A_1655 : vector<16xi32>
      %gather3A_1657 = tpu.vector_load_idx %arg15[%add3A_1618, %add3A_1656] : memref<256x128xf32, #tpu.memory_space<vmem>>[vector<16xi32>, vector<16xi32>], vector<16xf32>,
      %gather3A_1658 = tpu.vector_load_idx %arg16[%add3A_1618, %add3A_1652] : memref<256x128xf32, #tpu.memory_space<vmem>>[vector<16xi32>, vector<16xi32>], vector<16xf32>,
      %add3A_1659 = arith.constant 16 : i32
      %add3A_1660 = vector.broadcast %add3A_1659 : i32 to vector<16xi32>
      %add3A_1661 = arith.addi %add3A_1652, %add3A_1660 : vector<16xi32>
      %gather3A_1662 = tpu.vector_load_idx %arg16[%add3A_1618, %add3A_1661] : memref<256x128xf32, #tpu.memory_space<vmem>>[vector<16xi32>, vector<16xi32>], vector<16xf32>,
      %mul3A_1663 = arith.mulf %gather3A_1653, %gather3A_1658 : vector<16xf32>
      %mul3A_1664 = arith.mulf %gather3A_1657, %gather3A_1662 : vector<16xf32>
      %add3A_1665 = arith.addf %mul3A_1663, %mul3A_1664 : vector<16xf32>
      %reduce_sum3A_1666 = arith.constant true
      %reduce_sum3A_1667 = vector.broadcast %reduce_sum3A_1666 : i1 to vector<16xi1>
      %reduce_sum3A_1668 = tpu.scan <sum>, %add3A_1665 masked %reduce_sum3A_1667 : vector<16xf32>, vector<16xi1> -> vector<16xf32>
      %reduce_sum3A_1669 = vector.extract %reduce_sum3A_1668[15] : f32 from vector<16xf32>
      %eq3A_1670 = arith.constant 9 : i32
      %eq3A_1671 = vector.broadcast %eq3A_1670 : i32 to vector<16xi32>
      %eq3A_1672 = arith.cmpi eq, %iota3A, %eq3A_1671 : vector<16xi32>
      %broadcast_in_dim3A_1673 = vector.broadcast %reduce_sum3A_1669 : f32 to vector<16xf32>
      %select_n3A_1674 = arith.select %eq3A_1672, %broadcast_in_dim3A_1673, %select_n3A_1612 : vector<16xi1>, vector<16xf32>
      %add3A_1675 = arith.constant 10 : i32
      %add3A_1676 = arith.addi %mul3A_1033, %add3A_1675 : i32
      %broadcast_in_dim3A_1677 = arith.constant 0 : i32
      %broadcast_in_dim3A_1678 = vector.broadcast %broadcast_in_dim3A_1677 : i32 to vector<16xi32>
      %add3A_1679 = vector.broadcast %add3A_1676 : i32 to vector<16xi32>
      %add3A_1680 = arith.addi %broadcast_in_dim3A_1678, %add3A_1679 : vector<16xi32>
      %mul3A_1681 = arith.constant 0 : i32
      %mul3A_1682 = vector.broadcast %mul3A_1681 : i32 to vector<16xi32>
      %mul3A_1683 = arith.muli %iota3A, %mul3A_1682 : vector<16xi32>
      %add3A_1684 = arith.constant 10 : i32
      %add3A_1685 = vector.broadcast %add3A_1684 : i32 to vector<16xi32>
      %add3A_1686 = arith.addi %mul3A_1683, %add3A_1685 : vector<16xi32>
      %lt3A_1687 = arith.constant 0 : i32
      %lt3A_1688 = vector.broadcast %lt3A_1687 : i32 to vector<16xi32>
      %lt3A_1689 = arith.cmpi slt, %add3A_1686, %lt3A_1688 : vector<16xi32>
      %add3A_1690 = arith.constant 16 : i32
      %add3A_1691 = vector.broadcast %add3A_1690 : i32 to vector<16xi32>
      %add3A_1692 = arith.addi %add3A_1686, %add3A_1691 : vector<16xi32>
      %select_n3A_1693 = arith.select %lt3A_1689, %add3A_1692, %add3A_1686 : vector<16xi1>, vector<16xi32>
      %broadcast_in_dim3A_1694 = vector.shape_cast %select_n3A_1693 : vector<16xi32> to vector<16x1xi32>
      %gather3A_1695 = vector.shape_cast %broadcast_in_dim3A_1694 : vector<16x1xi32> to vector<16xi32>
      %gather3A_1696 = tpu.dynamic_gather %mul3A_1049[%gather3A_1695] in [0] : vector<16xi32>, vector<16xi32> -> vector<16xi32>
      %add3A_1697 = arith.addi %gather3A_1696, %iota3A : vector<16xi32>
      %mul3A_1698 = arith.constant 0 : i32
      %mul3A_1699 = vector.broadcast %mul3A_1698 : i32 to vector<16xi32>
      %mul3A_1700 = arith.muli %iota3A, %mul3A_1699 : vector<16xi32>
      %add3A_1701 = arith.constant 10 : i32
      %add3A_1702 = vector.broadcast %add3A_1701 : i32 to vector<16xi32>
      %add3A_1703 = arith.addi %mul3A_1700, %add3A_1702 : vector<16xi32>
      %lt3A_1704 = arith.constant 0 : i32
      %lt3A_1705 = vector.broadcast %lt3A_1704 : i32 to vector<16xi32>
      %lt3A_1706 = arith.cmpi slt, %add3A_1703, %lt3A_1705 : vector<16xi32>
      %add3A_1707 = arith.constant 16 : i32
      %add3A_1708 = vector.broadcast %add3A_1707 : i32 to vector<16xi32>
      %add3A_1709 = arith.addi %add3A_1703, %add3A_1708 : vector<16xi32>
      %select_n3A_1710 = arith.select %lt3A_1706, %add3A_1709, %add3A_1703 : vector<16xi1>, vector<16xi32>
      %broadcast_in_dim3A_1711 = vector.shape_cast %select_n3A_1710 : vector<16xi32> to vector<16x1xi32>
      %gather3A_1712 = vector.shape_cast %broadcast_in_dim3A_1711 : vector<16x1xi32> to vector<16xi32>
      %gather3A_1713 = tpu.dynamic_gather %mul3A_1058[%gather3A_1712] in [0] : vector<16xi32>, vector<16xi32> -> vector<16xi32>
      %add3A_1714 = arith.addi %gather3A_1713, %iota3A : vector<16xi32>
      %gather3A_1715 = tpu.vector_load_idx %arg15[%add3A_1680, %add3A_1697] : memref<256x128xf32, #tpu.memory_space<vmem>>[vector<16xi32>, vector<16xi32>], vector<16xf32>,
      %add3A_1716 = arith.constant 16 : i32
      %add3A_1717 = vector.broadcast %add3A_1716 : i32 to vector<16xi32>
      %add3A_1718 = arith.addi %add3A_1697, %add3A_1717 : vector<16xi32>
      %gather3A_1719 = tpu.vector_load_idx %arg15[%add3A_1680, %add3A_1718] : memref<256x128xf32, #tpu.memory_space<vmem>>[vector<16xi32>, vector<16xi32>], vector<16xf32>,
      %gather3A_1720 = tpu.vector_load_idx %arg16[%add3A_1680, %add3A_1714] : memref<256x128xf32, #tpu.memory_space<vmem>>[vector<16xi32>, vector<16xi32>], vector<16xf32>,
      %add3A_1721 = arith.constant 16 : i32
      %add3A_1722 = vector.broadcast %add3A_1721 : i32 to vector<16xi32>
      %add3A_1723 = arith.addi %add3A_1714, %add3A_1722 : vector<16xi32>
      %gather3A_1724 = tpu.vector_load_idx %arg16[%add3A_1680, %add3A_1723] : memref<256x128xf32, #tpu.memory_space<vmem>>[vector<16xi32>, vector<16xi32>], vector<16xf32>,
      %mul3A_1725 = arith.mulf %gather3A_1715, %gather3A_1720 : vector<16xf32>
      %mul3A_1726 = arith.mulf %gather3A_1719, %gather3A_1724 : vector<16xf32>
      %add3A_1727 = arith.addf %mul3A_1725, %mul3A_1726 : vector<16xf32>
      %reduce_sum3A_1728 = arith.constant true
      %reduce_sum3A_1729 = vector.broadcast %reduce_sum3A_1728 : i1 to vector<16xi1>
      %reduce_sum3A_1730 = tpu.scan <sum>, %add3A_1727 masked %reduce_sum3A_1729 : vector<16xf32>, vector<16xi1> -> vector<16xf32>
      %reduce_sum3A_1731 = vector.extract %reduce_sum3A_1730[15] : f32 from vector<16xf32>
      %eq3A_1732 = arith.constant 10 : i32
      %eq3A_1733 = vector.broadcast %eq3A_1732 : i32 to vector<16xi32>
      %eq3A_1734 = arith.cmpi eq, %iota3A, %eq3A_1733 : vector<16xi32>
      %broadcast_in_dim3A_1735 = vector.broadcast %reduce_sum3A_1731 : f32 to vector<16xf32>
      %select_n3A_1736 = arith.select %eq3A_1734, %broadcast_in_dim3A_1735, %select_n3A_1674 : vector<16xi1>, vector<16xf32>
      %add3A_1737 = arith.constant 11 : i32
      %add3A_1738 = arith.addi %mul3A_1033, %add3A_1737 : i32
      %broadcast_in_dim3A_1739 = arith.constant 0 : i32
      %broadcast_in_dim3A_1740 = vector.broadcast %broadcast_in_dim3A_1739 : i32 to vector<16xi32>
      %add3A_1741 = vector.broadcast %add3A_1738 : i32 to vector<16xi32>
      %add3A_1742 = arith.addi %broadcast_in_dim3A_1740, %add3A_1741 : vector<16xi32>
      %mul3A_1743 = arith.constant 0 : i32
      %mul3A_1744 = vector.broadcast %mul3A_1743 : i32 to vector<16xi32>
      %mul3A_1745 = arith.muli %iota3A, %mul3A_1744 : vector<16xi32>
      %add3A_1746 = arith.constant 11 : i32
      %add3A_1747 = vector.broadcast %add3A_1746 : i32 to vector<16xi32>
      %add3A_1748 = arith.addi %mul3A_1745, %add3A_1747 : vector<16xi32>
      %lt3A_1749 = arith.constant 0 : i32
      %lt3A_1750 = vector.broadcast %lt3A_1749 : i32 to vector<16xi32>
      %lt3A_1751 = arith.cmpi slt, %add3A_1748, %lt3A_1750 : vector<16xi32>
      %add3A_1752 = arith.constant 16 : i32
      %add3A_1753 = vector.broadcast %add3A_1752 : i32 to vector<16xi32>
      %add3A_1754 = arith.addi %add3A_1748, %add3A_1753 : vector<16xi32>
      %select_n3A_1755 = arith.select %lt3A_1751, %add3A_1754, %add3A_1748 : vector<16xi1>, vector<16xi32>
      %broadcast_in_dim3A_1756 = vector.shape_cast %select_n3A_1755 : vector<16xi32> to vector<16x1xi32>
      %gather3A_1757 = vector.shape_cast %broadcast_in_dim3A_1756 : vector<16x1xi32> to vector<16xi32>
      %gather3A_1758 = tpu.dynamic_gather %mul3A_1049[%gather3A_1757] in [0] : vector<16xi32>, vector<16xi32> -> vector<16xi32>
      %add3A_1759 = arith.addi %gather3A_1758, %iota3A : vector<16xi32>
      %mul3A_1760 = arith.constant 0 : i32
      %mul3A_1761 = vector.broadcast %mul3A_1760 : i32 to vector<16xi32>
      %mul3A_1762 = arith.muli %iota3A, %mul3A_1761 : vector<16xi32>
      %add3A_1763 = arith.constant 11 : i32
      %add3A_1764 = vector.broadcast %add3A_1763 : i32 to vector<16xi32>
      %add3A_1765 = arith.addi %mul3A_1762, %add3A_1764 : vector<16xi32>
      %lt3A_1766 = arith.constant 0 : i32
      %lt3A_1767 = vector.broadcast %lt3A_1766 : i32 to vector<16xi32>
      %lt3A_1768 = arith.cmpi slt, %add3A_1765, %lt3A_1767 : vector<16xi32>
      %add3A_1769 = arith.constant 16 : i32
      %add3A_1770 = vector.broadcast %add3A_1769 : i32 to vector<16xi32>
      %add3A_1771 = arith.addi %add3A_1765, %add3A_1770 : vector<16xi32>
      %select_n3A_1772 = arith.select %lt3A_1768, %add3A_1771, %add3A_1765 : vector<16xi1>, vector<16xi32>
      %broadcast_in_dim3A_1773 = vector.shape_cast %select_n3A_1772 : vector<16xi32> to vector<16x1xi32>
      %gather3A_1774 = vector.shape_cast %broadcast_in_dim3A_1773 : vector<16x1xi32> to vector<16xi32>
      %gather3A_1775 = tpu.dynamic_gather %mul3A_1058[%gather3A_1774] in [0] : vector<16xi32>, vector<16xi32> -> vector<16xi32>
      %add3A_1776 = arith.addi %gather3A_1775, %iota3A : vector<16xi32>
      %gather3A_1777 = tpu.vector_load_idx %arg15[%add3A_1742, %add3A_1759] : memref<256x128xf32, #tpu.memory_space<vmem>>[vector<16xi32>, vector<16xi32>], vector<16xf32>,
      %add3A_1778 = arith.constant 16 : i32
      %add3A_1779 = vector.broadcast %add3A_1778 : i32 to vector<16xi32>
      %add3A_1780 = arith.addi %add3A_1759, %add3A_1779 : vector<16xi32>
      %gather3A_1781 = tpu.vector_load_idx %arg15[%add3A_1742, %add3A_1780] : memref<256x128xf32, #tpu.memory_space<vmem>>[vector<16xi32>, vector<16xi32>], vector<16xf32>,
      %gather3A_1782 = tpu.vector_load_idx %arg16[%add3A_1742, %add3A_1776] : memref<256x128xf32, #tpu.memory_space<vmem>>[vector<16xi32>, vector<16xi32>], vector<16xf32>,
      %add3A_1783 = arith.constant 16 : i32
      %add3A_1784 = vector.broadcast %add3A_1783 : i32 to vector<16xi32>
      %add3A_1785 = arith.addi %add3A_1776, %add3A_1784 : vector<16xi32>
      %gather3A_1786 = tpu.vector_load_idx %arg16[%add3A_1742, %add3A_1785] : memref<256x128xf32, #tpu.memory_space<vmem>>[vector<16xi32>, vector<16xi32>], vector<16xf32>,
      %mul3A_1787 = arith.mulf %gather3A_1777, %gather3A_1782 : vector<16xf32>
      %mul3A_1788 = arith.mulf %gather3A_1781, %gather3A_1786 : vector<16xf32>
      %add3A_1789 = arith.addf %mul3A_1787, %mul3A_1788 : vector<16xf32>
      %reduce_sum3A_1790 = arith.constant true
      %reduce_sum3A_1791 = vector.broadcast %reduce_sum3A_1790 : i1 to vector<16xi1>
      %reduce_sum3A_1792 = tpu.scan <sum>, %add3A_1789 masked %reduce_sum3A_1791 : vector<16xf32>, vector<16xi1> -> vector<16xf32>
      %reduce_sum3A_1793 = vector.extract %reduce_sum3A_1792[15] : f32 from vector<16xf32>
      %eq3A_1794 = arith.constant 11 : i32
      %eq3A_1795 = vector.broadcast %eq3A_1794 : i32 to vector<16xi32>
      %eq3A_1796 = arith.cmpi eq, %iota3A, %eq3A_1795 : vector<16xi32>
      %broadcast_in_dim3A_1797 = vector.broadcast %reduce_sum3A_1793 : f32 to vector<16xf32>
      %select_n3A_1798 = arith.select %eq3A_1796, %broadcast_in_dim3A_1797, %select_n3A_1736 : vector<16xi1>, vector<16xf32>
      %add3A_1799 = arith.constant 12 : i32
      %add3A_1800 = arith.addi %mul3A_1033, %add3A_1799 : i32
      %broadcast_in_dim3A_1801 = arith.constant 0 : i32
      %broadcast_in_dim3A_1802 = vector.broadcast %broadcast_in_dim3A_1801 : i32 to vector<16xi32>
      %add3A_1803 = vector.broadcast %add3A_1800 : i32 to vector<16xi32>
      %add3A_1804 = arith.addi %broadcast_in_dim3A_1802, %add3A_1803 : vector<16xi32>
      %mul3A_1805 = arith.constant 0 : i32
      %mul3A_1806 = vector.broadcast %mul3A_1805 : i32 to vector<16xi32>
      %mul3A_1807 = arith.muli %iota3A, %mul3A_1806 : vector<16xi32>
      %add3A_1808 = arith.constant 12 : i32
      %add3A_1809 = vector.broadcast %add3A_1808 : i32 to vector<16xi32>
      %add3A_1810 = arith.addi %mul3A_1807, %add3A_1809 : vector<16xi32>
      %lt3A_1811 = arith.constant 0 : i32
      %lt3A_1812 = vector.broadcast %lt3A_1811 : i32 to vector<16xi32>
      %lt3A_1813 = arith.cmpi slt, %add3A_1810, %lt3A_1812 : vector<16xi32>
      %add3A_1814 = arith.constant 16 : i32
      %add3A_1815 = vector.broadcast %add3A_1814 : i32 to vector<16xi32>
      %add3A_1816 = arith.addi %add3A_1810, %add3A_1815 : vector<16xi32>
      %select_n3A_1817 = arith.select %lt3A_1813, %add3A_1816, %add3A_1810 : vector<16xi1>, vector<16xi32>
      %broadcast_in_dim3A_1818 = vector.shape_cast %select_n3A_1817 : vector<16xi32> to vector<16x1xi32>
      %gather3A_1819 = vector.shape_cast %broadcast_in_dim3A_1818 : vector<16x1xi32> to vector<16xi32>
      %gather3A_1820 = tpu.dynamic_gather %mul3A_1049[%gather3A_1819] in [0] : vector<16xi32>, vector<16xi32> -> vector<16xi32>
      %add3A_1821 = arith.addi %gather3A_1820, %iota3A : vector<16xi32>
      %mul3A_1822 = arith.constant 0 : i32
      %mul3A_1823 = vector.broadcast %mul3A_1822 : i32 to vector<16xi32>
      %mul3A_1824 = arith.muli %iota3A, %mul3A_1823 : vector<16xi32>
      %add3A_1825 = arith.constant 12 : i32
      %add3A_1826 = vector.broadcast %add3A_1825 : i32 to vector<16xi32>
      %add3A_1827 = arith.addi %mul3A_1824, %add3A_1826 : vector<16xi32>
      %lt3A_1828 = arith.constant 0 : i32
      %lt3A_1829 = vector.broadcast %lt3A_1828 : i32 to vector<16xi32>
      %lt3A_1830 = arith.cmpi slt, %add3A_1827, %lt3A_1829 : vector<16xi32>
      %add3A_1831 = arith.constant 16 : i32
      %add3A_1832 = vector.broadcast %add3A_1831 : i32 to vector<16xi32>
      %add3A_1833 = arith.addi %add3A_1827, %add3A_1832 : vector<16xi32>
      %select_n3A_1834 = arith.select %lt3A_1830, %add3A_1833, %add3A_1827 : vector<16xi1>, vector<16xi32>
      %broadcast_in_dim3A_1835 = vector.shape_cast %select_n3A_1834 : vector<16xi32> to vector<16x1xi32>
      %gather3A_1836 = vector.shape_cast %broadcast_in_dim3A_1835 : vector<16x1xi32> to vector<16xi32>
      %gather3A_1837 = tpu.dynamic_gather %mul3A_1058[%gather3A_1836] in [0] : vector<16xi32>, vector<16xi32> -> vector<16xi32>
      %add3A_1838 = arith.addi %gather3A_1837, %iota3A : vector<16xi32>
      %gather3A_1839 = tpu.vector_load_idx %arg15[%add3A_1804, %add3A_1821] : memref<256x128xf32, #tpu.memory_space<vmem>>[vector<16xi32>, vector<16xi32>], vector<16xf32>,
      %add3A_1840 = arith.constant 16 : i32
      %add3A_1841 = vector.broadcast %add3A_1840 : i32 to vector<16xi32>
      %add3A_1842 = arith.addi %add3A_1821, %add3A_1841 : vector<16xi32>
      %gather3A_1843 = tpu.vector_load_idx %arg15[%add3A_1804, %add3A_1842] : memref<256x128xf32, #tpu.memory_space<vmem>>[vector<16xi32>, vector<16xi32>], vector<16xf32>,
      %gather3A_1844 = tpu.vector_load_idx %arg16[%add3A_1804, %add3A_1838] : memref<256x128xf32, #tpu.memory_space<vmem>>[vector<16xi32>, vector<16xi32>], vector<16xf32>,
      %add3A_1845 = arith.constant 16 : i32
      %add3A_1846 = vector.broadcast %add3A_1845 : i32 to vector<16xi32>
      %add3A_1847 = arith.addi %add3A_1838, %add3A_1846 : vector<16xi32>
      %gather3A_1848 = tpu.vector_load_idx %arg16[%add3A_1804, %add3A_1847] : memref<256x128xf32, #tpu.memory_space<vmem>>[vector<16xi32>, vector<16xi32>], vector<16xf32>,
      %mul3A_1849 = arith.mulf %gather3A_1839, %gather3A_1844 : vector<16xf32>
      %mul3A_1850 = arith.mulf %gather3A_1843, %gather3A_1848 : vector<16xf32>
      %add3A_1851 = arith.addf %mul3A_1849, %mul3A_1850 : vector<16xf32>
      %reduce_sum3A_1852 = arith.constant true
      %reduce_sum3A_1853 = vector.broadcast %reduce_sum3A_1852 : i1 to vector<16xi1>
      %reduce_sum3A_1854 = tpu.scan <sum>, %add3A_1851 masked %reduce_sum3A_1853 : vector<16xf32>, vector<16xi1> -> vector<16xf32>
      %reduce_sum3A_1855 = vector.extract %reduce_sum3A_1854[15] : f32 from vector<16xf32>
      %eq3A_1856 = arith.constant 12 : i32
      %eq3A_1857 = vector.broadcast %eq3A_1856 : i32 to vector<16xi32>
      %eq3A_1858 = arith.cmpi eq, %iota3A, %eq3A_1857 : vector<16xi32>
      %broadcast_in_dim3A_1859 = vector.broadcast %reduce_sum3A_1855 : f32 to vector<16xf32>
      %select_n3A_1860 = arith.select %eq3A_1858, %broadcast_in_dim3A_1859, %select_n3A_1798 : vector<16xi1>, vector<16xf32>
      %add3A_1861 = arith.constant 13 : i32
      %add3A_1862 = arith.addi %mul3A_1033, %add3A_1861 : i32
      %broadcast_in_dim3A_1863 = arith.constant 0 : i32
      %broadcast_in_dim3A_1864 = vector.broadcast %broadcast_in_dim3A_1863 : i32 to vector<16xi32>
      %add3A_1865 = vector.broadcast %add3A_1862 : i32 to vector<16xi32>
      %add3A_1866 = arith.addi %broadcast_in_dim3A_1864, %add3A_1865 : vector<16xi32>
      %mul3A_1867 = arith.constant 0 : i32
      %mul3A_1868 = vector.broadcast %mul3A_1867 : i32 to vector<16xi32>
      %mul3A_1869 = arith.muli %iota3A, %mul3A_1868 : vector<16xi32>
      %add3A_1870 = arith.constant 13 : i32
      %add3A_1871 = vector.broadcast %add3A_1870 : i32 to vector<16xi32>
      %add3A_1872 = arith.addi %mul3A_1869, %add3A_1871 : vector<16xi32>
      %lt3A_1873 = arith.constant 0 : i32
      %lt3A_1874 = vector.broadcast %lt3A_1873 : i32 to vector<16xi32>
      %lt3A_1875 = arith.cmpi slt, %add3A_1872, %lt3A_1874 : vector<16xi32>
      %add3A_1876 = arith.constant 16 : i32
      %add3A_1877 = vector.broadcast %add3A_1876 : i32 to vector<16xi32>
      %add3A_1878 = arith.addi %add3A_1872, %add3A_1877 : vector<16xi32>
      %select_n3A_1879 = arith.select %lt3A_1875, %add3A_1878, %add3A_1872 : vector<16xi1>, vector<16xi32>
      %broadcast_in_dim3A_1880 = vector.shape_cast %select_n3A_1879 : vector<16xi32> to vector<16x1xi32>
      %gather3A_1881 = vector.shape_cast %broadcast_in_dim3A_1880 : vector<16x1xi32> to vector<16xi32>
      %gather3A_1882 = tpu.dynamic_gather %mul3A_1049[%gather3A_1881] in [0] : vector<16xi32>, vector<16xi32> -> vector<16xi32>
      %add3A_1883 = arith.addi %gather3A_1882, %iota3A : vector<16xi32>
      %mul3A_1884 = arith.constant 0 : i32
      %mul3A_1885 = vector.broadcast %mul3A_1884 : i32 to vector<16xi32>
      %mul3A_1886 = arith.muli %iota3A, %mul3A_1885 : vector<16xi32>
      %add3A_1887 = arith.constant 13 : i32
      %add3A_1888 = vector.broadcast %add3A_1887 : i32 to vector<16xi32>
      %add3A_1889 = arith.addi %mul3A_1886, %add3A_1888 : vector<16xi32>
      %lt3A_1890 = arith.constant 0 : i32
      %lt3A_1891 = vector.broadcast %lt3A_1890 : i32 to vector<16xi32>
      %lt3A_1892 = arith.cmpi slt, %add3A_1889, %lt3A_1891 : vector<16xi32>
      %add3A_1893 = arith.constant 16 : i32
      %add3A_1894 = vector.broadcast %add3A_1893 : i32 to vector<16xi32>
      %add3A_1895 = arith.addi %add3A_1889, %add3A_1894 : vector<16xi32>
      %select_n3A_1896 = arith.select %lt3A_1892, %add3A_1895, %add3A_1889 : vector<16xi1>, vector<16xi32>
      %broadcast_in_dim3A_1897 = vector.shape_cast %select_n3A_1896 : vector<16xi32> to vector<16x1xi32>
      %gather3A_1898 = vector.shape_cast %broadcast_in_dim3A_1897 : vector<16x1xi32> to vector<16xi32>
      %gather3A_1899 = tpu.dynamic_gather %mul3A_1058[%gather3A_1898] in [0] : vector<16xi32>, vector<16xi32> -> vector<16xi32>
      %add3A_1900 = arith.addi %gather3A_1899, %iota3A : vector<16xi32>
      %gather3A_1901 = tpu.vector_load_idx %arg15[%add3A_1866, %add3A_1883] : memref<256x128xf32, #tpu.memory_space<vmem>>[vector<16xi32>, vector<16xi32>], vector<16xf32>,
      %add3A_1902 = arith.constant 16 : i32
      %add3A_1903 = vector.broadcast %add3A_1902 : i32 to vector<16xi32>
      %add3A_1904 = arith.addi %add3A_1883, %add3A_1903 : vector<16xi32>
      %gather3A_1905 = tpu.vector_load_idx %arg15[%add3A_1866, %add3A_1904] : memref<256x128xf32, #tpu.memory_space<vmem>>[vector<16xi32>, vector<16xi32>], vector<16xf32>,
      %gather3A_1906 = tpu.vector_load_idx %arg16[%add3A_1866, %add3A_1900] : memref<256x128xf32, #tpu.memory_space<vmem>>[vector<16xi32>, vector<16xi32>], vector<16xf32>,
      %add3A_1907 = arith.constant 16 : i32
      %add3A_1908 = vector.broadcast %add3A_1907 : i32 to vector<16xi32>
      %add3A_1909 = arith.addi %add3A_1900, %add3A_1908 : vector<16xi32>
      %gather3A_1910 = tpu.vector_load_idx %arg16[%add3A_1866, %add3A_1909] : memref<256x128xf32, #tpu.memory_space<vmem>>[vector<16xi32>, vector<16xi32>], vector<16xf32>,
      %mul3A_1911 = arith.mulf %gather3A_1901, %gather3A_1906 : vector<16xf32>
      %mul3A_1912 = arith.mulf %gather3A_1905, %gather3A_1910 : vector<16xf32>
      %add3A_1913 = arith.addf %mul3A_1911, %mul3A_1912 : vector<16xf32>
      %reduce_sum3A_1914 = arith.constant true
      %reduce_sum3A_1915 = vector.broadcast %reduce_sum3A_1914 : i1 to vector<16xi1>
      %reduce_sum3A_1916 = tpu.scan <sum>, %add3A_1913 masked %reduce_sum3A_1915 : vector<16xf32>, vector<16xi1> -> vector<16xf32>
      %reduce_sum3A_1917 = vector.extract %reduce_sum3A_1916[15] : f32 from vector<16xf32>
      %eq3A_1918 = arith.constant 13 : i32
      %eq3A_1919 = vector.broadcast %eq3A_1918 : i32 to vector<16xi32>
      %eq3A_1920 = arith.cmpi eq, %iota3A, %eq3A_1919 : vector<16xi32>
      %broadcast_in_dim3A_1921 = vector.broadcast %reduce_sum3A_1917 : f32 to vector<16xf32>
      %select_n3A_1922 = arith.select %eq3A_1920, %broadcast_in_dim3A_1921, %select_n3A_1860 : vector<16xi1>, vector<16xf32>
      %add3A_1923 = arith.constant 14 : i32
      %add3A_1924 = arith.addi %mul3A_1033, %add3A_1923 : i32
      %broadcast_in_dim3A_1925 = arith.constant 0 : i32
      %broadcast_in_dim3A_1926 = vector.broadcast %broadcast_in_dim3A_1925 : i32 to vector<16xi32>
      %add3A_1927 = vector.broadcast %add3A_1924 : i32 to vector<16xi32>
      %add3A_1928 = arith.addi %broadcast_in_dim3A_1926, %add3A_1927 : vector<16xi32>
      %mul3A_1929 = arith.constant 0 : i32
      %mul3A_1930 = vector.broadcast %mul3A_1929 : i32 to vector<16xi32>
      %mul3A_1931 = arith.muli %iota3A, %mul3A_1930 : vector<16xi32>
      %add3A_1932 = arith.constant 14 : i32
      %add3A_1933 = vector.broadcast %add3A_1932 : i32 to vector<16xi32>
      %add3A_1934 = arith.addi %mul3A_1931, %add3A_1933 : vector<16xi32>
      %lt3A_1935 = arith.constant 0 : i32
      %lt3A_1936 = vector.broadcast %lt3A_1935 : i32 to vector<16xi32>
      %lt3A_1937 = arith.cmpi slt, %add3A_1934, %lt3A_1936 : vector<16xi32>
      %add3A_1938 = arith.constant 16 : i32
      %add3A_1939 = vector.broadcast %add3A_1938 : i32 to vector<16xi32>
      %add3A_1940 = arith.addi %add3A_1934, %add3A_1939 : vector<16xi32>
      %select_n3A_1941 = arith.select %lt3A_1937, %add3A_1940, %add3A_1934 : vector<16xi1>, vector<16xi32>
      %broadcast_in_dim3A_1942 = vector.shape_cast %select_n3A_1941 : vector<16xi32> to vector<16x1xi32>
      %gather3A_1943 = vector.shape_cast %broadcast_in_dim3A_1942 : vector<16x1xi32> to vector<16xi32>
      %gather3A_1944 = tpu.dynamic_gather %mul3A_1049[%gather3A_1943] in [0] : vector<16xi32>, vector<16xi32> -> vector<16xi32>
      %add3A_1945 = arith.addi %gather3A_1944, %iota3A : vector<16xi32>
      %mul3A_1946 = arith.constant 0 : i32
      %mul3A_1947 = vector.broadcast %mul3A_1946 : i32 to vector<16xi32>
      %mul3A_1948 = arith.muli %iota3A, %mul3A_1947 : vector<16xi32>
      %add3A_1949 = arith.constant 14 : i32
      %add3A_1950 = vector.broadcast %add3A_1949 : i32 to vector<16xi32>
      %add3A_1951 = arith.addi %mul3A_1948, %add3A_1950 : vector<16xi32>
      %lt3A_1952 = arith.constant 0 : i32
      %lt3A_1953 = vector.broadcast %lt3A_1952 : i32 to vector<16xi32>
      %lt3A_1954 = arith.cmpi slt, %add3A_1951, %lt3A_1953 : vector<16xi32>
      %add3A_1955 = arith.constant 16 : i32
      %add3A_1956 = vector.broadcast %add3A_1955 : i32 to vector<16xi32>
      %add3A_1957 = arith.addi %add3A_1951, %add3A_1956 : vector<16xi32>
      %select_n3A_1958 = arith.select %lt3A_1954, %add3A_1957, %add3A_1951 : vector<16xi1>, vector<16xi32>
      %broadcast_in_dim3A_1959 = vector.shape_cast %select_n3A_1958 : vector<16xi32> to vector<16x1xi32>
      %gather3A_1960 = vector.shape_cast %broadcast_in_dim3A_1959 : vector<16x1xi32> to vector<16xi32>
      %gather3A_1961 = tpu.dynamic_gather %mul3A_1058[%gather3A_1960] in [0] : vector<16xi32>, vector<16xi32> -> vector<16xi32>
      %add3A_1962 = arith.addi %gather3A_1961, %iota3A : vector<16xi32>
      %gather3A_1963 = tpu.vector_load_idx %arg15[%add3A_1928, %add3A_1945] : memref<256x128xf32, #tpu.memory_space<vmem>>[vector<16xi32>, vector<16xi32>], vector<16xf32>,
      %add3A_1964 = arith.constant 16 : i32
      %add3A_1965 = vector.broadcast %add3A_1964 : i32 to vector<16xi32>
      %add3A_1966 = arith.addi %add3A_1945, %add3A_1965 : vector<16xi32>
      %gather3A_1967 = tpu.vector_load_idx %arg15[%add3A_1928, %add3A_1966] : memref<256x128xf32, #tpu.memory_space<vmem>>[vector<16xi32>, vector<16xi32>], vector<16xf32>,
      %gather3A_1968 = tpu.vector_load_idx %arg16[%add3A_1928, %add3A_1962] : memref<256x128xf32, #tpu.memory_space<vmem>>[vector<16xi32>, vector<16xi32>], vector<16xf32>,
      %add3A_1969 = arith.constant 16 : i32
      %add3A_1970 = vector.broadcast %add3A_1969 : i32 to vector<16xi32>
      %add3A_1971 = arith.addi %add3A_1962, %add3A_1970 : vector<16xi32>
      %gather3A_1972 = tpu.vector_load_idx %arg16[%add3A_1928, %add3A_1971] : memref<256x128xf32, #tpu.memory_space<vmem>>[vector<16xi32>, vector<16xi32>], vector<16xf32>,
      %mul3A_1973 = arith.mulf %gather3A_1963, %gather3A_1968 : vector<16xf32>
      %mul3A_1974 = arith.mulf %gather3A_1967, %gather3A_1972 : vector<16xf32>
      %add3A_1975 = arith.addf %mul3A_1973, %mul3A_1974 : vector<16xf32>
      %reduce_sum3A_1976 = arith.constant true
      %reduce_sum3A_1977 = vector.broadcast %reduce_sum3A_1976 : i1 to vector<16xi1>
      %reduce_sum3A_1978 = tpu.scan <sum>, %add3A_1975 masked %reduce_sum3A_1977 : vector<16xf32>, vector<16xi1> -> vector<16xf32>
      %reduce_sum3A_1979 = vector.extract %reduce_sum3A_1978[15] : f32 from vector<16xf32>
      %eq3A_1980 = arith.constant 14 : i32
      %eq3A_1981 = vector.broadcast %eq3A_1980 : i32 to vector<16xi32>
      %eq3A_1982 = arith.cmpi eq, %iota3A, %eq3A_1981 : vector<16xi32>
      %broadcast_in_dim3A_1983 = vector.broadcast %reduce_sum3A_1979 : f32 to vector<16xf32>
      %select_n3A_1984 = arith.select %eq3A_1982, %broadcast_in_dim3A_1983, %select_n3A_1922 : vector<16xi1>, vector<16xf32>
      %add3A_1985 = arith.constant 15 : i32
      %add3A_1986 = arith.addi %mul3A_1033, %add3A_1985 : i32
      %broadcast_in_dim3A_1987 = arith.constant 0 : i32
      %broadcast_in_dim3A_1988 = vector.broadcast %broadcast_in_dim3A_1987 : i32 to vector<16xi32>
      %add3A_1989 = vector.broadcast %add3A_1986 : i32 to vector<16xi32>
      %add3A_1990 = arith.addi %broadcast_in_dim3A_1988, %add3A_1989 : vector<16xi32>
      %mul3A_1991 = arith.constant 0 : i32
      %mul3A_1992 = vector.broadcast %mul3A_1991 : i32 to vector<16xi32>
      %mul3A_1993 = arith.muli %iota3A, %mul3A_1992 : vector<16xi32>
      %add3A_1994 = arith.constant 15 : i32
      %add3A_1995 = vector.broadcast %add3A_1994 : i32 to vector<16xi32>
      %add3A_1996 = arith.addi %mul3A_1993, %add3A_1995 : vector<16xi32>
      %lt3A_1997 = arith.constant 0 : i32
      %lt3A_1998 = vector.broadcast %lt3A_1997 : i32 to vector<16xi32>
      %lt3A_1999 = arith.cmpi slt, %add3A_1996, %lt3A_1998 : vector<16xi32>
      %add3A_2000 = arith.constant 16 : i32
      %add3A_2001 = vector.broadcast %add3A_2000 : i32 to vector<16xi32>
      %add3A_2002 = arith.addi %add3A_1996, %add3A_2001 : vector<16xi32>
      %select_n3A_2003 = arith.select %lt3A_1999, %add3A_2002, %add3A_1996 : vector<16xi1>, vector<16xi32>
      %broadcast_in_dim3A_2004 = vector.shape_cast %select_n3A_2003 : vector<16xi32> to vector<16x1xi32>
      %gather3A_2005 = vector.shape_cast %broadcast_in_dim3A_2004 : vector<16x1xi32> to vector<16xi32>
      %gather3A_2006 = tpu.dynamic_gather %mul3A_1049[%gather3A_2005] in [0] : vector<16xi32>, vector<16xi32> -> vector<16xi32>
      %add3A_2007 = arith.addi %gather3A_2006, %iota3A : vector<16xi32>
      %mul3A_2008 = arith.constant 0 : i32
      %mul3A_2009 = vector.broadcast %mul3A_2008 : i32 to vector<16xi32>
      %mul3A_2010 = arith.muli %iota3A, %mul3A_2009 : vector<16xi32>
      %add3A_2011 = arith.constant 15 : i32
      %add3A_2012 = vector.broadcast %add3A_2011 : i32 to vector<16xi32>
      %add3A_2013 = arith.addi %mul3A_2010, %add3A_2012 : vector<16xi32>
      %lt3A_2014 = arith.constant 0 : i32
      %lt3A_2015 = vector.broadcast %lt3A_2014 : i32 to vector<16xi32>
      %lt3A_2016 = arith.cmpi slt, %add3A_2013, %lt3A_2015 : vector<16xi32>
      %add3A_2017 = arith.constant 16 : i32
      %add3A_2018 = vector.broadcast %add3A_2017 : i32 to vector<16xi32>
      %add3A_2019 = arith.addi %add3A_2013, %add3A_2018 : vector<16xi32>
      %select_n3A_2020 = arith.select %lt3A_2016, %add3A_2019, %add3A_2013 : vector<16xi1>, vector<16xi32>
      %broadcast_in_dim3A_2021 = vector.shape_cast %select_n3A_2020 : vector<16xi32> to vector<16x1xi32>
      %gather3A_2022 = vector.shape_cast %broadcast_in_dim3A_2021 : vector<16x1xi32> to vector<16xi32>
      %gather3A_2023 = tpu.dynamic_gather %mul3A_1058[%gather3A_2022] in [0] : vector<16xi32>, vector<16xi32> -> vector<16xi32>
      %add3A_2024 = arith.addi %gather3A_2023, %iota3A : vector<16xi32>
      %gather3A_2025 = tpu.vector_load_idx %arg15[%add3A_1990, %add3A_2007] : memref<256x128xf32, #tpu.memory_space<vmem>>[vector<16xi32>, vector<16xi32>], vector<16xf32>,
      %add3A_2026 = arith.constant 16 : i32
      %add3A_2027 = vector.broadcast %add3A_2026 : i32 to vector<16xi32>
      %add3A_2028 = arith.addi %add3A_2007, %add3A_2027 : vector<16xi32>
      %gather3A_2029 = tpu.vector_load_idx %arg15[%add3A_1990, %add3A_2028] : memref<256x128xf32, #tpu.memory_space<vmem>>[vector<16xi32>, vector<16xi32>], vector<16xf32>,
      %gather3A_2030 = tpu.vector_load_idx %arg16[%add3A_1990, %add3A_2024] : memref<256x128xf32, #tpu.memory_space<vmem>>[vector<16xi32>, vector<16xi32>], vector<16xf32>,
      %add3A_2031 = arith.constant 16 : i32
      %add3A_2032 = vector.broadcast %add3A_2031 : i32 to vector<16xi32>
      %add3A_2033 = arith.addi %add3A_2024, %add3A_2032 : vector<16xi32>
      %gather3A_2034 = tpu.vector_load_idx %arg16[%add3A_1990, %add3A_2033] : memref<256x128xf32, #tpu.memory_space<vmem>>[vector<16xi32>, vector<16xi32>], vector<16xf32>,
      %mul3A_2035 = arith.mulf %gather3A_2025, %gather3A_2030 : vector<16xf32>
      %mul3A_2036 = arith.mulf %gather3A_2029, %gather3A_2034 : vector<16xf32>
      %add3A_2037 = arith.addf %mul3A_2035, %mul3A_2036 : vector<16xf32>
      %reduce_sum3A_2038 = arith.constant true
      %reduce_sum3A_2039 = vector.broadcast %reduce_sum3A_2038 : i1 to vector<16xi1>
      %reduce_sum3A_2040 = tpu.scan <sum>, %add3A_2037 masked %reduce_sum3A_2039 : vector<16xf32>, vector<16xi1> -> vector<16xf32>
      %reduce_sum3A_2041 = vector.extract %reduce_sum3A_2040[15] : f32 from vector<16xf32>
      %eq3A_2042 = arith.constant 15 : i32
      %eq3A_2043 = vector.broadcast %eq3A_2042 : i32 to vector<16xi32>
      %eq3A_2044 = arith.cmpi eq, %iota3A, %eq3A_2043 : vector<16xi32>
      %broadcast_in_dim3A_2045 = vector.broadcast %reduce_sum3A_2041 : f32 to vector<16xf32>
      %select_n3A_2046 = arith.select %eq3A_2044, %broadcast_in_dim3A_2045, %select_n3A_1984 : vector<16xi1>, vector<16xf32>
      %add3A_2047 = arith.constant 0 : i32
      %add3A_2048 = arith.addi %add3A_2047, %mul3A_1033 : i32
      %swap3A_2049 = arith.index_cast %add3A_2048 : i32 to index
      %swap3A_2050 = tpu.vector_load %arg19[%swap3A_2049] {strides = array<i32>} : memref<512xf32, #tpu.memory_space<vmem>>, vector<16xf32>,
      tpu.vector_store %arg19[%swap3A_2049], %select_n3A_2046 {strides = array<i32>} : memref<512xf32, #tpu.memory_space<vmem>>, vector<16xf32>,
    }
    %scan3A_872 = arith.constant 16 : i32
    %dma_start3A_873 = arith.constant 2 : i32
    %dma_start3A_874 = arith.constant 0 : i32
    %dma_start3A_875 = arith.constant 0 : i32
    %dma_start3A_876 = tpu.memref_slice %arg15[%dma_start3A_874, %dma_start3A_875] : memref<256x128xf32, #tpu.memory_space<vmem>> -> memref<128x128xf32, #tpu.memory_space<vmem>>
    %dma_start3A_877 = arith.constant 0 : i32
    %dma_start3A_878 = tpu.memref_slice %arg12[%dma_start3A_873, %dma_start3A_877] : memref<4x128xi32, #tpu.memory_space<vmem>> -> memref<1x128xi32, #tpu.memory_space<vmem>>
    %dma_start3A_879 = tpu.memref_squeeze %dma_start3A_878 : memref<1x128xi32, #tpu.memory_space<vmem>> -> memref<128xi32, #tpu.memory_space<vmem>>
    %dma_start3A_880 = arith.constant 0 : i32
    %dma_start3A_881 = arith.constant 0 : i32
    %dma_start3A_882 = tpu.memref_slice %arg5[%dma_start3A_880, %dma_start3A_881] : memref<250000x128xf32, #tpu.memory_space<hbm>> -> memref<250000x128xf32, #tpu.memory_space<hbm>>
    tpu.enqueue_indirect_dma source(%dma_start3A_882 : memref<250000x128xf32, #tpu.memory_space<hbm>>) target(%dma_start3A_876 : memref<128x128xf32, #tpu.memory_space<vmem>>) offsets(%dma_start3A_879 : memref<128xi32, #tpu.memory_space<vmem>>) semaphore(%arg20 : memref<!tpu.dma_semaphore, #tpu.memory_space<semaphore_mem>>)
    %dma_start3A_883 = arith.constant 2 : i32
    %dma_start3A_884 = arith.constant 0 : i32
    %dma_start3A_885 = arith.constant 0 : i32
    %dma_start3A_886 = tpu.memref_slice %arg16[%dma_start3A_884, %dma_start3A_885] : memref<256x128xf32, #tpu.memory_space<vmem>> -> memref<128x128xf32, #tpu.memory_space<vmem>>
    %dma_start3A_887 = arith.constant 0 : i32
    %dma_start3A_888 = tpu.memref_slice %arg13[%dma_start3A_883, %dma_start3A_887] : memref<4x128xi32, #tpu.memory_space<vmem>> -> memref<1x128xi32, #tpu.memory_space<vmem>>
    %dma_start3A_889 = tpu.memref_squeeze %dma_start3A_888 : memref<1x128xi32, #tpu.memory_space<vmem>> -> memref<128xi32, #tpu.memory_space<vmem>>
    %dma_start3A_890 = arith.constant 0 : i32
    %dma_start3A_891 = arith.constant 0 : i32
    %dma_start3A_892 = tpu.memref_slice %arg6[%dma_start3A_890, %dma_start3A_891] : memref<250000x128xf32, #tpu.memory_space<hbm>> -> memref<250000x128xf32, #tpu.memory_space<hbm>>
    tpu.enqueue_indirect_dma source(%dma_start3A_892 : memref<250000x128xf32, #tpu.memory_space<hbm>>) target(%dma_start3A_886 : memref<128x128xf32, #tpu.memory_space<vmem>>) offsets(%dma_start3A_889 : memref<128xi32, #tpu.memory_space<vmem>>) semaphore(%arg21 : memref<!tpu.dma_semaphore, #tpu.memory_space<semaphore_mem>>)
    %dma_start3A_893 = arith.constant 3 : i32
    %dma_start3A_894 = arith.constant 128 : i32
    %dma_start3A_895 = arith.constant 0 : i32
    %dma_start3A_896 = tpu.memref_slice %arg15[%dma_start3A_894, %dma_start3A_895] : memref<256x128xf32, #tpu.memory_space<vmem>> -> memref<128x128xf32, #tpu.memory_space<vmem>>
    %dma_start3A_897 = arith.constant 0 : i32
    %dma_start3A_898 = tpu.memref_slice %arg12[%dma_start3A_893, %dma_start3A_897] : memref<4x128xi32, #tpu.memory_space<vmem>> -> memref<1x128xi32, #tpu.memory_space<vmem>>
    %dma_start3A_899 = tpu.memref_squeeze %dma_start3A_898 : memref<1x128xi32, #tpu.memory_space<vmem>> -> memref<128xi32, #tpu.memory_space<vmem>>
    %dma_start3A_900 = arith.constant 0 : i32
    %dma_start3A_901 = arith.constant 0 : i32
    %dma_start3A_902 = tpu.memref_slice %arg5[%dma_start3A_900, %dma_start3A_901] : memref<250000x128xf32, #tpu.memory_space<hbm>> -> memref<250000x128xf32, #tpu.memory_space<hbm>>
    tpu.enqueue_indirect_dma source(%dma_start3A_902 : memref<250000x128xf32, #tpu.memory_space<hbm>>) target(%dma_start3A_896 : memref<128x128xf32, #tpu.memory_space<vmem>>) offsets(%dma_start3A_899 : memref<128xi32, #tpu.memory_space<vmem>>) semaphore(%arg20 : memref<!tpu.dma_semaphore, #tpu.memory_space<semaphore_mem>>)
    %dma_start3A_903 = arith.constant 3 : i32
    %dma_start3A_904 = arith.constant 128 : i32
    %dma_start3A_905 = arith.constant 0 : i32
    %dma_start3A_906 = tpu.memref_slice %arg16[%dma_start3A_904, %dma_start3A_905] : memref<256x128xf32, #tpu.memory_space<vmem>> -> memref<128x128xf32, #tpu.memory_space<vmem>>
    %dma_start3A_907 = arith.constant 0 : i32
    %dma_start3A_908 = tpu.memref_slice %arg13[%dma_start3A_903, %dma_start3A_907] : memref<4x128xi32, #tpu.memory_space<vmem>> -> memref<1x128xi32, #tpu.memory_space<vmem>>
    %dma_start3A_909 = tpu.memref_squeeze %dma_start3A_908 : memref<1x128xi32, #tpu.memory_space<vmem>> -> memref<128xi32, #tpu.memory_space<vmem>>
    %dma_start3A_910 = arith.constant 0 : i32
    %dma_start3A_911 = arith.constant 0 : i32
    %dma_start3A_912 = tpu.memref_slice %arg6[%dma_start3A_910, %dma_start3A_911] : memref<250000x128xf32, #tpu.memory_space<hbm>> -> memref<250000x128xf32, #tpu.memory_space<hbm>>
    tpu.enqueue_indirect_dma source(%dma_start3A_912 : memref<250000x128xf32, #tpu.memory_space<hbm>>) target(%dma_start3A_906 : memref<128x128xf32, #tpu.memory_space<vmem>>) offsets(%dma_start3A_909 : memref<128xi32, #tpu.memory_space<vmem>>) semaphore(%arg21 : memref<!tpu.dma_semaphore, #tpu.memory_space<semaphore_mem>>)
    %dma_wait3A_913 = arith.constant 2 : i32
    %dma_wait3A_914 = arith.constant 0 : i32
    %dma_wait3A_915 = arith.constant 0 : i32
    %dma_wait3A_916 = tpu.memref_slice %arg15[%dma_wait3A_914, %dma_wait3A_915] : memref<256x128xf32, #tpu.memory_space<vmem>> -> memref<128x128xf32, #tpu.memory_space<vmem>>
    %dma_wait3A_917 = arith.constant 0 : i32
    %dma_wait3A_918 = tpu.memref_slice %arg12[%dma_wait3A_913, %dma_wait3A_917] : memref<4x128xi32, #tpu.memory_space<vmem>> -> memref<1x128xi32, #tpu.memory_space<vmem>>
    %dma_wait3A_919 = tpu.memref_squeeze %dma_wait3A_918 : memref<1x128xi32, #tpu.memory_space<vmem>> -> memref<128xi32, #tpu.memory_space<vmem>>
    %dma_wait3A_920 = arith.constant 0 : i32
    %dma_wait3A_921 = arith.constant 0 : i32
    %dma_wait3A_922 = tpu.memref_slice %arg5[%dma_wait3A_920, %dma_wait3A_921] : memref<250000x128xf32, #tpu.memory_space<hbm>> -> memref<250000x128xf32, #tpu.memory_space<hbm>>
    tpu.wait_indirect_dma semaphore(%arg20 : memref<!tpu.dma_semaphore, #tpu.memory_space<semaphore_mem>>) src(%dma_wait3A_922 : memref<250000x128xf32, #tpu.memory_space<hbm>>) dst(%dma_wait3A_916 : memref<128x128xf32, #tpu.memory_space<vmem>>)
    %dma_wait3A_923 = arith.constant 2 : i32
    %dma_wait3A_924 = arith.constant 0 : i32
    %dma_wait3A_925 = arith.constant 0 : i32
    %dma_wait3A_926 = tpu.memref_slice %arg16[%dma_wait3A_924, %dma_wait3A_925] : memref<256x128xf32, #tpu.memory_space<vmem>> -> memref<128x128xf32, #tpu.memory_space<vmem>>
    %dma_wait3A_927 = arith.constant 0 : i32
    %dma_wait3A_928 = tpu.memref_slice %arg13[%dma_wait3A_923, %dma_wait3A_927] : memref<4x128xi32, #tpu.memory_space<vmem>> -> memref<1x128xi32, #tpu.memory_space<vmem>>
    %dma_wait3A_929 = tpu.memref_squeeze %dma_wait3A_928 : memref<1x128xi32, #tpu.memory_space<vmem>> -> memref<128xi32, #tpu.memory_space<vmem>>
    %dma_wait3A_930 = arith.constant 0 : i32
    %dma_wait3A_931 = arith.constant 0 : i32
    %dma_wait3A_932 = tpu.memref_slice %arg6[%dma_wait3A_930, %dma_wait3A_931] : memref<250000x128xf32, #tpu.memory_space<hbm>> -> memref<250000x128xf32, #tpu.memory_space<hbm>>
    tpu.wait_indirect_dma semaphore(%arg21 : memref<!tpu.dma_semaphore, #tpu.memory_space<semaphore_mem>>) src(%dma_wait3A_932 : memref<250000x128xf32, #tpu.memory_space<hbm>>) dst(%dma_wait3A_926 : memref<128x128xf32, #tpu.memory_space<vmem>>)
    %dma_wait3A_933 = arith.constant 3 : i32
    %dma_wait3A_934 = arith.constant 128 : i32
    %dma_wait3A_935 = arith.constant 0 : i32
    %dma_wait3A_936 = tpu.memref_slice %arg15[%dma_wait3A_934, %dma_wait3A_935] : memref<256x128xf32, #tpu.memory_space<vmem>> -> memref<128x128xf32, #tpu.memory_space<vmem>>
    %dma_wait3A_937 = arith.constant 0 : i32
    %dma_wait3A_938 = tpu.memref_slice %arg12[%dma_wait3A_933, %dma_wait3A_937] : memref<4x128xi32, #tpu.memory_space<vmem>> -> memref<1x128xi32, #tpu.memory_space<vmem>>
    %dma_wait3A_939 = tpu.memref_squeeze %dma_wait3A_938 : memref<1x128xi32, #tpu.memory_space<vmem>> -> memref<128xi32, #tpu.memory_space<vmem>>
    %dma_wait3A_940 = arith.constant 0 : i32
    %dma_wait3A_941 = arith.constant 0 : i32
    %dma_wait3A_942 = tpu.memref_slice %arg5[%dma_wait3A_940, %dma_wait3A_941] : memref<250000x128xf32, #tpu.memory_space<hbm>> -> memref<250000x128xf32, #tpu.memory_space<hbm>>
    tpu.wait_indirect_dma semaphore(%arg20 : memref<!tpu.dma_semaphore, #tpu.memory_space<semaphore_mem>>) src(%dma_wait3A_942 : memref<250000x128xf32, #tpu.memory_space<hbm>>) dst(%dma_wait3A_936 : memref<128x128xf32, #tpu.memory_space<vmem>>)
    %dma_wait3A_943 = arith.constant 3 : i32
    %dma_wait3A_944 = arith.constant 128 : i32
    %dma_wait3A_945 = arith.constant 0 : i32
    %dma_wait3A_946 = tpu.memref_slice %arg16[%dma_wait3A_944, %dma_wait3A_945] : memref<256x128xf32, #tpu.memory_space<vmem>> -> memref<128x128xf32, #tpu.memory_space<vmem>>
    %dma_wait3A_947 = arith.constant 0 : i32
    %dma_wait3A_948 = tpu.memref_slice %arg13[%dma_wait3A_943, %dma_wait3A_947] : memref<4x128xi32, #tpu.memory_space<vmem>> -> memref<1x128xi32, #tpu.memory_space<vmem>>
    %dma_wait3A_949 = tpu.memref_squeeze %dma_wait3A_948 : memref<1x128xi32, #tpu.memory_space<vmem>> -> memref<128xi32, #tpu.memory_space<vmem>>
    %dma_wait3A_950 = arith.constant 0 : i32
    %dma_wait3A_951 = arith.constant 0 : i32
    %dma_wait3A_952 = tpu.memref_slice %arg6[%dma_wait3A_950, %dma_wait3A_951] : memref<250000x128xf32, #tpu.memory_space<hbm>> -> memref<250000x128xf32, #tpu.memory_space<hbm>>
    tpu.wait_indirect_dma semaphore(%arg21 : memref<!tpu.dma_semaphore, #tpu.memory_space<semaphore_mem>>) src(%dma_wait3A_952 : memref<250000x128xf32, #tpu.memory_space<hbm>>) dst(%dma_wait3A_946 : memref<128x128xf32, #tpu.memory_space<vmem>>)
    %scan3A_953 = arith.constant 0 : i32
    %scan3A_954 = arith.constant 16 : i32
    %scan3A_955 = arith.addi %scan3A_953, %scan3A_954 : i32
    %scan3A_956 = arith.constant 1 : i32
    scf.for %scan3A_1027 = %scan3A_953 to %scan3A_955 step %scan3A_956  : i32 {
      %mul3A_1028 = arith.constant 1 : i32
      %mul3A_1029 = arith.muli %scan3A_1027, %mul3A_1028 : i32
      %add3A_1030 = arith.constant 0 : i32
      %add3A_1031 = arith.addi %add3A_1030, %mul3A_1029 : i32
      %mul3A_1032 = arith.constant 16 : i32
      %mul3A_1033 = arith.muli %add3A_1031, %mul3A_1032 : i32
      %add3A_1034 = arith.constant 256 : i32
      %add3A_1035 = arith.addi %add3A_1034, %mul3A_1033 : i32
      %shift_right_arithmetic3A_1036 = arith.constant 7 : i32
      %shift_right_arithmetic3A_1037 = arith.shrsi %add3A_1035, %shift_right_arithmetic3A_1036 : i32
      %add3A_1038 = arith.constant 256 : i32
      %add3A_1039 = arith.addi %add3A_1038, %mul3A_1033 : i32
      %and3A = arith.constant 127 : i32
      %and3A_1040 = arith.andi %add3A_1039, %and3A : i32
      %get3A_1041 = arith.index_cast %shift_right_arithmetic3A_1037 : i32 to index
      %get3A_1042 = arith.index_cast %and3A_1040 : i32 to index
      %get3A_1043 = tpu.vector_load %arg10[%get3A_1041, %get3A_1042] {strides = array<i32>} : memref<4x128xi32, #tpu.memory_space<vmem>>, vector<16xi32>,
      %and3A_1044 = arith.constant 3 : i32
      %and3A_1045 = vector.broadcast %and3A_1044 : i32 to vector<16xi32>
      %and3A_1046 = arith.andi %get3A_1043, %and3A_1045 : vector<16xi32>
      %mul3A_1047 = arith.constant 32 : i32
      %mul3A_1048 = vector.broadcast %mul3A_1047 : i32 to vector<16xi32>
      %mul3A_1049 = arith.muli %and3A_1046, %mul3A_1048 : vector<16xi32>
      %get3A_1050 = arith.index_cast %shift_right_arithmetic3A_1037 : i32 to index
      %get3A_1051 = arith.index_cast %and3A_1040 : i32 to index
      %get3A_1052 = tpu.vector_load %arg11[%get3A_1050, %get3A_1051] {strides = array<i32>} : memref<4x128xi32, #tpu.memory_space<vmem>>, vector<16xi32>,
      %and3A_1053 = arith.constant 3 : i32
      %and3A_1054 = vector.broadcast %and3A_1053 : i32 to vector<16xi32>
      %and3A_1055 = arith.andi %get3A_1052, %and3A_1054 : vector<16xi32>
      %mul3A_1056 = arith.constant 32 : i32
      %mul3A_1057 = vector.broadcast %mul3A_1056 : i32 to vector<16xi32>
      %mul3A_1058 = arith.muli %and3A_1055, %mul3A_1057 : vector<16xi32>
      %broadcast_in_dim3A = arith.constant 0.000000e+00 : f32
      %broadcast_in_dim3A_1059 = vector.broadcast %broadcast_in_dim3A : f32 to vector<16xf32>
      %add3A_1060 = arith.constant 0 : i32
      %add3A_1061 = arith.addi %mul3A_1033, %add3A_1060 : i32
      %broadcast_in_dim3A_1062 = arith.constant 0 : i32
      %broadcast_in_dim3A_1063 = vector.broadcast %broadcast_in_dim3A_1062 : i32 to vector<16xi32>
      %add3A_1064 = vector.broadcast %add3A_1061 : i32 to vector<16xi32>
      %add3A_1065 = arith.addi %broadcast_in_dim3A_1063, %add3A_1064 : vector<16xi32>
      %mul3A_1066 = arith.constant 0 : i32
      %mul3A_1067 = vector.broadcast %mul3A_1066 : i32 to vector<16xi32>
      %mul3A_1068 = arith.muli %iota3A, %mul3A_1067 : vector<16xi32>
      %add3A_1069 = arith.constant 0 : i32
      %add3A_1070 = vector.broadcast %add3A_1069 : i32 to vector<16xi32>
      %add3A_1071 = arith.addi %mul3A_1068, %add3A_1070 : vector<16xi32>
      %lt3A = arith.constant 0 : i32
      %lt3A_1072 = vector.broadcast %lt3A : i32 to vector<16xi32>
      %lt3A_1073 = arith.cmpi slt, %add3A_1071, %lt3A_1072 : vector<16xi32>
      %add3A_1074 = arith.constant 16 : i32
      %add3A_1075 = vector.broadcast %add3A_1074 : i32 to vector<16xi32>
      %add3A_1076 = arith.addi %add3A_1071, %add3A_1075 : vector<16xi32>
      %select_n3A = arith.select %lt3A_1073, %add3A_1076, %add3A_1071 : vector<16xi1>, vector<16xi32>
      %broadcast_in_dim3A_1077 = vector.shape_cast %select_n3A : vector<16xi32> to vector<16x1xi32>
      %gather3A = vector.shape_cast %broadcast_in_dim3A_1077 : vector<16x1xi32> to vector<16xi32>
      %gather3A_1078 = tpu.dynamic_gather %mul3A_1049[%gather3A] in [0] : vector<16xi32>, vector<16xi32> -> vector<16xi32>
      %add3A_1079 = arith.addi %gather3A_1078, %iota3A : vector<16xi32>
      %mul3A_1080 = arith.constant 0 : i32
      %mul3A_1081 = vector.broadcast %mul3A_1080 : i32 to vector<16xi32>
      %mul3A_1082 = arith.muli %iota3A, %mul3A_1081 : vector<16xi32>
      %add3A_1083 = arith.constant 0 : i32
      %add3A_1084 = vector.broadcast %add3A_1083 : i32 to vector<16xi32>
      %add3A_1085 = arith.addi %mul3A_1082, %add3A_1084 : vector<16xi32>
      %lt3A_1086 = arith.constant 0 : i32
      %lt3A_1087 = vector.broadcast %lt3A_1086 : i32 to vector<16xi32>
      %lt3A_1088 = arith.cmpi slt, %add3A_1085, %lt3A_1087 : vector<16xi32>
      %add3A_1089 = arith.constant 16 : i32
      %add3A_1090 = vector.broadcast %add3A_1089 : i32 to vector<16xi32>
      %add3A_1091 = arith.addi %add3A_1085, %add3A_1090 : vector<16xi32>
      %select_n3A_1092 = arith.select %lt3A_1088, %add3A_1091, %add3A_1085 : vector<16xi1>, vector<16xi32>
      %broadcast_in_dim3A_1093 = vector.shape_cast %select_n3A_1092 : vector<16xi32> to vector<16x1xi32>
      %gather3A_1094 = vector.shape_cast %broadcast_in_dim3A_1093 : vector<16x1xi32> to vector<16xi32>
      %gather3A_1095 = tpu.dynamic_gather %mul3A_1058[%gather3A_1094] in [0] : vector<16xi32>, vector<16xi32> -> vector<16xi32>
      %add3A_1096 = arith.addi %gather3A_1095, %iota3A : vector<16xi32>
      %gather3A_1097 = tpu.vector_load_idx %arg15[%add3A_1065, %add3A_1079] : memref<256x128xf32, #tpu.memory_space<vmem>>[vector<16xi32>, vector<16xi32>], vector<16xf32>,
      %add3A_1098 = arith.constant 16 : i32
      %add3A_1099 = vector.broadcast %add3A_1098 : i32 to vector<16xi32>
      %add3A_1100 = arith.addi %add3A_1079, %add3A_1099 : vector<16xi32>
      %gather3A_1101 = tpu.vector_load_idx %arg15[%add3A_1065, %add3A_1100] : memref<256x128xf32, #tpu.memory_space<vmem>>[vector<16xi32>, vector<16xi32>], vector<16xf32>,
      %gather3A_1102 = tpu.vector_load_idx %arg16[%add3A_1065, %add3A_1096] : memref<256x128xf32, #tpu.memory_space<vmem>>[vector<16xi32>, vector<16xi32>], vector<16xf32>,
      %add3A_1103 = arith.constant 16 : i32
      %add3A_1104 = vector.broadcast %add3A_1103 : i32 to vector<16xi32>
      %add3A_1105 = arith.addi %add3A_1096, %add3A_1104 : vector<16xi32>
      %gather3A_1106 = tpu.vector_load_idx %arg16[%add3A_1065, %add3A_1105] : memref<256x128xf32, #tpu.memory_space<vmem>>[vector<16xi32>, vector<16xi32>], vector<16xf32>,
      %mul3A_1107 = arith.mulf %gather3A_1097, %gather3A_1102 : vector<16xf32>
      %mul3A_1108 = arith.mulf %gather3A_1101, %gather3A_1106 : vector<16xf32>
      %add3A_1109 = arith.addf %mul3A_1107, %mul3A_1108 : vector<16xf32>
      %reduce_sum3A = arith.constant true
      %reduce_sum3A_1110 = vector.broadcast %reduce_sum3A : i1 to vector<16xi1>
      %reduce_sum3A_1111 = tpu.scan <sum>, %add3A_1109 masked %reduce_sum3A_1110 : vector<16xf32>, vector<16xi1> -> vector<16xf32>
      %reduce_sum3A_1112 = vector.extract %reduce_sum3A_1111[15] : f32 from vector<16xf32>
      %eq3A = arith.constant 0 : i32
      %eq3A_1113 = vector.broadcast %eq3A : i32 to vector<16xi32>
      %eq3A_1114 = arith.cmpi eq, %iota3A, %eq3A_1113 : vector<16xi32>
      %broadcast_in_dim3A_1115 = vector.broadcast %reduce_sum3A_1112 : f32 to vector<16xf32>
      %select_n3A_1116 = arith.select %eq3A_1114, %broadcast_in_dim3A_1115, %broadcast_in_dim3A_1059 : vector<16xi1>, vector<16xf32>
      %add3A_1117 = arith.constant 1 : i32
      %add3A_1118 = arith.addi %mul3A_1033, %add3A_1117 : i32
      %broadcast_in_dim3A_1119 = arith.constant 0 : i32
      %broadcast_in_dim3A_1120 = vector.broadcast %broadcast_in_dim3A_1119 : i32 to vector<16xi32>
      %add3A_1121 = vector.broadcast %add3A_1118 : i32 to vector<16xi32>
      %add3A_1122 = arith.addi %broadcast_in_dim3A_1120, %add3A_1121 : vector<16xi32>
      %mul3A_1123 = arith.constant 0 : i32
      %mul3A_1124 = vector.broadcast %mul3A_1123 : i32 to vector<16xi32>
      %mul3A_1125 = arith.muli %iota3A, %mul3A_1124 : vector<16xi32>
      %add3A_1126 = arith.constant 1 : i32
      %add3A_1127 = vector.broadcast %add3A_1126 : i32 to vector<16xi32>
      %add3A_1128 = arith.addi %mul3A_1125, %add3A_1127 : vector<16xi32>
      %lt3A_1129 = arith.constant 0 : i32
      %lt3A_1130 = vector.broadcast %lt3A_1129 : i32 to vector<16xi32>
      %lt3A_1131 = arith.cmpi slt, %add3A_1128, %lt3A_1130 : vector<16xi32>
      %add3A_1132 = arith.constant 16 : i32
      %add3A_1133 = vector.broadcast %add3A_1132 : i32 to vector<16xi32>
      %add3A_1134 = arith.addi %add3A_1128, %add3A_1133 : vector<16xi32>
      %select_n3A_1135 = arith.select %lt3A_1131, %add3A_1134, %add3A_1128 : vector<16xi1>, vector<16xi32>
      %broadcast_in_dim3A_1136 = vector.shape_cast %select_n3A_1135 : vector<16xi32> to vector<16x1xi32>
      %gather3A_1137 = vector.shape_cast %broadcast_in_dim3A_1136 : vector<16x1xi32> to vector<16xi32>
      %gather3A_1138 = tpu.dynamic_gather %mul3A_1049[%gather3A_1137] in [0] : vector<16xi32>, vector<16xi32> -> vector<16xi32>
      %add3A_1139 = arith.addi %gather3A_1138, %iota3A : vector<16xi32>
      %mul3A_1140 = arith.constant 0 : i32
      %mul3A_1141 = vector.broadcast %mul3A_1140 : i32 to vector<16xi32>
      %mul3A_1142 = arith.muli %iota3A, %mul3A_1141 : vector<16xi32>
      %add3A_1143 = arith.constant 1 : i32
      %add3A_1144 = vector.broadcast %add3A_1143 : i32 to vector<16xi32>
      %add3A_1145 = arith.addi %mul3A_1142, %add3A_1144 : vector<16xi32>
      %lt3A_1146 = arith.constant 0 : i32
      %lt3A_1147 = vector.broadcast %lt3A_1146 : i32 to vector<16xi32>
      %lt3A_1148 = arith.cmpi slt, %add3A_1145, %lt3A_1147 : vector<16xi32>
      %add3A_1149 = arith.constant 16 : i32
      %add3A_1150 = vector.broadcast %add3A_1149 : i32 to vector<16xi32>
      %add3A_1151 = arith.addi %add3A_1145, %add3A_1150 : vector<16xi32>
      %select_n3A_1152 = arith.select %lt3A_1148, %add3A_1151, %add3A_1145 : vector<16xi1>, vector<16xi32>
      %broadcast_in_dim3A_1153 = vector.shape_cast %select_n3A_1152 : vector<16xi32> to vector<16x1xi32>
      %gather3A_1154 = vector.shape_cast %broadcast_in_dim3A_1153 : vector<16x1xi32> to vector<16xi32>
      %gather3A_1155 = tpu.dynamic_gather %mul3A_1058[%gather3A_1154] in [0] : vector<16xi32>, vector<16xi32> -> vector<16xi32>
      %add3A_1156 = arith.addi %gather3A_1155, %iota3A : vector<16xi32>
      %gather3A_1157 = tpu.vector_load_idx %arg15[%add3A_1122, %add3A_1139] : memref<256x128xf32, #tpu.memory_space<vmem>>[vector<16xi32>, vector<16xi32>], vector<16xf32>,
      %add3A_1158 = arith.constant 16 : i32
      %add3A_1159 = vector.broadcast %add3A_1158 : i32 to vector<16xi32>
      %add3A_1160 = arith.addi %add3A_1139, %add3A_1159 : vector<16xi32>
      %gather3A_1161 = tpu.vector_load_idx %arg15[%add3A_1122, %add3A_1160] : memref<256x128xf32, #tpu.memory_space<vmem>>[vector<16xi32>, vector<16xi32>], vector<16xf32>,
      %gather3A_1162 = tpu.vector_load_idx %arg16[%add3A_1122, %add3A_1156] : memref<256x128xf32, #tpu.memory_space<vmem>>[vector<16xi32>, vector<16xi32>], vector<16xf32>,
      %add3A_1163 = arith.constant 16 : i32
      %add3A_1164 = vector.broadcast %add3A_1163 : i32 to vector<16xi32>
      %add3A_1165 = arith.addi %add3A_1156, %add3A_1164 : vector<16xi32>
      %gather3A_1166 = tpu.vector_load_idx %arg16[%add3A_1122, %add3A_1165] : memref<256x128xf32, #tpu.memory_space<vmem>>[vector<16xi32>, vector<16xi32>], vector<16xf32>,
      %mul3A_1167 = arith.mulf %gather3A_1157, %gather3A_1162 : vector<16xf32>
      %mul3A_1168 = arith.mulf %gather3A_1161, %gather3A_1166 : vector<16xf32>
      %add3A_1169 = arith.addf %mul3A_1167, %mul3A_1168 : vector<16xf32>
      %reduce_sum3A_1170 = arith.constant true
      %reduce_sum3A_1171 = vector.broadcast %reduce_sum3A_1170 : i1 to vector<16xi1>
      %reduce_sum3A_1172 = tpu.scan <sum>, %add3A_1169 masked %reduce_sum3A_1171 : vector<16xf32>, vector<16xi1> -> vector<16xf32>
      %reduce_sum3A_1173 = vector.extract %reduce_sum3A_1172[15] : f32 from vector<16xf32>
      %eq3A_1174 = arith.constant 1 : i32
      %eq3A_1175 = vector.broadcast %eq3A_1174 : i32 to vector<16xi32>
      %eq3A_1176 = arith.cmpi eq, %iota3A, %eq3A_1175 : vector<16xi32>
      %broadcast_in_dim3A_1177 = vector.broadcast %reduce_sum3A_1173 : f32 to vector<16xf32>
      %select_n3A_1178 = arith.select %eq3A_1176, %broadcast_in_dim3A_1177, %select_n3A_1116 : vector<16xi1>, vector<16xf32>
      %add3A_1179 = arith.constant 2 : i32
      %add3A_1180 = arith.addi %mul3A_1033, %add3A_1179 : i32
      %broadcast_in_dim3A_1181 = arith.constant 0 : i32
      %broadcast_in_dim3A_1182 = vector.broadcast %broadcast_in_dim3A_1181 : i32 to vector<16xi32>
      %add3A_1183 = vector.broadcast %add3A_1180 : i32 to vector<16xi32>
      %add3A_1184 = arith.addi %broadcast_in_dim3A_1182, %add3A_1183 : vector<16xi32>
      %mul3A_1185 = arith.constant 0 : i32
      %mul3A_1186 = vector.broadcast %mul3A_1185 : i32 to vector<16xi32>
      %mul3A_1187 = arith.muli %iota3A, %mul3A_1186 : vector<16xi32>
      %add3A_1188 = arith.constant 2 : i32
      %add3A_1189 = vector.broadcast %add3A_1188 : i32 to vector<16xi32>
      %add3A_1190 = arith.addi %mul3A_1187, %add3A_1189 : vector<16xi32>
      %lt3A_1191 = arith.constant 0 : i32
      %lt3A_1192 = vector.broadcast %lt3A_1191 : i32 to vector<16xi32>
      %lt3A_1193 = arith.cmpi slt, %add3A_1190, %lt3A_1192 : vector<16xi32>
      %add3A_1194 = arith.constant 16 : i32
      %add3A_1195 = vector.broadcast %add3A_1194 : i32 to vector<16xi32>
      %add3A_1196 = arith.addi %add3A_1190, %add3A_1195 : vector<16xi32>
      %select_n3A_1197 = arith.select %lt3A_1193, %add3A_1196, %add3A_1190 : vector<16xi1>, vector<16xi32>
      %broadcast_in_dim3A_1198 = vector.shape_cast %select_n3A_1197 : vector<16xi32> to vector<16x1xi32>
      %gather3A_1199 = vector.shape_cast %broadcast_in_dim3A_1198 : vector<16x1xi32> to vector<16xi32>
      %gather3A_1200 = tpu.dynamic_gather %mul3A_1049[%gather3A_1199] in [0] : vector<16xi32>, vector<16xi32> -> vector<16xi32>
      %add3A_1201 = arith.addi %gather3A_1200, %iota3A : vector<16xi32>
      %mul3A_1202 = arith.constant 0 : i32
      %mul3A_1203 = vector.broadcast %mul3A_1202 : i32 to vector<16xi32>
      %mul3A_1204 = arith.muli %iota3A, %mul3A_1203 : vector<16xi32>
      %add3A_1205 = arith.constant 2 : i32
      %add3A_1206 = vector.broadcast %add3A_1205 : i32 to vector<16xi32>
      %add3A_1207 = arith.addi %mul3A_1204, %add3A_1206 : vector<16xi32>
      %lt3A_1208 = arith.constant 0 : i32
      %lt3A_1209 = vector.broadcast %lt3A_1208 : i32 to vector<16xi32>
      %lt3A_1210 = arith.cmpi slt, %add3A_1207, %lt3A_1209 : vector<16xi32>
      %add3A_1211 = arith.constant 16 : i32
      %add3A_1212 = vector.broadcast %add3A_1211 : i32 to vector<16xi32>
      %add3A_1213 = arith.addi %add3A_1207, %add3A_1212 : vector<16xi32>
      %select_n3A_1214 = arith.select %lt3A_1210, %add3A_1213, %add3A_1207 : vector<16xi1>, vector<16xi32>
      %broadcast_in_dim3A_1215 = vector.shape_cast %select_n3A_1214 : vector<16xi32> to vector<16x1xi32>
      %gather3A_1216 = vector.shape_cast %broadcast_in_dim3A_1215 : vector<16x1xi32> to vector<16xi32>
      %gather3A_1217 = tpu.dynamic_gather %mul3A_1058[%gather3A_1216] in [0] : vector<16xi32>, vector<16xi32> -> vector<16xi32>
      %add3A_1218 = arith.addi %gather3A_1217, %iota3A : vector<16xi32>
      %gather3A_1219 = tpu.vector_load_idx %arg15[%add3A_1184, %add3A_1201] : memref<256x128xf32, #tpu.memory_space<vmem>>[vector<16xi32>, vector<16xi32>], vector<16xf32>,
      %add3A_1220 = arith.constant 16 : i32
      %add3A_1221 = vector.broadcast %add3A_1220 : i32 to vector<16xi32>
      %add3A_1222 = arith.addi %add3A_1201, %add3A_1221 : vector<16xi32>
      %gather3A_1223 = tpu.vector_load_idx %arg15[%add3A_1184, %add3A_1222] : memref<256x128xf32, #tpu.memory_space<vmem>>[vector<16xi32>, vector<16xi32>], vector<16xf32>,
      %gather3A_1224 = tpu.vector_load_idx %arg16[%add3A_1184, %add3A_1218] : memref<256x128xf32, #tpu.memory_space<vmem>>[vector<16xi32>, vector<16xi32>], vector<16xf32>,
      %add3A_1225 = arith.constant 16 : i32
      %add3A_1226 = vector.broadcast %add3A_1225 : i32 to vector<16xi32>
      %add3A_1227 = arith.addi %add3A_1218, %add3A_1226 : vector<16xi32>
      %gather3A_1228 = tpu.vector_load_idx %arg16[%add3A_1184, %add3A_1227] : memref<256x128xf32, #tpu.memory_space<vmem>>[vector<16xi32>, vector<16xi32>], vector<16xf32>,
      %mul3A_1229 = arith.mulf %gather3A_1219, %gather3A_1224 : vector<16xf32>
      %mul3A_1230 = arith.mulf %gather3A_1223, %gather3A_1228 : vector<16xf32>
      %add3A_1231 = arith.addf %mul3A_1229, %mul3A_1230 : vector<16xf32>
      %reduce_sum3A_1232 = arith.constant true
      %reduce_sum3A_1233 = vector.broadcast %reduce_sum3A_1232 : i1 to vector<16xi1>
      %reduce_sum3A_1234 = tpu.scan <sum>, %add3A_1231 masked %reduce_sum3A_1233 : vector<16xf32>, vector<16xi1> -> vector<16xf32>
      %reduce_sum3A_1235 = vector.extract %reduce_sum3A_1234[15] : f32 from vector<16xf32>
      %eq3A_1236 = arith.constant 2 : i32
      %eq3A_1237 = vector.broadcast %eq3A_1236 : i32 to vector<16xi32>
      %eq3A_1238 = arith.cmpi eq, %iota3A, %eq3A_1237 : vector<16xi32>
      %broadcast_in_dim3A_1239 = vector.broadcast %reduce_sum3A_1235 : f32 to vector<16xf32>
      %select_n3A_1240 = arith.select %eq3A_1238, %broadcast_in_dim3A_1239, %select_n3A_1178 : vector<16xi1>, vector<16xf32>
      %add3A_1241 = arith.constant 3 : i32
      %add3A_1242 = arith.addi %mul3A_1033, %add3A_1241 : i32
      %broadcast_in_dim3A_1243 = arith.constant 0 : i32
      %broadcast_in_dim3A_1244 = vector.broadcast %broadcast_in_dim3A_1243 : i32 to vector<16xi32>
      %add3A_1245 = vector.broadcast %add3A_1242 : i32 to vector<16xi32>
      %add3A_1246 = arith.addi %broadcast_in_dim3A_1244, %add3A_1245 : vector<16xi32>
      %mul3A_1247 = arith.constant 0 : i32
      %mul3A_1248 = vector.broadcast %mul3A_1247 : i32 to vector<16xi32>
      %mul3A_1249 = arith.muli %iota3A, %mul3A_1248 : vector<16xi32>
      %add3A_1250 = arith.constant 3 : i32
      %add3A_1251 = vector.broadcast %add3A_1250 : i32 to vector<16xi32>
      %add3A_1252 = arith.addi %mul3A_1249, %add3A_1251 : vector<16xi32>
      %lt3A_1253 = arith.constant 0 : i32
      %lt3A_1254 = vector.broadcast %lt3A_1253 : i32 to vector<16xi32>
      %lt3A_1255 = arith.cmpi slt, %add3A_1252, %lt3A_1254 : vector<16xi32>
      %add3A_1256 = arith.constant 16 : i32
      %add3A_1257 = vector.broadcast %add3A_1256 : i32 to vector<16xi32>
      %add3A_1258 = arith.addi %add3A_1252, %add3A_1257 : vector<16xi32>
      %select_n3A_1259 = arith.select %lt3A_1255, %add3A_1258, %add3A_1252 : vector<16xi1>, vector<16xi32>
      %broadcast_in_dim3A_1260 = vector.shape_cast %select_n3A_1259 : vector<16xi32> to vector<16x1xi32>
      %gather3A_1261 = vector.shape_cast %broadcast_in_dim3A_1260 : vector<16x1xi32> to vector<16xi32>
      %gather3A_1262 = tpu.dynamic_gather %mul3A_1049[%gather3A_1261] in [0] : vector<16xi32>, vector<16xi32> -> vector<16xi32>
      %add3A_1263 = arith.addi %gather3A_1262, %iota3A : vector<16xi32>
      %mul3A_1264 = arith.constant 0 : i32
      %mul3A_1265 = vector.broadcast %mul3A_1264 : i32 to vector<16xi32>
      %mul3A_1266 = arith.muli %iota3A, %mul3A_1265 : vector<16xi32>
      %add3A_1267 = arith.constant 3 : i32
      %add3A_1268 = vector.broadcast %add3A_1267 : i32 to vector<16xi32>
      %add3A_1269 = arith.addi %mul3A_1266, %add3A_1268 : vector<16xi32>
      %lt3A_1270 = arith.constant 0 : i32
      %lt3A_1271 = vector.broadcast %lt3A_1270 : i32 to vector<16xi32>
      %lt3A_1272 = arith.cmpi slt, %add3A_1269, %lt3A_1271 : vector<16xi32>
      %add3A_1273 = arith.constant 16 : i32
      %add3A_1274 = vector.broadcast %add3A_1273 : i32 to vector<16xi32>
      %add3A_1275 = arith.addi %add3A_1269, %add3A_1274 : vector<16xi32>
      %select_n3A_1276 = arith.select %lt3A_1272, %add3A_1275, %add3A_1269 : vector<16xi1>, vector<16xi32>
      %broadcast_in_dim3A_1277 = vector.shape_cast %select_n3A_1276 : vector<16xi32> to vector<16x1xi32>
      %gather3A_1278 = vector.shape_cast %broadcast_in_dim3A_1277 : vector<16x1xi32> to vector<16xi32>
      %gather3A_1279 = tpu.dynamic_gather %mul3A_1058[%gather3A_1278] in [0] : vector<16xi32>, vector<16xi32> -> vector<16xi32>
      %add3A_1280 = arith.addi %gather3A_1279, %iota3A : vector<16xi32>
      %gather3A_1281 = tpu.vector_load_idx %arg15[%add3A_1246, %add3A_1263] : memref<256x128xf32, #tpu.memory_space<vmem>>[vector<16xi32>, vector<16xi32>], vector<16xf32>,
      %add3A_1282 = arith.constant 16 : i32
      %add3A_1283 = vector.broadcast %add3A_1282 : i32 to vector<16xi32>
      %add3A_1284 = arith.addi %add3A_1263, %add3A_1283 : vector<16xi32>
      %gather3A_1285 = tpu.vector_load_idx %arg15[%add3A_1246, %add3A_1284] : memref<256x128xf32, #tpu.memory_space<vmem>>[vector<16xi32>, vector<16xi32>], vector<16xf32>,
      %gather3A_1286 = tpu.vector_load_idx %arg16[%add3A_1246, %add3A_1280] : memref<256x128xf32, #tpu.memory_space<vmem>>[vector<16xi32>, vector<16xi32>], vector<16xf32>,
      %add3A_1287 = arith.constant 16 : i32
      %add3A_1288 = vector.broadcast %add3A_1287 : i32 to vector<16xi32>
      %add3A_1289 = arith.addi %add3A_1280, %add3A_1288 : vector<16xi32>
      %gather3A_1290 = tpu.vector_load_idx %arg16[%add3A_1246, %add3A_1289] : memref<256x128xf32, #tpu.memory_space<vmem>>[vector<16xi32>, vector<16xi32>], vector<16xf32>,
      %mul3A_1291 = arith.mulf %gather3A_1281, %gather3A_1286 : vector<16xf32>
      %mul3A_1292 = arith.mulf %gather3A_1285, %gather3A_1290 : vector<16xf32>
      %add3A_1293 = arith.addf %mul3A_1291, %mul3A_1292 : vector<16xf32>
      %reduce_sum3A_1294 = arith.constant true
      %reduce_sum3A_1295 = vector.broadcast %reduce_sum3A_1294 : i1 to vector<16xi1>
      %reduce_sum3A_1296 = tpu.scan <sum>, %add3A_1293 masked %reduce_sum3A_1295 : vector<16xf32>, vector<16xi1> -> vector<16xf32>
      %reduce_sum3A_1297 = vector.extract %reduce_sum3A_1296[15] : f32 from vector<16xf32>
      %eq3A_1298 = arith.constant 3 : i32
      %eq3A_1299 = vector.broadcast %eq3A_1298 : i32 to vector<16xi32>
      %eq3A_1300 = arith.cmpi eq, %iota3A, %eq3A_1299 : vector<16xi32>
      %broadcast_in_dim3A_1301 = vector.broadcast %reduce_sum3A_1297 : f32 to vector<16xf32>
      %select_n3A_1302 = arith.select %eq3A_1300, %broadcast_in_dim3A_1301, %select_n3A_1240 : vector<16xi1>, vector<16xf32>
      %add3A_1303 = arith.constant 4 : i32
      %add3A_1304 = arith.addi %mul3A_1033, %add3A_1303 : i32
      %broadcast_in_dim3A_1305 = arith.constant 0 : i32
      %broadcast_in_dim3A_1306 = vector.broadcast %broadcast_in_dim3A_1305 : i32 to vector<16xi32>
      %add3A_1307 = vector.broadcast %add3A_1304 : i32 to vector<16xi32>
      %add3A_1308 = arith.addi %broadcast_in_dim3A_1306, %add3A_1307 : vector<16xi32>
      %mul3A_1309 = arith.constant 0 : i32
      %mul3A_1310 = vector.broadcast %mul3A_1309 : i32 to vector<16xi32>
      %mul3A_1311 = arith.muli %iota3A, %mul3A_1310 : vector<16xi32>
      %add3A_1312 = arith.constant 4 : i32
      %add3A_1313 = vector.broadcast %add3A_1312 : i32 to vector<16xi32>
      %add3A_1314 = arith.addi %mul3A_1311, %add3A_1313 : vector<16xi32>
      %lt3A_1315 = arith.constant 0 : i32
      %lt3A_1316 = vector.broadcast %lt3A_1315 : i32 to vector<16xi32>
      %lt3A_1317 = arith.cmpi slt, %add3A_1314, %lt3A_1316 : vector<16xi32>
      %add3A_1318 = arith.constant 16 : i32
      %add3A_1319 = vector.broadcast %add3A_1318 : i32 to vector<16xi32>
      %add3A_1320 = arith.addi %add3A_1314, %add3A_1319 : vector<16xi32>
      %select_n3A_1321 = arith.select %lt3A_1317, %add3A_1320, %add3A_1314 : vector<16xi1>, vector<16xi32>
      %broadcast_in_dim3A_1322 = vector.shape_cast %select_n3A_1321 : vector<16xi32> to vector<16x1xi32>
      %gather3A_1323 = vector.shape_cast %broadcast_in_dim3A_1322 : vector<16x1xi32> to vector<16xi32>
      %gather3A_1324 = tpu.dynamic_gather %mul3A_1049[%gather3A_1323] in [0] : vector<16xi32>, vector<16xi32> -> vector<16xi32>
      %add3A_1325 = arith.addi %gather3A_1324, %iota3A : vector<16xi32>
      %mul3A_1326 = arith.constant 0 : i32
      %mul3A_1327 = vector.broadcast %mul3A_1326 : i32 to vector<16xi32>
      %mul3A_1328 = arith.muli %iota3A, %mul3A_1327 : vector<16xi32>
      %add3A_1329 = arith.constant 4 : i32
      %add3A_1330 = vector.broadcast %add3A_1329 : i32 to vector<16xi32>
      %add3A_1331 = arith.addi %mul3A_1328, %add3A_1330 : vector<16xi32>
      %lt3A_1332 = arith.constant 0 : i32
      %lt3A_1333 = vector.broadcast %lt3A_1332 : i32 to vector<16xi32>
      %lt3A_1334 = arith.cmpi slt, %add3A_1331, %lt3A_1333 : vector<16xi32>
      %add3A_1335 = arith.constant 16 : i32
      %add3A_1336 = vector.broadcast %add3A_1335 : i32 to vector<16xi32>
      %add3A_1337 = arith.addi %add3A_1331, %add3A_1336 : vector<16xi32>
      %select_n3A_1338 = arith.select %lt3A_1334, %add3A_1337, %add3A_1331 : vector<16xi1>, vector<16xi32>
      %broadcast_in_dim3A_1339 = vector.shape_cast %select_n3A_1338 : vector<16xi32> to vector<16x1xi32>
      %gather3A_1340 = vector.shape_cast %broadcast_in_dim3A_1339 : vector<16x1xi32> to vector<16xi32>
      %gather3A_1341 = tpu.dynamic_gather %mul3A_1058[%gather3A_1340] in [0] : vector<16xi32>, vector<16xi32> -> vector<16xi32>
      %add3A_1342 = arith.addi %gather3A_1341, %iota3A : vector<16xi32>
      %gather3A_1343 = tpu.vector_load_idx %arg15[%add3A_1308, %add3A_1325] : memref<256x128xf32, #tpu.memory_space<vmem>>[vector<16xi32>, vector<16xi32>], vector<16xf32>,
      %add3A_1344 = arith.constant 16 : i32
      %add3A_1345 = vector.broadcast %add3A_1344 : i32 to vector<16xi32>
      %add3A_1346 = arith.addi %add3A_1325, %add3A_1345 : vector<16xi32>
      %gather3A_1347 = tpu.vector_load_idx %arg15[%add3A_1308, %add3A_1346] : memref<256x128xf32, #tpu.memory_space<vmem>>[vector<16xi32>, vector<16xi32>], vector<16xf32>,
      %gather3A_1348 = tpu.vector_load_idx %arg16[%add3A_1308, %add3A_1342] : memref<256x128xf32, #tpu.memory_space<vmem>>[vector<16xi32>, vector<16xi32>], vector<16xf32>,
      %add3A_1349 = arith.constant 16 : i32
      %add3A_1350 = vector.broadcast %add3A_1349 : i32 to vector<16xi32>
      %add3A_1351 = arith.addi %add3A_1342, %add3A_1350 : vector<16xi32>
      %gather3A_1352 = tpu.vector_load_idx %arg16[%add3A_1308, %add3A_1351] : memref<256x128xf32, #tpu.memory_space<vmem>>[vector<16xi32>, vector<16xi32>], vector<16xf32>,
      %mul3A_1353 = arith.mulf %gather3A_1343, %gather3A_1348 : vector<16xf32>
      %mul3A_1354 = arith.mulf %gather3A_1347, %gather3A_1352 : vector<16xf32>
      %add3A_1355 = arith.addf %mul3A_1353, %mul3A_1354 : vector<16xf32>
      %reduce_sum3A_1356 = arith.constant true
      %reduce_sum3A_1357 = vector.broadcast %reduce_sum3A_1356 : i1 to vector<16xi1>
      %reduce_sum3A_1358 = tpu.scan <sum>, %add3A_1355 masked %reduce_sum3A_1357 : vector<16xf32>, vector<16xi1> -> vector<16xf32>
      %reduce_sum3A_1359 = vector.extract %reduce_sum3A_1358[15] : f32 from vector<16xf32>
      %eq3A_1360 = arith.constant 4 : i32
      %eq3A_1361 = vector.broadcast %eq3A_1360 : i32 to vector<16xi32>
      %eq3A_1362 = arith.cmpi eq, %iota3A, %eq3A_1361 : vector<16xi32>
      %broadcast_in_dim3A_1363 = vector.broadcast %reduce_sum3A_1359 : f32 to vector<16xf32>
      %select_n3A_1364 = arith.select %eq3A_1362, %broadcast_in_dim3A_1363, %select_n3A_1302 : vector<16xi1>, vector<16xf32>
      %add3A_1365 = arith.constant 5 : i32
      %add3A_1366 = arith.addi %mul3A_1033, %add3A_1365 : i32
      %broadcast_in_dim3A_1367 = arith.constant 0 : i32
      %broadcast_in_dim3A_1368 = vector.broadcast %broadcast_in_dim3A_1367 : i32 to vector<16xi32>
      %add3A_1369 = vector.broadcast %add3A_1366 : i32 to vector<16xi32>
      %add3A_1370 = arith.addi %broadcast_in_dim3A_1368, %add3A_1369 : vector<16xi32>
      %mul3A_1371 = arith.constant 0 : i32
      %mul3A_1372 = vector.broadcast %mul3A_1371 : i32 to vector<16xi32>
      %mul3A_1373 = arith.muli %iota3A, %mul3A_1372 : vector<16xi32>
      %add3A_1374 = arith.constant 5 : i32
      %add3A_1375 = vector.broadcast %add3A_1374 : i32 to vector<16xi32>
      %add3A_1376 = arith.addi %mul3A_1373, %add3A_1375 : vector<16xi32>
      %lt3A_1377 = arith.constant 0 : i32
      %lt3A_1378 = vector.broadcast %lt3A_1377 : i32 to vector<16xi32>
      %lt3A_1379 = arith.cmpi slt, %add3A_1376, %lt3A_1378 : vector<16xi32>
      %add3A_1380 = arith.constant 16 : i32
      %add3A_1381 = vector.broadcast %add3A_1380 : i32 to vector<16xi32>
      %add3A_1382 = arith.addi %add3A_1376, %add3A_1381 : vector<16xi32>
      %select_n3A_1383 = arith.select %lt3A_1379, %add3A_1382, %add3A_1376 : vector<16xi1>, vector<16xi32>
      %broadcast_in_dim3A_1384 = vector.shape_cast %select_n3A_1383 : vector<16xi32> to vector<16x1xi32>
      %gather3A_1385 = vector.shape_cast %broadcast_in_dim3A_1384 : vector<16x1xi32> to vector<16xi32>
      %gather3A_1386 = tpu.dynamic_gather %mul3A_1049[%gather3A_1385] in [0] : vector<16xi32>, vector<16xi32> -> vector<16xi32>
      %add3A_1387 = arith.addi %gather3A_1386, %iota3A : vector<16xi32>
      %mul3A_1388 = arith.constant 0 : i32
      %mul3A_1389 = vector.broadcast %mul3A_1388 : i32 to vector<16xi32>
      %mul3A_1390 = arith.muli %iota3A, %mul3A_1389 : vector<16xi32>
      %add3A_1391 = arith.constant 5 : i32
      %add3A_1392 = vector.broadcast %add3A_1391 : i32 to vector<16xi32>
      %add3A_1393 = arith.addi %mul3A_1390, %add3A_1392 : vector<16xi32>
      %lt3A_1394 = arith.constant 0 : i32
      %lt3A_1395 = vector.broadcast %lt3A_1394 : i32 to vector<16xi32>
      %lt3A_1396 = arith.cmpi slt, %add3A_1393, %lt3A_1395 : vector<16xi32>
      %add3A_1397 = arith.constant 16 : i32
      %add3A_1398 = vector.broadcast %add3A_1397 : i32 to vector<16xi32>
      %add3A_1399 = arith.addi %add3A_1393, %add3A_1398 : vector<16xi32>
      %select_n3A_1400 = arith.select %lt3A_1396, %add3A_1399, %add3A_1393 : vector<16xi1>, vector<16xi32>
      %broadcast_in_dim3A_1401 = vector.shape_cast %select_n3A_1400 : vector<16xi32> to vector<16x1xi32>
      %gather3A_1402 = vector.shape_cast %broadcast_in_dim3A_1401 : vector<16x1xi32> to vector<16xi32>
      %gather3A_1403 = tpu.dynamic_gather %mul3A_1058[%gather3A_1402] in [0] : vector<16xi32>, vector<16xi32> -> vector<16xi32>
      %add3A_1404 = arith.addi %gather3A_1403, %iota3A : vector<16xi32>
      %gather3A_1405 = tpu.vector_load_idx %arg15[%add3A_1370, %add3A_1387] : memref<256x128xf32, #tpu.memory_space<vmem>>[vector<16xi32>, vector<16xi32>], vector<16xf32>,
      %add3A_1406 = arith.constant 16 : i32
      %add3A_1407 = vector.broadcast %add3A_1406 : i32 to vector<16xi32>
      %add3A_1408 = arith.addi %add3A_1387, %add3A_1407 : vector<16xi32>
      %gather3A_1409 = tpu.vector_load_idx %arg15[%add3A_1370, %add3A_1408] : memref<256x128xf32, #tpu.memory_space<vmem>>[vector<16xi32>, vector<16xi32>], vector<16xf32>,
      %gather3A_1410 = tpu.vector_load_idx %arg16[%add3A_1370, %add3A_1404] : memref<256x128xf32, #tpu.memory_space<vmem>>[vector<16xi32>, vector<16xi32>], vector<16xf32>,
      %add3A_1411 = arith.constant 16 : i32
      %add3A_1412 = vector.broadcast %add3A_1411 : i32 to vector<16xi32>
      %add3A_1413 = arith.addi %add3A_1404, %add3A_1412 : vector<16xi32>
      %gather3A_1414 = tpu.vector_load_idx %arg16[%add3A_1370, %add3A_1413] : memref<256x128xf32, #tpu.memory_space<vmem>>[vector<16xi32>, vector<16xi32>], vector<16xf32>,
      %mul3A_1415 = arith.mulf %gather3A_1405, %gather3A_1410 : vector<16xf32>
      %mul3A_1416 = arith.mulf %gather3A_1409, %gather3A_1414 : vector<16xf32>
      %add3A_1417 = arith.addf %mul3A_1415, %mul3A_1416 : vector<16xf32>
      %reduce_sum3A_1418 = arith.constant true
      %reduce_sum3A_1419 = vector.broadcast %reduce_sum3A_1418 : i1 to vector<16xi1>
      %reduce_sum3A_1420 = tpu.scan <sum>, %add3A_1417 masked %reduce_sum3A_1419 : vector<16xf32>, vector<16xi1> -> vector<16xf32>
      %reduce_sum3A_1421 = vector.extract %reduce_sum3A_1420[15] : f32 from vector<16xf32>
      %eq3A_1422 = arith.constant 5 : i32
      %eq3A_1423 = vector.broadcast %eq3A_1422 : i32 to vector<16xi32>
      %eq3A_1424 = arith.cmpi eq, %iota3A, %eq3A_1423 : vector<16xi32>
      %broadcast_in_dim3A_1425 = vector.broadcast %reduce_sum3A_1421 : f32 to vector<16xf32>
      %select_n3A_1426 = arith.select %eq3A_1424, %broadcast_in_dim3A_1425, %select_n3A_1364 : vector<16xi1>, vector<16xf32>
      %add3A_1427 = arith.constant 6 : i32
      %add3A_1428 = arith.addi %mul3A_1033, %add3A_1427 : i32
      %broadcast_in_dim3A_1429 = arith.constant 0 : i32
      %broadcast_in_dim3A_1430 = vector.broadcast %broadcast_in_dim3A_1429 : i32 to vector<16xi32>
      %add3A_1431 = vector.broadcast %add3A_1428 : i32 to vector<16xi32>
      %add3A_1432 = arith.addi %broadcast_in_dim3A_1430, %add3A_1431 : vector<16xi32>
      %mul3A_1433 = arith.constant 0 : i32
      %mul3A_1434 = vector.broadcast %mul3A_1433 : i32 to vector<16xi32>
      %mul3A_1435 = arith.muli %iota3A, %mul3A_1434 : vector<16xi32>
      %add3A_1436 = arith.constant 6 : i32
      %add3A_1437 = vector.broadcast %add3A_1436 : i32 to vector<16xi32>
      %add3A_1438 = arith.addi %mul3A_1435, %add3A_1437 : vector<16xi32>
      %lt3A_1439 = arith.constant 0 : i32
      %lt3A_1440 = vector.broadcast %lt3A_1439 : i32 to vector<16xi32>
      %lt3A_1441 = arith.cmpi slt, %add3A_1438, %lt3A_1440 : vector<16xi32>
      %add3A_1442 = arith.constant 16 : i32
      %add3A_1443 = vector.broadcast %add3A_1442 : i32 to vector<16xi32>
      %add3A_1444 = arith.addi %add3A_1438, %add3A_1443 : vector<16xi32>
      %select_n3A_1445 = arith.select %lt3A_1441, %add3A_1444, %add3A_1438 : vector<16xi1>, vector<16xi32>
      %broadcast_in_dim3A_1446 = vector.shape_cast %select_n3A_1445 : vector<16xi32> to vector<16x1xi32>
      %gather3A_1447 = vector.shape_cast %broadcast_in_dim3A_1446 : vector<16x1xi32> to vector<16xi32>
      %gather3A_1448 = tpu.dynamic_gather %mul3A_1049[%gather3A_1447] in [0] : vector<16xi32>, vector<16xi32> -> vector<16xi32>
      %add3A_1449 = arith.addi %gather3A_1448, %iota3A : vector<16xi32>
      %mul3A_1450 = arith.constant 0 : i32
      %mul3A_1451 = vector.broadcast %mul3A_1450 : i32 to vector<16xi32>
      %mul3A_1452 = arith.muli %iota3A, %mul3A_1451 : vector<16xi32>
      %add3A_1453 = arith.constant 6 : i32
      %add3A_1454 = vector.broadcast %add3A_1453 : i32 to vector<16xi32>
      %add3A_1455 = arith.addi %mul3A_1452, %add3A_1454 : vector<16xi32>
      %lt3A_1456 = arith.constant 0 : i32
      %lt3A_1457 = vector.broadcast %lt3A_1456 : i32 to vector<16xi32>
      %lt3A_1458 = arith.cmpi slt, %add3A_1455, %lt3A_1457 : vector<16xi32>
      %add3A_1459 = arith.constant 16 : i32
      %add3A_1460 = vector.broadcast %add3A_1459 : i32 to vector<16xi32>
      %add3A_1461 = arith.addi %add3A_1455, %add3A_1460 : vector<16xi32>
      %select_n3A_1462 = arith.select %lt3A_1458, %add3A_1461, %add3A_1455 : vector<16xi1>, vector<16xi32>
      %broadcast_in_dim3A_1463 = vector.shape_cast %select_n3A_1462 : vector<16xi32> to vector<16x1xi32>
      %gather3A_1464 = vector.shape_cast %broadcast_in_dim3A_1463 : vector<16x1xi32> to vector<16xi32>
      %gather3A_1465 = tpu.dynamic_gather %mul3A_1058[%gather3A_1464] in [0] : vector<16xi32>, vector<16xi32> -> vector<16xi32>
      %add3A_1466 = arith.addi %gather3A_1465, %iota3A : vector<16xi32>
      %gather3A_1467 = tpu.vector_load_idx %arg15[%add3A_1432, %add3A_1449] : memref<256x128xf32, #tpu.memory_space<vmem>>[vector<16xi32>, vector<16xi32>], vector<16xf32>,
      %add3A_1468 = arith.constant 16 : i32
      %add3A_1469 = vector.broadcast %add3A_1468 : i32 to vector<16xi32>
      %add3A_1470 = arith.addi %add3A_1449, %add3A_1469 : vector<16xi32>
      %gather3A_1471 = tpu.vector_load_idx %arg15[%add3A_1432, %add3A_1470] : memref<256x128xf32, #tpu.memory_space<vmem>>[vector<16xi32>, vector<16xi32>], vector<16xf32>,
      %gather3A_1472 = tpu.vector_load_idx %arg16[%add3A_1432, %add3A_1466] : memref<256x128xf32, #tpu.memory_space<vmem>>[vector<16xi32>, vector<16xi32>], vector<16xf32>,
      %add3A_1473 = arith.constant 16 : i32
      %add3A_1474 = vector.broadcast %add3A_1473 : i32 to vector<16xi32>
      %add3A_1475 = arith.addi %add3A_1466, %add3A_1474 : vector<16xi32>
      %gather3A_1476 = tpu.vector_load_idx %arg16[%add3A_1432, %add3A_1475] : memref<256x128xf32, #tpu.memory_space<vmem>>[vector<16xi32>, vector<16xi32>], vector<16xf32>,
      %mul3A_1477 = arith.mulf %gather3A_1467, %gather3A_1472 : vector<16xf32>
      %mul3A_1478 = arith.mulf %gather3A_1471, %gather3A_1476 : vector<16xf32>
      %add3A_1479 = arith.addf %mul3A_1477, %mul3A_1478 : vector<16xf32>
      %reduce_sum3A_1480 = arith.constant true
      %reduce_sum3A_1481 = vector.broadcast %reduce_sum3A_1480 : i1 to vector<16xi1>
      %reduce_sum3A_1482 = tpu.scan <sum>, %add3A_1479 masked %reduce_sum3A_1481 : vector<16xf32>, vector<16xi1> -> vector<16xf32>
      %reduce_sum3A_1483 = vector.extract %reduce_sum3A_1482[15] : f32 from vector<16xf32>
      %eq3A_1484 = arith.constant 6 : i32
      %eq3A_1485 = vector.broadcast %eq3A_1484 : i32 to vector<16xi32>
      %eq3A_1486 = arith.cmpi eq, %iota3A, %eq3A_1485 : vector<16xi32>
      %broadcast_in_dim3A_1487 = vector.broadcast %reduce_sum3A_1483 : f32 to vector<16xf32>
      %select_n3A_1488 = arith.select %eq3A_1486, %broadcast_in_dim3A_1487, %select_n3A_1426 : vector<16xi1>, vector<16xf32>
      %add3A_1489 = arith.constant 7 : i32
      %add3A_1490 = arith.addi %mul3A_1033, %add3A_1489 : i32
      %broadcast_in_dim3A_1491 = arith.constant 0 : i32
      %broadcast_in_dim3A_1492 = vector.broadcast %broadcast_in_dim3A_1491 : i32 to vector<16xi32>
      %add3A_1493 = vector.broadcast %add3A_1490 : i32 to vector<16xi32>
      %add3A_1494 = arith.addi %broadcast_in_dim3A_1492, %add3A_1493 : vector<16xi32>
      %mul3A_1495 = arith.constant 0 : i32
      %mul3A_1496 = vector.broadcast %mul3A_1495 : i32 to vector<16xi32>
      %mul3A_1497 = arith.muli %iota3A, %mul3A_1496 : vector<16xi32>
      %add3A_1498 = arith.constant 7 : i32
      %add3A_1499 = vector.broadcast %add3A_1498 : i32 to vector<16xi32>
      %add3A_1500 = arith.addi %mul3A_1497, %add3A_1499 : vector<16xi32>
      %lt3A_1501 = arith.constant 0 : i32
      %lt3A_1502 = vector.broadcast %lt3A_1501 : i32 to vector<16xi32>
      %lt3A_1503 = arith.cmpi slt, %add3A_1500, %lt3A_1502 : vector<16xi32>
      %add3A_1504 = arith.constant 16 : i32
      %add3A_1505 = vector.broadcast %add3A_1504 : i32 to vector<16xi32>
      %add3A_1506 = arith.addi %add3A_1500, %add3A_1505 : vector<16xi32>
      %select_n3A_1507 = arith.select %lt3A_1503, %add3A_1506, %add3A_1500 : vector<16xi1>, vector<16xi32>
      %broadcast_in_dim3A_1508 = vector.shape_cast %select_n3A_1507 : vector<16xi32> to vector<16x1xi32>
      %gather3A_1509 = vector.shape_cast %broadcast_in_dim3A_1508 : vector<16x1xi32> to vector<16xi32>
      %gather3A_1510 = tpu.dynamic_gather %mul3A_1049[%gather3A_1509] in [0] : vector<16xi32>, vector<16xi32> -> vector<16xi32>
      %add3A_1511 = arith.addi %gather3A_1510, %iota3A : vector<16xi32>
      %mul3A_1512 = arith.constant 0 : i32
      %mul3A_1513 = vector.broadcast %mul3A_1512 : i32 to vector<16xi32>
      %mul3A_1514 = arith.muli %iota3A, %mul3A_1513 : vector<16xi32>
      %add3A_1515 = arith.constant 7 : i32
      %add3A_1516 = vector.broadcast %add3A_1515 : i32 to vector<16xi32>
      %add3A_1517 = arith.addi %mul3A_1514, %add3A_1516 : vector<16xi32>
      %lt3A_1518 = arith.constant 0 : i32
      %lt3A_1519 = vector.broadcast %lt3A_1518 : i32 to vector<16xi32>
      %lt3A_1520 = arith.cmpi slt, %add3A_1517, %lt3A_1519 : vector<16xi32>
      %add3A_1521 = arith.constant 16 : i32
      %add3A_1522 = vector.broadcast %add3A_1521 : i32 to vector<16xi32>
      %add3A_1523 = arith.addi %add3A_1517, %add3A_1522 : vector<16xi32>
      %select_n3A_1524 = arith.select %lt3A_1520, %add3A_1523, %add3A_1517 : vector<16xi1>, vector<16xi32>
      %broadcast_in_dim3A_1525 = vector.shape_cast %select_n3A_1524 : vector<16xi32> to vector<16x1xi32>
      %gather3A_1526 = vector.shape_cast %broadcast_in_dim3A_1525 : vector<16x1xi32> to vector<16xi32>
      %gather3A_1527 = tpu.dynamic_gather %mul3A_1058[%gather3A_1526] in [0] : vector<16xi32>, vector<16xi32> -> vector<16xi32>
      %add3A_1528 = arith.addi %gather3A_1527, %iota3A : vector<16xi32>
      %gather3A_1529 = tpu.vector_load_idx %arg15[%add3A_1494, %add3A_1511] : memref<256x128xf32, #tpu.memory_space<vmem>>[vector<16xi32>, vector<16xi32>], vector<16xf32>,
      %add3A_1530 = arith.constant 16 : i32
      %add3A_1531 = vector.broadcast %add3A_1530 : i32 to vector<16xi32>
      %add3A_1532 = arith.addi %add3A_1511, %add3A_1531 : vector<16xi32>
      %gather3A_1533 = tpu.vector_load_idx %arg15[%add3A_1494, %add3A_1532] : memref<256x128xf32, #tpu.memory_space<vmem>>[vector<16xi32>, vector<16xi32>], vector<16xf32>,
      %gather3A_1534 = tpu.vector_load_idx %arg16[%add3A_1494, %add3A_1528] : memref<256x128xf32, #tpu.memory_space<vmem>>[vector<16xi32>, vector<16xi32>], vector<16xf32>,
      %add3A_1535 = arith.constant 16 : i32
      %add3A_1536 = vector.broadcast %add3A_1535 : i32 to vector<16xi32>
      %add3A_1537 = arith.addi %add3A_1528, %add3A_1536 : vector<16xi32>
      %gather3A_1538 = tpu.vector_load_idx %arg16[%add3A_1494, %add3A_1537] : memref<256x128xf32, #tpu.memory_space<vmem>>[vector<16xi32>, vector<16xi32>], vector<16xf32>,
      %mul3A_1539 = arith.mulf %gather3A_1529, %gather3A_1534 : vector<16xf32>
      %mul3A_1540 = arith.mulf %gather3A_1533, %gather3A_1538 : vector<16xf32>
      %add3A_1541 = arith.addf %mul3A_1539, %mul3A_1540 : vector<16xf32>
      %reduce_sum3A_1542 = arith.constant true
      %reduce_sum3A_1543 = vector.broadcast %reduce_sum3A_1542 : i1 to vector<16xi1>
      %reduce_sum3A_1544 = tpu.scan <sum>, %add3A_1541 masked %reduce_sum3A_1543 : vector<16xf32>, vector<16xi1> -> vector<16xf32>
      %reduce_sum3A_1545 = vector.extract %reduce_sum3A_1544[15] : f32 from vector<16xf32>
      %eq3A_1546 = arith.constant 7 : i32
      %eq3A_1547 = vector.broadcast %eq3A_1546 : i32 to vector<16xi32>
      %eq3A_1548 = arith.cmpi eq, %iota3A, %eq3A_1547 : vector<16xi32>
      %broadcast_in_dim3A_1549 = vector.broadcast %reduce_sum3A_1545 : f32 to vector<16xf32>
      %select_n3A_1550 = arith.select %eq3A_1548, %broadcast_in_dim3A_1549, %select_n3A_1488 : vector<16xi1>, vector<16xf32>
      %add3A_1551 = arith.constant 8 : i32
      %add3A_1552 = arith.addi %mul3A_1033, %add3A_1551 : i32
      %broadcast_in_dim3A_1553 = arith.constant 0 : i32
      %broadcast_in_dim3A_1554 = vector.broadcast %broadcast_in_dim3A_1553 : i32 to vector<16xi32>
      %add3A_1555 = vector.broadcast %add3A_1552 : i32 to vector<16xi32>
      %add3A_1556 = arith.addi %broadcast_in_dim3A_1554, %add3A_1555 : vector<16xi32>
      %mul3A_1557 = arith.constant 0 : i32
      %mul3A_1558 = vector.broadcast %mul3A_1557 : i32 to vector<16xi32>
      %mul3A_1559 = arith.muli %iota3A, %mul3A_1558 : vector<16xi32>
      %add3A_1560 = arith.constant 8 : i32
      %add3A_1561 = vector.broadcast %add3A_1560 : i32 to vector<16xi32>
      %add3A_1562 = arith.addi %mul3A_1559, %add3A_1561 : vector<16xi32>
      %lt3A_1563 = arith.constant 0 : i32
      %lt3A_1564 = vector.broadcast %lt3A_1563 : i32 to vector<16xi32>
      %lt3A_1565 = arith.cmpi slt, %add3A_1562, %lt3A_1564 : vector<16xi32>
      %add3A_1566 = arith.constant 16 : i32
      %add3A_1567 = vector.broadcast %add3A_1566 : i32 to vector<16xi32>
      %add3A_1568 = arith.addi %add3A_1562, %add3A_1567 : vector<16xi32>
      %select_n3A_1569 = arith.select %lt3A_1565, %add3A_1568, %add3A_1562 : vector<16xi1>, vector<16xi32>
      %broadcast_in_dim3A_1570 = vector.shape_cast %select_n3A_1569 : vector<16xi32> to vector<16x1xi32>
      %gather3A_1571 = vector.shape_cast %broadcast_in_dim3A_1570 : vector<16x1xi32> to vector<16xi32>
      %gather3A_1572 = tpu.dynamic_gather %mul3A_1049[%gather3A_1571] in [0] : vector<16xi32>, vector<16xi32> -> vector<16xi32>
      %add3A_1573 = arith.addi %gather3A_1572, %iota3A : vector<16xi32>
      %mul3A_1574 = arith.constant 0 : i32
      %mul3A_1575 = vector.broadcast %mul3A_1574 : i32 to vector<16xi32>
      %mul3A_1576 = arith.muli %iota3A, %mul3A_1575 : vector<16xi32>
      %add3A_1577 = arith.constant 8 : i32
      %add3A_1578 = vector.broadcast %add3A_1577 : i32 to vector<16xi32>
      %add3A_1579 = arith.addi %mul3A_1576, %add3A_1578 : vector<16xi32>
      %lt3A_1580 = arith.constant 0 : i32
      %lt3A_1581 = vector.broadcast %lt3A_1580 : i32 to vector<16xi32>
      %lt3A_1582 = arith.cmpi slt, %add3A_1579, %lt3A_1581 : vector<16xi32>
      %add3A_1583 = arith.constant 16 : i32
      %add3A_1584 = vector.broadcast %add3A_1583 : i32 to vector<16xi32>
      %add3A_1585 = arith.addi %add3A_1579, %add3A_1584 : vector<16xi32>
      %select_n3A_1586 = arith.select %lt3A_1582, %add3A_1585, %add3A_1579 : vector<16xi1>, vector<16xi32>
      %broadcast_in_dim3A_1587 = vector.shape_cast %select_n3A_1586 : vector<16xi32> to vector<16x1xi32>
      %gather3A_1588 = vector.shape_cast %broadcast_in_dim3A_1587 : vector<16x1xi32> to vector<16xi32>
      %gather3A_1589 = tpu.dynamic_gather %mul3A_1058[%gather3A_1588] in [0] : vector<16xi32>, vector<16xi32> -> vector<16xi32>
      %add3A_1590 = arith.addi %gather3A_1589, %iota3A : vector<16xi32>
      %gather3A_1591 = tpu.vector_load_idx %arg15[%add3A_1556, %add3A_1573] : memref<256x128xf32, #tpu.memory_space<vmem>>[vector<16xi32>, vector<16xi32>], vector<16xf32>,
      %add3A_1592 = arith.constant 16 : i32
      %add3A_1593 = vector.broadcast %add3A_1592 : i32 to vector<16xi32>
      %add3A_1594 = arith.addi %add3A_1573, %add3A_1593 : vector<16xi32>
      %gather3A_1595 = tpu.vector_load_idx %arg15[%add3A_1556, %add3A_1594] : memref<256x128xf32, #tpu.memory_space<vmem>>[vector<16xi32>, vector<16xi32>], vector<16xf32>,
      %gather3A_1596 = tpu.vector_load_idx %arg16[%add3A_1556, %add3A_1590] : memref<256x128xf32, #tpu.memory_space<vmem>>[vector<16xi32>, vector<16xi32>], vector<16xf32>,
      %add3A_1597 = arith.constant 16 : i32
      %add3A_1598 = vector.broadcast %add3A_1597 : i32 to vector<16xi32>
      %add3A_1599 = arith.addi %add3A_1590, %add3A_1598 : vector<16xi32>
      %gather3A_1600 = tpu.vector_load_idx %arg16[%add3A_1556, %add3A_1599] : memref<256x128xf32, #tpu.memory_space<vmem>>[vector<16xi32>, vector<16xi32>], vector<16xf32>,
      %mul3A_1601 = arith.mulf %gather3A_1591, %gather3A_1596 : vector<16xf32>
      %mul3A_1602 = arith.mulf %gather3A_1595, %gather3A_1600 : vector<16xf32>
      %add3A_1603 = arith.addf %mul3A_1601, %mul3A_1602 : vector<16xf32>
      %reduce_sum3A_1604 = arith.constant true
      %reduce_sum3A_1605 = vector.broadcast %reduce_sum3A_1604 : i1 to vector<16xi1>
      %reduce_sum3A_1606 = tpu.scan <sum>, %add3A_1603 masked %reduce_sum3A_1605 : vector<16xf32>, vector<16xi1> -> vector<16xf32>
      %reduce_sum3A_1607 = vector.extract %reduce_sum3A_1606[15] : f32 from vector<16xf32>
      %eq3A_1608 = arith.constant 8 : i32
      %eq3A_1609 = vector.broadcast %eq3A_1608 : i32 to vector<16xi32>
      %eq3A_1610 = arith.cmpi eq, %iota3A, %eq3A_1609 : vector<16xi32>
      %broadcast_in_dim3A_1611 = vector.broadcast %reduce_sum3A_1607 : f32 to vector<16xf32>
      %select_n3A_1612 = arith.select %eq3A_1610, %broadcast_in_dim3A_1611, %select_n3A_1550 : vector<16xi1>, vector<16xf32>
      %add3A_1613 = arith.constant 9 : i32
      %add3A_1614 = arith.addi %mul3A_1033, %add3A_1613 : i32
      %broadcast_in_dim3A_1615 = arith.constant 0 : i32
      %broadcast_in_dim3A_1616 = vector.broadcast %broadcast_in_dim3A_1615 : i32 to vector<16xi32>
      %add3A_1617 = vector.broadcast %add3A_1614 : i32 to vector<16xi32>
      %add3A_1618 = arith.addi %broadcast_in_dim3A_1616, %add3A_1617 : vector<16xi32>
      %mul3A_1619 = arith.constant 0 : i32
      %mul3A_1620 = vector.broadcast %mul3A_1619 : i32 to vector<16xi32>
      %mul3A_1621 = arith.muli %iota3A, %mul3A_1620 : vector<16xi32>
      %add3A_1622 = arith.constant 9 : i32
      %add3A_1623 = vector.broadcast %add3A_1622 : i32 to vector<16xi32>
      %add3A_1624 = arith.addi %mul3A_1621, %add3A_1623 : vector<16xi32>
      %lt3A_1625 = arith.constant 0 : i32
      %lt3A_1626 = vector.broadcast %lt3A_1625 : i32 to vector<16xi32>
      %lt3A_1627 = arith.cmpi slt, %add3A_1624, %lt3A_1626 : vector<16xi32>
      %add3A_1628 = arith.constant 16 : i32
      %add3A_1629 = vector.broadcast %add3A_1628 : i32 to vector<16xi32>
      %add3A_1630 = arith.addi %add3A_1624, %add3A_1629 : vector<16xi32>
      %select_n3A_1631 = arith.select %lt3A_1627, %add3A_1630, %add3A_1624 : vector<16xi1>, vector<16xi32>
      %broadcast_in_dim3A_1632 = vector.shape_cast %select_n3A_1631 : vector<16xi32> to vector<16x1xi32>
      %gather3A_1633 = vector.shape_cast %broadcast_in_dim3A_1632 : vector<16x1xi32> to vector<16xi32>
      %gather3A_1634 = tpu.dynamic_gather %mul3A_1049[%gather3A_1633] in [0] : vector<16xi32>, vector<16xi32> -> vector<16xi32>
      %add3A_1635 = arith.addi %gather3A_1634, %iota3A : vector<16xi32>
      %mul3A_1636 = arith.constant 0 : i32
      %mul3A_1637 = vector.broadcast %mul3A_1636 : i32 to vector<16xi32>
      %mul3A_1638 = arith.muli %iota3A, %mul3A_1637 : vector<16xi32>
      %add3A_1639 = arith.constant 9 : i32
      %add3A_1640 = vector.broadcast %add3A_1639 : i32 to vector<16xi32>
      %add3A_1641 = arith.addi %mul3A_1638, %add3A_1640 : vector<16xi32>
      %lt3A_1642 = arith.constant 0 : i32
      %lt3A_1643 = vector.broadcast %lt3A_1642 : i32 to vector<16xi32>
      %lt3A_1644 = arith.cmpi slt, %add3A_1641, %lt3A_1643 : vector<16xi32>
      %add3A_1645 = arith.constant 16 : i32
      %add3A_1646 = vector.broadcast %add3A_1645 : i32 to vector<16xi32>
      %add3A_1647 = arith.addi %add3A_1641, %add3A_1646 : vector<16xi32>
      %select_n3A_1648 = arith.select %lt3A_1644, %add3A_1647, %add3A_1641 : vector<16xi1>, vector<16xi32>
      %broadcast_in_dim3A_1649 = vector.shape_cast %select_n3A_1648 : vector<16xi32> to vector<16x1xi32>
      %gather3A_1650 = vector.shape_cast %broadcast_in_dim3A_1649 : vector<16x1xi32> to vector<16xi32>
      %gather3A_1651 = tpu.dynamic_gather %mul3A_1058[%gather3A_1650] in [0] : vector<16xi32>, vector<16xi32> -> vector<16xi32>
      %add3A_1652 = arith.addi %gather3A_1651, %iota3A : vector<16xi32>
      %gather3A_1653 = tpu.vector_load_idx %arg15[%add3A_1618, %add3A_1635] : memref<256x128xf32, #tpu.memory_space<vmem>>[vector<16xi32>, vector<16xi32>], vector<16xf32>,
      %add3A_1654 = arith.constant 16 : i32
      %add3A_1655 = vector.broadcast %add3A_1654 : i32 to vector<16xi32>
      %add3A_1656 = arith.addi %add3A_1635, %add3A_1655 : vector<16xi32>
      %gather3A_1657 = tpu.vector_load_idx %arg15[%add3A_1618, %add3A_1656] : memref<256x128xf32, #tpu.memory_space<vmem>>[vector<16xi32>, vector<16xi32>], vector<16xf32>,
      %gather3A_1658 = tpu.vector_load_idx %arg16[%add3A_1618, %add3A_1652] : memref<256x128xf32, #tpu.memory_space<vmem>>[vector<16xi32>, vector<16xi32>], vector<16xf32>,
      %add3A_1659 = arith.constant 16 : i32
      %add3A_1660 = vector.broadcast %add3A_1659 : i32 to vector<16xi32>
      %add3A_1661 = arith.addi %add3A_1652, %add3A_1660 : vector<16xi32>
      %gather3A_1662 = tpu.vector_load_idx %arg16[%add3A_1618, %add3A_1661] : memref<256x128xf32, #tpu.memory_space<vmem>>[vector<16xi32>, vector<16xi32>], vector<16xf32>,
      %mul3A_1663 = arith.mulf %gather3A_1653, %gather3A_1658 : vector<16xf32>
      %mul3A_1664 = arith.mulf %gather3A_1657, %gather3A_1662 : vector<16xf32>
      %add3A_1665 = arith.addf %mul3A_1663, %mul3A_1664 : vector<16xf32>
      %reduce_sum3A_1666 = arith.constant true
      %reduce_sum3A_1667 = vector.broadcast %reduce_sum3A_1666 : i1 to vector<16xi1>
      %reduce_sum3A_1668 = tpu.scan <sum>, %add3A_1665 masked %reduce_sum3A_1667 : vector<16xf32>, vector<16xi1> -> vector<16xf32>
      %reduce_sum3A_1669 = vector.extract %reduce_sum3A_1668[15] : f32 from vector<16xf32>
      %eq3A_1670 = arith.constant 9 : i32
      %eq3A_1671 = vector.broadcast %eq3A_1670 : i32 to vector<16xi32>
      %eq3A_1672 = arith.cmpi eq, %iota3A, %eq3A_1671 : vector<16xi32>
      %broadcast_in_dim3A_1673 = vector.broadcast %reduce_sum3A_1669 : f32 to vector<16xf32>
      %select_n3A_1674 = arith.select %eq3A_1672, %broadcast_in_dim3A_1673, %select_n3A_1612 : vector<16xi1>, vector<16xf32>
      %add3A_1675 = arith.constant 10 : i32
      %add3A_1676 = arith.addi %mul3A_1033, %add3A_1675 : i32
      %broadcast_in_dim3A_1677 = arith.constant 0 : i32
      %broadcast_in_dim3A_1678 = vector.broadcast %broadcast_in_dim3A_1677 : i32 to vector<16xi32>
      %add3A_1679 = vector.broadcast %add3A_1676 : i32 to vector<16xi32>
      %add3A_1680 = arith.addi %broadcast_in_dim3A_1678, %add3A_1679 : vector<16xi32>
      %mul3A_1681 = arith.constant 0 : i32
      %mul3A_1682 = vector.broadcast %mul3A_1681 : i32 to vector<16xi32>
      %mul3A_1683 = arith.muli %iota3A, %mul3A_1682 : vector<16xi32>
      %add3A_1684 = arith.constant 10 : i32
      %add3A_1685 = vector.broadcast %add3A_1684 : i32 to vector<16xi32>
      %add3A_1686 = arith.addi %mul3A_1683, %add3A_1685 : vector<16xi32>
      %lt3A_1687 = arith.constant 0 : i32
      %lt3A_1688 = vector.broadcast %lt3A_1687 : i32 to vector<16xi32>
      %lt3A_1689 = arith.cmpi slt, %add3A_1686, %lt3A_1688 : vector<16xi32>
      %add3A_1690 = arith.constant 16 : i32
      %add3A_1691 = vector.broadcast %add3A_1690 : i32 to vector<16xi32>
      %add3A_1692 = arith.addi %add3A_1686, %add3A_1691 : vector<16xi32>
      %select_n3A_1693 = arith.select %lt3A_1689, %add3A_1692, %add3A_1686 : vector<16xi1>, vector<16xi32>
      %broadcast_in_dim3A_1694 = vector.shape_cast %select_n3A_1693 : vector<16xi32> to vector<16x1xi32>
      %gather3A_1695 = vector.shape_cast %broadcast_in_dim3A_1694 : vector<16x1xi32> to vector<16xi32>
      %gather3A_1696 = tpu.dynamic_gather %mul3A_1049[%gather3A_1695] in [0] : vector<16xi32>, vector<16xi32> -> vector<16xi32>
      %add3A_1697 = arith.addi %gather3A_1696, %iota3A : vector<16xi32>
      %mul3A_1698 = arith.constant 0 : i32
      %mul3A_1699 = vector.broadcast %mul3A_1698 : i32 to vector<16xi32>
      %mul3A_1700 = arith.muli %iota3A, %mul3A_1699 : vector<16xi32>
      %add3A_1701 = arith.constant 10 : i32
      %add3A_1702 = vector.broadcast %add3A_1701 : i32 to vector<16xi32>
      %add3A_1703 = arith.addi %mul3A_1700, %add3A_1702 : vector<16xi32>
      %lt3A_1704 = arith.constant 0 : i32
      %lt3A_1705 = vector.broadcast %lt3A_1704 : i32 to vector<16xi32>
      %lt3A_1706 = arith.cmpi slt, %add3A_1703, %lt3A_1705 : vector<16xi32>
      %add3A_1707 = arith.constant 16 : i32
      %add3A_1708 = vector.broadcast %add3A_1707 : i32 to vector<16xi32>
      %add3A_1709 = arith.addi %add3A_1703, %add3A_1708 : vector<16xi32>
      %select_n3A_1710 = arith.select %lt3A_1706, %add3A_1709, %add3A_1703 : vector<16xi1>, vector<16xi32>
      %broadcast_in_dim3A_1711 = vector.shape_cast %select_n3A_1710 : vector<16xi32> to vector<16x1xi32>
      %gather3A_1712 = vector.shape_cast %broadcast_in_dim3A_1711 : vector<16x1xi32> to vector<16xi32>
      %gather3A_1713 = tpu.dynamic_gather %mul3A_1058[%gather3A_1712] in [0] : vector<16xi32>, vector<16xi32> -> vector<16xi32>
      %add3A_1714 = arith.addi %gather3A_1713, %iota3A : vector<16xi32>
      %gather3A_1715 = tpu.vector_load_idx %arg15[%add3A_1680, %add3A_1697] : memref<256x128xf32, #tpu.memory_space<vmem>>[vector<16xi32>, vector<16xi32>], vector<16xf32>,
      %add3A_1716 = arith.constant 16 : i32
      %add3A_1717 = vector.broadcast %add3A_1716 : i32 to vector<16xi32>
      %add3A_1718 = arith.addi %add3A_1697, %add3A_1717 : vector<16xi32>
      %gather3A_1719 = tpu.vector_load_idx %arg15[%add3A_1680, %add3A_1718] : memref<256x128xf32, #tpu.memory_space<vmem>>[vector<16xi32>, vector<16xi32>], vector<16xf32>,
      %gather3A_1720 = tpu.vector_load_idx %arg16[%add3A_1680, %add3A_1714] : memref<256x128xf32, #tpu.memory_space<vmem>>[vector<16xi32>, vector<16xi32>], vector<16xf32>,
      %add3A_1721 = arith.constant 16 : i32
      %add3A_1722 = vector.broadcast %add3A_1721 : i32 to vector<16xi32>
      %add3A_1723 = arith.addi %add3A_1714, %add3A_1722 : vector<16xi32>
      %gather3A_1724 = tpu.vector_load_idx %arg16[%add3A_1680, %add3A_1723] : memref<256x128xf32, #tpu.memory_space<vmem>>[vector<16xi32>, vector<16xi32>], vector<16xf32>,
      %mul3A_1725 = arith.mulf %gather3A_1715, %gather3A_1720 : vector<16xf32>
      %mul3A_1726 = arith.mulf %gather3A_1719, %gather3A_1724 : vector<16xf32>
      %add3A_1727 = arith.addf %mul3A_1725, %mul3A_1726 : vector<16xf32>
      %reduce_sum3A_1728 = arith.constant true
      %reduce_sum3A_1729 = vector.broadcast %reduce_sum3A_1728 : i1 to vector<16xi1>
      %reduce_sum3A_1730 = tpu.scan <sum>, %add3A_1727 masked %reduce_sum3A_1729 : vector<16xf32>, vector<16xi1> -> vector<16xf32>
      %reduce_sum3A_1731 = vector.extract %reduce_sum3A_1730[15] : f32 from vector<16xf32>
      %eq3A_1732 = arith.constant 10 : i32
      %eq3A_1733 = vector.broadcast %eq3A_1732 : i32 to vector<16xi32>
      %eq3A_1734 = arith.cmpi eq, %iota3A, %eq3A_1733 : vector<16xi32>
      %broadcast_in_dim3A_1735 = vector.broadcast %reduce_sum3A_1731 : f32 to vector<16xf32>
      %select_n3A_1736 = arith.select %eq3A_1734, %broadcast_in_dim3A_1735, %select_n3A_1674 : vector<16xi1>, vector<16xf32>
      %add3A_1737 = arith.constant 11 : i32
      %add3A_1738 = arith.addi %mul3A_1033, %add3A_1737 : i32
      %broadcast_in_dim3A_1739 = arith.constant 0 : i32
      %broadcast_in_dim3A_1740 = vector.broadcast %broadcast_in_dim3A_1739 : i32 to vector<16xi32>
      %add3A_1741 = vector.broadcast %add3A_1738 : i32 to vector<16xi32>
      %add3A_1742 = arith.addi %broadcast_in_dim3A_1740, %add3A_1741 : vector<16xi32>
      %mul3A_1743 = arith.constant 0 : i32
      %mul3A_1744 = vector.broadcast %mul3A_1743 : i32 to vector<16xi32>
      %mul3A_1745 = arith.muli %iota3A, %mul3A_1744 : vector<16xi32>
      %add3A_1746 = arith.constant 11 : i32
      %add3A_1747 = vector.broadcast %add3A_1746 : i32 to vector<16xi32>
      %add3A_1748 = arith.addi %mul3A_1745, %add3A_1747 : vector<16xi32>
      %lt3A_1749 = arith.constant 0 : i32
      %lt3A_1750 = vector.broadcast %lt3A_1749 : i32 to vector<16xi32>
      %lt3A_1751 = arith.cmpi slt, %add3A_1748, %lt3A_1750 : vector<16xi32>
      %add3A_1752 = arith.constant 16 : i32
      %add3A_1753 = vector.broadcast %add3A_1752 : i32 to vector<16xi32>
      %add3A_1754 = arith.addi %add3A_1748, %add3A_1753 : vector<16xi32>
      %select_n3A_1755 = arith.select %lt3A_1751, %add3A_1754, %add3A_1748 : vector<16xi1>, vector<16xi32>
      %broadcast_in_dim3A_1756 = vector.shape_cast %select_n3A_1755 : vector<16xi32> to vector<16x1xi32>
      %gather3A_1757 = vector.shape_cast %broadcast_in_dim3A_1756 : vector<16x1xi32> to vector<16xi32>
      %gather3A_1758 = tpu.dynamic_gather %mul3A_1049[%gather3A_1757] in [0] : vector<16xi32>, vector<16xi32> -> vector<16xi32>
      %add3A_1759 = arith.addi %gather3A_1758, %iota3A : vector<16xi32>
      %mul3A_1760 = arith.constant 0 : i32
      %mul3A_1761 = vector.broadcast %mul3A_1760 : i32 to vector<16xi32>
      %mul3A_1762 = arith.muli %iota3A, %mul3A_1761 : vector<16xi32>
      %add3A_1763 = arith.constant 11 : i32
      %add3A_1764 = vector.broadcast %add3A_1763 : i32 to vector<16xi32>
      %add3A_1765 = arith.addi %mul3A_1762, %add3A_1764 : vector<16xi32>
      %lt3A_1766 = arith.constant 0 : i32
      %lt3A_1767 = vector.broadcast %lt3A_1766 : i32 to vector<16xi32>
      %lt3A_1768 = arith.cmpi slt, %add3A_1765, %lt3A_1767 : vector<16xi32>
      %add3A_1769 = arith.constant 16 : i32
      %add3A_1770 = vector.broadcast %add3A_1769 : i32 to vector<16xi32>
      %add3A_1771 = arith.addi %add3A_1765, %add3A_1770 : vector<16xi32>
      %select_n3A_1772 = arith.select %lt3A_1768, %add3A_1771, %add3A_1765 : vector<16xi1>, vector<16xi32>
      %broadcast_in_dim3A_1773 = vector.shape_cast %select_n3A_1772 : vector<16xi32> to vector<16x1xi32>
      %gather3A_1774 = vector.shape_cast %broadcast_in_dim3A_1773 : vector<16x1xi32> to vector<16xi32>
      %gather3A_1775 = tpu.dynamic_gather %mul3A_1058[%gather3A_1774] in [0] : vector<16xi32>, vector<16xi32> -> vector<16xi32>
      %add3A_1776 = arith.addi %gather3A_1775, %iota3A : vector<16xi32>
      %gather3A_1777 = tpu.vector_load_idx %arg15[%add3A_1742, %add3A_1759] : memref<256x128xf32, #tpu.memory_space<vmem>>[vector<16xi32>, vector<16xi32>], vector<16xf32>,
      %add3A_1778 = arith.constant 16 : i32
      %add3A_1779 = vector.broadcast %add3A_1778 : i32 to vector<16xi32>
      %add3A_1780 = arith.addi %add3A_1759, %add3A_1779 : vector<16xi32>
      %gather3A_1781 = tpu.vector_load_idx %arg15[%add3A_1742, %add3A_1780] : memref<256x128xf32, #tpu.memory_space<vmem>>[vector<16xi32>, vector<16xi32>], vector<16xf32>,
      %gather3A_1782 = tpu.vector_load_idx %arg16[%add3A_1742, %add3A_1776] : memref<256x128xf32, #tpu.memory_space<vmem>>[vector<16xi32>, vector<16xi32>], vector<16xf32>,
      %add3A_1783 = arith.constant 16 : i32
      %add3A_1784 = vector.broadcast %add3A_1783 : i32 to vector<16xi32>
      %add3A_1785 = arith.addi %add3A_1776, %add3A_1784 : vector<16xi32>
      %gather3A_1786 = tpu.vector_load_idx %arg16[%add3A_1742, %add3A_1785] : memref<256x128xf32, #tpu.memory_space<vmem>>[vector<16xi32>, vector<16xi32>], vector<16xf32>,
      %mul3A_1787 = arith.mulf %gather3A_1777, %gather3A_1782 : vector<16xf32>
      %mul3A_1788 = arith.mulf %gather3A_1781, %gather3A_1786 : vector<16xf32>
      %add3A_1789 = arith.addf %mul3A_1787, %mul3A_1788 : vector<16xf32>
      %reduce_sum3A_1790 = arith.constant true
      %reduce_sum3A_1791 = vector.broadcast %reduce_sum3A_1790 : i1 to vector<16xi1>
      %reduce_sum3A_1792 = tpu.scan <sum>, %add3A_1789 masked %reduce_sum3A_1791 : vector<16xf32>, vector<16xi1> -> vector<16xf32>
      %reduce_sum3A_1793 = vector.extract %reduce_sum3A_1792[15] : f32 from vector<16xf32>
      %eq3A_1794 = arith.constant 11 : i32
      %eq3A_1795 = vector.broadcast %eq3A_1794 : i32 to vector<16xi32>
      %eq3A_1796 = arith.cmpi eq, %iota3A, %eq3A_1795 : vector<16xi32>
      %broadcast_in_dim3A_1797 = vector.broadcast %reduce_sum3A_1793 : f32 to vector<16xf32>
      %select_n3A_1798 = arith.select %eq3A_1796, %broadcast_in_dim3A_1797, %select_n3A_1736 : vector<16xi1>, vector<16xf32>
      %add3A_1799 = arith.constant 12 : i32
      %add3A_1800 = arith.addi %mul3A_1033, %add3A_1799 : i32
      %broadcast_in_dim3A_1801 = arith.constant 0 : i32
      %broadcast_in_dim3A_1802 = vector.broadcast %broadcast_in_dim3A_1801 : i32 to vector<16xi32>
      %add3A_1803 = vector.broadcast %add3A_1800 : i32 to vector<16xi32>
      %add3A_1804 = arith.addi %broadcast_in_dim3A_1802, %add3A_1803 : vector<16xi32>
      %mul3A_1805 = arith.constant 0 : i32
      %mul3A_1806 = vector.broadcast %mul3A_1805 : i32 to vector<16xi32>
      %mul3A_1807 = arith.muli %iota3A, %mul3A_1806 : vector<16xi32>
      %add3A_1808 = arith.constant 12 : i32
      %add3A_1809 = vector.broadcast %add3A_1808 : i32 to vector<16xi32>
      %add3A_1810 = arith.addi %mul3A_1807, %add3A_1809 : vector<16xi32>
      %lt3A_1811 = arith.constant 0 : i32
      %lt3A_1812 = vector.broadcast %lt3A_1811 : i32 to vector<16xi32>
      %lt3A_1813 = arith.cmpi slt, %add3A_1810, %lt3A_1812 : vector<16xi32>
      %add3A_1814 = arith.constant 16 : i32
      %add3A_1815 = vector.broadcast %add3A_1814 : i32 to vector<16xi32>
      %add3A_1816 = arith.addi %add3A_1810, %add3A_1815 : vector<16xi32>
      %select_n3A_1817 = arith.select %lt3A_1813, %add3A_1816, %add3A_1810 : vector<16xi1>, vector<16xi32>
      %broadcast_in_dim3A_1818 = vector.shape_cast %select_n3A_1817 : vector<16xi32> to vector<16x1xi32>
      %gather3A_1819 = vector.shape_cast %broadcast_in_dim3A_1818 : vector<16x1xi32> to vector<16xi32>
      %gather3A_1820 = tpu.dynamic_gather %mul3A_1049[%gather3A_1819] in [0] : vector<16xi32>, vector<16xi32> -> vector<16xi32>
      %add3A_1821 = arith.addi %gather3A_1820, %iota3A : vector<16xi32>
      %mul3A_1822 = arith.constant 0 : i32
      %mul3A_1823 = vector.broadcast %mul3A_1822 : i32 to vector<16xi32>
      %mul3A_1824 = arith.muli %iota3A, %mul3A_1823 : vector<16xi32>
      %add3A_1825 = arith.constant 12 : i32
      %add3A_1826 = vector.broadcast %add3A_1825 : i32 to vector<16xi32>
      %add3A_1827 = arith.addi %mul3A_1824, %add3A_1826 : vector<16xi32>
      %lt3A_1828 = arith.constant 0 : i32
      %lt3A_1829 = vector.broadcast %lt3A_1828 : i32 to vector<16xi32>
      %lt3A_1830 = arith.cmpi slt, %add3A_1827, %lt3A_1829 : vector<16xi32>
      %add3A_1831 = arith.constant 16 : i32
      %add3A_1832 = vector.broadcast %add3A_1831 : i32 to vector<16xi32>
      %add3A_1833 = arith.addi %add3A_1827, %add3A_1832 : vector<16xi32>
      %select_n3A_1834 = arith.select %lt3A_1830, %add3A_1833, %add3A_1827 : vector<16xi1>, vector<16xi32>
      %broadcast_in_dim3A_1835 = vector.shape_cast %select_n3A_1834 : vector<16xi32> to vector<16x1xi32>
      %gather3A_1836 = vector.shape_cast %broadcast_in_dim3A_1835 : vector<16x1xi32> to vector<16xi32>
      %gather3A_1837 = tpu.dynamic_gather %mul3A_1058[%gather3A_1836] in [0] : vector<16xi32>, vector<16xi32> -> vector<16xi32>
      %add3A_1838 = arith.addi %gather3A_1837, %iota3A : vector<16xi32>
      %gather3A_1839 = tpu.vector_load_idx %arg15[%add3A_1804, %add3A_1821] : memref<256x128xf32, #tpu.memory_space<vmem>>[vector<16xi32>, vector<16xi32>], vector<16xf32>,
      %add3A_1840 = arith.constant 16 : i32
      %add3A_1841 = vector.broadcast %add3A_1840 : i32 to vector<16xi32>
      %add3A_1842 = arith.addi %add3A_1821, %add3A_1841 : vector<16xi32>
      %gather3A_1843 = tpu.vector_load_idx %arg15[%add3A_1804, %add3A_1842] : memref<256x128xf32, #tpu.memory_space<vmem>>[vector<16xi32>, vector<16xi32>], vector<16xf32>,
      %gather3A_1844 = tpu.vector_load_idx %arg16[%add3A_1804, %add3A_1838] : memref<256x128xf32, #tpu.memory_space<vmem>>[vector<16xi32>, vector<16xi32>], vector<16xf32>,
      %add3A_1845 = arith.constant 16 : i32
      %add3A_1846 = vector.broadcast %add3A_1845 : i32 to vector<16xi32>
      %add3A_1847 = arith.addi %add3A_1838, %add3A_1846 : vector<16xi32>
      %gather3A_1848 = tpu.vector_load_idx %arg16[%add3A_1804, %add3A_1847] : memref<256x128xf32, #tpu.memory_space<vmem>>[vector<16xi32>, vector<16xi32>], vector<16xf32>,
      %mul3A_1849 = arith.mulf %gather3A_1839, %gather3A_1844 : vector<16xf32>
      %mul3A_1850 = arith.mulf %gather3A_1843, %gather3A_1848 : vector<16xf32>
      %add3A_1851 = arith.addf %mul3A_1849, %mul3A_1850 : vector<16xf32>
      %reduce_sum3A_1852 = arith.constant true
      %reduce_sum3A_1853 = vector.broadcast %reduce_sum3A_1852 : i1 to vector<16xi1>
      %reduce_sum3A_1854 = tpu.scan <sum>, %add3A_1851 masked %reduce_sum3A_1853 : vector<16xf32>, vector<16xi1> -> vector<16xf32>
      %reduce_sum3A_1855 = vector.extract %reduce_sum3A_1854[15] : f32 from vector<16xf32>
      %eq3A_1856 = arith.constant 12 : i32
      %eq3A_1857 = vector.broadcast %eq3A_1856 : i32 to vector<16xi32>
      %eq3A_1858 = arith.cmpi eq, %iota3A, %eq3A_1857 : vector<16xi32>
      %broadcast_in_dim3A_1859 = vector.broadcast %reduce_sum3A_1855 : f32 to vector<16xf32>
      %select_n3A_1860 = arith.select %eq3A_1858, %broadcast_in_dim3A_1859, %select_n3A_1798 : vector<16xi1>, vector<16xf32>
      %add3A_1861 = arith.constant 13 : i32
      %add3A_1862 = arith.addi %mul3A_1033, %add3A_1861 : i32
      %broadcast_in_dim3A_1863 = arith.constant 0 : i32
      %broadcast_in_dim3A_1864 = vector.broadcast %broadcast_in_dim3A_1863 : i32 to vector<16xi32>
      %add3A_1865 = vector.broadcast %add3A_1862 : i32 to vector<16xi32>
      %add3A_1866 = arith.addi %broadcast_in_dim3A_1864, %add3A_1865 : vector<16xi32>
      %mul3A_1867 = arith.constant 0 : i32
      %mul3A_1868 = vector.broadcast %mul3A_1867 : i32 to vector<16xi32>
      %mul3A_1869 = arith.muli %iota3A, %mul3A_1868 : vector<16xi32>
      %add3A_1870 = arith.constant 13 : i32
      %add3A_1871 = vector.broadcast %add3A_1870 : i32 to vector<16xi32>
      %add3A_1872 = arith.addi %mul3A_1869, %add3A_1871 : vector<16xi32>
      %lt3A_1873 = arith.constant 0 : i32
      %lt3A_1874 = vector.broadcast %lt3A_1873 : i32 to vector<16xi32>
      %lt3A_1875 = arith.cmpi slt, %add3A_1872, %lt3A_1874 : vector<16xi32>
      %add3A_1876 = arith.constant 16 : i32
      %add3A_1877 = vector.broadcast %add3A_1876 : i32 to vector<16xi32>
      %add3A_1878 = arith.addi %add3A_1872, %add3A_1877 : vector<16xi32>
      %select_n3A_1879 = arith.select %lt3A_1875, %add3A_1878, %add3A_1872 : vector<16xi1>, vector<16xi32>
      %broadcast_in_dim3A_1880 = vector.shape_cast %select_n3A_1879 : vector<16xi32> to vector<16x1xi32>
      %gather3A_1881 = vector.shape_cast %broadcast_in_dim3A_1880 : vector<16x1xi32> to vector<16xi32>
      %gather3A_1882 = tpu.dynamic_gather %mul3A_1049[%gather3A_1881] in [0] : vector<16xi32>, vector<16xi32> -> vector<16xi32>
      %add3A_1883 = arith.addi %gather3A_1882, %iota3A : vector<16xi32>
      %mul3A_1884 = arith.constant 0 : i32
      %mul3A_1885 = vector.broadcast %mul3A_1884 : i32 to vector<16xi32>
      %mul3A_1886 = arith.muli %iota3A, %mul3A_1885 : vector<16xi32>
      %add3A_1887 = arith.constant 13 : i32
      %add3A_1888 = vector.broadcast %add3A_1887 : i32 to vector<16xi32>
      %add3A_1889 = arith.addi %mul3A_1886, %add3A_1888 : vector<16xi32>
      %lt3A_1890 = arith.constant 0 : i32
      %lt3A_1891 = vector.broadcast %lt3A_1890 : i32 to vector<16xi32>
      %lt3A_1892 = arith.cmpi slt, %add3A_1889, %lt3A_1891 : vector<16xi32>
      %add3A_1893 = arith.constant 16 : i32
      %add3A_1894 = vector.broadcast %add3A_1893 : i32 to vector<16xi32>
      %add3A_1895 = arith.addi %add3A_1889, %add3A_1894 : vector<16xi32>
      %select_n3A_1896 = arith.select %lt3A_1892, %add3A_1895, %add3A_1889 : vector<16xi1>, vector<16xi32>
      %broadcast_in_dim3A_1897 = vector.shape_cast %select_n3A_1896 : vector<16xi32> to vector<16x1xi32>
      %gather3A_1898 = vector.shape_cast %broadcast_in_dim3A_1897 : vector<16x1xi32> to vector<16xi32>
      %gather3A_1899 = tpu.dynamic_gather %mul3A_1058[%gather3A_1898] in [0] : vector<16xi32>, vector<16xi32> -> vector<16xi32>
      %add3A_1900 = arith.addi %gather3A_1899, %iota3A : vector<16xi32>
      %gather3A_1901 = tpu.vector_load_idx %arg15[%add3A_1866, %add3A_1883] : memref<256x128xf32, #tpu.memory_space<vmem>>[vector<16xi32>, vector<16xi32>], vector<16xf32>,
      %add3A_1902 = arith.constant 16 : i32
      %add3A_1903 = vector.broadcast %add3A_1902 : i32 to vector<16xi32>
      %add3A_1904 = arith.addi %add3A_1883, %add3A_1903 : vector<16xi32>
      %gather3A_1905 = tpu.vector_load_idx %arg15[%add3A_1866, %add3A_1904] : memref<256x128xf32, #tpu.memory_space<vmem>>[vector<16xi32>, vector<16xi32>], vector<16xf32>,
      %gather3A_1906 = tpu.vector_load_idx %arg16[%add3A_1866, %add3A_1900] : memref<256x128xf32, #tpu.memory_space<vmem>>[vector<16xi32>, vector<16xi32>], vector<16xf32>,
      %add3A_1907 = arith.constant 16 : i32
      %add3A_1908 = vector.broadcast %add3A_1907 : i32 to vector<16xi32>
      %add3A_1909 = arith.addi %add3A_1900, %add3A_1908 : vector<16xi32>
      %gather3A_1910 = tpu.vector_load_idx %arg16[%add3A_1866, %add3A_1909] : memref<256x128xf32, #tpu.memory_space<vmem>>[vector<16xi32>, vector<16xi32>], vector<16xf32>,
      %mul3A_1911 = arith.mulf %gather3A_1901, %gather3A_1906 : vector<16xf32>
      %mul3A_1912 = arith.mulf %gather3A_1905, %gather3A_1910 : vector<16xf32>
      %add3A_1913 = arith.addf %mul3A_1911, %mul3A_1912 : vector<16xf32>
      %reduce_sum3A_1914 = arith.constant true
      %reduce_sum3A_1915 = vector.broadcast %reduce_sum3A_1914 : i1 to vector<16xi1>
      %reduce_sum3A_1916 = tpu.scan <sum>, %add3A_1913 masked %reduce_sum3A_1915 : vector<16xf32>, vector<16xi1> -> vector<16xf32>
      %reduce_sum3A_1917 = vector.extract %reduce_sum3A_1916[15] : f32 from vector<16xf32>
      %eq3A_1918 = arith.constant 13 : i32
      %eq3A_1919 = vector.broadcast %eq3A_1918 : i32 to vector<16xi32>
      %eq3A_1920 = arith.cmpi eq, %iota3A, %eq3A_1919 : vector<16xi32>
      %broadcast_in_dim3A_1921 = vector.broadcast %reduce_sum3A_1917 : f32 to vector<16xf32>
      %select_n3A_1922 = arith.select %eq3A_1920, %broadcast_in_dim3A_1921, %select_n3A_1860 : vector<16xi1>, vector<16xf32>
      %add3A_1923 = arith.constant 14 : i32
      %add3A_1924 = arith.addi %mul3A_1033, %add3A_1923 : i32
      %broadcast_in_dim3A_1925 = arith.constant 0 : i32
      %broadcast_in_dim3A_1926 = vector.broadcast %broadcast_in_dim3A_1925 : i32 to vector<16xi32>
      %add3A_1927 = vector.broadcast %add3A_1924 : i32 to vector<16xi32>
      %add3A_1928 = arith.addi %broadcast_in_dim3A_1926, %add3A_1927 : vector<16xi32>
      %mul3A_1929 = arith.constant 0 : i32
      %mul3A_1930 = vector.broadcast %mul3A_1929 : i32 to vector<16xi32>
      %mul3A_1931 = arith.muli %iota3A, %mul3A_1930 : vector<16xi32>
      %add3A_1932 = arith.constant 14 : i32
      %add3A_1933 = vector.broadcast %add3A_1932 : i32 to vector<16xi32>
      %add3A_1934 = arith.addi %mul3A_1931, %add3A_1933 : vector<16xi32>
      %lt3A_1935 = arith.constant 0 : i32
      %lt3A_1936 = vector.broadcast %lt3A_1935 : i32 to vector<16xi32>
      %lt3A_1937 = arith.cmpi slt, %add3A_1934, %lt3A_1936 : vector<16xi32>
      %add3A_1938 = arith.constant 16 : i32
      %add3A_1939 = vector.broadcast %add3A_1938 : i32 to vector<16xi32>
      %add3A_1940 = arith.addi %add3A_1934, %add3A_1939 : vector<16xi32>
      %select_n3A_1941 = arith.select %lt3A_1937, %add3A_1940, %add3A_1934 : vector<16xi1>, vector<16xi32>
      %broadcast_in_dim3A_1942 = vector.shape_cast %select_n3A_1941 : vector<16xi32> to vector<16x1xi32>
      %gather3A_1943 = vector.shape_cast %broadcast_in_dim3A_1942 : vector<16x1xi32> to vector<16xi32>
      %gather3A_1944 = tpu.dynamic_gather %mul3A_1049[%gather3A_1943] in [0] : vector<16xi32>, vector<16xi32> -> vector<16xi32>
      %add3A_1945 = arith.addi %gather3A_1944, %iota3A : vector<16xi32>
      %mul3A_1946 = arith.constant 0 : i32
      %mul3A_1947 = vector.broadcast %mul3A_1946 : i32 to vector<16xi32>
      %mul3A_1948 = arith.muli %iota3A, %mul3A_1947 : vector<16xi32>
      %add3A_1949 = arith.constant 14 : i32
      %add3A_1950 = vector.broadcast %add3A_1949 : i32 to vector<16xi32>
      %add3A_1951 = arith.addi %mul3A_1948, %add3A_1950 : vector<16xi32>
      %lt3A_1952 = arith.constant 0 : i32
      %lt3A_1953 = vector.broadcast %lt3A_1952 : i32 to vector<16xi32>
      %lt3A_1954 = arith.cmpi slt, %add3A_1951, %lt3A_1953 : vector<16xi32>
      %add3A_1955 = arith.constant 16 : i32
      %add3A_1956 = vector.broadcast %add3A_1955 : i32 to vector<16xi32>
      %add3A_1957 = arith.addi %add3A_1951, %add3A_1956 : vector<16xi32>
      %select_n3A_1958 = arith.select %lt3A_1954, %add3A_1957, %add3A_1951 : vector<16xi1>, vector<16xi32>
      %broadcast_in_dim3A_1959 = vector.shape_cast %select_n3A_1958 : vector<16xi32> to vector<16x1xi32>
      %gather3A_1960 = vector.shape_cast %broadcast_in_dim3A_1959 : vector<16x1xi32> to vector<16xi32>
      %gather3A_1961 = tpu.dynamic_gather %mul3A_1058[%gather3A_1960] in [0] : vector<16xi32>, vector<16xi32> -> vector<16xi32>
      %add3A_1962 = arith.addi %gather3A_1961, %iota3A : vector<16xi32>
      %gather3A_1963 = tpu.vector_load_idx %arg15[%add3A_1928, %add3A_1945] : memref<256x128xf32, #tpu.memory_space<vmem>>[vector<16xi32>, vector<16xi32>], vector<16xf32>,
      %add3A_1964 = arith.constant 16 : i32
      %add3A_1965 = vector.broadcast %add3A_1964 : i32 to vector<16xi32>
      %add3A_1966 = arith.addi %add3A_1945, %add3A_1965 : vector<16xi32>
      %gather3A_1967 = tpu.vector_load_idx %arg15[%add3A_1928, %add3A_1966] : memref<256x128xf32, #tpu.memory_space<vmem>>[vector<16xi32>, vector<16xi32>], vector<16xf32>,
      %gather3A_1968 = tpu.vector_load_idx %arg16[%add3A_1928, %add3A_1962] : memref<256x128xf32, #tpu.memory_space<vmem>>[vector<16xi32>, vector<16xi32>], vector<16xf32>,
      %add3A_1969 = arith.constant 16 : i32
      %add3A_1970 = vector.broadcast %add3A_1969 : i32 to vector<16xi32>
      %add3A_1971 = arith.addi %add3A_1962, %add3A_1970 : vector<16xi32>
      %gather3A_1972 = tpu.vector_load_idx %arg16[%add3A_1928, %add3A_1971] : memref<256x128xf32, #tpu.memory_space<vmem>>[vector<16xi32>, vector<16xi32>], vector<16xf32>,
      %mul3A_1973 = arith.mulf %gather3A_1963, %gather3A_1968 : vector<16xf32>
      %mul3A_1974 = arith.mulf %gather3A_1967, %gather3A_1972 : vector<16xf32>
      %add3A_1975 = arith.addf %mul3A_1973, %mul3A_1974 : vector<16xf32>
      %reduce_sum3A_1976 = arith.constant true
      %reduce_sum3A_1977 = vector.broadcast %reduce_sum3A_1976 : i1 to vector<16xi1>
      %reduce_sum3A_1978 = tpu.scan <sum>, %add3A_1975 masked %reduce_sum3A_1977 : vector<16xf32>, vector<16xi1> -> vector<16xf32>
      %reduce_sum3A_1979 = vector.extract %reduce_sum3A_1978[15] : f32 from vector<16xf32>
      %eq3A_1980 = arith.constant 14 : i32
      %eq3A_1981 = vector.broadcast %eq3A_1980 : i32 to vector<16xi32>
      %eq3A_1982 = arith.cmpi eq, %iota3A, %eq3A_1981 : vector<16xi32>
      %broadcast_in_dim3A_1983 = vector.broadcast %reduce_sum3A_1979 : f32 to vector<16xf32>
      %select_n3A_1984 = arith.select %eq3A_1982, %broadcast_in_dim3A_1983, %select_n3A_1922 : vector<16xi1>, vector<16xf32>
      %add3A_1985 = arith.constant 15 : i32
      %add3A_1986 = arith.addi %mul3A_1033, %add3A_1985 : i32
      %broadcast_in_dim3A_1987 = arith.constant 0 : i32
      %broadcast_in_dim3A_1988 = vector.broadcast %broadcast_in_dim3A_1987 : i32 to vector<16xi32>
      %add3A_1989 = vector.broadcast %add3A_1986 : i32 to vector<16xi32>
      %add3A_1990 = arith.addi %broadcast_in_dim3A_1988, %add3A_1989 : vector<16xi32>
      %mul3A_1991 = arith.constant 0 : i32
      %mul3A_1992 = vector.broadcast %mul3A_1991 : i32 to vector<16xi32>
      %mul3A_1993 = arith.muli %iota3A, %mul3A_1992 : vector<16xi32>
      %add3A_1994 = arith.constant 15 : i32
      %add3A_1995 = vector.broadcast %add3A_1994 : i32 to vector<16xi32>
      %add3A_1996 = arith.addi %mul3A_1993, %add3A_1995 : vector<16xi32>
      %lt3A_1997 = arith.constant 0 : i32
      %lt3A_1998 = vector.broadcast %lt3A_1997 : i32 to vector<16xi32>
      %lt3A_1999 = arith.cmpi slt, %add3A_1996, %lt3A_1998 : vector<16xi32>
      %add3A_2000 = arith.constant 16 : i32
      %add3A_2001 = vector.broadcast %add3A_2000 : i32 to vector<16xi32>
      %add3A_2002 = arith.addi %add3A_1996, %add3A_2001 : vector<16xi32>
      %select_n3A_2003 = arith.select %lt3A_1999, %add3A_2002, %add3A_1996 : vector<16xi1>, vector<16xi32>
      %broadcast_in_dim3A_2004 = vector.shape_cast %select_n3A_2003 : vector<16xi32> to vector<16x1xi32>
      %gather3A_2005 = vector.shape_cast %broadcast_in_dim3A_2004 : vector<16x1xi32> to vector<16xi32>
      %gather3A_2006 = tpu.dynamic_gather %mul3A_1049[%gather3A_2005] in [0] : vector<16xi32>, vector<16xi32> -> vector<16xi32>
      %add3A_2007 = arith.addi %gather3A_2006, %iota3A : vector<16xi32>
      %mul3A_2008 = arith.constant 0 : i32
      %mul3A_2009 = vector.broadcast %mul3A_2008 : i32 to vector<16xi32>
      %mul3A_2010 = arith.muli %iota3A, %mul3A_2009 : vector<16xi32>
      %add3A_2011 = arith.constant 15 : i32
      %add3A_2012 = vector.broadcast %add3A_2011 : i32 to vector<16xi32>
      %add3A_2013 = arith.addi %mul3A_2010, %add3A_2012 : vector<16xi32>
      %lt3A_2014 = arith.constant 0 : i32
      %lt3A_2015 = vector.broadcast %lt3A_2014 : i32 to vector<16xi32>
      %lt3A_2016 = arith.cmpi slt, %add3A_2013, %lt3A_2015 : vector<16xi32>
      %add3A_2017 = arith.constant 16 : i32
      %add3A_2018 = vector.broadcast %add3A_2017 : i32 to vector<16xi32>
      %add3A_2019 = arith.addi %add3A_2013, %add3A_2018 : vector<16xi32>
      %select_n3A_2020 = arith.select %lt3A_2016, %add3A_2019, %add3A_2013 : vector<16xi1>, vector<16xi32>
      %broadcast_in_dim3A_2021 = vector.shape_cast %select_n3A_2020 : vector<16xi32> to vector<16x1xi32>
      %gather3A_2022 = vector.shape_cast %broadcast_in_dim3A_2021 : vector<16x1xi32> to vector<16xi32>
      %gather3A_2023 = tpu.dynamic_gather %mul3A_1058[%gather3A_2022] in [0] : vector<16xi32>, vector<16xi32> -> vector<16xi32>
      %add3A_2024 = arith.addi %gather3A_2023, %iota3A : vector<16xi32>
      %gather3A_2025 = tpu.vector_load_idx %arg15[%add3A_1990, %add3A_2007] : memref<256x128xf32, #tpu.memory_space<vmem>>[vector<16xi32>, vector<16xi32>], vector<16xf32>,
      %add3A_2026 = arith.constant 16 : i32
      %add3A_2027 = vector.broadcast %add3A_2026 : i32 to vector<16xi32>
      %add3A_2028 = arith.addi %add3A_2007, %add3A_2027 : vector<16xi32>
      %gather3A_2029 = tpu.vector_load_idx %arg15[%add3A_1990, %add3A_2028] : memref<256x128xf32, #tpu.memory_space<vmem>>[vector<16xi32>, vector<16xi32>], vector<16xf32>,
      %gather3A_2030 = tpu.vector_load_idx %arg16[%add3A_1990, %add3A_2024] : memref<256x128xf32, #tpu.memory_space<vmem>>[vector<16xi32>, vector<16xi32>], vector<16xf32>,
      %add3A_2031 = arith.constant 16 : i32
      %add3A_2032 = vector.broadcast %add3A_2031 : i32 to vector<16xi32>
      %add3A_2033 = arith.addi %add3A_2024, %add3A_2032 : vector<16xi32>
      %gather3A_2034 = tpu.vector_load_idx %arg16[%add3A_1990, %add3A_2033] : memref<256x128xf32, #tpu.memory_space<vmem>>[vector<16xi32>, vector<16xi32>], vector<16xf32>,
      %mul3A_2035 = arith.mulf %gather3A_2025, %gather3A_2030 : vector<16xf32>
      %mul3A_2036 = arith.mulf %gather3A_2029, %gather3A_2034 : vector<16xf32>
      %add3A_2037 = arith.addf %mul3A_2035, %mul3A_2036 : vector<16xf32>
      %reduce_sum3A_2038 = arith.constant true
      %reduce_sum3A_2039 = vector.broadcast %reduce_sum3A_2038 : i1 to vector<16xi1>
      %reduce_sum3A_2040 = tpu.scan <sum>, %add3A_2037 masked %reduce_sum3A_2039 : vector<16xf32>, vector<16xi1> -> vector<16xf32>
      %reduce_sum3A_2041 = vector.extract %reduce_sum3A_2040[15] : f32 from vector<16xf32>
      %eq3A_2042 = arith.constant 15 : i32
      %eq3A_2043 = vector.broadcast %eq3A_2042 : i32 to vector<16xi32>
      %eq3A_2044 = arith.cmpi eq, %iota3A, %eq3A_2043 : vector<16xi32>
      %broadcast_in_dim3A_2045 = vector.broadcast %reduce_sum3A_2041 : f32 to vector<16xf32>
      %select_n3A_2046 = arith.select %eq3A_2044, %broadcast_in_dim3A_2045, %select_n3A_1984 : vector<16xi1>, vector<16xf32>
      %add3A_2047 = arith.constant 256 : i32
      %add3A_2048 = arith.addi %add3A_2047, %mul3A_1033 : i32
      %swap3A_2049 = arith.index_cast %add3A_2048 : i32 to index
      %swap3A_2050 = tpu.vector_load %arg19[%swap3A_2049] {strides = array<i32>} : memref<512xf32, #tpu.memory_space<vmem>>, vector<16xf32>,
      tpu.vector_store %arg19[%swap3A_2049], %select_n3A_2046 {strides = array<i32>} : memref<512xf32, #tpu.memory_space<vmem>>, vector<16xf32>,
    }
    %scan3A_957 = arith.constant 16 : i32
    %dma_wait3A_958 = arith.constant 0 : i32
    %dma_wait3A_959 = arith.constant 0 : i32
    %dma_wait3A_960 = tpu.memref_slice %arg17[%dma_wait3A_959] : memref<512xf32, #tpu.memory_space<vmem>> -> memref<128xf32, #tpu.memory_space<vmem>>
    %dma_wait3A_961 = arith.constant 0 : i32
    %dma_wait3A_962 = tpu.memref_slice %arg10[%dma_wait3A_958, %dma_wait3A_961] : memref<4x128xi32, #tpu.memory_space<vmem>> -> memref<1x128xi32, #tpu.memory_space<vmem>>
    %dma_wait3A_963 = tpu.memref_squeeze %dma_wait3A_962 : memref<1x128xi32, #tpu.memory_space<vmem>> -> memref<128xi32, #tpu.memory_space<vmem>>
    %dma_wait3A_964 = arith.constant 0 : i32
    %dma_wait3A_965 = tpu.memref_slice %arg7[%dma_wait3A_964] : memref<1000000xf32, #tpu.memory_space<hbm>> -> memref<1000000xf32, #tpu.memory_space<hbm>>
    tpu.wait_indirect_dma semaphore(%arg22 : memref<!tpu.dma_semaphore, #tpu.memory_space<semaphore_mem>>) src(%dma_wait3A_965 : memref<1000000xf32, #tpu.memory_space<hbm>>) dst(%dma_wait3A_960 : memref<128xf32, #tpu.memory_space<vmem>>)
    %dma_wait3A_966 = arith.constant 0 : i32
    %dma_wait3A_967 = arith.constant 0 : i32
    %dma_wait3A_968 = tpu.memref_slice %arg18[%dma_wait3A_967] : memref<512xf32, #tpu.memory_space<vmem>> -> memref<128xf32, #tpu.memory_space<vmem>>
    %dma_wait3A_969 = arith.constant 0 : i32
    %dma_wait3A_970 = tpu.memref_slice %arg11[%dma_wait3A_966, %dma_wait3A_969] : memref<4x128xi32, #tpu.memory_space<vmem>> -> memref<1x128xi32, #tpu.memory_space<vmem>>
    %dma_wait3A_971 = tpu.memref_squeeze %dma_wait3A_970 : memref<1x128xi32, #tpu.memory_space<vmem>> -> memref<128xi32, #tpu.memory_space<vmem>>
    %dma_wait3A_972 = arith.constant 0 : i32
    %dma_wait3A_973 = tpu.memref_slice %arg8[%dma_wait3A_972] : memref<1000000xf32, #tpu.memory_space<hbm>> -> memref<1000000xf32, #tpu.memory_space<hbm>>
    tpu.wait_indirect_dma semaphore(%arg23 : memref<!tpu.dma_semaphore, #tpu.memory_space<semaphore_mem>>) src(%dma_wait3A_973 : memref<1000000xf32, #tpu.memory_space<hbm>>) dst(%dma_wait3A_968 : memref<128xf32, #tpu.memory_space<vmem>>)
    %dma_wait3A_974 = arith.constant 1 : i32
    %dma_wait3A_975 = arith.constant 128 : i32
    %dma_wait3A_976 = tpu.memref_slice %arg17[%dma_wait3A_975] : memref<512xf32, #tpu.memory_space<vmem>> -> memref<128xf32, #tpu.memory_space<vmem>>
    %dma_wait3A_977 = arith.constant 0 : i32
    %dma_wait3A_978 = tpu.memref_slice %arg10[%dma_wait3A_974, %dma_wait3A_977] : memref<4x128xi32, #tpu.memory_space<vmem>> -> memref<1x128xi32, #tpu.memory_space<vmem>>
    %dma_wait3A_979 = tpu.memref_squeeze %dma_wait3A_978 : memref<1x128xi32, #tpu.memory_space<vmem>> -> memref<128xi32, #tpu.memory_space<vmem>>
    %dma_wait3A_980 = arith.constant 0 : i32
    %dma_wait3A_981 = tpu.memref_slice %arg7[%dma_wait3A_980] : memref<1000000xf32, #tpu.memory_space<hbm>> -> memref<1000000xf32, #tpu.memory_space<hbm>>
    tpu.wait_indirect_dma semaphore(%arg22 : memref<!tpu.dma_semaphore, #tpu.memory_space<semaphore_mem>>) src(%dma_wait3A_981 : memref<1000000xf32, #tpu.memory_space<hbm>>) dst(%dma_wait3A_976 : memref<128xf32, #tpu.memory_space<vmem>>)
    %dma_wait3A_982 = arith.constant 1 : i32
    %dma_wait3A_983 = arith.constant 128 : i32
    %dma_wait3A_984 = tpu.memref_slice %arg18[%dma_wait3A_983] : memref<512xf32, #tpu.memory_space<vmem>> -> memref<128xf32, #tpu.memory_space<vmem>>
    %dma_wait3A_985 = arith.constant 0 : i32
    %dma_wait3A_986 = tpu.memref_slice %arg11[%dma_wait3A_982, %dma_wait3A_985] : memref<4x128xi32, #tpu.memory_space<vmem>> -> memref<1x128xi32, #tpu.memory_space<vmem>>
    %dma_wait3A_987 = tpu.memref_squeeze %dma_wait3A_986 : memref<1x128xi32, #tpu.memory_space<vmem>> -> memref<128xi32, #tpu.memory_space<vmem>>
    %dma_wait3A_988 = arith.constant 0 : i32
    %dma_wait3A_989 = tpu.memref_slice %arg8[%dma_wait3A_988] : memref<1000000xf32, #tpu.memory_space<hbm>> -> memref<1000000xf32, #tpu.memory_space<hbm>>
    tpu.wait_indirect_dma semaphore(%arg23 : memref<!tpu.dma_semaphore, #tpu.memory_space<semaphore_mem>>) src(%dma_wait3A_989 : memref<1000000xf32, #tpu.memory_space<hbm>>) dst(%dma_wait3A_984 : memref<128xf32, #tpu.memory_space<vmem>>)
    %dma_wait3A_990 = arith.constant 2 : i32
    %dma_wait3A_991 = arith.constant 256 : i32
    %dma_wait3A_992 = tpu.memref_slice %arg17[%dma_wait3A_991] : memref<512xf32, #tpu.memory_space<vmem>> -> memref<128xf32, #tpu.memory_space<vmem>>
    %dma_wait3A_993 = arith.constant 0 : i32
    %dma_wait3A_994 = tpu.memref_slice %arg10[%dma_wait3A_990, %dma_wait3A_993] : memref<4x128xi32, #tpu.memory_space<vmem>> -> memref<1x128xi32, #tpu.memory_space<vmem>>
    %dma_wait3A_995 = tpu.memref_squeeze %dma_wait3A_994 : memref<1x128xi32, #tpu.memory_space<vmem>> -> memref<128xi32, #tpu.memory_space<vmem>>
    %dma_wait3A_996 = arith.constant 0 : i32
    %dma_wait3A_997 = tpu.memref_slice %arg7[%dma_wait3A_996] : memref<1000000xf32, #tpu.memory_space<hbm>> -> memref<1000000xf32, #tpu.memory_space<hbm>>
    tpu.wait_indirect_dma semaphore(%arg22 : memref<!tpu.dma_semaphore, #tpu.memory_space<semaphore_mem>>) src(%dma_wait3A_997 : memref<1000000xf32, #tpu.memory_space<hbm>>) dst(%dma_wait3A_992 : memref<128xf32, #tpu.memory_space<vmem>>)
    %dma_wait3A_998 = arith.constant 2 : i32
    %dma_wait3A_999 = arith.constant 256 : i32
    %dma_wait3A_1000 = tpu.memref_slice %arg18[%dma_wait3A_999] : memref<512xf32, #tpu.memory_space<vmem>> -> memref<128xf32, #tpu.memory_space<vmem>>
    %dma_wait3A_1001 = arith.constant 0 : i32
    %dma_wait3A_1002 = tpu.memref_slice %arg11[%dma_wait3A_998, %dma_wait3A_1001] : memref<4x128xi32, #tpu.memory_space<vmem>> -> memref<1x128xi32, #tpu.memory_space<vmem>>
    %dma_wait3A_1003 = tpu.memref_squeeze %dma_wait3A_1002 : memref<1x128xi32, #tpu.memory_space<vmem>> -> memref<128xi32, #tpu.memory_space<vmem>>
    %dma_wait3A_1004 = arith.constant 0 : i32
    %dma_wait3A_1005 = tpu.memref_slice %arg8[%dma_wait3A_1004] : memref<1000000xf32, #tpu.memory_space<hbm>> -> memref<1000000xf32, #tpu.memory_space<hbm>>
    tpu.wait_indirect_dma semaphore(%arg23 : memref<!tpu.dma_semaphore, #tpu.memory_space<semaphore_mem>>) src(%dma_wait3A_1005 : memref<1000000xf32, #tpu.memory_space<hbm>>) dst(%dma_wait3A_1000 : memref<128xf32, #tpu.memory_space<vmem>>)
    %dma_wait3A_1006 = arith.constant 3 : i32
    %dma_wait3A_1007 = arith.constant 384 : i32
    %dma_wait3A_1008 = tpu.memref_slice %arg17[%dma_wait3A_1007] : memref<512xf32, #tpu.memory_space<vmem>> -> memref<128xf32, #tpu.memory_space<vmem>>
    %dma_wait3A_1009 = arith.constant 0 : i32
    %dma_wait3A_1010 = tpu.memref_slice %arg10[%dma_wait3A_1006, %dma_wait3A_1009] : memref<4x128xi32, #tpu.memory_space<vmem>> -> memref<1x128xi32, #tpu.memory_space<vmem>>
    %dma_wait3A_1011 = tpu.memref_squeeze %dma_wait3A_1010 : memref<1x128xi32, #tpu.memory_space<vmem>> -> memref<128xi32, #tpu.memory_space<vmem>>
    %dma_wait3A_1012 = arith.constant 0 : i32
    %dma_wait3A_1013 = tpu.memref_slice %arg7[%dma_wait3A_1012] : memref<1000000xf32, #tpu.memory_space<hbm>> -> memref<1000000xf32, #tpu.memory_space<hbm>>
    tpu.wait_indirect_dma semaphore(%arg22 : memref<!tpu.dma_semaphore, #tpu.memory_space<semaphore_mem>>) src(%dma_wait3A_1013 : memref<1000000xf32, #tpu.memory_space<hbm>>) dst(%dma_wait3A_1008 : memref<128xf32, #tpu.memory_space<vmem>>)
    %dma_wait3A_1014 = arith.constant 3 : i32
    %dma_wait3A_1015 = arith.constant 384 : i32
    %dma_wait3A_1016 = tpu.memref_slice %arg18[%dma_wait3A_1015] : memref<512xf32, #tpu.memory_space<vmem>> -> memref<128xf32, #tpu.memory_space<vmem>>
    %dma_wait3A_1017 = arith.constant 0 : i32
    %dma_wait3A_1018 = tpu.memref_slice %arg11[%dma_wait3A_1014, %dma_wait3A_1017] : memref<4x128xi32, #tpu.memory_space<vmem>> -> memref<1x128xi32, #tpu.memory_space<vmem>>
    %dma_wait3A_1019 = tpu.memref_squeeze %dma_wait3A_1018 : memref<1x128xi32, #tpu.memory_space<vmem>> -> memref<128xi32, #tpu.memory_space<vmem>>
    %dma_wait3A_1020 = arith.constant 0 : i32
    %dma_wait3A_1021 = tpu.memref_slice %arg8[%dma_wait3A_1020] : memref<1000000xf32, #tpu.memory_space<hbm>> -> memref<1000000xf32, #tpu.memory_space<hbm>>
    tpu.wait_indirect_dma semaphore(%arg23 : memref<!tpu.dma_semaphore, #tpu.memory_space<semaphore_mem>>) src(%dma_wait3A_1021 : memref<1000000xf32, #tpu.memory_space<hbm>>) dst(%dma_wait3A_1016 : memref<128xf32, #tpu.memory_space<vmem>>)
    %scan3A_1022 = arith.constant 0 : i32
    %scan3A_1023 = arith.constant 32 : i32
    %scan3A_1024 = arith.addi %scan3A_1022, %scan3A_1023 : i32
    %scan3A_1025 = arith.constant 1 : i32
    scf.for %scan3A_1027 = %scan3A_1022 to %scan3A_1024 step %scan3A_1025  : i32 {
      %mul3A_1028 = arith.constant 1 : i32
      %mul3A_1029 = arith.muli %scan3A_1027, %mul3A_1028 : i32
      %add3A_1030 = arith.constant 0 : i32
      %add3A_1031 = arith.addi %add3A_1030, %mul3A_1029 : i32
      %mul3A_1032 = arith.constant 16 : i32
      %mul3A_1033 = arith.muli %add3A_1031, %mul3A_1032 : i32
      %get3A_1034 = arith.index_cast %mul3A_1033 : i32 to index
      %get3A_1035 = tpu.vector_load %arg19[%get3A_1034] {strides = array<i32>} : memref<512xf32, #tpu.memory_space<vmem>>, vector<16xf32>,
      %get3A_1036 = arith.index_cast %mul3A_1033 : i32 to index
      %get3A_1037 = tpu.vector_load %arg14[%get3A_1036] {strides = array<i32>} : memref<512xf32, #tpu.memory_space<vmem>>, vector<16xf32>,
      %add3A_1038 = arith.addf %get3A_1035, %get3A_1037 : vector<16xf32>
      %get3A_1039 = arith.index_cast %mul3A_1033 : i32 to index
      %get3A_1040 = tpu.vector_load %arg17[%get3A_1039] {strides = array<i32>} : memref<512xf32, #tpu.memory_space<vmem>>, vector<16xf32>,
      %add3A_1041 = arith.addf %add3A_1038, %get3A_1040 : vector<16xf32>
      %get3A_1042 = arith.index_cast %mul3A_1033 : i32 to index
      %get3A_1043 = tpu.vector_load %arg18[%get3A_1042] {strides = array<i32>} : memref<512xf32, #tpu.memory_space<vmem>>, vector<16xf32>,
      %add3A_1044 = arith.addf %add3A_1041, %get3A_1043 : vector<16xf32>
      %swap3A_1045 = arith.index_cast %mul3A_1033 : i32 to index
      %swap3A_1046 = tpu.vector_load %arg19[%swap3A_1045] {strides = array<i32>} : memref<512xf32, #tpu.memory_space<vmem>>, vector<16xf32>,
      tpu.vector_store %arg19[%swap3A_1045], %add3A_1044 {strides = array<i32>} : memref<512xf32, #tpu.memory_space<vmem>>, vector<16xf32>,
    }
    %scan3A_1026 = arith.constant 32 : i32
    "tpu.region"() ({
      %run_scoped3A_1027 = tpu.sem_alloc : memref<!tpu.dma_semaphore, #tpu.memory_space<semaphore_mem>>
      %dma_start3A_1028 = tpu.memref_slice %arg9[%mul3A_2] : memref<16384xf32, #tpu.memory_space<hbm>> -> memref<512xf32, #tpu.memory_space<hbm>>
      %dma_start3A_1029 = tpu.memref_slice %arg9[%mul3A_2] : memref<16384xf32, #tpu.memory_space<hbm>> -> memref<512xf32, #tpu.memory_space<hbm>>
      tpu.enqueue_dma source(%arg19 : memref<512xf32, #tpu.memory_space<vmem>>) target(%dma_start3A_1029 : memref<512xf32, #tpu.memory_space<hbm>>) target_semaphore(%run_scoped3A_1027 : memref<!tpu.dma_semaphore, #tpu.memory_space<semaphore_mem>>)
      %dma_wait3A_1030 = tpu.memref_slice %arg9[%mul3A_2] : memref<16384xf32, #tpu.memory_space<hbm>> -> memref<512xf32, #tpu.memory_space<hbm>>
      %dma_wait3A_1031 = tpu.memref_slice %arg9[%mul3A_2] : memref<16384xf32, #tpu.memory_space<hbm>> -> memref<512xf32, #tpu.memory_space<hbm>>
      tpu.wait_dma2 semaphore(%run_scoped3A_1027 : memref<!tpu.dma_semaphore, #tpu.memory_space<semaphore_mem>>) src(%arg19 : memref<512xf32, #tpu.memory_space<vmem>>) dst(%dma_wait3A_1031 : memref<512xf32, #tpu.memory_space<hbm>>)
      tpu.yield
    }) : () -> ()
    return
  }
}

</mosaic_0001>

<sc_bundles>
// kernel: _mf.3.cloned.1.call-start
scs
__scs_entry_jumppad:
0x0: {  	(pc) =	sbr.rel $0x88, $3  }
0x1: {  	(tag) =	ssettag $0x0;
	lr =	simm.s32 $0x1  }
0x2: {  	[smem:$0x3F9A] =	sst lr;
	_ =	strace $0xD0000000  }
0x3: {  	_ = 	snop  }
0x4: {  	_ = 	snop  }
0x5: {  	_ = 	snop  }
0x6: {  	_ = 	snop  }
0x7: {  	_ = 	snop  }
__scs_overlays_trampoline_lowered:
0x8: {  	[smem:$0x3FA9] =	sst s0  }
0x9: {  	[smem:$0x3FAA] =	sst s1  }
0xa: {  	[smem:$0x3FAB] =	sst s2  }
0xb: {  	[smem:$0x3FAC] =	sst s3  }
0xc: {  	[smem:$0x3FAD] =	sst s4  }
0xd: {  	[smem:$0x3FAE] =	sst s5  }
0xe: {  	[smem:$0x3FAF] =	sst s6  }
0xf: {  	[smem:$0x3FB0] =	sst s7  }
0x10: {  	[smem:$0x3FB1] =	sst s8  }
0x11: {  	[smem:$0x3FB2] =	sst s9;
	s0 =	simm.s32 @!p0 $0x0  }
0x12: {  	s1 =	sld [smem:$0x3F98];
	s0 =	simm.s32 @p0 $0x1  }
0x13: {  	[smem:$0x3FB3] =	sst s0;
	s0 =	simm.s32 @!p1 $0x0  }
0x14: {  	s2 =	sld [smem:$0x3F97];
	s0 =	simm.s32 @p1 $0x1  }
0x15: {  	[smem:$0x3FB4] =	sst s0;
	s0 =	simm.s32 @!p2 $0x0  }
0x16: {  	s3 =	sld [smem:$0x3FDB];
	s0 =	simm.s32 @p2 $0x1  }
0x17: {  	s4 =	simm.s32 $0x1BF5;
	[smem:$0x3FB6] =	sst s0  }
0x18: {  	s0 =	sld [smem:$0x3F99];
	_ =	swait.ge [sflag:s4], $0x0  }
0x19: {  	s7 =	sld [smem:$0x3F9A]  }
0x1a: {  	s8 =	sadd.s32 $0xFFFFE003, lr  }
0x1b: {  	s9 =	sadd.s32 $0xFFFFFEF7, lr;
	s5 =	simm.s32 $0xFFFFFFFF;
	p2 =	slt.u32 s8, $0xFFFFF086  }
0x1c: {  	p1 =	slt.u32 s9, $0xF7A;
	s5 =	simm.s32 @!p2 $0x0  }
0x1d: {  	s5 =	simm.s32 @p1 $0x1;
	p0 =	seq.s32 s7, s2  }
0x1e: {  	s7 =	smul.u32 @!p0 $0xF7A, s2;
	p2 =	seq.s32 @!p0 s5, $0x0  }
0x1f: {  	s9 =	smul.u32 $0xF7A, s1;
	s8 =	simm.s32 @!p0 $0x1BF5;
	p2 =	por !p2, p0  }
0x20: {  	[sflag:s8] =	ssyncset.s32 @!p0 $0xFFFFF086;
	s6 =	sadd.s32 @!p0 s3, s7;
	s7 =	simm.s32 @!p0 $0x108  }
0x21: {  	s3 =	sadd.s32 s3, s9;
	s6 =	sadd.s32 @!p0 $0x88, s6;
	s7 =	simm.s32 @p2 $0x1082  }
0x22: {  	[simem:s7], [sflag:s8] =	dma.local @!p0 [hbm:s6], $0xF7A  }
0x23: {  	s9 =	sor.u32 $0xD0000000, s2;
	s6 =	simm.s32 $0x108;
	_ =	swait.ge @!p0 [sflag:s8], $0x0  }
0x24: {  	s3 =	sadd.s32 $0x88, s3;
	s6 =	simm.s32 @!p1 $0x1082;
	[sflag:s4] =	ssyncset.s32 $0xFFFFF086  }
0x25: {  	[simem:s6], [sflag:s4] =	dma.local [hbm:s3], $0xF7A  }
0x26: {  	[smem:$0x3F9A] =	sst s1;
	(tag) =	ssettag s2;
	_ =	strace s9  }
0x27: {  	s1 =	sld [smem:$0x3FAA]  }
0x28: {  	s2 =	sld [smem:$0x3FAB]  }
0x29: {  	s4 =	sld [smem:$0x3FAD]  }
0x2a: {  	p0 =	seq.s32 s5, $0x0;
	s5 =	sld [smem:$0x3FAE]  }
0x2b: {  	s6 =	sld [smem:$0x3FAF]  }
0x2c: {  	s7 =	sld [smem:$0x3FB0]  }
0x2d: {  	s3 =	simm.s32 $0x108;
	s8 =	sld [smem:$0x3FB1]  }
0x2e: {  	s3 =	simm.s32 @!p0 $0x1082;
	s9 =	sld [smem:$0x3FB2]  }
0x2f: {  	lr =	sadd.s32 s0, s3;
	s0 =	sld [smem:$0x3FA9]  }
0x30: {  	s3 =	sld [smem:$0x3FAC]  }
0x31: {  	[smem:$0x3FB5] =	sst s10  }
0x32: {  	s10 =	sld [smem:$0x3FB3];
	_ =	sdelay $0x3  }
0x33: {  	p0 =	seq.s32 s10, $0x1;
	s10 =	sld [smem:$0x3FB5];
	_ =	sdelay $0x3  }
0x34: {  	[smem:$0x3FB5] =	sst s10  }
0x35: {  	s10 =	sld [smem:$0x3FB4];
	_ =	sdelay $0x3  }
0x36: {  	p1 =	seq.s32 s10, $0x1;
	s10 =	sld [smem:$0x3FB5];
	_ =	sdelay $0x3  }
0x37: {  	[smem:$0x3FB5] =	sst s10  }
0x38: {  	s10 =	sld [smem:$0x3FB6]  }
0x39: {  	_ = 	snop;
	(pc) =	sbr.ind lr, $3  }
0x3a: {  	_ = 	snop  }
0x3b: {  	_ = 	snop  }
0x3c: {  	p2 =	seq.s32 s10, $0x1;
	s10 =	sld [smem:$0x3FB5]  }
0x3d: {  	_ =	shalt  }
0x3e: {  	_ =	shalt  }
0x3f: {  	_ =	shalt  }
0x40: {  	_ =	shalt  }
0x41: {  	_ =	shalt  }
0x42: {  	_ =	shalt  }
0x43: {  	_ =	shalt  }
0x44: {  	_ =	shalt  }
0x45: {  	_ =	shalt  }
0x46: {  	_ =	shalt  }
0x47: {  	_ =	shalt  }
0x48: {  	_ =	shalt  }
0x49: {  	_ =	shalt  }
0x4a: {  	_ =	shalt  }
0x4b: {  	_ =	shalt  }
0x4c: {  	_ =	shalt  }
0x4d: {  	_ =	shalt  }
0x4e: {  	_ =	shalt  }
0x4f: {  	_ =	shalt  }
0x50: {  	_ =	shalt  }
0x51: {  	_ =	shalt  }
0x52: {  	_ =	shalt  }
0x53: {  	_ =	shalt  }
0x54: {  	_ =	shalt  }
0x55: {  	_ =	shalt  }
0x56: {  	_ =	shalt  }
0x57: {  	_ =	shalt  }
0x58: {  	_ =	shalt  }
0x59: {  	_ =	shalt  }
0x5a: {  	_ =	shalt  }
0x5b: {  	_ =	shalt  }
0x5c: {  	_ =	shalt  }
0x5d: {  	_ =	shalt  }
0x5e: {  	_ =	shalt  }
0x5f: {  	_ =	shalt  }
0x60: {  	_ =	shalt  }
0x61: {  	_ =	shalt  }
0x62: {  	_ =	shalt  }
0x63: {  	_ =	shalt  }
0x64: {  	_ =	shalt  }
0x65: {  	_ =	shalt  }
0x66: {  	_ =	shalt  }
0x67: {  	_ =	shalt  }
0x68: {  	_ =	shalt  }
0x69: {  	_ =	shalt  }
0x6a: {  	_ =	shalt  }
0x6b: {  	_ =	shalt  }
0x6c: {  	_ =	shalt  }
0x6d: {  	_ =	shalt  }
0x6e: {  	_ =	shalt  }
0x6f: {  	_ =	shalt  }
0x70: {  	_ =	shalt  }
0x71: {  	_ =	shalt  }
0x72: {  	_ =	shalt  }
0x73: {  	_ =	shalt  }
0x74: {  	_ =	shalt  }
0x75: {  	_ =	shalt  }
0x76: {  	_ =	shalt  }
0x77: {  	_ =	shalt  }
0x78: {  	_ =	shalt  }
0x79: {  	_ =	shalt  }
0x7a: {  	_ =	shalt  }
0x7b: {  	_ =	shalt  }
0x7c: {  	_ =	shalt  }
0x7d: {  	_ =	shalt  }
0x7e: {  	_ =	shalt  }
0x7f: {  	_ =	shalt  }
0x80: {  	_ =	shalt  }
0x81: {  	_ =	shalt  }
0x82: {  	_ =	shalt  }
0x83: {  	_ =	shalt  }
0x84: {  	_ =	shalt  }
0x85: {  	_ =	shalt  }
0x86: {  	_ =	shalt  }
0x87: {  	_ =	shalt  }
.Lfunc_end0:
.L_simem_size_0:
called_computation_lowered:
.L_overlay_start_0:
0x88: {  	s2 =	sld [smem:$0x3FD9]  }
0x89: {  	s3 =	sld [smem:$0x3FFE];
	_ =	sdelay $0x1  }
0x8a: {  	s1 =	srdreg.scid  }
0x8b: {  	s0 =	sand.u32 $0x1, s1  }
0x8c: {  	s18 =	sshll.u32 s0, $0xA;
	s2 =	sadd.s32 s3, s2  }
0x8d: {  	s2 =	sadd.s32 s2, s18  }
0x8e: {  	[smem:$0x3FC1] =	sst s2  }
0x8f: {  	_ = 	snop  }
0x90: {  	s2 =	sld [smem:$0x3FC9]  }
0x91: {  	s19 =	sld [smem:$0x3FC8]  }
0x92: {  	s4 =	sld [smem:$0x3FC7]  }
0x93: {  	s5 =	sld [smem:$0x3FC6]  }
0x94: {  	s6 =	sld [smem:$0x3FC5]  }
0x95: {  	s7 =	sld [smem:$0x3FC4]  }
0x96: {  	s8 =	sld [smem:$0x3FC3]  }
0x97: {  	s9 =	sld [smem:$0x3FD0];
	(tm) =	ssettm $0x1  }
0x98: {  	s10 =	sld [smem:$0x3FFB];
	_ =	sdelay $0x3  }
0x99: {  	_ =	strace s10  }
0x9a: {  	s10 =	sld [smem:$0x3FFC];
	_ =	sdelay $0x3  }
0x9b: {  	_ =	strace s10  }
0x9c: {  	s10 =	sld [smem:$0x3FFD];
	_ =	sdelay $0x3  }
0x9d: {  	_ =	strace s10  }
0x9e: {  	_ =	strace $0x8FFFFFFF  }
0x9f: {  	s20 =	sld [smem:$0x3FDB];
	_ =	sdelay $0x1  }
0xa0: {  	s11 =	simm.s32 $_scs_section_size  }
0xa1: {  	s12 =	simm.s32 $_size__tile_overlayer_lowered;
	s13 =	simm.s32 $_tile_overlayer_lowered  }
0xa2: {  	s23 =	simm.s32 $0x1BFF;
	s22 =	sshll.u32 s13, $0x1;
	s10 =	sadd.s32 s11, s20  }
0xa3: {  	s14 =	simm.s32 $0x0;
	s21 =	sshll.u32 s12, $0x1;
	s12 =	sadd.s32 s22, s10  }
0xa4: {  	[timem:s14], [sflag:s23] =	dma.local [hbm:s12], s21  }
0xa5: {  	_ =	swait.ge [sflag:s23], s21  }
0xa6: {  	s11 =	ssub.s32 $0x0, s21;
	[sflag:s23] =	ssyncset.done $0x0  }
0xa7: {  	[sflag:s23] =	ssyncadd.s32 s11;
	_ =	sdelay $0x1  }
0xa8: {  	s24 =	simm.s32 $0x1B8B  }
0xa9: {  	_ =	swait.ge [sflag:s24], $0x1  }
0xaa: {  	[sflag:s24] =	ssyncset.done $0x0  }
0xab: {  	s25 =	simm.s32 $0x1B8E;
	[sflag:s24] =	ssyncadd.s32 $0xFFFFFFFF  }
0xac: {  	s26 =	simm.s32 $execute0_lowered;
	[smem:$0x3FD2] =	sst s25  }
0xad: {  	s11 =	sshll.u32 s26, $0x1;
	_ =	strace $0x80000046;
	[dreg:$0x1] =	wrdreg $0xFFFFFFFF  }
0xae: {  	s28 =	simm.s32 $_size_execute0_lowered;
	s10 =	sadd.s32 s10, s11;
	[dreg:$0x0] =	wrdreg $0x0  }
0xaf: {  	s11 =	sshll.u32 s28, $0x1;
	[dreg:$0x2] =	wrdreg s10  }
0xb0: {  	[dreg:$0x3] =	wrdreg s11  }
0xb1: {  	[dreg:$0x4] =	wrdreg $0xC0  }
0xb2: {  	_ =	task [dreg:s14], $0x5FFFF  }
0xb3: {  	[dreg:$0x1] =	wrdreg $0xFFFFFFFF  }
0xb4: {  	[dreg:$0x0] =	wrdreg $0x60  }
0xb5: {  	[dreg:$0x2] =	wrdreg s2  }
0xb6: {  	[dreg:$0x3] =	wrdreg s19  }
0xb7: {  	[dreg:$0x4] =	wrdreg s4  }
0xb8: {  	[dreg:$0x5] =	wrdreg s5  }
0xb9: {  	[dreg:$0x6] =	wrdreg s6  }
0xba: {  	[dreg:$0x7] =	wrdreg s7  }
0xbb: {  	[dreg:$0x8] =	wrdreg s8  }
0xbc: {  	[dreg:$0x9] =	wrdreg s9  }
0xbd: {  	[dreg:$0xa] =	wrdreg $0x9  }
0xbe: {  	_ =	task.clear_ibuf [dreg:s14], $0xBFFFF;
	_ =	strace $0x90000046  }
0xbf: {  	s29 =	simm.s32 $0x9;
	_ =	strace $0x80000048  }
0xc0: {  	_ =	swait.ge [sflag:s29], $0x1  }
0xc1: {  	[sflag:s29] =	ssyncadd.s32 $0xFFFFFFFF  }
0xc2: {  	_ =	strace $0x90000048  }
0xc3: {  	_ =	sfence  }
0xc4: {  	s30 =	sld [smem:$0x0];
	_ =	sdelay $0x2  }
0xc5: {  	s31 =	sshll.u32 s1, $0xD;
	s1 =	sshrl.u32 s1, $0x2  }
0xc6: {  	s3 =	sand.u32 $0x4000, s31;
	s1 =	sadd.s32 s1, s30  }
0xc7: {  	s0 =	sor.u32 s3, s0;
	s1 =	sshll.u32 s1, $0x11  }
0xc8: {  	s0 =	sor.u32 s1, s0  }
0xc9: {  	s0 =	sadd.s32 $0x8F2B, s0  }
0xca: {  	[sflag:s0] =	ssyncadd.remote.s32 $0x1  }
0xcb: {  	_ =	sfence.sel $0xFFFF  }
0xcc: {  	[dreg:$0x0] =	wrdreg $0xFFFFFFFF;
	(pc) =	sbr.abs _section_cstart, $3  }
0xcd: {  	[dreg:$0x1] =	wrdreg $0xFFFFFFFF  }
0xce: {  	_ =	task.clear_ibuf [dreg:s14], $0x2FFFF;
	_ =	strace $0x9FFFFFFF  }
0xcf: {  	(tm) =	ssettm $0x7FFFFFFF  }
tec
execute0_lowered:
.L_overlay_start_1:
0x0: {  	(tag) =	ssettag $0x1  }
0x1: {  	s0 =	rddreg [dreg:$0x0]  }
0x2: {  	s1 =	rddreg [dreg:$0x1]  }
0x3: {  	s2 =	rddreg [dreg:$0x2]  }
0x4: {  	s4 =	rddreg [dreg:$0x6]  }
0x5: {  	s3 =	rddreg [dreg:$0x7];
	s5 =	srdreg.scid;
	s6 =	simm.s32 $0x0  }
0x6: {  	s9 =	stileid.u32;
	s28 =	simm.s32 $0xA00;
	s5 =	sand.u32 $0x1, s5  }
0x7: {  	s9 =	sshll.u32 s9, $0x7;
	s7 =	ssub.s32 $0x2, s5;
	s5 =	sshll.u32 s5, $0x6  }
0x8: {  	s30 =	simm.s32 $0x8A00;
	s29 =	simm.s32 $0x2;
	s5 =	sor.u32 s5, s9  }
0x9: {  	s31 =	simm.s32 $0x3;
	[smem:$0x7FF] =	sst s6;
	s16 =	sadd.s32 s0, s5  }
0xa: {  	_ =	strace $0x80000047;
	s17 =	sadd.s32 s1, s5;
	[dreg:$0x9] =	wrdreg s16  }
0xb: {  	s8 =	sshrl.u32 s7, $0x1;
	s24 =	sadd.s32 s2, s5;
	[dreg:$0xa] =	wrdreg s17  }
0xc: {  	s18 =	sor.u32 $0x10, s5;
	s25 =	sadd.s32 s3, s5;
	[dreg:$0x11] =	wrdreg s24  }
0xd: {  	v2 =	vlaneseq.u32;
	v18 =	vimm.s32 $0x1;
	vm0 =	vmmov $0x1;
	s7 =	ssub.s32 s7, s8;
	s19 =	sadd.s32 s0, s18;
	[dreg:$0x12] =	wrdreg s25  }
0xe: {  	vm1 =	vmmov $0x3;
	vm2 =	vmmov $0x7;
	vm3 =	vmmov $0xf;
	s20 =	sor.u32 $0x20, s5;
	s8 =	sadd.s32 s1, s18;
	[dreg:$0xb] =	wrdreg s19  }
0xf: {  	vm4 =	vmmov $0x1f;
	vm5 =	vmmov $0x3f;
	vm6 =	vmmov $0x7f;
	s22 =	sor.u32 $0x30, s5;
	s21 =	sadd.s32 s0, s20;
	[dreg:$0xc] =	wrdreg s8  }
0x10: {  	vm7 =	vmmov $0xff;
	vm8 =	vmmov $0x1ff;
	v8 =	vimm.s32 $0xA;
	s5 =	simm.s32 $0x4;
	s0 =	sadd.s32 s0, s22;
	[dreg:$0xd] =	wrdreg s21  }
0x11: {  	vm9 =	vmmov $0x3ff;
	v9 =	vimm.s32 $0xB;
	vm10 =	vmmov $0x7ff;
	s23 =	sadd.s32 s1, s22;
	s26 =	smax.u32 s7, $0x1;
	[dreg:$0xf] =	wrdreg s0  }
0x12: {  	v10 =	vimm.s32 $0xC;
	vm11 =	vmmov $0xfff;
	v11 =	vimm.s32 $0xD;
	s18 =	simm.s32 $0x5;
	s16 =	simm.s32 $0x10E00;
	[dreg:$0x10] =	wrdreg s23  }
0x13: {  	vm12 =	vmmov $0x1fff;
	v12 =	vimm.s32 $0xE;
	v4 =	vor.u32 $0x10, v2;
	s8 =	sadd.s32 s1, s20;
	[dreg:$0x13] =	wrdreg s26;
	s19 =	simm.s32 $0x80  }
0x14: {  	vm13 =	vmmov $0x3fff;
	v13 =	vimm.s32 $0xF;
	vm14 =	vmmov $0x7fff;
	[tilespmem:$0x1FFF0] =	vst v4;
	s26 =	simm.s32 $0x1;
	s21 =	simm.s32 $0x0;
	[dreg:$0xe] =	wrdreg s8  }
.LBB2_1:
0x15: {  	s0 =	rddreg [dreg:$0x9]  }
0x16: {  	[tilespmem:s6], [sflag:$0x5] =	stream.linear.gather [hbm4b:s0+s6], $0x80, $0x38;
	[tilespmem:$0x11000] =	vst v63  }
0x17: {  	_ =	swait.ge [sflag:s18], $0x80  }
0x18: {  	[sflag:s18] =	ssyncset.done $0x0  }
0x19: {  	s7 =	simm.s32 $0x200;
	s10 =	rddreg [dreg:$0xa];
	[sflag:s18] =	ssyncadd.s32 $0xFFFFFF80  }
0x1a: {  	[tilespmem:s7], [sflag:$0x5] =	stream.linear.gather [hbm4b:s10+s6], $0x80, $0x38;
	[tilespmem:$0x11000] =	vst v63  }
0x1b: {  	_ =	swait.ge [sflag:s18], $0x80  }
0x1c: {  	[sflag:s18] =	ssyncset.done $0x0  }
0x1d: {  	s11 =	rddreg [dreg:$0xb];
	[sflag:s18] =	ssyncadd.s32 $0xFFFFFF80  }
0x1e: {  	[tilespmem:s19], [sflag:$0x5] =	stream.linear.gather [hbm4b:s11+s6], $0x80, $0x38;
	[tilespmem:$0x11000] =	vst v63  }
0x1f: {  	_ =	swait.ge [sflag:s18], $0x80  }
0x20: {  	[sflag:s18] =	ssyncset.done $0x0  }
0x21: {  	s1 =	simm.s32 $0x280;
	s12 =	rddreg [dreg:$0xc];
	[sflag:s18] =	ssyncadd.s32 $0xFFFFFF80  }
0x22: {  	[tilespmem:s1], [sflag:$0x5] =	stream.linear.gather [hbm4b:s12+s6], $0x80, $0x38;
	[tilespmem:$0x11000] =	vst v63  }
0x23: {  	_ =	swait.ge [sflag:s18], $0x80  }
0x24: {  	[sflag:s18] =	ssyncset.done $0x0  }
0x25: {  	s2 =	simm.s32 $0x100;
	s13 =	rddreg [dreg:$0xd];
	[sflag:s18] =	ssyncadd.s32 $0xFFFFFF80  }
0x26: {  	[tilespmem:s2], [sflag:$0x5] =	stream.linear.gather [hbm4b:s13+s6], $0x80, $0x38;
	[tilespmem:$0x11000] =	vst v63  }
0x27: {  	_ =	swait.ge [sflag:s18], $0x80  }
0x28: {  	[sflag:s18] =	ssyncset.done $0x0  }
0x29: {  	s3 =	simm.s32 $0x300;
	s14 =	rddreg [dreg:$0xe];
	[sflag:s18] =	ssyncadd.s32 $0xFFFFFF80  }
0x2a: {  	[tilespmem:s3], [sflag:$0x5] =	stream.linear.gather [hbm4b:s14+s6], $0x80, $0x38;
	[tilespmem:$0x11000] =	vst v63  }
0x2b: {  	_ =	swait.ge [sflag:s18], $0x80  }
0x2c: {  	[sflag:s18] =	ssyncset.done $0x0  }
0x2d: {  	s8 =	simm.s32 $0x180;
	s15 =	rddreg [dreg:$0xf];
	[sflag:s18] =	ssyncadd.s32 $0xFFFFFF80  }
0x2e: {  	[tilespmem:s8], [sflag:$0x5] =	stream.linear.gather [hbm4b:s15+s6], $0x80, $0x38;
	[tilespmem:$0x11000] =	vst v63  }
0x2f: {  	_ =	swait.ge [sflag:s18], $0x80  }
0x30: {  	[sflag:s18] =	ssyncset.done $0x0  }
0x31: {  	s9 =	simm.s32 $0x380;
	s17 =	rddreg [dreg:$0x10];
	[sflag:s18] =	ssyncadd.s32 $0xFFFFFF80  }
0x32: {  	[tilespmem:s9], [sflag:$0x5] =	stream.linear.gather [hbm4b:s17+s6], $0x80, $0x38;
	[tilespmem:$0x11000] =	vst v63  }
0x33: {  	_ =	swait.ge [sflag:s18], $0x80  }
0x34: {  	[sflag:s18] =	ssyncset.done $0x0  }
0x35: {  	s10 =	simm.s32 $0x800;
	s20 =	rddreg [dreg:$0x11];
	[sflag:s18] =	ssyncadd.s32 $0xFFFFFF80  }
0x36: {  	[tilespmem:s10], [sflag:$0x5] =	stream.linear.gather [hbm4b:s20+s6], $0x200, $0x38;
	[tilespmem:$0x11000] =	vst v63  }
0x37: {  	_ =	swait.ge [sflag:s18], $0x200  }
0x38: {  	[sflag:s18] =	ssyncset.done $0x0  }
0x39: {  	[sflag:s18] =	ssyncadd.s32 $0xFFFFFE00  }
0x3a: {  	s23 =	simm.s32 $0x10A00;
	s22 =	rddreg [dreg:$0x5]  }
0x3b: {  	[tilespmem:s23], [sflag:$0x3] =	stream.indirect.gather [hbm4b:s22+s19], $0x1, s6, s19, $0xb8;
	[tilespmem:$0x11000] =	vst v63  }
0x3c: {  	s24 =	simm.s32 $0x10C00  }
0x3d: {  	[tilespmem:s24], [sflag:$0x4] =	stream.indirect.gather [hbm4b:s4+s19], $0x1, s7, s19, $0xb8;
	[tilespmem:$0x11000] =	vst v63  }
0x3e: {  	s25 =	simm.s32 $0x10A80  }
0x3f: {  	[tilespmem:s25], [sflag:$0x3] =	stream.indirect.gather [hbm4b:s22+s19], $0x1, s19, s19, $0xb8;
	[tilespmem:$0x11000] =	vst v63  }
0x40: {  	s11 =	simm.s32 $0x10C80  }
0x41: {  	[tilespmem:s11], [sflag:$0x4] =	stream.indirect.gather [hbm4b:s4+s19], $0x1, s1, s19, $0xb8;
	[tilespmem:$0x11000] =	vst v63  }
0x42: {  	s12 =	simm.s32 $0x10B00  }
0x43: {  	[tilespmem:s12], [sflag:$0x3] =	stream.indirect.gather [hbm4b:s22+s19], $0x1, s2, s19, $0xb8;
	[tilespmem:$0x11000] =	vst v63  }
0x44: {  	s13 =	simm.s32 $0x10D00  }
0x45: {  	[tilespmem:s13], [sflag:$0x4] =	stream.indirect.gather [hbm4b:s4+s19], $0x1, s3, s19, $0xb8;
	[tilespmem:$0x11000] =	vst v63  }
0x46: {  	s14 =	simm.s32 $0x10B80  }
0x47: {  	[tilespmem:s14], [sflag:$0x3] =	stream.indirect.gather [hbm4b:s22+s19], $0x1, s8, s19, $0xb8;
	[tilespmem:$0x11000] =	vst v63  }
0x48: {  	s15 =	simm.s32 $0x10D80  }
0x49: {  	[tilespmem:s15], [sflag:$0x4] =	stream.indirect.gather [hbm4b:s4+s19], $0x1, s9, s19, $0xb8;
	[tilespmem:$0x11000] =	vst v63  }
0x4a: {  	v0 =	vld [tilespmem:$0x0]  }
0x4b: {  	v1 =	vld [tilespmem:$0x200]  }
0x4c: {  	v3 =	vld [tilespmem:$0x10]  }
0x4d: {  	v5 =	vld [tilespmem:$0x210]  }
0x4e: {  	v6 =	vld [tilespmem:$0x20]  }
0x4f: {  	v7 =	vld [tilespmem:$0x220];
	v0 =	vshra.s32 v0, $0x2  }
0x50: {  	[tilespmem:$0x400] =	vst v0;
	v0 =	vshra.s32 v1, $0x2;
	v1 =	vld [tilespmem:$0x30]  }
0x51: {  	[tilespmem:$0x600] =	vst v0;
	v0 =	vshra.s32 v3, $0x2;
	v3 =	vld [tilespmem:$0x230]  }
0x52: {  	[tilespmem:$0x410] =	vst v0;
	v0 =	vshra.s32 v5, $0x2;
	v5 =	vld [tilespmem:$0x40]  }
0x53: {  	[tilespmem:$0x610] =	vst v0;
	v0 =	vshra.s32 v6, $0x2;
	v6 =	vld [tilespmem:$0x240]  }
0x54: {  	[tilespmem:$0x420] =	vst v0;
	v0 =	vshra.s32 v7, $0x2;
	v7 =	vld [tilespmem:$0x50]  }
0x55: {  	[tilespmem:$0x620] =	vst v0;
	v0 =	vshra.s32 v1, $0x2;
	v1 =	vld [tilespmem:$0x250]  }
0x56: {  	[tilespmem:$0x430] =	vst v0;
	v0 =	vshra.s32 v3, $0x2;
	v3 =	vld [tilespmem:$0x60]  }
0x57: {  	[tilespmem:$0x630] =	vst v0;
	v0 =	vshra.s32 v5, $0x2;
	v5 =	vld [tilespmem:$0x260]  }
0x58: {  	[tilespmem:$0x440] =	vst v0;
	v0 =	vshra.s32 v6, $0x2;
	v6 =	vld [tilespmem:$0x70]  }
0x59: {  	[tilespmem:$0x640] =	vst v0;
	v0 =	vshra.s32 v7, $0x2;
	v7 =	vld [tilespmem:$0x270]  }
0x5a: {  	[tilespmem:$0x450] =	vst v0;
	v0 =	vshra.s32 v1, $0x2;
	v1 =	vld [tilespmem:$0x80]  }
0x5b: {  	[tilespmem:$0x650] =	vst v0;
	v0 =	vshra.s32 v3, $0x2;
	v3 =	vld [tilespmem:$0x280]  }
0x5c: {  	[tilespmem:$0x460] =	vst v0;
	v0 =	vshra.s32 v5, $0x2;
	v5 =	vld [tilespmem:$0x90]  }
0x5d: {  	[tilespmem:$0x660] =	vst v0;
	v0 =	vshra.s32 v6, $0x2;
	v6 =	vld [tilespmem:$0x290]  }
0x5e: {  	[tilespmem:$0x470] =	vst v0;
	v0 =	vshra.s32 v7, $0x2;
	v7 =	vld [tilespmem:$0xA0]  }
0x5f: {  	[tilespmem:$0x670] =	vst v0;
	v0 =	vshra.s32 v1, $0x2;
	v1 =	vld [tilespmem:$0x2A0]  }
0x60: {  	[tilespmem:$0x480] =	vst v0;
	v0 =	vshra.s32 v3, $0x2;
	v3 =	vld [tilespmem:$0xB0]  }
0x61: {  	[tilespmem:$0x680] =	vst v0;
	v0 =	vshra.s32 v5, $0x2;
	v5 =	vld [tilespmem:$0x2B0]  }
0x62: {  	[tilespmem:$0x490] =	vst v0;
	v0 =	vshra.s32 v6, $0x2;
	v6 =	vld [tilespmem:$0xC0]  }
0x63: {  	[tilespmem:$0x690] =	vst v0;
	v0 =	vshra.s32 v7, $0x2;
	v7 =	vld [tilespmem:$0x2C0]  }
0x64: {  	[tilespmem:$0x4A0] =	vst v0;
	v0 =	vshra.s32 v1, $0x2;
	v1 =	vld [tilespmem:$0xD0]  }
0x65: {  	[tilespmem:$0x6A0] =	vst v0;
	v0 =	vshra.s32 v3, $0x2;
	v3 =	vld [tilespmem:$0x2D0]  }
0x66: {  	[tilespmem:$0x4B0] =	vst v0;
	v0 =	vshra.s32 v5, $0x2;
	v5 =	vld [tilespmem:$0xE0]  }
0x67: {  	[tilespmem:$0x6B0] =	vst v0;
	v0 =	vshra.s32 v6, $0x2;
	v6 =	vld [tilespmem:$0x2E0]  }
0x68: {  	[tilespmem:$0x4C0] =	vst v0;
	v0 =	vshra.s32 v7, $0x2;
	v7 =	vld [tilespmem:$0xF0]  }
0x69: {  	[tilespmem:$0x6C0] =	vst v0;
	v0 =	vshra.s32 v1, $0x2;
	v1 =	vld [tilespmem:$0x2F0]  }
0x6a: {  	[tilespmem:$0x4D0] =	vst v0;
	v0 =	vshra.s32 v3, $0x2;
	v3 =	vld [tilespmem:$0x100]  }
0x6b: {  	[tilespmem:$0x6D0] =	vst v0;
	v0 =	vshra.s32 v5, $0x2;
	v5 =	vld [tilespmem:$0x300]  }
0x6c: {  	[tilespmem:$0x4E0] =	vst v0;
	v0 =	vshra.s32 v6, $0x2;
	v6 =	vld [tilespmem:$0x110]  }
0x6d: {  	[tilespmem:$0x6E0] =	vst v0;
	v0 =	vshra.s32 v7, $0x2;
	v7 =	vld [tilespmem:$0x310]  }
0x6e: {  	[tilespmem:$0x4F0] =	vst v0;
	v0 =	vshra.s32 v1, $0x2;
	v1 =	vld [tilespmem:$0x120]  }
0x6f: {  	[tilespmem:$0x6F0] =	vst v0;
	v0 =	vshra.s32 v3, $0x2;
	v3 =	vld [tilespmem:$0x320]  }
0x70: {  	[tilespmem:$0x500] =	vst v0;
	v0 =	vshra.s32 v5, $0x2;
	v5 =	vld [tilespmem:$0x130]  }
0x71: {  	[tilespmem:$0x700] =	vst v0;
	v0 =	vshra.s32 v6, $0x2;
	v6 =	vld [tilespmem:$0x330]  }
0x72: {  	[tilespmem:$0x510] =	vst v0;
	v0 =	vshra.s32 v7, $0x2;
	v7 =	vld [tilespmem:$0x140]  }
0x73: {  	[tilespmem:$0x710] =	vst v0;
	v0 =	vshra.s32 v1, $0x2;
	v1 =	vld [tilespmem:$0x340]  }
0x74: {  	[tilespmem:$0x520] =	vst v0;
	v0 =	vshra.s32 v3, $0x2;
	v3 =	vld [tilespmem:$0x150]  }
0x75: {  	[tilespmem:$0x720] =	vst v0;
	v0 =	vshra.s32 v5, $0x2;
	v5 =	vld [tilespmem:$0x350]  }
0x76: {  	[tilespmem:$0x530] =	vst v0;
	v0 =	vshra.s32 v6, $0x2;
	v6 =	vld [tilespmem:$0x160]  }
0x77: {  	[tilespmem:$0x730] =	vst v0;
	v0 =	vshra.s32 v7, $0x2;
	v7 =	vld [tilespmem:$0x360]  }
0x78: {  	[tilespmem:$0x540] =	vst v0;
	v0 =	vshra.s32 v1, $0x2;
	v1 =	vld [tilespmem:$0x170]  }
0x79: {  	[tilespmem:$0x740] =	vst v0;
	v0 =	vshra.s32 v3, $0x2;
	v3 =	vld [tilespmem:$0x370]  }
0x7a: {  	[tilespmem:$0x550] =	vst v0;
	v0 =	vshra.s32 v5, $0x2;
	v5 =	vld [tilespmem:$0x180]  }
0x7b: {  	[tilespmem:$0x750] =	vst v0;
	v0 =	vshra.s32 v6, $0x2;
	v6 =	vld [tilespmem:$0x380]  }
0x7c: {  	[tilespmem:$0x560] =	vst v0;
	v0 =	vshra.s32 v7, $0x2;
	v7 =	vld [tilespmem:$0x190]  }
0x7d: {  	[tilespmem:$0x760] =	vst v0;
	v0 =	vshra.s32 v1, $0x2;
	v1 =	vld [tilespmem:$0x390]  }
0x7e: {  	[tilespmem:$0x570] =	vst v0;
	v0 =	vshra.s32 v3, $0x2;
	v3 =	vld [tilespmem:$0x1A0]  }
0x7f: {  	[tilespmem:$0x770] =	vst v0;
	v0 =	vshra.s32 v5, $0x2;
	v5 =	vld [tilespmem:$0x3A0]  }
0x80: {  	[tilespmem:$0x580] =	vst v0;
	v0 =	vshra.s32 v6, $0x2;
	v6 =	vld [tilespmem:$0x1B0]  }
0x81: {  	[tilespmem:$0x780] =	vst v0;
	v0 =	vshra.s32 v7, $0x2;
	v7 =	vld [tilespmem:$0x3B0]  }
0x82: {  	[tilespmem:$0x590] =	vst v0;
	v0 =	vshra.s32 v1, $0x2;
	v1 =	vld [tilespmem:$0x1C0]  }
0x83: {  	[tilespmem:$0x790] =	vst v0;
	v0 =	vshra.s32 v3, $0x2;
	v3 =	vld [tilespmem:$0x3C0]  }
0x84: {  	[tilespmem:$0x5A0] =	vst v0;
	v0 =	vshra.s32 v5, $0x2;
	v5 =	vld [tilespmem:$0x1D0]  }
0x85: {  	[tilespmem:$0x7A0] =	vst v0;
	v0 =	vshra.s32 v6, $0x2;
	v6 =	vld [tilespmem:$0x3D0]  }
0x86: {  	[tilespmem:$0x5B0] =	vst v0;
	v0 =	vshra.s32 v7, $0x2;
	v7 =	vld [tilespmem:$0x1E0]  }
0x87: {  	[tilespmem:$0x7B0] =	vst v0;
	v0 =	vshra.s32 v1, $0x2;
	v1 =	vld [tilespmem:$0x3E0]  }
0x88: {  	[tilespmem:$0x5C0] =	vst v0;
	v0 =	vshra.s32 v3, $0x2;
	v3 =	vld [tilespmem:$0x1F0]  }
0x89: {  	[tilespmem:$0x7C0] =	vst v0;
	v0 =	vshra.s32 v5, $0x2;
	v5 =	vld [tilespmem:$0x3F0]  }
0x8a: {  	[tilespmem:$0x5D0] =	vst v0;
	v0 =	vshra.s32 v6, $0x2  }
0x8b: {  	[tilespmem:$0x7D0] =	vst v0;
	v0 =	vshra.s32 v7, $0x2  }
0x8c: {  	[tilespmem:$0x5E0] =	vst v0;
	v0 =	vshra.s32 v1, $0x2  }
0x8d: {  	[tilespmem:$0x7E0] =	vst v0;
	v0 =	vshra.s32 v3, $0x2  }
0x8e: {  	[tilespmem:$0x5F0] =	vst v0;
	v0 =	vshra.s32 v5, $0x2  }
0x8f: {  	s20 =	simm.s32 $0x400;
	s17 =	rddreg [dreg:$0x3];
	[tilespmem:$0x7F0] =	vst v0  }
0x90: {  	[tilespmem:s28], [sflag:$0x1] =	stream.indirect.gather [hbm4b:s17+s19], $0x80, s20, s19, $0xb8;
	[tilespmem:$0x11000] =	vst v63  }
0x91: {  	s23 =	simm.s32 $0x600;
	s22 =	rddreg [dreg:$0x4]  }
0x92: {  	[tilespmem:s30], [sflag:$0x2] =	stream.indirect.gather [hbm4b:s22+s19], $0x80, s23, s19, $0xb8;
	[tilespmem:$0x11000] =	vst v63  }
0x93: {  	s24 =	simm.s32 $0x480;
	s25 =	simm.s32 $0x4A00  }
0x94: {  	[tilespmem:s25], [sflag:$0x1] =	stream.indirect.gather [hbm4b:s17+s19], $0x80, s24, s19, $0xb8;
	[tilespmem:$0x11000] =	vst v63  }
0x95: {  	s3 =	simm.s32 $0x680;
	s8 =	simm.s32 $0xCA00  }
0x96: {  	[tilespmem:s8], [sflag:$0x2] =	stream.indirect.gather [hbm4b:s22+s19], $0x80, s3, s19, $0xb8;
	[tilespmem:$0x11000] =	vst v63  }
0x97: {  	_ =	swait.ge [sflag:s26], $0x4000  }
0x98: {  	[sflag:s26] =	ssyncset.done $0x0  }
0x99: {  	[sflag:s26] =	ssyncadd.s32 $0xFFFFC000  }
0x9a: {  	_ =	swait.ge [sflag:s29], $0x4000  }
0x9b: {  	[sflag:s29] =	ssyncset.done $0x0  }
0x9c: {  	[sflag:s29] =	ssyncadd.s32 $0xFFFFC000  }
0x9d: {  	_ =	swait.ge [sflag:s26], $0x4000  }
0x9e: {  	[sflag:s26] =	ssyncset.done $0x0  }
0x9f: {  	[sflag:s26] =	ssyncadd.s32 $0xFFFFC000  }
0xa0: {  	_ =	swait.ge [sflag:s29], $0x4000  }
0xa1: {  	[sflag:s29] =	ssyncset.done $0x0  }
0xa2: {  	[sflag:s29] =	ssyncadd.s32 $0xFFFFC000  }
0xa3: {  	v0 =	vld [tilespmem:s6+$0x0];
	_ =	sdelay $0x4  }
0xa4: {  	v0 =	vshll.u32 v0, $0x5  }
0xa5: {  	v14 =	vimm.s32 $0x5;
	v15 =	vimm.s32 $0x2;
	v0 =	vand.u32 $0x60, v0  }
0xa6: {  	v16 =	vimm.s32 $0x3;
	v1 =	vperm.xlane v0, v12;
	v3 =	vperm.xlane v0, v13  }
0xa7: {  	v17 =	vimm.s32 $0x0;
	v5 =	vperm.xlane v0, v10;
	v6 =	vperm.xlane v0, v11  }
0xa8: {  	v7 =	vperm.xlane v0, v8;
	v8 =	vperm.xlane v0, v9;
	v9 =	vimm.s32 $0x8  }
0xa9: {  	v10 =	vimm.s32 $0x9;
	v14 =	vperm.xlane v0, v14;
	v15 =	vperm.xlane v0, v15  }
0xaa: {  	v11 =	vimm.s32 $0x6;
	v16 =	vperm.xlane v0, v16;
	v17 =	vperm.xlane v0, v17  }
0xab: {  	v12 =	vimm.s32 $0x7;
	v9 =	vperm.xlane v0, v9;
	v10 =	vperm.xlane v0, v10  }
0xac: {  	v13 =	vimm.s32 $0x4;
	v11 =	vperm.xlane v0, v11;
	v12 =	vperm.xlane v0, v12  }
0xad: {  	v13 =	vperm.xlane v0, v13;
	v19 =	vadd.s32 v2, v1;
	v2 =	vlaneseq.u32  }
0xae: {  	v0 =	vperm.xlane v0, v18;
	v1 =	vadd.s32 v4, v1;
	v18 =	vadd.s32 v2, v3  }
0xaf: {  	v3 =	vadd.s32 v4, v3;
	v20 =	vadd.s32 v2, v6;
	v6 =	vadd.s32 v4, v6  }
0xb0: {  	v21 =	vadd.s32 v2, v8;
	v22 =	vadd.s32 v2, v5;
	v5 =	vadd.s32 v4, v5  }
0xb1: {  	v23 =	vadd.s32 v2, v7;
	v7 =	vadd.s32 v4, v7;
	v8 =	vadd.s32 v4, v8  }
0xb2: {  	v24 =	vadd.s32 v2, v9;
	v25 =	vadd.s32 v2, v10;
	v10 =	vadd.s32 v4, v10  }
0xb3: {  	v26 =	vadd.s32 v2, v12;
	v12 =	vadd.s32 v4, v12;
	v9 =	vadd.s32 v4, v9  }
0xb4: {  	v27 =	vadd.s32 v2, v14;
	v28 =	vadd.s32 v2, v11;
	v11 =	vadd.s32 v4, v11  }
0xb5: {  	v29 =	vadd.s32 v2, v13;
	v13 =	vadd.s32 v4, v13;
	v14 =	vadd.s32 v4, v14  }
0xb6: {  	v30 =	vadd.s32 v2, v15;
	v31 =	vadd.s32 v2, v16;
	v16 =	vadd.s32 v4, v16  }
0xb7: {  	v32 =	vadd.s32 v2, v17;
	v17 =	vadd.s32 v4, v17;
	v15 =	vadd.s32 v4, v15  }
0xb8: {  	v33 =	vadd.s32 v2, v0;
	v0 =	vadd.s32 v4, v0;
	v37 =	vand.u32 $0x7, v19  }
0xb9: {  	v38 =	vand.u32 $0x7, v1;
	v40 =	vand.u32 $0xFFFFFFF8, v19;
	v1 =	vand.u32 $0xFFFFFFF8, v1  }
0xba: {  	v34 =	vand.u32 $0x7, v18;
	v35 =	vand.u32 $0xFFFFFFF8, v18;
	v36 =	vand.u32 $0xFFFFFFF8, v3  }
0xbb: {  	v3 =	vand.u32 $0x7, v3;
	v18 =	vand.u32 $0x7, v20;
	v39 =	vand.u32 $0x7, v6  }
0xbc: {  	v41 =	vand.u32 $0x7, v22;
	v42 =	vand.u32 $0x7, v5;
	v43 =	vand.u32 $0xFFFFFFF8, v20  }
0xbd: {  	v44 =	vand.u32 $0x7, v21;
	v45 =	vand.u32 $0x7, v8;
	v6 =	vand.u32 $0xFFFFFFF8, v6  }
0xbe: {  	v46 =	vand.u32 $0x7, v23;
	v22 =	vand.u32 $0xFFFFFFF8, v22;
	v5 =	vand.u32 $0xFFFFFFF8, v5  }
0xbf: {  	v47 =	vand.u32 $0x7, v7;
	v21 =	vand.u32 $0xFFFFFFF8, v21;
	v8 =	vand.u32 $0xFFFFFFF8, v8  }
0xc0: {  	v48 =	vand.u32 $0x7, v25;
	v49 =	vand.u32 $0x7, v10;
	v23 =	vand.u32 $0xFFFFFFF8, v23  }
0xc1: {  	v7 =	vand.u32 $0xFFFFFFF8, v7;
	v52 =	vand.u32 $0x7, v26;
	v25 =	vand.u32 $0xFFFFFFF8, v25  }
0xc2: {  	v10 =	vand.u32 $0xFFFFFFF8, v10;
	v53 =	vand.u32 $0x7, v12;
	v54 =	vand.u32 $0x7, v28  }
0xc3: {  	v55 =	vand.u32 $0x7, v11;
	v26 =	vand.u32 $0xFFFFFFF8, v26;
	v56 =	vand.u32 $0x7, v27  }
0xc4: {  	v57 =	vand.u32 $0x7, v14;
	v12 =	vand.u32 $0xFFFFFFF8, v12;
	v58 =	vand.u32 $0x7, v29  }
0xc5: {  	v28 =	vand.u32 $0xFFFFFFF8, v28;
	v11 =	vand.u32 $0xFFFFFFF8, v11;
	v59 =	vand.u32 $0x7, v13  }
0xc6: {  	v27 =	vand.u32 $0xFFFFFFF8, v27;
	v14 =	vand.u32 $0xFFFFFFF8, v14;
	v60 =	vand.u32 $0x7, v31  }
0xc7: {  	v61 =	vand.u32 $0x7, v16;
	v29 =	vand.u32 $0xFFFFFFF8, v29;
	v62 =	vand.u32 $0x7, v30  }
0xc8: {  	v63 =	vand.u32 $0x7, v15;
	v13 =	vand.u32 $0xFFFFFFF8, v13;
	v20 =	vand.u32 $0x7, v32  }
0xc9: {  	v31 =	vand.u32 $0xFFFFFFF8, v31;
	v16 =	vand.u32 $0xFFFFFFF8, v16;
	v19 =	vand.u32 $0x7, v17  }
0xca: {  	v50 =	vand.u32 $0x7, v33;
	v51 =	vand.u32 $0x7, v0;
	v32 =	vand.u32 $0xFFFFFFF8, v32  }
0xcb: {  	s11 =	simm.s32 $0x700;
	v30 =	vand.u32 $0xFFFFFFF8, v30;
	v33 =	vand.u32 $0xFFFFFFF8, v33;
	v0 =	vand.u32 $0xFFFFFFF8, v0  }
0xcc: {  	s10 =	simm.s32 $0x600;
	s8 =	simm.s32 $0x500;
	v40 =	vadd.s32 s11, v40;
	v1 =	vadd.s32 s11, v1;
	[tilespmem:$0x1FE60] =	vst v3;
	v3 =	vand.u32 $0x7, v24  }
0xcd: {  	s9 =	simm.s32 $0x580;
	s15 =	simm.s32 $0x480;
	s17 =	simm.s32 $0x380;
	v24 =	vand.u32 $0xFFFFFFF8, v24;
	v5 =	vadd.s32 s10, v5;
	v7 =	vadd.s32 s8, v7  }
0xce: {  	s12 =	simm.s32 $0x280;
	s13 =	simm.s32 $0x300;
	v8 =	vadd.s32 s9, v8;
	v10 =	vadd.s32 s15, v10;
	v26 =	vadd.s32 s17, v26  }
0xcf: {  	s20 =	simm.s32 $0x200;
	v12 =	vadd.s32 s17, v12;
	v27 =	vadd.s32 s12, v27;
	v28 =	vadd.s32 s13, v28  }
0xd0: {  	s22 =	simm.s32 $0x100;
	v11 =	vadd.s32 s13, v11;
	v38 =	vor.u32 v38, v1;
	v29 =	vadd.s32 s20, v29  }
0xd1: {  	s23 =	simm.s32 $0x180;
	s24 =	simm.s32 $0x0;
	v13 =	vadd.s32 s20, v13;
	v14 =	vadd.s32 s12, v14;
	v30 =	vadd.s32 s22, v30  }
0xd2: {  	s25 =	simm.s32 $0x80;
	v31 =	vadd.s32 s23, v31;
	v16 =	vadd.s32 s23, v16;
	v32 =	vadd.s32 s24, v32  }
0xd3: {  	v0 =	vadd.s32 s25, v0;
	[tilespmem:$0x1FE40] =	vst v3;
	v3 =	vand.u32 $0x7, v9;
	v9 =	vand.u32 $0xFFFFFFF8, v9  }
0xd4: {  	v47 =	vor.u32 v47, v7;
	v54 =	vor.u32 v54, v28;
	v55 =	vor.u32 v55, v11  }
0xd5: {  	v53 =	vor.u32 v53, v12;
	v56 =	vor.u32 v56, v27;
	v57 =	vor.u32 v57, v14  }
0xd6: {  	s0 =	simm.s32 $0x780;
	v58 =	vor.u32 v58, v29;
	v28 =	vor.u32 v59, v13;
	v12 =	vor.u32 v61, v16  }
0xd7: {  	s14 =	simm.s32 $0x400;
	v13 =	vor.u32 v62, v30;
	[tilespmem:$0x1FE50] =	vst v3;
	v3 =	vand.u32 $0xFFFFFFF8, v15;
	v15 =	vadd.s32 s0, v35  }
0xd8: {  	v35 =	vand.u32 $0xFFFFFFF8, v17;
	v9 =	vadd.s32 s14, v9;
	v15 =	vor.u32 v34, v15  }
0xd9: {  	v17 =	vor.u32 v52, v26;
	v34 =	vld [tilespmem:s7+$0x0];
	s7 =	simm.s32 $0x680;
	v3 =	vadd.s32 s22, v3;
	[tilespmem:$0x1FE90] =	vst v15;
	v15 =	vadd.s32 s0, v36  }
0xda: {  	v36 =	vadd.s32 s7, v43;
	v6 =	vadd.s32 s7, v6;
	v43 =	vadd.s32 s9, v21  }
0xdb: {  	v21 =	vadd.s32 s10, v22;
	v22 =	vadd.s32 s8, v23;
	v23 =	vadd.s32 s14, v24  }
0xdc: {  	v24 =	vadd.s32 s15, v25;
	v16 =	vor.u32 v63, v3;
	v3 =	vimm.s32 $0x9  }
0xdd: {  	[tilespmem:$0x1FE70] =	vst v15;
	v18 =	vor.u32 v18, v36;
	v15 =	vimm.s32 $0xE;
	v36 =	vor.u32 v37, v40  }
0xde: {  	v41 =	vor.u32 v41, v21;
	v40 =	vor.u32 v42, v5;
	v5 =	vor.u32 v39, v6  }
0xdf: {  	v39 =	vor.u32 v46, v22;
	v43 =	vor.u32 v44, v43;
	v44 =	vor.u32 v45, v8  }
0xe0: {  	v45 =	vor.u32 v48, v24;
	v6 =	vimm.s32 $0xB;
	v25 =	vshll.u32 v34, $0x5  }
0xe1: {  	v46 =	vor.u32 v49, v10;
	[tilespmem:$0x1FE80] =	vst v5;
	v5 =	vimm.s32 $0xC;
	v25 =	vand.u32 $0x60, v25  }
0xe2: {  	v42 =	vor.u32 v60, v31;
	v34 =	vperm.xlane v25, v15;
	v5 =	vperm.xlane v25, v5  }
0xe3: {  	v6 =	vperm.xlane v25, v6;
	v31 =	vperm.xlane v25, v3;
	v3 =	vimm.s32 $0x6  }
0xe4: {  	v60 =	vperm.xlane v25, v3;
	v3 =	vimm.s32 $0x7;
	v37 =	vadd.s32 v2, v34  }
0xe5: {  	v34 =	vadd.s32 v4, v34;
	v48 =	vadd.s32 v2, v5;
	v49 =	vadd.s32 v4, v5  }
0xe6: {  	v22 =	vadd.s32 v2, v6;
	v6 =	vadd.s32 v4, v6;
	v1 =	vand.u32 $0xFFFFFFF8, v37  }
0xe7: {  	v21 =	vand.u32 $0xFFFFFFF8, v34;
	v5 =	vand.u32 $0xFFFFFFF8, v48;
	v8 =	vand.u32 $0xFFFFFFF8, v49  }
0xe8: {  	v7 =	vand.u32 $0xFFFFFFF8, v6;
	v34 =	vand.u32 $0x7, v34;
	v49 =	vand.u32 $0x7, v49  }
0xe9: {  	v6 =	vand.u32 $0x7, v6;
	v1 =	vadd.s32 s11, v1;
	v15 =	vadd.s32 s11, v21  }
0xea: {  	v24 =	vadd.s32 s10, v5;
	v8 =	vadd.s32 s10, v8;
	v5 =	vand.u32 $0xFFFFFFF8, v22;
	v21 =	vld [tilespmem:$0x1FE40]  }
0xeb: {  	v7 =	vadd.s32 s9, v7;
	v22 =	vand.u32 $0x7, v22;
	v10 =	vadd.s32 s9, v5  }
0xec: {  	v5 =	vadd.s32 s24, v35;
	v35 =	vadd.s32 s25, v33;
	v15 =	vor.u32 v34, v15  }
0xed: {  	v33 =	vor.u32 v20, v32;
	v20 =	vperm.xlane v25, v3;
	v3 =	vimm.s32 $0x4  }
0xee: {  	v38 =	vld.idx.msk [tilespmem:v38+s28+$0x0], $0xffff;
	v34 =	vadd.s32 v2, v60;
	v6 =	vor.u32 v6, v7;
	v61 =	vperm.xlane v25, v3  }
0xef: {  	v3 =	vimm.s32 $0x5;
	v10 =	vor.u32 v22, v10;
	v23 =	vor.u32 v21, v23;
	v21 =	vld [tilespmem:$0x1FE50]  }
0xf0: {  	v43 =	vld.idx.msk [tilespmem:v43+s28+$0x0], $0xffff;
	v49 =	vor.u32 v49, v8;
	v62 =	vperm.xlane v25, v3;
	v3 =	vimm.s32 $0x2  }
0xf1: {  	v19 =	vor.u32 v19, v5;
	v63 =	vperm.xlane v25, v3;
	v3 =	vimm.s32 $0x3;
	v15 =	vld.idx.msk [tilespmem:v15+s30+$0x0], $0xffff  }
0xf2: {  	v44 =	vld.idx.msk [tilespmem:v44+s28+$0x0], $0xffff;
	v30 =	vor.u32 v50, v35;
	v35 =	vperm.xlane v25, v3;
	v3 =	vimm.s32 $0x0  }
0xf3: {  	v32 =	vadd.s32 v2, v20;
	v50 =	vperm.xlane v25, v3;
	v3 =	vimm.s32 $0x1;
	v6 =	vld.idx.msk [tilespmem:v6+s30+$0x0], $0xffff  }
0xf4: {  	v10 =	vld.idx.msk [tilespmem:v10+s30+$0x0], $0xffff;
	v52 =	vor.u32 v21, v9;
	v9 =	vimm.s32 $0xF;
	v21 =	vor.u32 v51, v0  }
0xf5: {  	v51 =	vld.idx.msk [tilespmem:v36+s28+$0x0], $0xffff;
	v0 =	vadd.s32 v4, v31;
	v36 =	vand.u32 $0x7, v48;
	v48 =	vadd.s32 v4, v60  }
0xf6: {  	v60 =	vadd.s32 v4, v62;
	v11 =	vperm.xlane v25, v9;
	v15 =	vmul.f32 v15, v38;
	v38 =	vld.idx.msk [tilespmem:v49+s30+$0x0], $0xffff  }
0xf7: {  	v9 =	vimm.s32 $0xD;
	v24 =	vor.u32 v36, v24;
	v36 =	vadd.s32 v4, v61;
	v49 =	vld.idx.msk [tilespmem:v54+s28+$0x0], $0xffff  }
0xf8: {  	v7 =	vand.u32 $0xFFFFFFF8, v0;
	v0 =	vand.u32 $0x7, v0;
	v54 =	vld.idx.msk [tilespmem:v55+s28+$0x0], $0xffff;
	v55 =	vand.u32 $0x7, v48  }
0xf9: {  	v6 =	vmul.f32 v6, v44;
	v27 =	vperm.xlane v25, v9;
	v9 =	vimm.s32 $0xA  }
0xfa: {  	v7 =	vadd.s32 s15, v7;
	v10 =	vmul.f32 v10, v43;
	v43 =	vand.u32 $0xFFFFFFF8, v60  }
0xfb: {  	v60 =	vand.u32 $0x7, v60;
	v29 =	vperm.xlane v25, v9;
	v9 =	vimm.s32 $0x8  }
0xfc: {  	v26 =	vadd.s32 v2, v11;
	v14 =	vadd.s32 v4, v11;
	v0 =	vor.u32 v0, v7  }
0xfd: {  	v7 =	vadd.s32 v2, v35;
	v43 =	vadd.s32 s12, v43;
	v59 =	vperm.xlane v25, v9  }
0xfe: {  	v25 =	vperm.xlane v25, v3;
	v11 =	vadd.s32 v2, v27;
	v9 =	vadd.s32 v4, v27  }
0xff: {  	v12 =	vld.idx.msk [tilespmem:v12+s28+$0x0], $0xffff;
	v27 =	vadd.s32 v2, v31;
	v31 =	vadd.s32 v4, v20;
	v43 =	vor.u32 v60, v43  }
0x100: {  	v40 =	vld.idx.msk [tilespmem:v40+s28+$0x0], $0xffff;
	v60 =	vand.u32 $0xFFFFFFF8, v7;
	v7 =	vand.u32 $0x7, v7;
	v6 =	vadd.f32 v6, v10  }
0x101: {  	v13 =	vld.idx.msk [tilespmem:v13+s28+$0x0], $0xffff;
	v3 =	vadd.s32 v2, v29;
	v5 =	vadd.s32 v4, v29;
	v22 =	vand.u32 $0x7, v27  }
0x102: {  	v41 =	vld.idx.msk [tilespmem:v41+s28+$0x0], $0xffff;
	v27 =	vand.u32 $0xFFFFFFF8, v27;
	v44 =	vand.u32 $0x7, v31;
	v31 =	vand.u32 $0xFFFFFFF8, v31  }
0x103: {  	v45 =	vld.idx.msk [tilespmem:v45+s28+$0x0], $0xffff;
	v29 =	vadd.s32 v2, v59;
	v20 =	vadd.s32 v4, v59;
	v59 =	vand.u32 $0x7, v37  }
0x104: {  	v46 =	vld.idx.msk [tilespmem:v46+s28+$0x0], $0xffff;
	v37 =	vadd.s32 v2, v61;
	v61 =	vadd.s32 v2, v63;
	v27 =	vadd.s32 s15, v27  }
0x105: {  	v8 =	vld.idx.msk [tilespmem:v39+s28+$0x0], $0xffff;
	v63 =	vadd.s32 v4, v63;
	v38 =	vmul.f32 v38, v40;
	v59 =	vor.u32 v59, v1  }
0x106: {  	v23 =	vld.idx.msk [tilespmem:v23+s28+$0x0], $0xffff;
	v1 =	vadd.s32 v2, v62;
	v22 =	vor.u32 v22, v27;
	v27 =	vand.u32 $0xFFFFFFF8, v29  }
0x107: {  	v52 =	vld.idx.msk [tilespmem:v52+s28+$0x0], $0xffff;
	v29 =	vand.u32 $0x7, v29;
	v62 =	vadd.s32 v2, v50;
	v27 =	vadd.s32 s14, v27  }
0x108: {  	v50 =	vadd.s32 v4, v50;
	v27 =	vor.u32 v29, v27;
	v29 =	vld.idx.msk [tilespmem:v17+s28+$0x0], $0xffff;
	v17 =	vand.u32 $0xFFFFFFF8, v20  }
0x109: {  	v24 =	vld.idx.msk [tilespmem:v24+s30+$0x0], $0xffff;
	v10 =	vand.u32 $0x7, v37;
	v20 =	vand.u32 $0x7, v20;
	v17 =	vadd.s32 s14, v17  }
0x10a: {  	v37 =	vand.u32 $0xFFFFFFF8, v37;
	v0 =	vld.idx.msk [tilespmem:v0+s30+$0x0], $0xffff;
	v17 =	vor.u32 v20, v17;
	v20 =	vand.u32 $0xFFFFFFF8, v34  }
0x10b: {  	v40 =	vand.u32 $0xFFFFFFF8, v1;
	v34 =	vand.u32 $0x7, v34;
	v20 =	vadd.s32 s13, v20;
	v22 =	vld.idx.msk [tilespmem:v22+s30+$0x0], $0xffff  }
0x10c: {  	v1 =	vand.u32 $0x7, v1;
	v39 =	vld.idx.msk [tilespmem:v59+s30+$0x0], $0xffff;
	v20 =	vor.u32 v34, v20;
	v34 =	vand.u32 $0xFFFFFFF8, v48  }
0x10d: {  	v37 =	vadd.s32 s20, v37;
	v40 =	vadd.s32 s12, v40;
	v48 =	vld.idx.msk [tilespmem:v56+s28+$0x0], $0xffff;
	v34 =	vadd.s32 s13, v34  }
0x10e: {  	v10 =	vor.u32 v10, v37;
	v1 =	vor.u32 v1, v40;
	v56 =	vld.idx.msk [tilespmem:v57+s28+$0x0], $0xffff;
	v34 =	vor.u32 v55, v34  }
0x10f: {  	v40 =	vand.u32 $0x7, v32;
	v24 =	vmul.f32 v24, v41;
	v59 =	vadd.s32 v4, v35;
	v27 =	vld.idx.msk [tilespmem:v27+s30+$0x0], $0xffff  }
0x110: {  	v57 =	vadd.s32 s23, v60;
	v17 =	vld.idx.msk [tilespmem:v17+s30+$0x0], $0xffff;
	v22 =	vmul.f32 v22, v45;
	v45 =	vand.u32 $0xFFFFFFF8, v59  }
0x111: {  	v16 =	vld.idx.msk [tilespmem:v16+s28+$0x0], $0xffff;
	v60 =	vand.u32 $0x7, v59;
	v7 =	vor.u32 v7, v57;
	v45 =	vadd.s32 s23, v45  }
0x112: {  	v41 =	vld.idx.msk [tilespmem:v58+s28+$0x0], $0xffff;
	v58 =	vand.u32 $0x7, v63;
	v24 =	vadd.f32 v38, v24;
	v45 =	vor.u32 v60, v45  }
0x113: {  	v0 =	vmul.f32 v0, v46;
	v46 =	vand.u32 $0x7, v61;
	v61 =	vand.u32 $0xFFFFFFF8, v61;
	v34 =	vld.idx.msk [tilespmem:v34+s30+$0x0], $0xffff  }
0x114: {  	v18 =	vld.idx.msk [tilespmem:v18+s28+$0x0], $0xffff;
	v35 =	vmul.f32 v39, v51;
	v51 =	vadd.s32 v2, v25;
	v25 =	vadd.s32 v4, v25  }
0x115: {  	v42 =	vld.idx.msk [tilespmem:v42+s28+$0x0], $0xffff;
	v59 =	vadd.s32 s22, v61;
	v23 =	vmul.f32 v27, v23;
	v17 =	vmul.f32 v17, v52  }
0x116: {  	v46 =	vor.u32 v46, v59;
	v59 =	vand.u32 $0x7, v50;
	v50 =	vand.u32 $0xFFFFFFF8, v50;
	v7 =	vld.idx.msk [tilespmem:v7+s30+$0x0], $0xffff  }
0x117: {  	v52 =	vand.u32 $0x7, v25;
	v25 =	vand.u32 $0xFFFFFFF8, v25;
	v17 =	vadd.f32 v17, v23;
	v23 =	vld.idx.msk [tilespmem:v45+s30+$0x0], $0xffff  }
0x118: {  	v19 =	vld.idx.msk [tilespmem:v19+s28+$0x0], $0xffff;
	v25 =	vadd.s32 s25, v25;
	v34 =	vmul.f32 v34, v54;
	v54 =	vand.u32 $0xFFFFFFF8, v51  }
0x119: {  	v30 =	vld.idx.msk [tilespmem:v30+s28+$0x0], $0xffff;
	v27 =	vand.u32 $0x7, v51;
	v25 =	vor.u32 v52, v25;
	v45 =	vadd.s32 s25, v54  }
0x11a: {  	v21 =	vld.idx.msk [tilespmem:v21+s28+$0x0], $0xffff;
	v38 =	vand.u32 $0x7, v5;
	v50 =	vadd.s32 s24, v50;
	v27 =	vor.u32 v27, v45  }
0x11b: {  	v5 =	vand.u32 $0xFFFFFFF8, v5;
	v20 =	vld.idx.msk [tilespmem:v20+s30+$0x0], $0xffff;
	v15 =	vadd.f32 v15, v35;
	v59 =	vor.u32 v59, v50  }
0x11c: {  	v43 =	vld.idx.msk [tilespmem:v43+s30+$0x0], $0xffff;
	v57 =	vand.u32 $0x7, v36;
	v7 =	vmul.f32 v7, v42;
	v12 =	vmul.f32 v23, v12  }
0x11d: {  	v36 =	vand.u32 $0xFFFFFFF8, v36;
	v1 =	vld.idx.msk [tilespmem:v1+s30+$0x0], $0xffff;
	v61 =	vand.u32 $0xFFFFFFF8, v62;
	v60 =	vand.u32 $0xFFFFFFF8, v63;
	(xrf2) =	vadd.scan.msk.f32 $0xffff, v15  }
0x11e: {  	v0 =	vadd.f32 v0, v22;
	v60 =	vadd.s32 s22, v60;
	(xrf2) =	vadd.scan.msk.f32 $0xffff, v24;
	v7 =	vadd.f32 v12, v7;
	v12 =	vld.idx.msk [tilespmem:v25+s30+$0x0], $0xffff  }
0x11f: {  	v22 =	vand.u32 $0x7, v62;
	v58 =	vor.u32 v58, v60;
	v60 =	vadd.s32 s24, v61;
	(xrf2) =	vadd.scan.msk.f32 $0xffff, v6;
	v6 =	vld.idx.msk [tilespmem:v27+s30+$0x0], $0xffff  }
0x120: {  	v5 =	vadd.s32 s8, v5;
	v22 =	vor.u32 v22, v60;
	v20 =	vmul.f32 v20, v49;
	v15 =	vld.idx.msk [tilespmem:v59+s30+$0x0], $0xffff  }
0x121: {  	v33 =	vld.idx.msk [tilespmem:v33+s28+$0x0], $0xffff;
	v55 =	vand.u32 $0x7, v3;
	v36 =	vadd.s32 s20, v36;
	v5 =	vor.u32 v38, v5  }
0x122: {  	v3 =	vand.u32 $0xFFFFFFF8, v3;
	v43 =	vmul.f32 v43, v56;
	v46 =	vld.idx.msk [tilespmem:v46+s30+$0x0], $0xffff;
	(xrf2) =	vadd.scan.msk.f32 $0xffff, v0;
	v20 =	vadd.f32 v34, v20  }
0x123: {  	v1 =	vmul.f32 v1, v48;
	v24 =	vor.u32 v57, v36;
	v0 =	vld.idx.msk [tilespmem:v28+s28+$0x0], $0xffff;
	(xrf2) =	vadd.scan.msk.f32 $0xffff, v17;
	v23 =	vand.u32 $0xFFFFFFF8, v32  }
0x124: {  	v60 =	vld.idx.msk [tilespmem:v58+s30+$0x0], $0xffff;
	(xrf2) =	vadd.scan.msk.f32 $0xffff, v20;
	v20 =	vand.u32 $0x7, v26;
	v12 =	vmul.f32 v12, v21;
	v6 =	vmul.f32 v6, v30  }
0x125: {  	v22 =	vld.idx.msk [tilespmem:v22+s30+$0x0], $0xffff;
	v23 =	vadd.s32 s17, v23;
	v15 =	vmul.f32 v15, v19;
	v19 =	vand.u32 $0xFFFFFFF8, v26  }
0x126: {  	v23 =	vor.u32 v40, v23;
	v6 =	vadd.f32 v12, v6;
	v12 =	vadd.s32 s0, v19;
	v19 =	vld [tilespmem:$0x1FE60]  }
0x127: {  	v3 =	vadd.s32 s8, v3;
	v27 =	vadd.s32 s17, v31;
	v12 =	vor.u32 v20, v12;
	v20 =	vld [tilespmem:$0x1FE70]  }
0x128: {  	v39 =	vand.u32 $0x7, v9;
	v1 =	vadd.f32 v43, v1;
	v17 =	vld.idx.msk [tilespmem:v24+s30+$0x0], $0xffff;
	v25 =	vor.u32 v44, v27  }
0x129: {  	v10 =	vld.idx.msk [tilespmem:v10+s30+$0x0], $0xffff;
	v3 =	vor.u32 v55, v3;
	v13 =	vmul.f32 v46, v13;
	v16 =	vmul.f32 v60, v16  }
0x12a: {  	v9 =	vand.u32 $0xFFFFFFF8, v9;
	v35 =	vand.u32 $0x7, v11;
	v11 =	vand.u32 $0xFFFFFFF8, v11;
	(xrf2) =	vadd.scan.msk.f32 $0xffff, v1;
	v1 =	vld.idx.msk [tilespmem:v53+s28+$0x0], $0xffff  }
0x12b: {  	v11 =	vadd.s32 s7, v11;
	v13 =	vadd.f32 v16, v13;
	v16 =	vmul.f32 v22, v33;
	(xrf2) =	vadd.scan.msk.f32 $0xffff, v7;
	v7 =	vld.idx.msk [tilespmem:v23+s30+$0x0], $0xffff  }
0x12c: {  	v9 =	vadd.s32 s7, v9;
	v11 =	vor.u32 v35, v11;
	v19 =	vor.u32 v19, v20;
	v20 =	vld [tilespmem:$0x1FE80]  }
0x12d: {  	v0 =	vmul.f32 v17, v0;
	v17 =	vand.u32 $0xFFFFFFF8, v14;
	v15 =	vadd.f32 v15, v16;
	v16 =	vld.idx.msk [tilespmem:v25+s30+$0x0], $0xffff  }
0x12e: {  	v9 =	vor.u32 v39, v9;
	v5 =	vld.idx.msk [tilespmem:v5+s30+$0x0], $0xffff;
	v14 =	vand.u32 $0x7, v14;
	v17 =	vadd.s32 s0, v17  }
0x12f: {  	v10 =	vmul.f32 v10, v41;
	v14 =	vor.u32 v14, v17;
	v17 =	vld [tilespmem:$0x1FE90];
	(xrf2) =	vadd.scan.msk.f32 $0xffff, v13  }
0x130: {  	v13 =	vld.idx.msk [tilespmem:v47+s28+$0x0], $0xffff;
	(xrf2) =	vadd.scan.msk.f32 $0xffff, v15  }
0x131: {  	v3 =	vld.idx.msk [tilespmem:v3+s30+$0x0], $0xffff;
	v0 =	vadd.f32 v0, v10;
	v15, _, _ =	vpop (xrf2);
	(xrf2) =	vadd.scan.msk.f32 $0xffff, v6  }
0x132: {  	v11 =	vld.idx.msk [tilespmem:v11+s30+$0x0], $0xffff;
	v7 =	vmul.f32 v7, v29;
	v6, _, _ =	vpop (xrf2);
	v1 =	vmul.f32 v16, v1  }
0x133: {  	v9 =	vld.idx.msk [tilespmem:v9+s30+$0x0], $0xffff;
	v10, _, _ =	vpop (xrf2)  }
0x134: {  	v16, _, _ =	vpop (xrf2);
	v1 =	vadd.f32 v1, v7;
	v20 =	vld.idx.msk [tilespmem:v20+s28+$0x0], $0xffff  }
0x135: {  	v5 =	vmul.f32 v5, v13;
	(xrf2) =	vadd.scan.msk.f32 $0xffff, v0;
	v0, _, _ =	vpop (xrf2)  }
0x136: {  	v7, _, _ =	vpop (xrf2)  }
0x137: {  	v3 =	vmul.f32 v3, v8;
	v11 =	vmul.f32 v11, v18;
	v8, _, _ =	vpop (xrf2)  }
0x138: {  	v17 =	vld.idx.msk [tilespmem:v17+s28+$0x0], $0xffff;
	(xrf2) =	vadd.scan.msk.f32 $0xffff, v1;
	v1, _, _ =	vpop (xrf2)  }
0x139: {  	v3 =	vadd.f32 v5, v3;
	v12 =	vld.idx.msk [tilespmem:v12+s30+$0x0], $0xffff;
	v5, _, _ =	vpop (xrf2);
	v9 =	vmul.f32 v9, v20  }
0x13a: {  	v18, _, _ =	vpop (xrf2)  }
0x13b: {  	(xrf2) =	vadd.scan.msk.f32 $0xffff, v3;
	v3 =	vadd.f32 v9, v11;
	v11, _, _ =	vpop (xrf2)  }
0x13c: {  	v14 =	vld.idx.msk [tilespmem:v14+s30+$0x0], $0xffff;
	v11 =	vbroadcast v11, $0xF  }
0x13d: {  	v13 =	vld.idx.msk [tilespmem:v19+s28+$0x0], $0xffff  }
0x13e: {  	v9 =	vmul.f32 v12, v17;
	v12 =	vbroadcast v18, $0xF  }
0x13f: {  	v5 =	vbroadcast v5, $0xF  }
0x140: {  	v1 =	vbroadcast v1, $0xF;
	(xrf2) =	vadd.scan.msk.f32 $0xffff, v3;
	v3 =	vsel vm0, v12, v11;
	v11, _, _ =	vpop (xrf2)  }
0x141: {  	v3 =	vsel vm1, v3, v5;
	v5 =	vbroadcast v11, $0xF  }
0x142: {  	v13 =	vmul.f32 v14, v13;
	v1 =	vsel vm2, v3, v1  }
0x143: {  	v3 =	vbroadcast v8, $0xF;
	v1 =	vsel vm3, v1, v5;
	v5 =	vbroadcast v7, $0xF  }
0x144: {  	v9 =	vadd.f32 v13, v9;
	v7, _, _ =	vpop (xrf2)  }
0x145: {  	v1 =	vsel vm4, v1, v3;
	v3 =	vbroadcast v7, $0xF  }
0x146: {  	v0 =	vbroadcast v0, $0xF;
	(xrf2) =	vadd.scan.msk.f32 $0xffff, v9;
	v1 =	vsel vm5, v1, v5  }
0x147: {  	v1 =	vsel vm6, v1, v3;
	v3 =	vbroadcast v16, $0xF;
	v5, _, _ =	vpop (xrf2)  }
0x148: {  	v0 =	vsel vm7, v1, v0;
	v1 =	vbroadcast v5, $0xF  }
0x149: {  	v0 =	vsel vm8, v0, v3;
	v3 =	vbroadcast v10, $0xF  }
0x14a: {  	v0 =	vsel vm9, v0, v1;
	v1 =	vbroadcast v6, $0xF  }
0x14b: {  	v0 =	vsel vm10, v0, v3  }
0x14c: {  	v5, _, _ =	vpop (xrf2);
	v0 =	vsel vm11, v0, v1;
	v1 =	vbroadcast v15, $0xF  }
0x14d: {  	v3 =	vbroadcast v5, $0xF;
	_ =	sdelay $0x1  }
0x14e: {  	v0 =	vsel vm12, v0, v3  }
0x14f: {  	v0 =	vsel vm13, v0, v1;
	v1, _, _ =	vpop (xrf2)  }
0x150: {  	v0 =	vsel vm14, v0, v1  }
0x151: {  	s22 =	simm.s32 $0x10;
	[tilespmem:s16+$0x0] =	vst v0  }
0x152: {  	v0 =	vld [tilespmem:s22+$0x0];
	_ =	sdelay $0x3  }
0x153: {  	v14 =	vimm.s32 $0x5;
	v17 =	vimm.s32 $0x0;
	v13 =	vimm.s32 $0x4  }
0x154: {  	v8 =	vimm.s32 $0xB;
	v11 =	vimm.s32 $0x6;
	v0 =	vshll.u32 v0, $0x5  }
0x155: {  	v7 =	vimm.s32 $0xA;
	v1 =	vimm.s32 $0xE;
	v0 =	vand.u32 $0x60, v0  }
0x156: {  	v5 =	vimm.s32 $0xC;
	v3 =	vimm.s32 $0xF;
	v1 =	vperm.xlane v0, v1  }
0x157: {  	v6 =	vimm.s32 $0xD;
	v3 =	vperm.xlane v0, v3;
	v5 =	vperm.xlane v0, v5  }
0x158: {  	v9 =	vimm.s32 $0x8;
	v6 =	vperm.xlane v0, v6;
	v7 =	vperm.xlane v0, v7  }
0x159: {  	v10 =	vimm.s32 $0x9;
	v8 =	vperm.xlane v0, v8;
	v9 =	vperm.xlane v0, v9  }
0x15a: {  	v12 =	vimm.s32 $0x7;
	v10 =	vperm.xlane v0, v10;
	v11 =	vperm.xlane v0, v11  }
0x15b: {  	v15 =	vimm.s32 $0x2;
	v12 =	vperm.xlane v0, v12;
	v13 =	vperm.xlane v0, v13  }
0x15c: {  	v16 =	vimm.s32 $0x3;
	v14 =	vperm.xlane v0, v14;
	v15 =	vperm.xlane v0, v15  }
0x15d: {  	v18 =	vimm.s32 $0x1;
	v16 =	vperm.xlane v0, v16;
	v17 =	vperm.xlane v0, v17  }
0x15e: {  	v0 =	vperm.xlane v0, v18;
	v18 =	vadd.s32 v2, v1;
	v19 =	vadd.s32 v2, v3  }
0x15f: {  	v3 =	vadd.s32 v4, v3;
	v20 =	vadd.s32 v2, v6;
	v6 =	vadd.s32 v4, v6  }
0x160: {  	v1 =	vadd.s32 v4, v1;
	v21 =	vadd.s32 v2, v8;
	v22 =	vadd.s32 v2, v5  }
0x161: {  	v5 =	vadd.s32 v4, v5;
	v23 =	vadd.s32 v2, v7;
	v7 =	vadd.s32 v4, v7  }
0x162: {  	v8 =	vadd.s32 v4, v8;
	v24 =	vadd.s32 v2, v9;
	v25 =	vadd.s32 v2, v10  }
0x163: {  	v10 =	vadd.s32 v4, v10;
	v26 =	vadd.s32 v2, v12;
	v12 =	vadd.s32 v4, v12  }
0x164: {  	v9 =	vadd.s32 v4, v9;
	v27 =	vadd.s32 v2, v14;
	v28 =	vadd.s32 v2, v11  }
0x165: {  	v11 =	vadd.s32 v4, v11;
	v29 =	vadd.s32 v2, v13;
	v13 =	vadd.s32 v4, v13  }
0x166: {  	v14 =	vadd.s32 v4, v14;
	v30 =	vadd.s32 v2, v15;
	v31 =	vadd.s32 v2, v16  }
0x167: {  	v16 =	vadd.s32 v4, v16;
	v32 =	vadd.s32 v2, v17;
	v17 =	vadd.s32 v4, v17  }
0x168: {  	v15 =	vadd.s32 v4, v15;
	v33 =	vadd.s32 v2, v0;
	v34 =	vadd.s32 v4, v0  }
0x169: {  	v35 =	vand.u32 $0x7, v19;
	v19 =	vand.u32 $0xFFFFFFF8, v19;
	v36 =	vand.u32 $0xFFFFFFF8, v3  }
0x16a: {  	v0 =	vand.u32 $0x7, v3;
	v37 =	vand.u32 $0x7, v20;
	v38 =	vand.u32 $0x7, v18  }
0x16b: {  	v39 =	vand.u32 $0x7, v1;
	v40 =	vand.u32 $0x7, v6;
	v18 =	vand.u32 $0xFFFFFFF8, v18  }
0x16c: {  	v41 =	vand.u32 $0xFFFFFFF8, v1;
	v42 =	vand.u32 $0x7, v22;
	v43 =	vand.u32 $0x7, v5  }
0x16d: {  	v20 =	vand.u32 $0xFFFFFFF8, v20;
	v44 =	vand.u32 $0x7, v21;
	v45 =	vand.u32 $0x7, v8  }
0x16e: {  	v46 =	vand.u32 $0xFFFFFFF8, v6;
	v47 =	vand.u32 $0x7, v23;
	v22 =	vand.u32 $0xFFFFFFF8, v22  }
0x16f: {  	v48 =	vand.u32 $0xFFFFFFF8, v5;
	v49 =	vand.u32 $0x7, v7;
	v21 =	vand.u32 $0xFFFFFFF8, v21  }
0x170: {  	v8 =	vand.u32 $0xFFFFFFF8, v8;
	v50 =	vand.u32 $0x7, v25;
	v51 =	vand.u32 $0x7, v10  }
0x171: {  	v52 =	vand.u32 $0xFFFFFFF8, v23;
	v53 =	vand.u32 $0x7, v24;
	v54 =	vand.u32 $0x7, v9  }
0x172: {  	v55 =	vand.u32 $0xFFFFFFF8, v7;
	v56 =	vand.u32 $0x7, v26;
	v57 =	vand.u32 $0xFFFFFFF8, v25  }
0x173: {  	v10 =	vand.u32 $0xFFFFFFF8, v10;
	v58 =	vand.u32 $0x7, v12;
	v24 =	vand.u32 $0xFFFFFFF8, v24  }
0x174: {  	v9 =	vand.u32 $0xFFFFFFF8, v9;
	v59 =	vand.u32 $0x7, v28;
	v60 =	vand.u32 $0x7, v11  }
0x175: {  	v61 =	vand.u32 $0xFFFFFFF8, v26;
	v62 =	vand.u32 $0x7, v27;
	v63 =	vand.u32 $0x7, v14  }
0x176: {  	v12 =	vand.u32 $0xFFFFFFF8, v12;
	v28 =	vand.u32 $0xFFFFFFF8, v28;
	v11 =	vand.u32 $0xFFFFFFF8, v11  }
0x177: {  	v27 =	vand.u32 $0xFFFFFFF8, v27;
	v14 =	vand.u32 $0xFFFFFFF8, v14;
	v1 =	vand.u32 $0x7, v31  }
0x178: {  	v23 =	vand.u32 $0x7, v30;
	v25 =	vand.u32 $0x7, v32;
	v31 =	vand.u32 $0xFFFFFFF8, v31  }
0x179: {  	v3 =	vand.u32 $0x7, v33;
	v32 =	vand.u32 $0xFFFFFFF8, v32;
	v30 =	vand.u32 $0xFFFFFFF8, v30  }
0x17a: {  	s0 =	simm.s32 $0xF80;
	v33 =	vand.u32 $0xFFFFFFF8, v33;
	[tilespmem:$0x1FEA0] =	vst v0;
	v0 =	vand.u32 $0x7, v29;
	v29 =	vand.u32 $0xFFFFFFF8, v29  }
0x17b: {  	s14 =	simm.s32 $0xD80;
	s13 =	simm.s32 $0xF00;
	s25 =	simm.s32 $0xE80;
	[tilespmem:$0x1FF60] =	vst v3;
	v3 =	vand.u32 $0x7, v34;
	v19 =	vadd.s32 s0, v19;
	v34 =	vand.u32 $0xFFFFFFF8, v34  }
0x17c: {  	s15 =	simm.s32 $0xE00;
	s16 =	simm.s32 $0xC00;
	v18 =	vadd.s32 s13, v18;
	v20 =	vadd.s32 s25, v20;
	v21 =	vadd.s32 s14, v21  }
0x17d: {  	s9 =	simm.s32 $0xB80;
	s17 =	simm.s32 $0xC80;
	v22 =	vadd.s32 s15, v22;
	v8 =	vadd.s32 s14, v8;
	v24 =	vadd.s32 s16, v24  }
0x17e: {  	s20 =	simm.s32 $0xA80;
	s24 =	simm.s32 $0xB00;
	v10 =	vadd.s32 s17, v10;
	v12 =	vadd.s32 s9, v12;
	v9 =	vadd.s32 s16, v9  }
0x17f: {  	s11 =	simm.s32 $0x880;
	s12 =	simm.s32 $0x800;
	v27 =	vadd.s32 s20, v27;
	v28 =	vadd.s32 s24, v28;
	v11 =	vadd.s32 s24, v11  }
0x180: {  	s23 =	simm.s32 $0x210;
	v14 =	vadd.s32 s20, v14;
	v32 =	vadd.s32 s12, v32;
	v33 =	vadd.s32 s11, v33;
	[tilespmem:$0x1FEF0] =	vst v0  }
0x181: {  	s8 =	simm.s32 $0xD00;
	v0 =	vand.u32 $0x7, v13;
	v13 =	vand.u32 $0xFFFFFFF8, v13;
	[tilespmem:$0x1FF70] =	vst v3;
	v3 =	vor.u32 v35, v19;
	v19 =	vld [tilespmem:s23+$0x0]  }
0x182: {  	s10 =	simm.s32 $0xA00;
	v35 =	vadd.s32 s25, v46;
	v46 =	vadd.s32 s8, v52;
	v52 =	vadd.s32 s17, v57  }
0x183: {  	v20 =	vor.u32 v37, v20;
	v29 =	vadd.s32 s10, v29;
	v21 =	vor.u32 v44, v21  }
0x184: {  	[tilespmem:$0x1FEB0] =	vst v3;
	v3 =	vadd.s32 s0, v36;
	v36 =	vadd.s32 s13, v41;
	v41 =	vadd.s32 s15, v48  }
0x185: {  	v8 =	vor.u32 v45, v8;
	v48 =	vadd.s32 s8, v55;
	v43 =	vor.u32 v43, v41  }
0x186: {  	[tilespmem:$0x1FEC0] =	vst v3;
	v41 =	vor.u32 v58, v12;
	v12 =	vor.u32 v63, v14;
	v19 =	vshll.u32 v19, $0x5  }
0x187: {  	v3 =	vimm.s32 $0xE;
	v5 =	vor.u32 v49, v48;
	[tilespmem:$0x1FF90] =	vst v12;
	v12 =	vld [tilespmem:$0x1FEF0];
	v19 =	vand.u32 $0x60, v19  }
0x188: {  	v55 =	vadd.s32 s9, v61;
	[tilespmem:$0x1FEE0] =	vst v5;
	v61 =	vperm.xlane v19, v3;
	v3 =	vor.u32 v40, v35  }
0x189: {  	v10 =	vor.u32 v51, v10;
	v5 =	vimm.s32 $0xC;
	[tilespmem:$0x1FED0] =	vst v3;
	v3 =	vor.u32 v56, v55  }
0x18a: {  	v6 =	vor.u32 v47, v46;
	v55 =	vperm.xlane v19, v5;
	[tilespmem:$0x1FF80] =	vst v3;
	v3 =	vimm.s32 $0xB  }
0x18b: {  	v44 =	vor.u32 v50, v52;
	v52 =	vperm.xlane v19, v3;
	v3 =	vimm.s32 $0x9  }
0x18c: {  	v12 =	vor.u32 v12, v29;
	v49 =	vadd.s32 v4, v55;
	v56 =	vperm.xlane v19, v3  }
0x18d: {  	[tilespmem:$0x1FF00] =	vst v0;
	v3 =	vadd.s32 v2, v55;
	v45 =	vadd.s32 v2, v52;
	v50 =	vadd.s32 v4, v52  }
0x18e: {  	[tilespmem:$0x1FFA0] =	vst v12;
	v12 =	vld [tilespmem:$0x1FF00];
	v51 =	vadd.s32 v2, v56;
	v46 =	vand.u32 $0xFFFFFFF8, v45;
	v47 =	vand.u32 $0xFFFFFFF8, v50  }
0x18f: {  	v52 =	vadd.s32 v4, v56;
	v55 =	vadd.s32 s14, v46;
	v56 =	vadd.s32 s14, v47;
	s14 =	simm.s32 $0x980  }
0x190: {  	v18 =	vor.u32 v38, v18;
	v0 =	vand.u32 $0x7, v16;
	v31 =	vadd.s32 s14, v31  }
0x191: {  	v22 =	vor.u32 v42, v22;
	v24 =	vor.u32 v53, v24;
	[tilespmem:$0x1FF10] =	vst v0;
	v1 =	vor.u32 v1, v31  }
0x192: {  	v9 =	vor.u32 v54, v9;
	v13 =	vadd.s32 s10, v13;
	[tilespmem:$0x1FFB0] =	vst v1;
	v1 =	vimm.s32 $0xF  }
0x193: {  	v7 =	vor.u32 v59, v28;
	v35 =	vor.u32 v12, v13;
	v13 =	vperm.xlane v19, v1;
	v1 =	vld [tilespmem:$0x1FF10]  }
0x194: {  	v36 =	vor.u32 v39, v36;
	v39 =	vadd.s32 v2, v61;
	v37 =	vadd.s32 v4, v61  }
0x195: {  	v0 =	vand.u32 $0x7, v15;
	v57 =	vand.u32 $0xFFFFFFF8, v39;
	v61 =	vand.u32 $0xFFFFFFF8, v37  }
0x196: {  	[tilespmem:$0x1FF20] =	vst v0;
	v0 =	vand.u32 $0xFFFFFFF8, v16;
	v57 =	vadd.s32 s13, v57;
	v61 =	vadd.s32 s13, v61;
	s13 =	simm.s32 $0x900  }
0x197: {  	v11 =	vor.u32 v60, v11;
	v30 =	vadd.s32 s13, v30;
	v0 =	vadd.s32 s14, v0  }
0x198: {  	v28 =	vimm.s32 $0x8;
	v0 =	vor.u32 v1, v0;
	v1 =	vor.u32 v23, v30  }
0x199: {  	v34 =	vadd.s32 s11, v34;
	v15 =	vand.u32 $0xFFFFFFF8, v15;
	[tilespmem:$0x1FFE0] =	vst v1;
	v1 =	vimm.s32 $0xA  }
0x19a: {  	v16 =	vand.u32 $0x7, v17;
	v17 =	vand.u32 $0xFFFFFFF8, v17;
	v23 =	vperm.xlane v19, v1;
	v1 =	vld [tilespmem:$0x1FF20]  }
0x19b: {  	v17 =	vadd.s32 s12, v17;
	v29 =	vand.u32 $0x7, v37;
	v38 =	vand.u32 $0xFFFFFFF8, v49  }
0x19c: {  	v59 =	vand.u32 $0xFFFFFFF8, v3;
	v54 =	vadd.s32 s15, v38;
	v15 =	vadd.s32 s13, v15  }
0x19d: {  	v37 =	vor.u32 v29, v61;
	v53 =	vadd.s32 s15, v59;
	v48 =	vand.u32 $0xFFFFFFF8, v51  }
0x19e: {  	v38 =	vand.u32 $0xFFFFFFF8, v52;
	v46 =	vperm.xlane v19, v28;
	v28 =	vor.u32 v62, v27  }
0x19f: {  	v26 =	vadd.s32 s17, v48;
	v5 =	vadd.s32 s17, v38;
	v1 =	vor.u32 v1, v15  }
0x1a0: {  	v27 =	vadd.s32 v2, v46;
	v58 =	vadd.s32 v4, v46;
	[tilespmem:$0x1FF30] =	vst v1;
	v1 =	vor.u32 v25, v32  }
0x1a1: {  	v46 =	vld.idx.msk [tilespmem:v20+s28+$0x0], $0xffff;
	v20 =	vand.u32 $0x7, v39;
	v47 =	vand.u32 $0xFFFFFFF8, v27;
	[tilespmem:$0x1FF40] =	vst v1;
	v1 =	vimm.s32 $0x6  }
0x1a2: {  	v48 =	vand.u32 $0xFFFFFFF8, v58;
	v15 =	vperm.xlane v19, v1;
	v1 =	vimm.s32 $0x7  }
0x1a3: {  	v12 =	vld [tilespmem:$0x1FF70];
	v20 =	vor.u32 v20, v57;
	[tilespmem:$0x1FFD0] =	vst v0;
	v59 =	vperm.xlane v19, v1;
	v1 =	vor.u32 v16, v17  }
0x1a4: {  	v27 =	vand.u32 $0x7, v27;
	v0 =	vimm.s32 $0xD;
	[tilespmem:$0x1FF50] =	vst v1;
	v1 =	vimm.s32 $0x4  }
0x1a5: {  	v0 =	vperm.xlane v19, v0;
	v17 =	vperm.xlane v19, v1;
	v1 =	vimm.s32 $0x5  }
0x1a6: {  	v62 =	vadd.s32 s16, v47;
	v63 =	vadd.s32 s16, v48;
	v60 =	vperm.xlane v19, v1;
	v1 =	vld [tilespmem:$0x1FF60]  }
0x1a7: {  	v30 =	vadd.s32 v4, v13;
	v48 =	vadd.s32 v2, v0;
	v38 =	vadd.s32 v4, v0  }
0x1a8: {  	v0 =	vand.u32 $0x7, v3;
	v25 =	vor.u32 v12, v34;
	v12 =	vimm.s32 $0x0  }
0x1a9: {  	v39 =	vadd.s32 v4, v23;
	v32 =	vadd.s32 v2, v23;
	v34 =	vperm.xlane v19, v12  }
0x1aa: {  	v14 =	vld.idx.msk [tilespmem:v8+s28+$0x0], $0xffff;
	v12 =	vimm.s32 $0x1;
	v8 =	vadd.s32 v2, v15;
	v42 =	vadd.s32 v2, v59  }
0x1ab: {  	v29 =	vld.idx.msk [tilespmem:v6+s28+$0x0], $0xffff;
	v6 =	vadd.s32 v4, v59;
	v31 =	vadd.s32 v2, v60;
	v40 =	vor.u32 v1, v33  }
0x1ac: {  	v1 =	vimm.s32 $0x2;
	v33 =	vadd.s32 v2, v13;
	v13 =	vld.idx.msk [tilespmem:v43+s28+$0x0], $0xffff;
	v43 =	vor.u32 v0, v53  }
0x1ad: {  	v0 =	vand.u32 $0x7, v49;
	v53 =	vadd.s32 v2, v34;
	v16 =	vperm.xlane v19, v1  }
0x1ae: {  	v1 =	vimm.s32 $0x3;
	v23 =	vor.u32 v0, v54;
	v0 =	vand.u32 $0x7, v45  }
0x1af: {  	v59 =	vld.idx.msk [tilespmem:v44+s28+$0x0], $0xffff;
	v54 =	vand.u32 $0x7, v50;
	v45 =	vadd.s32 v2, v17;
	v1 =	vperm.xlane v19, v1  }
0x1b0: {  	v19 =	vperm.xlane v19, v12;
	v44 =	vor.u32 v0, v55;
	v0 =	vld.idx.msk [tilespmem:v10+s28+$0x0], $0xffff;
	v10 =	vand.u32 $0x7, v51  }
0x1b1: {  	v3 =	vor.u32 v54, v56;
	v12 =	vor.u32 v10, v26;
	v54 =	vadd.s32 v2, v16  }
0x1b2: {  	v10 =	vor.u32 v27, v62;
	v62 =	vadd.s32 v2, v1;
	v49 =	vadd.s32 v2, v19;
	v2 =	vld [tilespmem:$0x1FF80]  }
0x1b3: {  	v18 =	vld.idx.msk [tilespmem:v18+s28+$0x0], $0xffff  }
0x1b4: {  	v22 =	vld.idx.msk [tilespmem:v22+s28+$0x0], $0xffff  }
0x1b5: {  	v36 =	vld.idx.msk [tilespmem:v36+s28+$0x0], $0xffff  }
0x1b6: {  	v47 =	vld.idx.msk [tilespmem:v24+s28+$0x0], $0xffff  }
0x1b7: {  	v20 =	vld.idx.msk [tilespmem:v20+s30+$0x0], $0xffff  }
0x1b8: {  	v26 =	vadd.s32 v4, v17;
	v17 =	vld.idx.msk [tilespmem:v37+s30+$0x0], $0xffff  }
0x1b9: {  	v56 =	vmov v6;
	v6 =	vadd.s32 v4, v1;
	v1 =	vld.idx.msk [tilespmem:v43+s30+$0x0], $0xffff  }
0x1ba: {  	v61 =	vand.u32 $0x7, v52;
	v52 =	vadd.s32 v4, v34;
	v34 =	vld.idx.msk [tilespmem:v2+s28+$0x0], $0xffff  }
0x1bb: {  	v2 =	vld [tilespmem:$0x1FFA0]  }
0x1bc: {  	v24 =	vor.u32 v61, v5;
	v5 =	vmul.f32 v20, v18;
	v15 =	vadd.s32 v4, v15;
	v18 =	vld.idx.msk [tilespmem:v23+s30+$0x0], $0xffff  }
0x1bd: {  	v55 =	vadd.s32 v4, v16;
	v16 =	vmul.f32 v17, v36;
	v17 =	vand.u32 $0x7, v58  }
0x1be: {  	v57 =	vadd.s32 v4, v60;
	v60 =	vld.idx.msk [tilespmem:v9+s28+$0x0], $0xffff;
	v9 =	vor.u32 v17, v63;
	v17 =	vand.u32 $0xFFFFFFF8, v8  }
0x1bf: {  	v61 =	vld.idx.msk [tilespmem:v11+s28+$0x0], $0xffff;
	v11 =	vand.u32 $0x7, v8;
	v17 =	vadd.s32 s24, v17;
	v8 =	vadd.f32 v16, v5  }
0x1c0: {  	v5 =	vmul.f32 v1, v22;
	v1 =	vand.u32 $0xFFFFFFF8, v15;
	v15 =	vand.u32 $0x7, v15  }
0x1c1: {  	v16 =	vor.u32 v11, v17;
	v13 =	vmul.f32 v18, v13;
	v17 =	vadd.s32 s24, v1  }
0x1c2: {  	v58 =	vld.idx.msk [tilespmem:v7+s28+$0x0], $0xffff;
	v18 =	vor.u32 v15, v17  }
0x1c3: {  	v15 =	vand.u32 $0xFFFFFFF8, v31;
	v7 =	vadd.f32 v13, v5;
	v5 =	vand.u32 $0x7, v31;
	v31 =	vld.idx.msk [tilespmem:v2+s28+$0x0], $0xffff  }
0x1c4: {  	v2 =	vld [tilespmem:$0x1FFB0];
	_ =	sdelay $0x6  }
0x1c5: {  	v13 =	vadd.s32 s20, v15  }
0x1c6: {  	v17 =	vor.u32 v5, v13;
	v5 =	vld.idx.msk [tilespmem:v2+s28+$0x0], $0xffff;
	v2 =	vand.u32 $0x7, v42  }
0x1c7: {  	[tilespmem:$0x1FFC0] =	vst v2;
	v2 =	vld [tilespmem:$0x1FFD0];
	_ =	sdelay $0x2  }
0x1c8: {  	v3 =	vld.idx.msk [tilespmem:v3+s30+$0x0], $0xffff;
	_ =	sdelay $0x1  }
0x1c9: {  	v21 =	vld.idx.msk [tilespmem:v21+s28+$0x0], $0xffff  }
0x1ca: {  	v51 =	vld.idx.msk [tilespmem:v28+s28+$0x0], $0xffff  }
0x1cb: {  	v1 =	vld [tilespmem:$0x1FF90]  }
0x1cc: {  	v23 =	vand.u32 $0xFFFFFFF8, v6;
	v28 =	vmul.f32 v3, v14;
	v14 =	vand.u32 $0x7, v6;
	v6 =	vld.idx.msk [tilespmem:v2+s28+$0x0], $0xffff  }
0x1cd: {  	v2 =	vld [tilespmem:$0x1FFE0]  }
0x1ce: {  	v11 =	vld.idx.msk [tilespmem:v44+s30+$0x0], $0xffff  }
0x1cf: {  	v50 =	vadd.s32 v4, v19;
	v4 =	vand.u32 $0x7, v38;
	v43 =	vand.u32 $0x7, v32  }
0x1d0: {  	v36 =	vand.u32 $0x7, v48;
	v19 =	vld.idx.msk [tilespmem:v10+s30+$0x0], $0xffff;
	v10 =	vand.u32 $0x7, v49;
	v63 =	vand.u32 $0x7, v45  }
0x1d1: {  	v22 =	vld.idx.msk [tilespmem:v24+s30+$0x0], $0xffff;
	v24 =	vand.u32 $0xFFFFFFF8, v62;
	v44 =	vand.u32 $0x7, v39;
	(xrf2) =	vadd.scan.msk.f32 $0xffff, v8;
	v8 =	vand.u32 $0x7, v50  }
0x1d2: {  	v20 =	vld.idx.msk [tilespmem:v12+s30+$0x0], $0xffff;
	v15 =	vand.u32 $0x7, v62;
	v62 =	vand.u32 $0x7, v26;
	v13 =	vand.u32 $0xFFFFFFF8, v57  }
0x1d3: {  	v12 =	vadd.s32 s20, v13;
	v13 =	vand.u32 $0x7, v53;
	v27 =	vmul.f32 v11, v21;
	v21 =	vld.idx.msk [tilespmem:v9+s30+$0x0], $0xffff  }
0x1d4: {  	v11 =	vand.u32 $0x7, v57;
	v57 =	vand.u32 $0x7, v56;
	v9 =	vand.u32 $0x7, v55;
	v1 =	vld.idx.msk [tilespmem:v1+s28+$0x0], $0xffff  }
0x1d5: {  	s7 =	simm.s32 $0x2F;
	s24 =	simm.s32 $0x10E00;
	(xrf2) =	vadd.scan.msk.f32 $0xffff, v7;
	v3 =	vor.u32 v11, v12;
	v12 =	vand.u32 $0x7, v54;
	v11 =	vand.u32 $0x7, v52;
	v7 =	vld.idx.msk [tilespmem:v2+s28+$0x0], $0xffff  }
.LBB2_2:
0x1d6: {  	v2 =	vld [tilespmem:$0x1FF30];
	_ =	sdelay $0x7  }
0x1d7: {  	v0 =	vmul.f32 v22, v0;
	v22 =	vld.idx.msk [tilespmem:v2+s28+$0x0], $0xffff  }
0x1d8: {  	v2 =	vld [tilespmem:$0x1FF40];
	_ =	sdelay $0x3  }
0x1d9: {  	v24 =	vadd.s32 s14, v24;
	v23 =	vadd.s32 s14, v23  }
0x1da: {  	v27 =	vadd.f32 v28, v27;
	v15 =	vor.u32 v15, v24;
	v20 =	vmul.f32 v20, v59  }
0x1db: {  	v24 =	vand.u32 $0xFFFFFFF8, v54;
	v28 =	vand.u32 $0xFFFFFFF8, v55;
	v14 =	vor.u32 v14, v23  }
0x1dc: {  	v23 =	vadd.s32 s13, v24;
	v24 =	vadd.s32 s13, v28;
	v28 =	vadd.f32 v0, v20;
	v20 =	vld.idx.msk [tilespmem:v3+s30+$0x0], $0xffff  }
0x1dd: {  	v3 =	vmul.f32 v19, v47;
	v19 =	vmul.f32 v21, v60;
	v21 =	vld.idx.msk [tilespmem:v2+s28+$0x0], $0xffff  }
0x1de: {  	v2 =	vld [tilespmem:$0x1FF50]  }
0x1df: {  	v16 =	vld.idx.msk [tilespmem:v16+s30+$0x0], $0xffff  }
0x1e0: {  	v18 =	vld.idx.msk [tilespmem:v18+s30+$0x0], $0xffff  }
0x1e1: {  	v17 =	vld.idx.msk [tilespmem:v17+s30+$0x0], $0xffff  }
0x1e2: {  	v15 =	vld.idx.msk [tilespmem:v15+s30+$0x0], $0xffff  }
0x1e3: {  	v12 =	vor.u32 v12, v23;
	v23 =	vand.u32 $0xFFFFFFF8, v53;
	v14 =	vld.idx.msk [tilespmem:v14+s30+$0x0], $0xffff  }
0x1e4: {  	(xrf2) =	vadd.scan.msk.f32 $0xffff, v27;
	v27 =	vand.u32 $0xFFFFFFF8, v52;
	v9 =	vor.u32 v9, v24;
	v23 =	vadd.s32 s12, v23  }
0x1e5: {  	v24 =	vadd.s32 s12, v27;
	v13 =	vor.u32 v13, v23;
	v16 =	vmul.f32 v16, v58  }
0x1e6: {  	v17 =	vmul.f32 v17, v51;
	v27 =	vadd.f32 v19, v3;
	v19 =	vld.idx.msk [tilespmem:v2+s28+$0x0], $0xffff;
	v2 =	vmul.f32 v20, v1  }
0x1e7: {  	v18 =	vmul.f32 v18, v61;
	v11 =	vor.u32 v11, v24;
	v23 =	vand.u32 $0xFFFFFFF8, v49  }
0x1e8: {  	(xrf2) =	vadd.scan.msk.f32 $0xffff, v28;
	v6 =	vmul.f32 v14, v6;
	v17 =	vadd.f32 v2, v17;
	v2 =	vmul.f32 v15, v5  }
0x1e9: {  	v24 =	vand.u32 $0xFFFFFFF8, v50;
	v23 =	vadd.s32 s11, v23;
	v12 =	vld.idx.msk [tilespmem:v12+s30+$0x0], $0xffff  }
0x1ea: {  	v24 =	vadd.s32 s11, v24;
	v16 =	vadd.f32 v18, v16;
	v0, _, _ =	vpop (xrf2);
	(xrf2) =	vadd.scan.msk.f32 $0xffff, v27;
	v6 =	vadd.f32 v6, v2;
	v2 =	vld [tilespmem:$0x1FFC0]  }
0x1eb: {  	v10 =	vor.u32 v10, v23;
	v23 =	vand.u32 $0xFFFFFFF8, v26;
	v9 =	vld.idx.msk [tilespmem:v9+s30+$0x0], $0xffff;
	v20 =	vand.u32 $0xFFFFFFF8, v45  }
0x1ec: {  	v8 =	vor.u32 v8, v24;
	v3, _, _ =	vpop (xrf2);
	(xrf2) =	vadd.scan.msk.f32 $0xffff, v16;
	v13 =	vld.idx.msk [tilespmem:v13+s30+$0x0], $0xffff;
	v16 =	vadd.s32 s10, v20;
	v20 =	vadd.s32 s10, v23  }
0x1ed: {  	v11 =	vld.idx.msk [tilespmem:v11+s30+$0x0], $0xffff;
	v14 =	vor.u32 v63, v16;
	v16 =	vor.u32 v62, v20;
	v20 =	vand.u32 $0xFFFFFFF8, v42  }
0x1ee: {  	v1, _, _ =	vpop (xrf2);
	(xrf2) =	vadd.scan.msk.f32 $0xffff, v17;
	v17 =	vadd.s32 s9, v20  }
0x1ef: {  	v18 =	vld.idx.msk [tilespmem:v40+s28+$0x0], $0xffff;
	v7 =	vmul.f32 v12, v7;
	v12 =	vor.u32 v2, v17  }
0x1f0: {  	v10 =	vld.idx.msk [tilespmem:v10+s30+$0x0], $0xffff;
	v9 =	vmul.f32 v9, v22  }
0x1f1: {  	v8 =	vld.idx.msk [tilespmem:v8+s30+$0x0], $0xffff  }
0x1f2: {  	v13 =	vmul.f32 v13, v21;
	v5, _, _ =	vpop (xrf2);
	v11 =	vmul.f32 v11, v19;
	(xrf2) =	vadd.scan.msk.f32 $0xffff, v6;
	v6 =	vadd.f32 v9, v7  }
0x1f3: {  	v15 =	vld.idx.msk [tilespmem:v25+s28+$0x0], $0xffff;
	v2 =	vand.u32 $0xFFFFFFF8, v32  }
0x1f4: {  	v22, _, _ =	vpop (xrf2);
	(xrf2) =	vadd.scan.msk.f32 $0xffff, v6;
	v6 =	vadd.f32 v11, v13;
	v9 =	vadd.s32 s8, v2;
	v2 =	vand.u32 $0xFFFFFFF8, v48;
	v11 =	vld.idx.msk [tilespmem:v12+s30+$0x0], $0xffff  }
0x1f5: {  	v12 =	vadd.s32 s25, v2;
	v2 =	vld [tilespmem:$0x1FEE0];
	_ =	sdelay $0x1  }
0x1f6: {  	v9 =	vor.u32 v43, v9;
	_ =	sdelay $0x2  }
0x1f7: {  	v10 =	vmul.f32 v10, v18;
	v8 =	vmul.f32 v8, v15;
	_ =	sdelay $0x1  }
0x1f8: {  	v21, _, _ =	vpop (xrf2);
	(xrf2) =	vadd.scan.msk.f32 $0xffff, v6;
	v6 =	vadd.f32 v8, v10;
	v8 =	vld.idx.msk [tilespmem:v9+s30+$0x0], $0xffff  }
0x1f9: {  	v18 =	vld.idx.msk [tilespmem:v2+s28+$0x0], $0xffff;
	v2 =	vand.u32 $0xFFFFFFF8, v33  }
0x1fa: {  	v9 =	vadd.s32 s0, v2;
	v2 =	vld [tilespmem:$0x1FED0];
	_ =	sdelay $0x1  }
0x1fb: {  	v16 =	vld.idx.msk [tilespmem:v16+s30+$0x0], $0xffff  }
0x1fc: {  	v23 =	vand.u32 $0xFFFFFFF8, v56;
	v17 =	vld.idx.msk [tilespmem:v35+s28+$0x0], $0xffff  }
0x1fd: {  	v20 =	vadd.s32 s9, v23;
	v23 =	vand.u32 $0xFFFFFFF8, v39  }
0x1fe: {  	v7 =	vld.idx.msk [tilespmem:v14+s30+$0x0], $0xffff;
	v14 =	vadd.s32 s8, v23;
	v23 =	vand.u32 $0xFFFFFFF8, v38  }
0x1ff: {  	v13 =	vadd.s32 s25, v23  }
0x200: {  	v13 =	vor.u32 v4, v13;
	v4 =	vld [tilespmem:$0x1FEC0]  }
0x201: {  	v20 =	vor.u32 v57, v20;
	v16 =	vmul.f32 v16, v17;
	v17 =	vld.idx.msk [tilespmem:v2+s28+$0x0], $0xffff  }
0x202: {  	v2 =	vld [tilespmem:$0x1FEA0];
	_ =	sdelay $0x2  }
0x203: {  	v19 =	vld.idx.msk [tilespmem:v41+s28+$0x0], $0xffff;
	v14 =	vor.u32 v44, v14  }
0x204: {  	v23 =	vand.u32 $0x7, v33;
	v15 =	vld.idx.msk [tilespmem:v20+s30+$0x0], $0xffff  }
0x205: {  	v9 =	vor.u32 v23, v9;
	v23 =	vor.u32 v2, v4;
	v2 =	vld [tilespmem:$0x1FEB0]  }
0x206: {  	v12 =	vor.u32 v36, v12  }
0x207: {  	v10 =	vand.u32 $0xFFFFFFF8, v30;
	v7 =	vmul.f32 v7, v31  }
0x208: {  	v24 =	vand.u32 $0x7, v30;
	v10 =	vadd.s32 s0, v10;
	v14 =	vld.idx.msk [tilespmem:v14+s30+$0x0], $0xffff;
	v20, _, _ =	vpop (xrf2);
	(xrf2) =	vadd.scan.msk.f32 $0xffff, v6  }
0x209: {  	v10 =	vor.u32 v24, v10;
	v6 =	vadd.f32 v16, v7  }
0x20a: {  	v13 =	vld.idx.msk [tilespmem:v13+s30+$0x0], $0xffff;
	v15 =	vmul.f32 v15, v19;
	v4 =	vmul.f32 v11, v34  }
0x20b: {  	v7 =	vld.idx.msk [tilespmem:v12+s30+$0x0], $0xffff;
	v12, _, _ =	vpop (xrf2);
	(xrf2) =	vadd.scan.msk.f32 $0xffff, v6  }
0x20c: {  	v9 =	vld.idx.msk [tilespmem:v9+s30+$0x0], $0xffff;
	v6 =	vadd.f32 v15, v4  }
0x20d: {  	v14 =	vmul.f32 v14, v18;
	v16 =	vld.idx.msk [tilespmem:v2+s28+$0x0], $0xffff;
	v2 =	vmul.f32 v8, v29  }
0x20e: {  	v10 =	vld.idx.msk [tilespmem:v10+s30+$0x0], $0xffff;
	v11, _, _ =	vpop (xrf2);
	(xrf2) =	vadd.scan.msk.f32 $0xffff, v6  }
0x20f: {  	v15 =	vld.idx.msk [tilespmem:v23+s28+$0x0], $0xffff;
	v6 =	vadd.f32 v14, v2  }
0x210: {  	v7 =	vmul.f32 v7, v46;
	v13 =	vmul.f32 v13, v17  }
0x211: {  	v8, _, _ =	vpop (xrf2);
	(xrf2) =	vadd.scan.msk.f32 $0xffff, v6  }
0x212: {  	v6 =	vadd.f32 v13, v7;
	v7 =	vmul.f32 v9, v16;
	v9, _, _ =	vpop (xrf2)  }
0x213: {  	v8 =	vbroadcast v8, $0xF;
	v2 =	vbroadcast v9, $0xF  }
0x214: {  	v11 =	vbroadcast v11, $0xF;
	v10 =	vmul.f32 v10, v15;
	(xrf2) =	vadd.scan.msk.f32 $0xffff, v6  }
0x215: {  	v9, _, _ =	vpop (xrf2);
	v6 =	vsel vm0, v8, v2;
	v8 =	vbroadcast v12, $0xF  }
0x216: {  	v9 =	vbroadcast v9, $0xF;
	v7 =	vadd.f32 v10, v7;
	v6 =	vsel vm1, v6, v11  }
0x217: {  	v6 =	vsel vm2, v6, v8;
	v8 =	vbroadcast v20, $0xF  }
0x218: {  	v10, _, _ =	vpop (xrf2);
	(xrf2) =	vadd.scan.msk.f32 $0xffff, v7;
	v6 =	vsel vm3, v6, v9;
	v9 =	vbroadcast v21, $0xF  }
0x219: {  	v2 =	vbroadcast v10, $0xF;
	v6 =	vsel vm4, v6, v8  }
0x21a: {  	v8 =	vbroadcast v22, $0xF;
	v6 =	vsel vm5, v6, v9  }
0x21b: {  	v5 =	vbroadcast v5, $0xF;
	v6 =	vsel vm6, v6, v2;
	v7, _, _ =	vpop (xrf2)  }
0x21c: {  	v2 =	vsel vm7, v6, v8;
	v7 =	vbroadcast v7, $0xF  }
0x21d: {  	v1 =	vbroadcast v1, $0xF;
	v5 =	vsel vm8, v2, v5  }
0x21e: {  	v3 =	vbroadcast v3, $0xF;
	v5 =	vsel vm9, v5, v7;
	v6, _, _ =	vpop (xrf2)  }
0x21f: {  	v1 =	vsel vm10, v5, v1;
	v5 =	vbroadcast v6, $0xF  }
0x220: {  	v0 =	vbroadcast v0, $0xF;
	v3 =	vsel vm11, v1, v3  }
0x221: {  	v2 =	vsel vm12, v3, v5  }
0x222: {  	v0 =	vsel vm13, v2, v0;
	v1, _, _ =	vpop (xrf2)  }
0x223: {  	s24 =	sadd.s32 $0x10, s24;
	v0 =	vsel vm14, v0, v1  }
0x224: {  	s22 =	sadd.s32 $0x10, s22;
	[tilespmem:s24+$0x0] =	vst v0  }
0x225: {  	v0 =	vld [tilespmem:s22+$0x0];
	_ =	sdelay $0x4  }
0x226: {  	v0 =	vshll.u32 v0, $0x5  }
0x227: {  	v2 =	vimm.s32 $0xF;
	v0 =	vand.u32 $0x60, v0  }
0x228: {  	v1 =	vimm.s32 $0xE;
	v3 =	vperm.xlane v0, v2;
	v2 =	vimm.s32 $0xC  }
0x229: {  	v1 =	vperm.xlane v0, v1;
	v5 =	vperm.xlane v0, v2;
	v2 =	vimm.s32 $0xD  }
0x22a: {  	v4 =	vlaneseq.u32;
	v6 =	vperm.xlane v0, v2  }
0x22b: {  	v2 =	vimm.s32 $0xA;
	v18 =	vadd.s32 v4, v1;
	v19 =	vadd.s32 v4, v3  }
0x22c: {  	v7 =	vperm.xlane v0, v2;
	v2 =	vimm.s32 $0xB;
	v27 =	vadd.s32 v4, v5  }
0x22d: {  	s0 =	sshll.u32 s7, $0x7;
	v58 =	vand.u32 $0x7, v19;
	v19 =	vand.u32 $0xFFFFFFF8, v19;
	v56 =	vand.u32 $0x7, v18  }
0x22e: {  	s3 =	sadd.s32 $0xFFFFFF80, s0;
	v18 =	vand.u32 $0xFFFFFFF8, v18;
	v8 =	vperm.xlane v0, v2;
	v2 =	vimm.s32 $0x8  }
0x22f: {  	v20 =	vadd.s32 v4, v6;
	v47 =	vand.u32 $0xFFFFFFF8, v27;
	v18 =	vadd.s32 s3, v18  }
0x230: {  	s2 =	sadd.s32 $0xFFFFFE80, s0;
	v19 =	vadd.s32 s0, v19;
	v9 =	vperm.xlane v0, v2;
	v2 =	vimm.s32 $0x9  }
0x231: {  	v31 =	vadd.s32 v4, v7;
	v47 =	vadd.s32 s2, v47;
	v19 =	vor.u32 v58, v19  }
0x232: {  	v18 =	vor.u32 v56, v18;
	v10 =	vperm.xlane v0, v2;
	v2 =	vimm.s32 $0x6  }
0x233: {  	v25 =	vadd.s32 v4, v8;
	v26 =	vand.u32 $0x7, v31;
	v50 =	vand.u32 $0xFFFFFFF8, v31  }
0x234: {  	v11 =	vperm.xlane v0, v2;
	v2 =	vimm.s32 $0x7;
	v61 =	vadd.s32 v4, v9  }
0x235: {  	v49 =	vand.u32 $0xFFFFFFF8, v25;
	v12 =	vperm.xlane v0, v2;
	v2 =	vimm.s32 $0x4  }
0x236: {  	v62 =	vadd.s32 v4, v10;
	v33 =	vand.u32 $0xFFFFFFF8, v61;
	v13 =	vperm.xlane v0, v2  }
0x237: {  	s17 =	sadd.s32 $0xFFFFFC80, s0;
	v2 =	vimm.s32 $0x5;
	v37 =	vadd.s32 v4, v11;
	v29 =	vand.u32 $0x7, v62  }
0x238: {  	v34 =	vand.u32 $0xFFFFFFF8, v62;
	v33 =	vadd.s32 s17, v33;
	v14 =	vperm.xlane v0, v2  }
0x239: {  	s20 =	sadd.s32 $0xFFFFFD00, s0;
	v2 =	vimm.s32 $0x2;
	v63 =	vadd.s32 v4, v12;
	v53 =	vand.u32 $0x7, v37  }
0x23a: {  	v37 =	vand.u32 $0xFFFFFFF8, v37;
	v34 =	vadd.s32 s20, v34;
	v15 =	vperm.xlane v0, v2  }
0x23b: {  	s16 =	sadd.s32 $0xFFFFFB80, s0;
	v2 =	vimm.s32 $0x3;
	v38 =	vadd.s32 v4, v13;
	v51 =	vand.u32 $0x7, v63  }
0x23c: {  	v35 =	vand.u32 $0xFFFFFFF8, v63;
	v37 =	vadd.s32 s16, v37;
	v16 =	vperm.xlane v0, v2  }
0x23d: {  	v2 =	vimm.s32 $0x0;
	v36 =	vadd.s32 v4, v14;
	v59 =	vand.u32 $0x7, v38  }
0x23e: {  	s9 =	sadd.s32 $0xFFFFFC00, s0;
	v38 =	vand.u32 $0xFFFFFFF8, v38;
	v17 =	vperm.xlane v0, v2;
	v2 =	vimm.s32 $0x1  }
0x23f: {  	v35 =	vadd.s32 s9, v35;
	v58 =	vor.u32 v53, v37;
	v2 =	vperm.xlane v0, v2;
	v0 =	vld [tilespmem:$0x1FFF0]  }
0x240: {  	s10 =	sadd.s32 $0xFFFFFA80, s0;
	v39 =	vadd.s32 v4, v15;
	v55 =	vand.u32 $0x7, v36;
	v36 =	vand.u32 $0xFFFFFFF8, v36  }
0x241: {  	s15 =	sadd.s32 $0xFFFFFB00, s0;
	v38 =	vadd.s32 s10, v38;
	v40 =	vadd.s32 v4, v16;
	v63 =	vand.u32 $0x7, v39  }
0x242: {  	s13 =	sadd.s32 $0xFFFFF980, s0;
	v39 =	vand.u32 $0xFFFFFFF8, v39;
	v36 =	vadd.s32 s15, v36;
	v42 =	vadd.s32 v4, v2  }
0x243: {  	v41 =	vadd.s32 v4, v17;
	v39 =	vadd.s32 s13, v39;
	v31 =	vand.u32 $0x7, v42  }
0x244: {  	v42 =	vand.u32 $0xFFFFFFF8, v42;
	v3 =	vadd.s32 v0, v3;
	v24 =	vadd.s32 v0, v6  }
0x245: {  	v21 =	vadd.s32 v0, v1;
	v28 =	vadd.s32 v0, v5;
	v60 =	vadd.s32 v0, v7  }
0x246: {  	v8 =	vadd.s32 v0, v8;
	v10 =	vadd.s32 v0, v10;
	v12 =	vadd.s32 v0, v12  }
0x247: {  	v9 =	vadd.s32 v0, v9;
	v11 =	vadd.s32 v0, v11;
	v13 =	vadd.s32 v0, v13  }
0x248: {  	v14 =	vadd.s32 v0, v14;
	v16 =	vadd.s32 v0, v16;
	v17 =	vadd.s32 v0, v17  }
0x249: {  	v15 =	vadd.s32 v0, v15;
	v43 =	vadd.s32 v0, v2;
	v7 =	vand.u32 $0x7, v25  }
0x24a: {  	v5 =	vand.u32 $0x7, v41;
	v41 =	vand.u32 $0xFFFFFFF8, v41;
	v44 =	vand.u32 $0xFFFFFFF8, v3  }
0x24b: {  	v1 =	vand.u32 $0x7, v3;
	v3 =	vand.u32 $0x7, v20;
	v6 =	vand.u32 $0x7, v21  }
0x24c: {  	v45 =	vand.u32 $0xFFFFFFF8, v21;
	v21 =	vand.u32 $0x7, v27;
	v23 =	vand.u32 $0x7, v28  }
0x24d: {  	v20 =	vand.u32 $0xFFFFFFF8, v20;
	v22 =	vand.u32 $0x7, v8;
	v46 =	vand.u32 $0xFFFFFFF8, v24  }
0x24e: {  	v48 =	vand.u32 $0xFFFFFFF8, v28;
	v8 =	vand.u32 $0xFFFFFFF8, v8;
	v30 =	vand.u32 $0x7, v10  }
0x24f: {  	v27 =	vand.u32 $0x7, v61;
	v28 =	vand.u32 $0x7, v9;
	v32 =	vand.u32 $0xFFFFFFF8, v60  }
0x250: {  	v10 =	vand.u32 $0xFFFFFFF8, v10;
	v52 =	vand.u32 $0x7, v12;
	v9 =	vand.u32 $0xFFFFFFF8, v9  }
0x251: {  	v54 =	vand.u32 $0x7, v11;
	v57 =	vand.u32 $0x7, v14;
	v12 =	vand.u32 $0xFFFFFFF8, v12  }
0x252: {  	v11 =	vand.u32 $0xFFFFFFF8, v11;
	v14 =	vand.u32 $0xFFFFFFF8, v14;
	v61 =	vand.u32 $0x7, v40  }
0x253: {  	v62 =	vand.u32 $0x7, v16;
	v2 =	vand.u32 $0x7, v15;
	v40 =	vand.u32 $0xFFFFFFF8, v40  }
0x254: {  	s12 =	sadd.s32 $0xFFFFF880, s0;
	v16 =	vand.u32 $0xFFFFFFF8, v16;
	v25 =	vand.u32 $0x7, v43;
	v15 =	vand.u32 $0xFFFFFFF8, v15  }
0x255: {  	v43 =	vand.u32 $0xFFFFFFF8, v43;
	v41 =	vadd.s32 s12, v41;
	[tilespmem:$0x1FEA0] =	vst v1;
	v1 =	vand.u32 $0x7, v24  }
0x256: {  	s25 =	sadd.s32 $0xFFFFFF00, s0;
	v24 =	vand.u32 $0x7, v60;
	v60 =	vand.u32 $0x7, v13;
	v13 =	vand.u32 $0xFFFFFFF8, v13  }
0x257: {  	s1 =	sadd.s32 $0xFFFFFE00, s0;
	s8 =	sadd.s32 $0xFFFFFD80, s0;
	v44 =	vadd.s32 s0, v44;
	v20 =	vadd.s32 s25, v20;
	v45 =	vadd.s32 s3, v45  }
0x258: {  	v48 =	vadd.s32 s2, v48;
	v32 =	vadd.s32 s8, v32;
	v8 =	vadd.s32 s1, v8  }
0x259: {  	s14 =	sadd.s32 $0xFFFFFA00, s0;
	v10 =	vadd.s32 s20, v10;
	v12 =	vadd.s32 s9, v12;
	v9 =	vadd.s32 s17, v9  }
0x25a: {  	s11 =	sadd.s32 $0xFFFFF900, s0;
	v11 =	vadd.s32 s16, v11;
	v14 =	vadd.s32 s15, v14;
	v40 =	vadd.s32 s14, v40  }
0x25b: {  	v16 =	vadd.s32 s14, v16;
	v15 =	vadd.s32 s13, v15;
	v43 =	vadd.s32 s11, v43  }
0x25c: {  	v21 =	vor.u32 v21, v47;
	[tilespmem:$0x1FD30] =	vst v1;
	v1 =	vand.u32 $0x7, v17;
	v17 =	vand.u32 $0xFFFFFFF8, v17  }
0x25d: {  	s23 =	sadd.s32 $0x10, s23;
	[tilespmem:$0x1FEC0] =	vst v44;
	v44 =	vadd.s32 s25, v46;
	v46 =	vadd.s32 s1, v49;
	v49 =	vadd.s32 s8, v50  }
0x25e: {  	[tilespmem:$0x1FEB0] =	vst v19;
	v13 =	vadd.s32 s10, v13;
	v50 =	vadd.s32 s11, v42;
	v19 =	vor.u32 v3, v20;
	v3 =	vld [tilespmem:s23+$0x0]  }
0x25f: {  	v20 =	vor.u32 v6, v45;
	v22 =	vor.u32 v22, v8;
	v8 =	vor.u32 v52, v12;
	v6 =	vld [tilespmem:$0x1FD30]  }
0x260: {  	v10 =	vor.u32 v30, v10;
	v30 =	vor.u32 v28, v9;
	v9 =	vor.u32 v57, v14;
	[tilespmem:$0x1FDA0] =	vst v8  }
0x261: {  	v23 =	vor.u32 v23, v48;
	v2 =	vor.u32 v2, v15;
	v17 =	vadd.s32 s12, v17;
	[tilespmem:$0x1FD40] =	vst v9  }
0x262: {  	v42 =	vor.u32 v7, v46;
	v7 =	vor.u32 v24, v32;
	v24 =	vor.u32 v27, v33;
	[tilespmem:$0x1FF30] =	vst v2  }
0x263: {  	v8 =	vor.u32 v55, v36;
	v2 =	vimm.s32 $0x8;
	[tilespmem:$0x1FEE0] =	vst v7;
	v1 =	vor.u32 v1, v17  }
0x264: {  	v7 =	vor.u32 v54, v11;
	[tilespmem:$0x1FF50] =	vst v1;
	v3 =	vshll.u32 v3, $0x5;
	v6 =	vor.u32 v6, v44  }
0x265: {  	v1 =	vimm.s32 $0x4;
	v9 =	vand.u32 $0x60, v3;
	v3 =	vor.u32 v59, v38;
	[tilespmem:$0x1FED0] =	vst v6  }
0x266: {  	v44 =	vor.u32 v26, v49;
	v6 =	vor.u32 v29, v34;
	[tilespmem:$0x1FD50] =	vst v3;
	v3 =	vor.u32 v60, v13  }
0x267: {  	v15 =	vperm.xlane v9, v2;
	v2 =	vimm.s32 $0x9;
	[tilespmem:$0x1FD70] =	vst v3;
	v3 =	vor.u32 v61, v40  }
0x268: {  	v1 =	vperm.xlane v9, v1;
	v57 =	vperm.xlane v9, v2;
	[tilespmem:$0x1FD60] =	vst v3;
	v3 =	vimm.s32 $0xE  }
0x269: {  	v2 =	vor.u32 v5, v41;
	v11 =	vperm.xlane v9, v3;
	v3 =	vimm.s32 $0xF  }
0x26a: {  	v34 =	vor.u32 v51, v35;
	[tilespmem:$0x1FF40] =	vst v2;
	v12 =	vperm.xlane v9, v3;
	v3 =	vor.u32 v62, v16  }
0x26b: {  	v2 =	vimm.s32 $0x6;
	v45 =	vadd.s32 v4, v1;
	[tilespmem:$0x1FD90] =	vst v3;
	v3 =	vimm.s32 $0xC  }
0x26c: {  	v26 =	vadd.s32 v0, v1;
	v13 =	vperm.xlane v9, v3;
	v3 =	vimm.s32 $0xD  }
0x26d: {  	v2 =	vperm.xlane v9, v2;
	v14 =	vperm.xlane v9, v3;
	v3 =	vor.u32 v63, v39  }
0x26e: {  	v40 =	vadd.s32 v4, v57;
	v41 =	vadd.s32 v0, v57;
	[tilespmem:$0x1FE00] =	vst v3;
	v3 =	vimm.s32 $0xA  }
0x26f: {  	v62 =	vadd.s32 v4, v2;
	v63 =	vadd.s32 v0, v2;
	v16 =	vperm.xlane v9, v3  }
0x270: {  	v1 =	vld.idx.msk [tilespmem:v19+s28+$0x0], $0xffff;
	v3 =	vimm.s32 $0xB;
	v5 =	vadd.s32 v4, v14;
	v48 =	vadd.s32 v0, v14  }
0x271: {  	v19 =	vld.idx.msk [tilespmem:v21+s28+$0x0], $0xffff;
	v14 =	vadd.s32 v4, v13;
	v13 =	vadd.s32 v0, v13;
	v28 =	vperm.xlane v9, v3  }
0x272: {  	v21 =	vld.idx.msk [tilespmem:v23+s28+$0x0], $0xffff;
	v3 =	vimm.s32 $0x7;
	v23 =	vand.u32 $0x7, v14;
	v37 =	vand.u32 $0x7, v13  }
0x273: {  	v14 =	vand.u32 $0xFFFFFFF8, v14;
	v13 =	vand.u32 $0xFFFFFFF8, v13;
	v59 =	vperm.xlane v9, v3  }
0x274: {  	v3 =	vimm.s32 $0x5;
	v32 =	vadd.s32 v4, v16;
	v39 =	vadd.s32 v0, v16  }
0x275: {  	v14 =	vadd.s32 s2, v14;
	v13 =	vadd.s32 s2, v13;
	v17 =	vperm.xlane v9, v3  }
0x276: {  	v3 =	vor.u32 v31, v50;
	v16 =	vadd.s32 v0, v28;
	v14 =	vor.u32 v23, v14  }
0x277: {  	v13 =	vor.u32 v37, v13;
	[tilespmem:$0x1FD80] =	vst v3;
	v3 =	vimm.s32 $0x2;
	v56 =	vadd.s32 v0, v59  }
0x278: {  	v36 =	vand.u32 $0x7, v16;
	v49 =	vperm.xlane v9, v3;
	v3 =	vimm.s32 $0x3  }
0x279: {  	v18 =	vld.idx.msk [tilespmem:v18+s28+$0x0], $0xffff;
	v33 =	vadd.s32 v4, v17;
	v50 =	vperm.xlane v9, v3;
	v3 =	vimm.s32 $0x0  }
0x27a: {  	v58 =	vld.idx.msk [tilespmem:v58+s28+$0x0], $0xffff;
	v17 =	vadd.s32 v0, v17;
	v51 =	vperm.xlane v9, v3;
	v3 =	vimm.s32 $0x1  }
0x27b: {  	v20 =	vld.idx.msk [tilespmem:v20+s28+$0x0], $0xffff;
	v54 =	vadd.s32 v4, v49;
	v55 =	vadd.s32 v0, v49;
	v9 =	vperm.xlane v9, v3  }
0x27c: {  	v27 =	vld.idx.msk [tilespmem:v42+s28+$0x0], $0xffff;
	v3 =	vor.u32 v25, v43;
	v43 =	vadd.s32 v4, v11;
	v11 =	vadd.s32 v0, v11  }
0x27d: {  	v25 =	vadd.s32 v4, v50;
	v35 =	vadd.s32 v0, v50;
	[tilespmem:$0x1FDD0] =	vst v3;
	v3 =	vadd.s32 v4, v12  }
0x27e: {  	v47 =	vld.idx.msk [tilespmem:v24+s28+$0x0], $0xffff;
	[tilespmem:$0x1FDE0] =	vst v1;
	v53 =	vadd.s32 v4, v51;
	v52 =	vadd.s32 v0, v51;
	v1 =	vand.u32 $0x7, v43  }
0x27f: {  	v60 =	vld.idx.msk [tilespmem:v30+s28+$0x0], $0xffff;
	v43 =	vand.u32 $0xFFFFFFF8, v43;
	[tilespmem:$0x1FDB0] =	vst v3;
	v3 =	vadd.s32 v0, v12;
	v12 =	vadd.s32 v4, v28  }
0x280: {  	v61 =	vld.idx.msk [tilespmem:v7+s28+$0x0], $0xffff;
	v28 =	vadd.s32 v4, v15;
	v15 =	vadd.s32 v0, v15;
	v49 =	vadd.s32 v4, v9  }
0x281: {  	v13 =	vld.idx.msk [tilespmem:v13+s30+$0x0], $0xffff;
	v50 =	vadd.s32 v0, v9;
	v0 =	vand.u32 $0x7, v48;
	v9 =	vand.u32 $0x7, v11;
	[tilespmem:$0x1FE30] =	vst v3  }
0x282: {  	v51 =	vadd.s32 s3, v43;
	v3 =	vadd.s32 v4, v59;
	[tilespmem:$0x1FE20] =	vst v0;
	v0 =	vld.idx.msk [tilespmem:v22+s28+$0x0], $0xffff;
	v22 =	vand.u32 $0x7, v12  }
0x283: {  	v59 =	vld.idx.msk [tilespmem:v6+s28+$0x0], $0xffff;
	v6 =	vand.u32 $0xFFFFFFF8, v12;
	v12 =	vand.u32 $0xFFFFFFF8, v16;
	v1 =	vor.u32 v1, v51  }
0x284: {  	v11 =	vand.u32 $0xFFFFFFF8, v11;
	v4 =	vand.u32 $0x7, v5;
	v51 =	vld.idx.msk [tilespmem:v8+s28+$0x0], $0xffff;
	v12 =	vadd.s32 s1, v12  }
0x285: {  	[tilespmem:$0x1FDC0] =	vst v5;
	v11 =	vadd.s32 s3, v11;
	v5 =	vand.u32 $0x7, v3;
	v8 =	vor.u32 v36, v12;
	v36 =	vld.idx.msk [tilespmem:v14+s30+$0x0], $0xffff  }
0x286: {  	v9 =	vor.u32 v9, v11;
	[tilespmem:$0x1FFC0] =	vst v5;
	v5 =	vld [tilespmem:$0x1FD50]  }
0x287: {  	v42 =	vand.u32 $0xFFFFFFF8, v62;
	[tilespmem:$0x1FDF0] =	vst v0;
	v0 =	vld.idx.msk [tilespmem:v44+s28+$0x0], $0xffff  }
0x288: {  	v11 =	vand.u32 $0xFFFFFFF8, v28;
	v23 =	vld.idx.msk [tilespmem:v1+s30+$0x0], $0xffff  }
0x289: {  	v24 =	vand.u32 $0xFFFFFFF8, v40;
	v16 =	vand.u32 $0x7, v28;
	v11 =	vadd.s32 s17, v11;
	v1 =	vld [tilespmem:$0x1FD40]  }
0x28a: {  	v6 =	vadd.s32 s1, v6;
	v44 =	vor.u32 v16, v11;
	v16 =	vadd.s32 s16, v42;
	v42 =	vmovc v3;
	v3 =	vld [tilespmem:$0x1FD90]  }
0x28b: {  	v29 =	vand.u32 $0x7, v15;
	v28 =	vand.u32 $0xFFFFFFF8, v15;
	v6 =	vor.u32 v22, v6;
	v22 =	vld.idx.msk [tilespmem:v9+s30+$0x0], $0xffff  }
0x28c: {  	v15 =	vand.u32 $0x7, v25;
	v28 =	vadd.s32 s17, v28;
	v9 =	vadd.s32 s20, v24;
	v8 =	vld.idx.msk [tilespmem:v8+s30+$0x0], $0xffff  }
0x28d: {  	v24 =	vand.u32 $0xFFFFFFF8, v25;
	v25 =	vor.u32 v29, v28;
	v28 =	vmul.f32 v36, v19;
	v36 =	vmovc v4;
	v4 =	vld [tilespmem:$0x1FE20]  }
0x28e: {  	[tilespmem:$0x1FE10] =	vst v0;
	v0 =	vld.idx.msk [tilespmem:v10+s28+$0x0], $0xffff  }
0x28f: {  	v10 =	vand.u32 $0x7, v40;
	v40 =	vld.idx.msk [tilespmem:v34+s28+$0x0], $0xffff  }
0x290: {  	v31 =	vld.idx.msk [tilespmem:v5+s28+$0x0], $0xffff  }
0x291: {  	v5 =	vld [tilespmem:$0x1FD60]  }
0x292: {  	v38 =	vand.u32 $0x7, v41;
	v30 =	vand.u32 $0xFFFFFFF8, v41;
	v2 =	vand.u32 $0x7, v39;
	v19 =	vld.idx.msk [tilespmem:v44+s30+$0x0], $0xffff  }
0x293: {  	v43 =	vand.u32 $0xFFFFFFF8, v63;
	v44 =	vmovc v2;
	v2 =	vld [tilespmem:$0x1FDF0];
	v10 =	vor.u32 v10, v9;
	v9 =	vadd.s32 s20, v30  }
0x294: {  	v46 =	vand.u32 $0x7, v32;
	v30 =	vor.u32 v38, v9;
	v38 =	vld.idx.msk [tilespmem:v6+s30+$0x0], $0xffff  }
0x295: {  	v14 =	vand.u32 $0x7, v35;
	v6 =	vmul.f32 v23, v18;
	v23 =	vand.u32 $0xFFFFFFF8, v35;
	v35 =	vld [tilespmem:$0x1FD70]  }
0x296: {  	v34 =	vand.u32 $0x7, v62;
	v18 =	vadd.s32 s16, v43;
	v43 =	vmov v46;
	v46 =	vld [tilespmem:$0x1FDE0]  }
0x297: {  	v41 =	vand.u32 $0x7, v63;
	v1 =	vld.idx.msk [tilespmem:v1+s28+$0x0], $0xffff  }
0x298: {  	v18 =	vor.u32 v41, v18;
	v41 =	vld [tilespmem:$0x1FDA0]  }
0x299: {  	v11 =	vmul.f32 v22, v20;
	v16 =	vor.u32 v34, v16;
	v34 =	vmov v40;
	v40 =	vld [tilespmem:$0x1FD80]  }
0x29a: {  	v20 =	vld.idx.msk [tilespmem:v10+s30+$0x0], $0xffff  }
0x29b: {  	v21 =	vmul.f32 v13, v21;
	v10 =	vadd.f32 v11, v6;
	v6 =	vld.idx.msk [tilespmem:v3+s28+$0x0], $0xffff  }
0x29c: {  	v37 =	vand.u32 $0x7, v17;
	v17 =	vand.u32 $0xFFFFFFF8, v17;
	v22 =	vld.idx.msk [tilespmem:v30+s30+$0x0], $0xffff  }
0x29d: {  	v29 =	vadd.s32 s15, v17;
	v30 =	vadd.f32 v21, v28;
	v28 =	vmul.f32 v8, v2;
	v2 =	vld [tilespmem:$0x1FE00]  }
0x29e: {  	v3 =	vor.u32 v37, v29;
	v29 =	vld [tilespmem:$0x1FE10]  }
0x29f: {  	v21 =	vld.idx.msk [tilespmem:v25+s30+$0x0], $0xffff  }
0x2a0: {  	p0 =	sne.s32 s7, $0xFF;
	v27 =	vmul.f32 v38, v27;
	v38 =	vmov v48;
	v48 =	vld [tilespmem:$0x1FDC0]  }
.Ltmp0:
0x2a1: {  	v57 =	vand.u32 $0x7, v56;
	v25 =	vld [tilespmem:$0x1FDD0];
	(pc) =	sbr.rel @p0 .LBB2_2-.Ltmp0, $4  }
0x2a2: {  	v7 =	vand.u32 $0x7, v33;
	v33 =	vand.u32 $0xFFFFFFF8, v33;
	v63 =	vand.u32 $0x7, v45;
	v5 =	vld.idx.msk [tilespmem:v5+s28+$0x0], $0xffff  }
0x2a3: {  	v12 =	vand.u32 $0x7, v54;
	v13 =	vand.u32 $0x7, v53;
	(xrf2) =	vadd.scan.msk.f32 $0xffff, v10;
	v10 =	vadd.s32 s15, v33;
	v33 =	vld [tilespmem:$0x1FDB0]  }
0x2a4: {  	v62 =	vand.u32 $0x7, v26;
	v9 =	vand.u32 $0x7, v55;
	v11 =	vand.u32 $0x7, v52;
	(xrf2) =	vadd.scan.msk.f32 $0xffff, v30;
	v30 =	vld [tilespmem:$0x1FE30]  }
0x2a5: {  	s7 =	sadd.s32 $0x10, s7;
	v8 =	vand.u32 $0x7, v50;
	v17 =	vor.u32 v7, v10;
	v10 =	vand.u32 $0x7, v49;
	v7 =	vld.idx.msk [tilespmem:v2+s28+$0x0], $0xffff  }
0x2a6: {  	v2 =	vadd.s32 s14, v24  }
0x2a7: {  	v2 =	vor.u32 v15, v2;
	v15 =	vmul.f32 v20, v59;
	v20 =	vadd.s32 s14, v23  }
0x2a8: {  	v0 =	vmul.f32 v22, v0;
	v22 =	vand.u32 $0xFFFFFFF8, v54;
	v14 =	vor.u32 v14, v20  }
0x2a9: {  	v24 =	vadd.f32 v28, v27;
	v22 =	vadd.s32 s13, v22  }
0x2aa: {  	v27 =	vand.u32 $0xFFFFFFF8, v52;
	v23 =	vand.u32 $0xFFFFFFF8, v55;
	v12 =	vor.u32 v12, v22  }
0x2ab: {  	v16 =	vld.idx.msk [tilespmem:v16+s30+$0x0], $0xffff;
	v22 =	vand.u32 $0xFFFFFFF8, v53;
	v0 =	vadd.f32 v0, v15;
	v15 =	vadd.s32 s13, v23  }
0x2ac: {  	v9 =	vor.u32 v9, v15;
	v15 =	vadd.s32 s12, v22;
	v22 =	vadd.s32 s12, v27;
	v2 =	vld.idx.msk [tilespmem:v2+s30+$0x0], $0xffff  }
0x2ad: {  	v11 =	vor.u32 v11, v22;
	v22 =	vand.u32 $0xFFFFFFF8, v50;
	v14 =	vld.idx.msk [tilespmem:v14+s30+$0x0], $0xffff  }
0x2ae: {  	v20 =	vld [tilespmem:$0x1FF30];
	v22 =	vadd.s32 s11, v22  }
0x2af: {  	v18 =	vld.idx.msk [tilespmem:v18+s30+$0x0], $0xffff;
	v8 =	vor.u32 v8, v22  }
0x2b0: {  	v17 =	vld.idx.msk [tilespmem:v17+s30+$0x0], $0xffff  }
0x2b1: {  	v3 =	vld.idx.msk [tilespmem:v3+s30+$0x0], $0xffff  }
0x2b2: {  	v12 =	vld.idx.msk [tilespmem:v12+s30+$0x0], $0xffff;
	v2 =	vmul.f32 v2, v5;
	v6 =	vmul.f32 v14, v6  }
0x2b3: {  	v9 =	vld.idx.msk [tilespmem:v9+s30+$0x0], $0xffff  }
0x2b4: {  	v13 =	vor.u32 v13, v15;
	v2 =	vadd.f32 v6, v2;
	v6 =	vld.idx.msk [tilespmem:v8+s30+$0x0], $0xffff  }
0x2b5: {  	v15 =	vmul.f32 v16, v58;
	v16 =	vmul.f32 v18, v61;
	v18 =	vand.u32 $0xFFFFFFF8, v49;
	v8 =	vld [tilespmem:$0x1FFC0]  }
0x2b6: {  	v19 =	vmul.f32 v19, v47;
	v21 =	vmul.f32 v21, v60;
	v18 =	vadd.s32 s11, v18;
	v20 =	vld.idx.msk [tilespmem:v20+s28+$0x0], $0xffff  }
0x2b7: {  	v1 =	vmul.f32 v3, v1;
	v15 =	vadd.f32 v16, v15;
	v10 =	vor.u32 v10, v18  }
0x2b8: {  	v16 =	vmul.f32 v17, v51;
	v18 =	vand.u32 $0xFFFFFFF8, v26;
	v5 =	vld.idx.msk [tilespmem:v11+s30+$0x0], $0xffff;
	v11 =	vand.u32 $0xFFFFFFF8, v42  }
0x2b9: {  	v19 =	vadd.f32 v21, v19;
	v18 =	vadd.s32 s10, v18;
	v11 =	vadd.s32 s9, v11  }
0x2ba: {  	(xrf2) =	vadd.scan.msk.f32 $0xffff, v24;
	v1 =	vadd.f32 v1, v16;
	v16 =	vor.u32 v62, v18;
	v8 =	vor.u32 v8, v11  }
0x2bb: {  	(xrf2) =	vadd.scan.msk.f32 $0xffff, v0;
	v18 =	vand.u32 $0xFFFFFFF8, v56;
	v7 =	vmul.f32 v12, v7;
	v9 =	vmul.f32 v9, v20  }
0x2bc: {  	(xrf2) =	vadd.scan.msk.f32 $0xffff, v19;
	v18 =	vadd.s32 s9, v18;
	v12 =	vand.u32 $0xFFFFFFF8, v32  }
0x2bd: {  	(xrf2) =	vadd.scan.msk.f32 $0xffff, v15;
	v7 =	vadd.f32 v9, v7;
	v11 =	vor.u32 v57, v18;
	v18 =	vand.u32 $0xFFFFFFF8, v39  }
0x2be: {  	v21 =	vld [tilespmem:$0x1FF50];
	(xrf2) =	vadd.scan.msk.f32 $0xffff, v1;
	v9 =	vadd.s32 s8, v12;
	v12 =	vadd.s32 s8, v18;
	v18 =	vand.u32 $0xFFFFFFF8, v38  }
0x2bf: {  	(xrf2) =	vadd.scan.msk.f32 $0xffff, v2;
	v2 =	vld.idx.msk [tilespmem:v8+s30+$0x0], $0xffff;
	v8 =	vadd.s32 s25, v18  }
0x2c0: {  	v8 =	vor.u32 v4, v8;
	v4 =	vld [tilespmem:$0x1FEE0]  }
0x2c1: {  	v0 =	vld.idx.msk [tilespmem:v35+s28+$0x0], $0xffff  }
0x2c2: {  	v15 =	vld.idx.msk [tilespmem:v16+s30+$0x0], $0xffff  }
0x2c3: {  	v23 =	vld [tilespmem:$0x1FF40];
	_ =	sdelay $0x2  }
0x2c4: {  	v21 =	vld.idx.msk [tilespmem:v21+s28+$0x0], $0xffff  }
0x2c5: {  	v0 =	vmul.f32 v15, v0;
	v15 =	vld [tilespmem:$0x1FEC0]  }
0x2c6: {  	(xrf2) =	vadd.scan.msk.f32 $0xffff, v7;
	v7 =	vld.idx.msk [tilespmem:v4+s28+$0x0], $0xffff  }
0x2c7: {  	v4 =	vld [tilespmem:$0x1FEA0]  }
0x2c8: {  	v13 =	vld.idx.msk [tilespmem:v13+s30+$0x0], $0xffff  }
0x2c9: {  	v23 =	vld.idx.msk [tilespmem:v23+s28+$0x0], $0xffff  }
0x2ca: {  	v3 =	vand.u32 $0xFFFFFFF8, v45;
	v17 =	vld.idx.msk [tilespmem:v40+s28+$0x0], $0xffff  }
0x2cb: {  	v3 =	vadd.s32 s10, v3;
	v10 =	vld.idx.msk [tilespmem:v10+s30+$0x0], $0xffff  }
0x2cc: {  	v3 =	vor.u32 v63, v3;
	v15 =	vor.u32 v4, v15;
	v4 =	vld [tilespmem:$0x1FED0]  }
0x2cd: {  	v14 =	vld.idx.msk [tilespmem:v25+s28+$0x0], $0xffff;
	v9 =	vor.u32 v43, v9  }
0x2ce: {  	v13 =	vmul.f32 v13, v23;
	v5 =	vmul.f32 v5, v21;
	_ =	sdelay $0x1  }
0x2cf: {  	v1 =	vld.idx.msk [tilespmem:v41+s28+$0x0], $0xffff;
	v16 =	vand.u32 $0xFFFFFFF8, v48;
	v5 =	vadd.f32 v5, v13  }
0x2d0: {  	v3 =	vld.idx.msk [tilespmem:v3+s30+$0x0], $0xffff;
	v16 =	vadd.s32 s25, v16;
	v10 =	vmul.f32 v10, v17  }
0x2d1: {  	v6 =	vmul.f32 v6, v14;
	v14 =	vand.u32 $0xFFFFFFF8, v33;
	(xrf2) =	vadd.scan.msk.f32 $0xffff, v5;
	v12 =	vor.u32 v44, v12;
	v5 =	vld.idx.msk [tilespmem:v9+s30+$0x0], $0xffff  }
0x2d2: {  	v13 =	vor.u32 v36, v16;
	v16 =	vand.u32 $0x7, v33;
	v9 =	vadd.s32 s0, v14;
	v11 =	vld.idx.msk [tilespmem:v11+s30+$0x0], $0xffff  }
0x2d3: {  	v9 =	vor.u32 v16, v9;
	v16 =	vld.idx.msk [tilespmem:v4+s28+$0x0], $0xffff  }
0x2d4: {  	v6 =	vadd.f32 v6, v10;
	v4 =	vld [tilespmem:$0x1FEB0]  }
0x2d5: {  	v3 =	vmul.f32 v3, v31  }
0x2d6: {  	v12 =	vld.idx.msk [tilespmem:v12+s30+$0x0], $0xffff  }
0x2d7: {  	v10, _, _ =	vpop (xrf2);
	v0 =	vadd.f32 v0, v3;
	(xrf2) =	vadd.scan.msk.f32 $0xffff, v6  }
0x2d8: {  	v6, _, _ =	vpop (xrf2);
	v2 =	vmul.f32 v2, v34;
	v1 =	vmul.f32 v11, v1  }
0x2d9: {  	v13 =	vld.idx.msk [tilespmem:v13+s30+$0x0], $0xffff;
	v3, _, _ =	vpop (xrf2)  }
0x2da: {  	v14 =	vand.u32 $0xFFFFFFF8, v30;
	v11, _, _ =	vpop (xrf2);
	v8 =	vld.idx.msk [tilespmem:v8+s30+$0x0], $0xffff;
	v1 =	vadd.f32 v1, v2  }
0x2db: {  	v17 =	vand.u32 $0x7, v30;
	v14 =	vadd.s32 s0, v14;
	(xrf2) =	vadd.scan.msk.f32 $0xffff, v0;
	v9 =	vld.idx.msk [tilespmem:v9+s30+$0x0], $0xffff;
	v0, _, _ =	vpop (xrf2);
	v7 =	vmul.f32 v12, v7  }
0x2dc: {  	v14 =	vor.u32 v17, v14;
	v2, _, _ =	vpop (xrf2);
	v17 =	vld.idx.msk [tilespmem:v4+s28+$0x0], $0xffff  }
0x2dd: {  	v5 =	vmul.f32 v5, v29;
	v12, _, _ =	vpop (xrf2)  }
0x2de: {  	(xrf2) =	vadd.scan.msk.f32 $0xffff, v1;
	v1, _, _ =	vpop (xrf2)  }
0x2df: {  	v13 =	vmul.f32 v13, v46;
	v5 =	vadd.f32 v7, v5;
	v7, _, _ =	vpop (xrf2);
	v8 =	vmul.f32 v8, v16  }
0x2e0: {  	v16, _, _ =	vpop (xrf2)  }
0x2e1: {  	(xrf2) =	vadd.scan.msk.f32 $0xffff, v5;
	v5 =	vadd.f32 v8, v13;
	v8 =	vmul.f32 v9, v17;
	v9, _, _ =	vpop (xrf2)  }
0x2e2: {  	v9 =	vbroadcast v9, $0xF;
	_ =	sdelay $0x1  }
0x2e3: {  	v13 =	vbroadcast v16, $0xF  }
0x2e4: {  	v14 =	vld.idx.msk [tilespmem:v14+s30+$0x0], $0xffff;
	v7 =	vbroadcast v7, $0xF  }
0x2e5: {  	v15 =	vld.idx.msk [tilespmem:v15+s28+$0x0], $0xffff;
	(xrf2) =	vadd.scan.msk.f32 $0xffff, v5;
	v5 =	vsel vm0, v13, v9;
	v9, _, _ =	vpop (xrf2)  }
0x2e6: {  	v5 =	vsel vm1, v5, v7;
	v7 =	vbroadcast v9, $0xF  }
0x2e7: {  	v1 =	vbroadcast v1, $0xF;
	_ =	sdelay $0x1  }
0x2e8: {  	v1 =	vsel vm2, v5, v1;
	v5 =	vbroadcast v12, $0xF  }
0x2e9: {  	v14 =	vmul.f32 v14, v15;
	v1 =	vsel vm3, v1, v7;
	v7, _, _ =	vpop (xrf2)  }
0x2ea: {  	v1 =	vsel vm4, v1, v5;
	v5 =	vbroadcast v7, $0xF  }
0x2eb: {  	v2 =	vbroadcast v2, $0xF;
	v8 =	vadd.f32 v14, v8;
	_ =	sdelay $0x1  }
0x2ec: {  	v0 =	vbroadcast v0, $0xF;
	(xrf2) =	vadd.scan.msk.f32 $0xffff, v8;
	v1 =	vsel vm5, v1, v2  }
0x2ed: {  	v2 =	vbroadcast v11, $0xF;
	v1 =	vsel vm6, v1, v5;
	v5, _, _ =	vpop (xrf2)  }
0x2ee: {  	v0 =	vsel vm7, v1, v0;
	v1 =	vbroadcast v5, $0xF  }
0x2ef: {  	v0 =	vsel vm8, v0, v2;
	v2 =	vbroadcast v3, $0xF  }
0x2f0: {  	v0 =	vsel vm9, v0, v1;
	v1 =	vbroadcast v6, $0xF  }
0x2f1: {  	v0 =	vsel vm10, v0, v2  }
0x2f2: {  	v3, _, _ =	vpop (xrf2);
	v0 =	vsel vm11, v0, v1;
	v1 =	vbroadcast v10, $0xF  }
0x2f3: {  	v2 =	vbroadcast v3, $0xF;
	_ =	sdelay $0x1  }
0x2f4: {  	v0 =	vsel vm12, v0, v2  }
0x2f5: {  	v0 =	vsel vm13, v0, v1;
	v1, _, _ =	vpop (xrf2)  }
0x2f6: {  	s17 =	sadd.s32 $0x10, s24;
	v0 =	vsel vm14, v0, v1  }
0x2f7: {  	s20 =	rddreg [dreg:$0x3];
	s1 =	simm.s32 $0x500;
	[tilespmem:s17+$0x0] =	vst v0  }
0x2f8: {  	[tilespmem:s28], [sflag:$0x1] =	stream.indirect.gather [hbm4b:s20+s19], $0x80, s1, s19, $0xb8;
	[tilespmem:$0x11000] =	vst v63  }
0x2f9: {  	s22 =	rddreg [dreg:$0x4];
	s2 =	simm.s32 $0x700  }
0x2fa: {  	[tilespmem:s30], [sflag:$0x2] =	stream.indirect.gather [hbm4b:s22+s19], $0x80, s2, s19, $0xb8;
	[tilespmem:$0x11000] =	vst v63  }
0x2fb: {  	s23 =	simm.s32 $0x4A00;
	s3 =	simm.s32 $0x580  }
0x2fc: {  	[tilespmem:s23], [sflag:$0x1] =	stream.indirect.gather [hbm4b:s20+s19], $0x80, s3, s19, $0xb8;
	[tilespmem:$0x11000] =	vst v63  }
0x2fd: {  	s24 =	simm.s32 $0xCA00;
	s25 =	simm.s32 $0x780  }
0x2fe: {  	[tilespmem:s24], [sflag:$0x2] =	stream.indirect.gather [hbm4b:s22+s19], $0x80, s25, s19, $0xb8;
	[tilespmem:$0x11000] =	vst v63  }
0x2ff: {  	_ =	swait.ge [sflag:s26], $0x4000  }
0x300: {  	[sflag:s26] =	ssyncset.done $0x0  }
0x301: {  	[sflag:s26] =	ssyncadd.s32 $0xFFFFC000  }
0x302: {  	_ =	swait.ge [sflag:s29], $0x4000  }
0x303: {  	[sflag:s29] =	ssyncset.done $0x0  }
0x304: {  	[sflag:s29] =	ssyncadd.s32 $0xFFFFC000  }
0x305: {  	_ =	swait.ge [sflag:s26], $0x4000  }
0x306: {  	[sflag:s26] =	ssyncset.done $0x0  }
0x307: {  	[sflag:s26] =	ssyncadd.s32 $0xFFFFC000  }
0x308: {  	_ =	swait.ge [sflag:s29], $0x4000  }
0x309: {  	[sflag:s29] =	ssyncset.done $0x0  }
0x30a: {  	s1 =	simm.s32 $0x100;
	[sflag:s29] =	ssyncadd.s32 $0xFFFFC000  }
0x30b: {  	v0 =	vld [tilespmem:s1+$0x0];
	_ =	sdelay $0x4  }
0x30c: {  	v26 =	vlaneseq.u32;
	v0 =	vshll.u32 v0, $0x5  }
0x30d: {  	v4 =	vimm.s32 $0xD;
	v1 =	vimm.s32 $0xE;
	v0 =	vand.u32 $0x60, v0  }
0x30e: {  	v3 =	vimm.s32 $0xC;
	v2 =	vimm.s32 $0xF;
	v1 =	vperm.xlane v0, v1  }
0x30f: {  	v2 =	vperm.xlane v0, v2;
	v5 =	vperm.xlane v0, v4;
	v4 =	vimm.s32 $0xA  }
0x310: {  	v3 =	vperm.xlane v0, v3;
	v6 =	vperm.xlane v0, v4;
	v4 =	vimm.s32 $0xB  }
0x311: {  	v7 =	vperm.xlane v0, v4;
	v4 =	vimm.s32 $0x8;
	v17 =	vadd.s32 v26, v1  }
0x312: {  	v18 =	vadd.s32 v26, v2;
	v19 =	vadd.s32 v26, v5;
	v21 =	vadd.s32 v26, v3  }
0x313: {  	v8 =	vperm.xlane v0, v4;
	v4 =	vimm.s32 $0x9;
	v22 =	vadd.s32 v26, v6  }
0x314: {  	v33 =	vand.u32 $0x7, v18;
	v34 =	vand.u32 $0xFFFFFFF8, v18;
	v36 =	vand.u32 $0x7, v19  }
0x315: {  	v37 =	vand.u32 $0x7, v17;
	v17 =	vand.u32 $0xFFFFFFF8, v17;
	v39 =	vand.u32 $0x7, v21  }
0x316: {  	v41 =	vand.u32 $0xFFFFFFF8, v19;
	v21 =	vand.u32 $0xFFFFFFF8, v21;
	v9 =	vperm.xlane v0, v4  }
0x317: {  	s12 =	simm.s32 $0x600;
	s3 =	simm.s32 $0x700;
	v4 =	vimm.s32 $0x6;
	v20 =	vadd.s32 v26, v7;
	v44 =	vand.u32 $0x7, v22  }
0x318: {  	v22 =	vand.u32 $0xFFFFFFF8, v22;
	v17 =	vadd.s32 s3, v17;
	v21 =	vadd.s32 s12, v21  }
0x319: {  	s8 =	simm.s32 $0x500;
	v10 =	vperm.xlane v0, v4;
	v4 =	vimm.s32 $0x7;
	v23 =	vadd.s32 v26, v8  }
0x31a: {  	v42 =	vand.u32 $0x7, v20;
	v46 =	vand.u32 $0xFFFFFFF8, v20;
	v22 =	vadd.s32 s8, v22  }
0x31b: {  	v17 =	vor.u32 v37, v17;
	v39 =	vor.u32 v39, v21;
	v11 =	vperm.xlane v0, v4  }
0x31c: {  	v4 =	vimm.s32 $0x4;
	v24 =	vadd.s32 v26, v9;
	v44 =	vor.u32 v44, v22  }
0x31d: {  	v12 =	vperm.xlane v0, v4;
	v4 =	vimm.s32 $0x5;
	v27 =	vadd.s32 v26, v10  }
0x31e: {  	v47 =	vand.u32 $0x7, v24;
	v24 =	vand.u32 $0xFFFFFFF8, v24;
	v13 =	vperm.xlane v0, v4  }
0x31f: {  	s15 =	simm.s32 $0x480;
	v4 =	vimm.s32 $0x2;
	v25 =	vadd.s32 v26, v11;
	v53 =	vand.u32 $0x7, v27  }
0x320: {  	v27 =	vand.u32 $0xFFFFFFF8, v27;
	v24 =	vadd.s32 s15, v24;
	v14 =	vperm.xlane v0, v4  }
0x321: {  	s17 =	simm.s32 $0x300;
	v4 =	vimm.s32 $0x3;
	v28 =	vadd.s32 v26, v12;
	v51 =	vand.u32 $0x7, v25  }
0x322: {  	v25 =	vand.u32 $0xFFFFFFF8, v25;
	v27 =	vadd.s32 s17, v27;
	v47 =	vor.u32 v47, v24  }
0x323: {  	s9 =	simm.s32 $0x380;
	v15 =	vperm.xlane v0, v4;
	v4 =	vimm.s32 $0x0;
	v63 =	vadd.s32 v26, v13  }
0x324: {  	v57 =	vand.u32 $0x7, v28;
	v28 =	vand.u32 $0xFFFFFFF8, v28;
	v25 =	vadd.s32 s9, v25  }
0x325: {  	v53 =	vor.u32 v53, v27;
	v16 =	vperm.xlane v0, v4;
	v4 =	vimm.s32 $0x1  }
0x326: {  	v29 =	vadd.s32 v26, v14;
	v55 =	vand.u32 $0x7, v63;
	v0 =	vperm.xlane v0, v4;
	v4 =	vld [tilespmem:$0x1FFF0]  }
0x327: {  	v51 =	vor.u32 v51, v25;
	v30 =	vadd.s32 v26, v15;
	v61 =	vand.u32 $0x7, v29  }
0x328: {  	s22 =	simm.s32 $0x100;
	v29 =	vand.u32 $0xFFFFFFF8, v29;
	v31 =	vadd.s32 v26, v16;
	v59 =	vand.u32 $0x7, v30  }
0x329: {  	s23 =	simm.s32 $0x180;
	v30 =	vand.u32 $0xFFFFFFF8, v30;
	v29 =	vadd.s32 s22, v29;
	v32 =	vadd.s32 v26, v0  }
0x32a: {  	s25 =	simm.s32 $0x80;
	v30 =	vadd.s32 s23, v30;
	v20 =	vand.u32 $0x7, v32;
	v32 =	vand.u32 $0xFFFFFFF8, v32  }
0x32b: {  	v32 =	vadd.s32 s25, v32;
	v2 =	vadd.s32 v4, v2;
	v5 =	vadd.s32 v4, v5  }
0x32c: {  	v1 =	vadd.s32 v4, v1;
	v3 =	vadd.s32 v4, v3;
	v6 =	vadd.s32 v4, v6  }
0x32d: {  	v7 =	vadd.s32 v4, v7;
	v9 =	vadd.s32 v4, v9;
	v11 =	vadd.s32 v4, v11  }
0x32e: {  	v8 =	vadd.s32 v4, v8;
	v10 =	vadd.s32 v4, v10;
	v12 =	vadd.s32 v4, v12  }
0x32f: {  	v13 =	vadd.s32 v4, v13;
	v15 =	vadd.s32 v4, v15;
	v16 =	vadd.s32 v4, v16  }
0x330: {  	v14 =	vadd.s32 v4, v14;
	v0 =	vadd.s32 v4, v0;
	v35 =	vand.u32 $0xFFFFFFF8, v2  }
0x331: {  	v2 =	vand.u32 $0x7, v2;
	v38 =	vand.u32 $0x7, v1;
	v45 =	vand.u32 $0x7, v5  }
0x332: {  	v1 =	vand.u32 $0xFFFFFFF8, v1;
	v40 =	vand.u32 $0x7, v3;
	v43 =	vand.u32 $0x7, v7  }
0x333: {  	v5 =	vand.u32 $0xFFFFFFF8, v5;
	v3 =	vand.u32 $0xFFFFFFF8, v3;
	v50 =	vand.u32 $0x7, v6  }
0x334: {  	v7 =	vand.u32 $0xFFFFFFF8, v7;
	v48 =	vand.u32 $0x7, v9;
	v6 =	vand.u32 $0xFFFFFFF8, v6  }
0x335: {  	v9 =	vand.u32 $0xFFFFFFF8, v9;
	v52 =	vand.u32 $0x7, v11;
	v54 =	vand.u32 $0x7, v10  }
0x336: {  	v56 =	vand.u32 $0x7, v13;
	v11 =	vand.u32 $0xFFFFFFF8, v11;
	v10 =	vand.u32 $0xFFFFFFF8, v10  }
0x337: {  	v58 =	vand.u32 $0x7, v12;
	v13 =	vand.u32 $0xFFFFFFF8, v13;
	v60 =	vand.u32 $0x7, v15  }
0x338: {  	v62 =	vand.u32 $0x7, v14;
	v12 =	vand.u32 $0xFFFFFFF8, v12;
	v15 =	vand.u32 $0xFFFFFFF8, v15  }
0x339: {  	s0 =	simm.s32 $0x780;
	v19 =	vand.u32 $0x7, v16;
	v49 =	vand.u32 $0x7, v0;
	v18 =	vand.u32 $0xFFFFFFF8, v14  }
0x33a: {  	v14 =	vadd.s32 s0, v34;
	v16 =	vand.u32 $0xFFFFFFF8, v16;
	v0 =	vand.u32 $0xFFFFFFF8, v0  }
0x33b: {  	s7 =	simm.s32 $0x680;
	[tilespmem:$0x1FBD0] =	vst v2;
	v2 =	vand.u32 $0x7, v23;
	v23 =	vand.u32 $0xFFFFFFF8, v23;
	v14 =	vor.u32 v33, v14  }
0x33c: {  	s10 =	simm.s32 $0x580;
	v5 =	vadd.s32 s7, v5;
	v1 =	vadd.s32 s3, v1;
	v3 =	vadd.s32 s12, v3  }
0x33d: {  	s16 =	simm.s32 $0x280;
	v6 =	vadd.s32 s8, v6;
	v7 =	vadd.s32 s10, v7;
	v9 =	vadd.s32 s15, v9  }
0x33e: {  	v11 =	vadd.s32 s9, v11;
	v10 =	vadd.s32 s17, v10;
	v13 =	vadd.s32 s16, v13  }
0x33f: {  	s2 =	simm.s32 $0x300;
	v15 =	vadd.s32 s23, v15;
	v0 =	vadd.s32 s25, v0;
	[tilespmem:$0x1FBA0] =	vst v2;
	v2 =	vand.u32 $0x7, v8  }
0x340: {  	s13 =	simm.s32 $0x400;
	v33 =	vld [tilespmem:s2+$0x0];
	v8 =	vand.u32 $0xFFFFFFF8, v8;
	[tilespmem:$0x1FC00] =	vst v14;
	v14 =	vadd.s32 s0, v35;
	v35 =	vadd.s32 s7, v41  }
0x341: {  	v41 =	vadd.s32 s10, v46;
	v23 =	vadd.s32 s13, v23;
	v40 =	vor.u32 v40, v3  }
0x342: {  	v43 =	vor.u32 v43, v7;
	v9 =	vor.u32 v48, v9;
	v54 =	vor.u32 v54, v10  }
0x343: {  	v10 =	vimm.s32 $0xD;
	v49 =	vor.u32 v49, v0;
	[tilespmem:$0x1FBB0] =	vst v2;
	v2 =	vand.u32 $0xFFFFFFF8, v63  }
0x344: {  	v63 =	vand.u32 $0x7, v31;
	v31 =	vand.u32 $0xFFFFFFF8, v31;
	[tilespmem:$0x1FBE0] =	vst v14;
	v14 =	vor.u32 v36, v35  }
0x345: {  	v36 =	vimm.s32 $0xE;
	v8 =	vadd.s32 s13, v8;
	v33 =	vshll.u32 v33, $0x5  }
0x346: {  	v34 =	vadd.s32 s16, v2;
	v2 =	vor.u32 v45, v5;
	v46 =	vand.u32 $0x60, v33  }
0x347: {  	v41 =	vor.u32 v42, v41;
	[tilespmem:$0x1FBF0] =	vst v2;
	v2 =	vimm.s32 $0xC;
	v33 =	vperm.xlane v46, v36  }
0x348: {  	v36 =	vor.u32 v38, v1;
	v3 =	vperm.xlane v46, v2;
	v2 =	vimm.s32 $0xB  }
0x349: {  	s24 =	simm.s32 $0x0;
	v27 =	vperm.xlane v46, v10;
	v10 =	vimm.s32 $0xA;
	v5 =	vperm.xlane v46, v2  }
0x34a: {  	v2 =	vor.u32 v50, v6;
	v6 =	vadd.s32 s24, v31;
	v31 =	vadd.s32 s24, v16  }
0x34b: {  	v16 =	vor.u32 v52, v11;
	v52 =	vor.u32 v55, v34;
	v55 =	vor.u32 v56, v13  }
0x34c: {  	v13 =	vor.u32 v59, v30;
	v11 =	vor.u32 v61, v29;
	v29 =	vperm.xlane v46, v10  }
0x34d: {  	v10 =	vimm.s32 $0x8;
	v30 =	vor.u32 v20, v32;
	v35 =	vadd.s32 v26, v33  }
0x34e: {  	v37 =	vadd.s32 v4, v33;
	v48 =	vadd.s32 v26, v3;
	v22 =	vadd.s32 v4, v3  }
0x34f: {  	[tilespmem:$0x1FBC0] =	vst v2;
	v2 =	vadd.s32 s22, v18;
	v18 =	vor.u32 v19, v31;
	v1 =	vand.u32 $0xFFFFFFF8, v35  }
0x350: {  	v21 =	vand.u32 $0xFFFFFFF8, v37;
	v7 =	vadd.s32 v26, v5;
	v3 =	vand.u32 $0xFFFFFFF8, v48  }
0x351: {  	v24 =	vand.u32 $0xFFFFFFF8, v22;
	v38 =	vadd.s32 v4, v5;
	v34 =	vor.u32 v62, v2  }
0x352: {  	v2 =	vimm.s32 $0x9;
	v19 =	vadd.s32 v26, v29;
	v20 =	vadd.s32 v4, v29  }
0x353: {  	s20 =	simm.s32 $0x200;
	v35 =	vand.u32 $0x7, v35;
	v37 =	vand.u32 $0x7, v37;
	v22 =	vand.u32 $0x7, v22  }
0x354: {  	v33 =	vadd.s32 s3, v1;
	v21 =	vadd.s32 s3, v21;
	v1 =	vadd.s32 s20, v28  }
0x355: {  	v28 =	vadd.s32 s20, v12;
	v42 =	vadd.s32 s12, v3;
	v24 =	vadd.s32 s12, v24;
	v12 =	vld [tilespmem:$0x1FBA0]  }
0x356: {  	v3 =	vand.u32 $0xFFFFFFF8, v7;
	v5 =	vand.u32 $0xFFFFFFF8, v38;
	v38 =	vand.u32 $0x7, v38  }
0x357: {  	v3 =	vadd.s32 s10, v3;
	v5 =	vadd.s32 s10, v5;
	v33 =	vor.u32 v35, v33  }
0x358: {  	v17 =	vld.idx.msk [tilespmem:v17+s28+$0x0], $0xffff;
	v56 =	vor.u32 v57, v1;
	v28 =	vor.u32 v58, v28;
	v21 =	vor.u32 v37, v21  }
0x359: {  	v1 =	vimm.s32 $0xF;
	v57 =	vperm.xlane v46, v10;
	v0 =	vld.idx.msk [tilespmem:v36+s28+$0x0], $0xffff;
	v22 =	vor.u32 v22, v24  }
0x35a: {  	v58 =	vperm.xlane v46, v2;
	v36 =	vand.u32 $0x7, v48;
	v23 =	vor.u32 v12, v23;
	v12 =	vld [tilespmem:$0x1FBB0]  }
0x35b: {  	v40 =	vld.idx.msk [tilespmem:v40+s28+$0x0], $0xffff;
	v2 =	vimm.s32 $0x6;
	v10 =	vimm.s32 $0x1;
	v42 =	vor.u32 v36, v42  }
0x35c: {  	v1 =	vperm.xlane v46, v1;
	v59 =	vperm.xlane v46, v2;
	v2 =	vimm.s32 $0x7;
	v33 =	vld.idx.msk [tilespmem:v33+s30+$0x0], $0xffff  }
0x35d: {  	v5 =	vor.u32 v38, v5;
	v29 =	vadd.s32 v26, v57;
	v57 =	vadd.s32 v4, v57;
	v21 =	vld.idx.msk [tilespmem:v21+s30+$0x0], $0xffff  }
0x35e: {  	v25 =	vadd.s32 v4, v1;
	v35 =	vadd.s32 v26, v59;
	v48 =	vadd.s32 v4, v59;
	v22 =	vld.idx.msk [tilespmem:v22+s30+$0x0], $0xffff  }
0x35f: {  	v39 =	vld.idx.msk [tilespmem:v39+s28+$0x0], $0xffff;
	v50 =	vor.u32 v12, v8;
	v8 =	vor.u32 v60, v15;
	v12 =	vor.u32 v63, v6  }
0x360: {  	v42 =	vld.idx.msk [tilespmem:v42+s30+$0x0], $0xffff;
	v60 =	vperm.xlane v46, v2;
	v2 =	vimm.s32 $0x4;
	v15 =	vadd.s32 v26, v1  }
0x361: {  	v1 =	vadd.s32 v26, v27;
	v61 =	vperm.xlane v46, v2;
	v2 =	vimm.s32 $0x5  }
0x362: {  	v17 =	vmul.f32 v33, v17;
	v0 =	vmul.f32 v21, v0;
	v21 =	vand.u32 $0xFFFFFFF8, v57  }
0x363: {  	v57 =	vand.u32 $0x7, v57;
	v22 =	vmul.f32 v22, v40;
	v62 =	vperm.xlane v46, v2  }
0x364: {  	v2 =	vimm.s32 $0x2;
	v32 =	vadd.s32 v26, v60;
	v31 =	vadd.s32 v4, v60  }
0x365: {  	v21 =	vadd.s32 s13, v21;
	v42 =	vmul.f32 v42, v39;
	v63 =	vperm.xlane v46, v2  }
0x366: {  	v2 =	vimm.s32 $0x3;
	v37 =	vadd.s32 v26, v61;
	v36 =	vadd.s32 v4, v61  }
0x367: {  	v53 =	vld.idx.msk [tilespmem:v53+s28+$0x0], $0xffff;
	v61 =	vand.u32 $0x7, v7;
	v21 =	vor.u32 v57, v21;
	v57 =	vand.u32 $0xFFFFFFF8, v48  }
0x368: {  	v43 =	vld.idx.msk [tilespmem:v43+s28+$0x0], $0xffff;
	v48 =	vand.u32 $0x7, v48;
	v6 =	vperm.xlane v46, v2;
	v2 =	vimm.s32 $0x0  }
0x369: {  	v9 =	vld.idx.msk [tilespmem:v9+s28+$0x0], $0xffff;
	v60 =	vadd.s32 v26, v62;
	v59 =	vadd.s32 v4, v62;
	v3 =	vor.u32 v61, v3  }
0x36a: {  	v54 =	vld.idx.msk [tilespmem:v54+s28+$0x0], $0xffff;
	v2 =	vperm.xlane v46, v2;
	v46 =	vperm.xlane v46, v10;
	v10 =	vadd.s32 v4, v27  }
0x36b: {  	v41 =	vld.idx.msk [tilespmem:v41+s28+$0x0], $0xffff;
	v27 =	vadd.s32 v26, v58;
	v58 =	vadd.s32 v4, v58;
	v24 =	vadd.s32 v26, v63  }
0x36c: {  	v52 =	vld.idx.msk [tilespmem:v52+s28+$0x0], $0xffff;
	v40 =	vand.u32 $0xFFFFFFF8, v60;
	v62 =	vand.u32 $0x7, v27;
	v27 =	vand.u32 $0xFFFFFFF8, v27  }
0x36d: {  	v55 =	vld.idx.msk [tilespmem:v55+s28+$0x0], $0xffff;
	v61 =	vand.u32 $0xFFFFFFF8, v58;
	v58 =	vand.u32 $0x7, v58;
	v40 =	vadd.s32 s16, v40  }
0x36e: {  	v7 =	vld.idx.msk [tilespmem:v44+s28+$0x0], $0xffff;
	v27 =	vadd.s32 s15, v27;
	v38 =	vadd.s32 s15, v61;
	v61 =	vadd.s32 v26, v2  }
0x36f: {  	v44 =	vld.idx.msk [tilespmem:v47+s28+$0x0], $0xffff;
	v2 =	vadd.s32 v4, v2;
	v33 =	vadd.s32 v26, v46;
	v46 =	vadd.s32 v4, v46  }
0x370: {  	v50 =	vld.idx.msk [tilespmem:v50+s28+$0x0], $0xffff;
	v27 =	vor.u32 v62, v27;
	v62 =	vand.u32 $0xFFFFFFF8, v29;
	v38 =	vor.u32 v58, v38  }
0x371: {  	v58 =	vadd.s32 v26, v6;
	v29 =	vand.u32 $0x7, v29;
	v6 =	vadd.s32 v4, v6;
	v21 =	vld.idx.msk [tilespmem:v21+s30+$0x0], $0xffff  }
0x372: {  	v47 =	vadd.s32 s13, v62;
	v62 =	vadd.s32 v4, v63;
	v63 =	vand.u32 $0xFFFFFFF8, v35;
	v3 =	vld.idx.msk [tilespmem:v3+s30+$0x0], $0xffff  }
0x373: {  	v35 =	vand.u32 $0x7, v35;
	v47 =	vor.u32 v29, v47;
	v29 =	vld.idx.msk [tilespmem:v51+s28+$0x0], $0xffff;
	v51 =	vadd.s32 s17, v63  }
0x374: {  	v13 =	vld.idx.msk [tilespmem:v13+s28+$0x0], $0xffff;
	v63 =	vand.u32 $0x7, v60;
	v60 =	vand.u32 $0xFFFFFFF8, v59;
	v59 =	vand.u32 $0x7, v59  }
0x375: {  	v35 =	vor.u32 v35, v51;
	v51 =	vadd.s32 s17, v57;
	v40 =	vor.u32 v63, v40;
	v27 =	vld.idx.msk [tilespmem:v27+s30+$0x0], $0xffff  }
0x376: {  	v60 =	vadd.s32 s16, v60;
	v63 =	vand.u32 $0xFFFFFFF8, v58;
	v58 =	vand.u32 $0x7, v58;
	v38 =	vld.idx.msk [tilespmem:v38+s30+$0x0], $0xffff  }
0x377: {  	v11 =	vld.idx.msk [tilespmem:v11+s28+$0x0], $0xffff;
	v48 =	vor.u32 v48, v51;
	v21 =	vmul.f32 v21, v50;
	v50 =	vand.u32 $0x7, v46  }
0x378: {  	v3 =	vmul.f32 v3, v41;
	v41 =	vld.idx.msk [tilespmem:v56+s28+$0x0], $0xffff;
	v56 =	vor.u32 v59, v60;
	v59 =	vadd.s32 s23, v63  }
0x379: {  	v23 =	vld.idx.msk [tilespmem:v23+s28+$0x0], $0xffff;
	v60 =	vand.u32 $0xFFFFFFF8, v6;
	v63 =	vand.u32 $0x7, v24;
	v24 =	vand.u32 $0xFFFFFFF8, v24  }
0x37a: {  	v6 =	vand.u32 $0x7, v6;
	v58 =	vor.u32 v58, v59;
	v47 =	vld.idx.msk [tilespmem:v47+s30+$0x0], $0xffff;
	v24 =	vadd.s32 s22, v24  }
0x37b: {  	v30 =	vld.idx.msk [tilespmem:v30+s28+$0x0], $0xffff;
	v24 =	vor.u32 v63, v24;
	v27 =	vmul.f32 v27, v44;
	v9 =	vmul.f32 v38, v9  }
0x37c: {  	v34 =	vld.idx.msk [tilespmem:v34+s28+$0x0], $0xffff;
	v44 =	vadd.s32 s23, v60;
	v38 =	vand.u32 $0x7, v2;
	v60 =	vand.u32 $0xFFFFFFF8, v62  }
0x37d: {  	v35 =	vld.idx.msk [tilespmem:v35+s30+$0x0], $0xffff;
	v2 =	vand.u32 $0xFFFFFFF8, v2;
	v6 =	vor.u32 v6, v44;
	v44 =	vand.u32 $0x7, v62  }
0x37e: {  	v5 =	vld.idx.msk [tilespmem:v5+s30+$0x0], $0xffff;
	v60 =	vadd.s32 s22, v60;
	v2 =	vadd.s32 s24, v2;
	v9 =	vadd.f32 v9, v27  }
0x37f: {  	v8 =	vld.idx.msk [tilespmem:v8+s28+$0x0], $0xffff;
	v27 =	vand.u32 $0x7, v61;
	v23 =	vmul.f32 v47, v23;
	v47 =	vand.u32 $0x7, v33  }
0x380: {  	v48 =	vld.idx.msk [tilespmem:v48+s30+$0x0], $0xffff;
	v61 =	vand.u32 $0xFFFFFFF8, v61;
	v44 =	vor.u32 v44, v60;
	v33 =	vand.u32 $0xFFFFFFF8, v33  }
0x381: {  	v58 =	vld.idx.msk [tilespmem:v58+s30+$0x0], $0xffff;
	v60 =	vadd.s32 s24, v61;
	v33 =	vadd.s32 s25, v33;
	v21 =	vadd.f32 v21, v23  }
0x382: {  	v23 =	vor.u32 v27, v60;
	v27 =	vmul.f32 v35, v53;
	v53 =	vand.u32 $0xFFFFFFF8, v46;
	v6 =	vld.idx.msk [tilespmem:v6+s30+$0x0], $0xffff  }
0x383: {  	v40 =	vld.idx.msk [tilespmem:v40+s30+$0x0], $0xffff;
	v2 =	vor.u32 v38, v2;
	v33 =	vor.u32 v47, v33;
	v38 =	vadd.s32 s25, v53  }
0x384: {  	v5 =	vmul.f32 v5, v43;
	v17 =	vadd.f32 v0, v17;
	v56 =	vld.idx.msk [tilespmem:v56+s30+$0x0], $0xffff;
	v38 =	vor.u32 v50, v38  }
0x385: {  	v22 =	vadd.f32 v22, v42;
	v24 =	vld.idx.msk [tilespmem:v24+s30+$0x0], $0xffff  }
0x386: {  	v0 =	vand.u32 $0x7, v1;
	(xrf2) =	vadd.scan.msk.f32 $0xffff, v17;
	v3 =	vadd.f32 v5, v3;
	v48 =	vmul.f32 v48, v54;
	v54 =	vld.idx.msk [tilespmem:v44+s30+$0x0], $0xffff  }
0x387: {  	v17 =	vld.idx.msk [tilespmem:v49+s28+$0x0], $0xffff;
	(xrf2) =	vadd.scan.msk.f32 $0xffff, v22;
	v13 =	vmul.f32 v58, v13;
	v6 =	vmul.f32 v6, v8;
	v8 =	vand.u32 $0xFFFFFFF8, v32  }
0x388: {  	v57 =	vand.u32 $0x7, v32;
	(xrf2) =	vadd.scan.msk.f32 $0xffff, v3;
	v40 =	vmul.f32 v40, v52;
	v3 =	vld.idx.msk [tilespmem:v33+s30+$0x0], $0xffff;
	v8 =	vadd.s32 s9, v8  }
0x389: {  	v56 =	vmul.f32 v56, v55;
	v6 =	vadd.f32 v6, v13;
	v13 =	vld.idx.msk [tilespmem:v38+s30+$0x0], $0xffff;
	v8 =	vor.u32 v57, v8  }
0x38a: {  	v45 =	vld.idx.msk [tilespmem:v14+s28+$0x0], $0xffff;
	v43 =	vand.u32 $0x7, v31;
	v39 =	vand.u32 $0x7, v10;
	(xrf2) =	vadd.scan.msk.f32 $0xffff, v9;
	v27 =	vadd.f32 v48, v27  }
0x38b: {  	(xrf2) =	vadd.scan.msk.f32 $0xffff, v21;
	v40 =	vadd.f32 v56, v40;
	v11 =	vmul.f32 v24, v11;
	v24 =	vmul.f32 v54, v34  }
0x38c: {  	v14 =	vld.idx.msk [tilespmem:v18+s28+$0x0], $0xffff;
	v10 =	vand.u32 $0xFFFFFFF8, v10;
	v5 =	vand.u32 $0x7, v37;
	v37 =	vand.u32 $0xFFFFFFF8, v37;
	(xrf2) =	vadd.scan.msk.f32 $0xffff, v27  }
0x38d: {  	v12 =	vld.idx.msk [tilespmem:v12+s28+$0x0], $0xffff;
	v59 =	vand.u32 $0x7, v36;
	v37 =	vadd.s32 s20, v37;
	(xrf2) =	vadd.scan.msk.f32 $0xffff, v40;
	v11 =	vadd.f32 v24, v11  }
0x38e: {  	v3 =	vmul.f32 v3, v30;
	(xrf2) =	vadd.scan.msk.f32 $0xffff, v6;
	v6 =	vld.idx.msk [tilespmem:v8+s30+$0x0], $0xffff;
	v8 =	vadd.s32 s7, v10;
	v10 =	vmul.f32 v13, v17  }
0x38f: {  	v36 =	vand.u32 $0xFFFFFFF8, v36;
	v5 =	vor.u32 v5, v37;
	v2 =	vld.idx.msk [tilespmem:v2+s30+$0x0], $0xffff;
	(xrf2) =	vadd.scan.msk.f32 $0xffff, v11;
	v11 =	vand.u32 $0xFFFFFFF8, v15  }
0x390: {  	v13 =	vand.u32 $0x7, v15;
	v15 =	vld [tilespmem:$0x1FBE0];
	v3 =	vadd.f32 v10, v3;
	v10 =	vadd.s32 s0, v11  }
0x391: {  	v31 =	vand.u32 $0xFFFFFFF8, v31;
	v36 =	vadd.s32 s20, v36;
	v10 =	vor.u32 v13, v10;
	v13 =	vld [tilespmem:$0x1FBD0]  }
0x392: {  	v1 =	vand.u32 $0xFFFFFFF8, v1;
	v42 =	vand.u32 $0x7, v20;
	v22 =	vor.u32 v59, v36;
	v23 =	vld.idx.msk [tilespmem:v23+s30+$0x0], $0xffff  }
0x393: {  	v31 =	vadd.s32 s9, v31;
	v20 =	vand.u32 $0xFFFFFFF8, v20;
	v1 =	vadd.s32 s7, v1;
	v9 =	vld.idx.msk [tilespmem:v28+s28+$0x0], $0xffff  }
0x394: {  	v31 =	vor.u32 v43, v31;
	v51 =	vand.u32 $0x7, v19;
	v19 =	vand.u32 $0xFFFFFFF8, v19;
	v5 =	vld.idx.msk [tilespmem:v5+s30+$0x0], $0xffff  }
0x395: {  	v0 =	vor.u32 v0, v1;
	v19 =	vadd.s32 s8, v19;
	v1 =	vor.u32 v39, v8;
	v8 =	vld [tilespmem:$0x1FBC0]  }
0x396: {  	v20 =	vadd.s32 s8, v20;
	v19 =	vor.u32 v51, v19;
	v13 =	vor.u32 v13, v15;
	v15 =	vld [tilespmem:$0x1FBF0]  }
0x397: {  	v20 =	vor.u32 v42, v20;
	v2 =	vmul.f32 v2, v14;
	v14 =	vld.idx.msk [tilespmem:v22+s30+$0x0], $0xffff;
	v12 =	vmul.f32 v23, v12  }
0x398: {  	v18 =	vld [tilespmem:$0x1FC00]  }
0x399: {  	v21 =	vld.idx.msk [tilespmem:v16+s28+$0x0], $0xffff;
	v2 =	vadd.f32 v2, v12  }
0x39a: {  	v12 =	vld.idx.msk [tilespmem:v31+s30+$0x0], $0xffff  }
0x39b: {  	(xrf2) =	vadd.scan.msk.f32 $0xffff, v2;
	v2 =	vld.idx.msk [tilespmem:v19+s30+$0x0], $0xffff  }
0x39c: {  	v5 =	vmul.f32 v5, v41;
	v9 =	vmul.f32 v14, v9;
	v17 =	vld.idx.msk [tilespmem:v20+s30+$0x0], $0xffff  }
0x39d: {  	v8 =	vld.idx.msk [tilespmem:v8+s28+$0x0], $0xffff  }
0x39e: {  	v5 =	vadd.f32 v9, v5;
	v11, _, _ =	vpop (xrf2);
	(xrf2) =	vadd.scan.msk.f32 $0xffff, v3;
	v16 =	vld.idx.msk [tilespmem:v15+s28+$0x0], $0xffff;
	v15 =	vand.u32 $0x7, v25  }
0x39f: {  	v14 =	vand.u32 $0xFFFFFFF8, v25;
	v12 =	vmul.f32 v12, v21;
	v6 =	vmul.f32 v6, v29;
	v3, _, _ =	vpop (xrf2)  }
0x3a0: {  	v0 =	vld.idx.msk [tilespmem:v0+s30+$0x0], $0xffff;
	v14 =	vadd.s32 s0, v14;
	v9, _, _ =	vpop (xrf2)  }
0x3a1: {  	v1 =	vld.idx.msk [tilespmem:v1+s30+$0x0], $0xffff;
	(xrf2) =	vadd.scan.msk.f32 $0xffff, v5;
	v6 =	vadd.f32 v12, v6;
	v14 =	vor.u32 v15, v14;
	v15, _, _ =	vpop (xrf2)  }
0x3a2: {  	v19 =	vld.idx.msk [tilespmem:v18+s28+$0x0], $0xffff;
	v2 =	vmul.f32 v2, v7;
	v7 =	vmul.f32 v17, v8;
	v5, _, _ =	vpop (xrf2)  }
0x3a3: {  	v10 =	vld.idx.msk [tilespmem:v10+s30+$0x0], $0xffff;
	v12, _, _ =	vpop (xrf2)  }
0x3a4: {  	(xrf2) =	vadd.scan.msk.f32 $0xffff, v6;
	v2 =	vadd.f32 v7, v2;
	v8, _, _ =	vpop (xrf2)  }
0x3a5: {  	v13 =	vld.idx.msk [tilespmem:v13+s28+$0x0], $0xffff;
	v6, _, _ =	vpop (xrf2)  }
0x3a6: {  	v0 =	vmul.f32 v0, v45;
	v1 =	vmul.f32 v1, v16;
	v14 =	vld.idx.msk [tilespmem:v14+s30+$0x0], $0xffff;
	v7, _, _ =	vpop (xrf2)  }
0x3a7: {  	(xrf2) =	vadd.scan.msk.f32 $0xffff, v2;
	v16, _, _ =	vpop (xrf2)  }
0x3a8: {  	v0 =	vadd.f32 v1, v0;
	v1 =	vmul.f32 v10, v19;
	v2, _, _ =	vpop (xrf2)  }
0x3a9: {  	v10 =	vbroadcast v16, $0xF;
	v2 =	vbroadcast v2, $0xF  }
0x3aa: {  	v7 =	vbroadcast v7, $0xF;
	(xrf2) =	vadd.scan.msk.f32 $0xffff, v0  }
0x3ab: {  	v13 =	vmul.f32 v14, v13;
	v0 =	vsel vm0, v10, v2;
	v2 =	vbroadcast v6, $0xF;
	v6, _, _ =	vpop (xrf2)  }
0x3ac: {  	v0 =	vsel vm1, v0, v7;
	v6 =	vbroadcast v6, $0xF  }
0x3ad: {  	v1 =	vadd.f32 v13, v1;
	v0 =	vsel vm2, v0, v2;
	v2 =	vbroadcast v8, $0xF  }
0x3ae: {  	v7, _, _ =	vpop (xrf2);
	v0 =	vsel vm3, v0, v6;
	v6 =	vbroadcast v12, $0xF  }
0x3af: {  	(xrf2) =	vadd.scan.msk.f32 $0xffff, v1;
	v1 =	vbroadcast v7, $0xF;
	v0 =	vsel vm4, v0, v2  }
0x3b0: {  	v2 =	vbroadcast v5, $0xF;
	v0 =	vsel vm5, v0, v6  }
0x3b1: {  	v5, _, _ =	vpop (xrf2);
	v0 =	vsel vm6, v0, v1;
	v1 =	vbroadcast v15, $0xF  }
0x3b2: {  	v0 =	vsel vm7, v0, v2;
	v2 =	vbroadcast v5, $0xF  }
0x3b3: {  	v0 =	vsel vm8, v0, v1;
	v1 =	vbroadcast v9, $0xF  }
0x3b4: {  	v0 =	vsel vm9, v0, v2;
	v2 =	vbroadcast v3, $0xF;
	v3, _, _ =	vpop (xrf2)  }
0x3b5: {  	v0 =	vsel vm10, v0, v1;
	v1 =	vbroadcast v3, $0xF;
	_ =	sdelay $0x1  }
0x3b6: {  	v0 =	vsel vm11, v0, v2;
	v2 =	vbroadcast v11, $0xF  }
0x3b7: {  	v0 =	vsel vm12, v0, v1  }
0x3b8: {  	v0 =	vsel vm13, v0, v2;
	v1, _, _ =	vpop (xrf2)  }
0x3b9: {  	s22 =	simm.s32 $0x10F00;
	v0 =	vsel vm14, v0, v1  }
0x3ba: {  	s23 =	simm.s32 $0x110;
	[tilespmem:s22+$0x0] =	vst v0  }
0x3bb: {  	v0 =	vld [tilespmem:s23+$0x0];
	_ =	sdelay $0x2  }
0x3bc: {  	v62 =	vimm.s32 $0xE;
	v17 =	vimm.s32 $0x1  }
0x3bd: {  	v14 =	vimm.s32 $0x2;
	v10 =	vimm.s32 $0x6;
	v13 =	vimm.s32 $0x5  }
0x3be: {  	v7 =	vimm.s32 $0xB;
	v8 =	vimm.s32 $0x8;
	v0 =	vshll.u32 v0, $0x5  }
0x3bf: {  	v5 =	vimm.s32 $0xD;
	v2 =	vimm.s32 $0xF;
	v0 =	vand.u32 $0x60, v0  }
0x3c0: {  	v3 =	vimm.s32 $0xC;
	v1 =	vperm.xlane v0, v62;
	v2 =	vperm.xlane v0, v2  }
0x3c1: {  	v6 =	vimm.s32 $0xA;
	v3 =	vperm.xlane v0, v3;
	v5 =	vperm.xlane v0, v5  }
0x3c2: {  	v9 =	vimm.s32 $0x9;
	v6 =	vperm.xlane v0, v6;
	v7 =	vperm.xlane v0, v7  }
0x3c3: {  	v11 =	vimm.s32 $0x7;
	v8 =	vperm.xlane v0, v8;
	v9 =	vperm.xlane v0, v9  }
0x3c4: {  	v12 =	vimm.s32 $0x4;
	v10 =	vperm.xlane v0, v10;
	v11 =	vperm.xlane v0, v11  }
0x3c5: {  	v15 =	vimm.s32 $0x3;
	v12 =	vperm.xlane v0, v12;
	v13 =	vperm.xlane v0, v13  }
0x3c6: {  	v16 =	vimm.s32 $0x0;
	v14 =	vperm.xlane v0, v14;
	v15 =	vperm.xlane v0, v15  }
0x3c7: {  	v16 =	vperm.xlane v0, v16;
	v0 =	vperm.xlane v0, v17;
	v17 =	vadd.s32 v26, v1  }
0x3c8: {  	v18 =	vadd.s32 v26, v2;
	v2 =	vadd.s32 v4, v2;
	v19 =	vadd.s32 v26, v5  }
0x3c9: {  	v5 =	vadd.s32 v4, v5;
	v1 =	vadd.s32 v4, v1;
	v20 =	vadd.s32 v26, v7  }
0x3ca: {  	v21 =	vadd.s32 v26, v3;
	v3 =	vadd.s32 v4, v3;
	v22 =	vadd.s32 v26, v6  }
0x3cb: {  	v6 =	vadd.s32 v4, v6;
	v7 =	vadd.s32 v4, v7;
	v23 =	vadd.s32 v26, v8  }
0x3cc: {  	v24 =	vadd.s32 v26, v9;
	v9 =	vadd.s32 v4, v9;
	v25 =	vadd.s32 v26, v11  }
0x3cd: {  	v11 =	vadd.s32 v4, v11;
	v8 =	vadd.s32 v4, v8;
	v59 =	vadd.s32 v26, v13  }
0x3ce: {  	v27 =	vadd.s32 v26, v10;
	v10 =	vadd.s32 v4, v10;
	v28 =	vadd.s32 v26, v12  }
0x3cf: {  	v12 =	vadd.s32 v4, v12;
	v13 =	vadd.s32 v4, v13;
	v29 =	vadd.s32 v26, v14  }
0x3d0: {  	v30 =	vadd.s32 v26, v15;
	v15 =	vadd.s32 v4, v15;
	v31 =	vadd.s32 v26, v16  }
0x3d1: {  	v16 =	vadd.s32 v4, v16;
	v14 =	vadd.s32 v4, v14;
	v32 =	vadd.s32 v26, v0  }
0x3d2: {  	v33 =	vadd.s32 v4, v0;
	v34 =	vand.u32 $0x7, v18;
	v18 =	vand.u32 $0xFFFFFFF8, v18  }
0x3d3: {  	v35 =	vand.u32 $0xFFFFFFF8, v2;
	v0 =	vand.u32 $0x7, v2;
	v2 =	vand.u32 $0x7, v19  }
0x3d4: {  	v36 =	vand.u32 $0x7, v17;
	v37 =	vand.u32 $0x7, v1;
	v38 =	vand.u32 $0x7, v5  }
0x3d5: {  	v17 =	vand.u32 $0xFFFFFFF8, v17;
	v39 =	vand.u32 $0xFFFFFFF8, v1;
	v40 =	vand.u32 $0x7, v21  }
0x3d6: {  	v41 =	vand.u32 $0x7, v3;
	v19 =	vand.u32 $0xFFFFFFF8, v19;
	v42 =	vand.u32 $0x7, v20  }
0x3d7: {  	v43 =	vand.u32 $0x7, v7;
	v44 =	vand.u32 $0xFFFFFFF8, v5;
	v45 =	vand.u32 $0x7, v22  }
0x3d8: {  	v21 =	vand.u32 $0xFFFFFFF8, v21;
	v46 =	vand.u32 $0xFFFFFFF8, v3;
	v47 =	vand.u32 $0x7, v6  }
0x3d9: {  	v20 =	vand.u32 $0xFFFFFFF8, v20;
	v48 =	vand.u32 $0xFFFFFFF8, v7;
	v49 =	vand.u32 $0x7, v24  }
0x3da: {  	v50 =	vand.u32 $0x7, v9;
	v22 =	vand.u32 $0xFFFFFFF8, v22;
	v53 =	vand.u32 $0xFFFFFFF8, v6  }
0x3db: {  	v24 =	vand.u32 $0xFFFFFFF8, v24;
	v9 =	vand.u32 $0xFFFFFFF8, v9;
	v58 =	vand.u32 $0x7, v59  }
0x3dc: {  	v3 =	vand.u32 $0x7, v13;
	v60 =	vand.u32 $0x7, v28;
	v61 =	vand.u32 $0x7, v12  }
0x3dd: {  	v5 =	vand.u32 $0xFFFFFFF8, v59;
	v13 =	vand.u32 $0xFFFFFFF8, v13;
	v63 =	vand.u32 $0x7, v15  }
0x3de: {  	v28 =	vand.u32 $0xFFFFFFF8, v28;
	v6 =	vand.u32 $0x7, v29;
	v1 =	vand.u32 $0x7, v14  }
0x3df: {  	v12 =	vand.u32 $0xFFFFFFF8, v12;
	v15 =	vand.u32 $0xFFFFFFF8, v15;
	v29 =	vand.u32 $0xFFFFFFF8, v29;
	[tilespmem:$0x1FC10] =	vst v0  }
0x3e0: {  	s12 =	simm.s32 $0xF00;
	s0 =	simm.s32 $0xF80;
	v0 =	vand.u32 $0x7, v30;
	[tilespmem:$0x1FC60] =	vst v1;
	v1 =	vand.u32 $0x7, v31;
	v30 =	vand.u32 $0xFFFFFFF8, v30  }
0x3e1: {  	s13 =	simm.s32 $0xD80;
	s25 =	simm.s32 $0xE80;
	v18 =	vadd.s32 s0, v18;
	v31 =	vand.u32 $0xFFFFFFF8, v31;
	v17 =	vadd.s32 s12, v17  }
0x3e2: {  	s14 =	simm.s32 $0xE00;
	s8 =	simm.s32 $0xD00;
	v19 =	vadd.s32 s25, v19;
	v59 =	vadd.s32 s12, v39;
	v20 =	vadd.s32 s13, v20  }
0x3e3: {  	s16 =	simm.s32 $0xC80;
	v21 =	vadd.s32 s14, v21;
	v39 =	vadd.s32 s14, v46;
	v22 =	vadd.s32 s8, v22  }
0x3e4: {  	s10 =	simm.s32 $0xA00;
	v24 =	vadd.s32 s16, v24;
	v9 =	vadd.s32 s16, v9;
	[tilespmem:$0x1FC80] =	vst v1;
	v1 =	vand.u32 $0x7, v16  }
0x3e5: {  	s11 =	simm.s32 $0x900;
	s17 =	simm.s32 $0xA80;
	v28 =	vadd.s32 s10, v28;
	v12 =	vadd.s32 s10, v12;
	[tilespmem:$0x1FCA0] =	vst v1;
	v1 =	vand.u32 $0x7, v32  }
0x3e6: {  	s24 =	simm.s32 $0x310;
	v13 =	vadd.s32 s17, v13;
	v29 =	vadd.s32 s11, v29;
	[tilespmem:$0x1FCC0] =	vst v1;
	v1 =	vand.u32 $0x7, v33  }
0x3e7: {  	v17 =	vor.u32 v36, v17;
	v21 =	vor.u32 v40, v21;
	[tilespmem:$0x1FCE0] =	vst v1;
	v1 =	vor.u32 v34, v18;
	v18 =	vld [tilespmem:s24+$0x0]  }
0x3e8: {  	v22 =	vor.u32 v45, v22;
	v20 =	vor.u32 v42, v20;
	v24 =	vor.u32 v49, v24  }
0x3e9: {  	v9 =	vor.u32 v50, v9;
	v34 =	vadd.s32 s25, v44;
	v44 =	vadd.s32 s8, v53  }
0x3ea: {  	v53 =	vadd.s32 s13, v48;
	[tilespmem:$0x1FC20] =	vst v1;
	v1 =	vadd.s32 s0, v35;
	v35 =	vor.u32 v37, v59  }
0x3eb: {  	[tilespmem:$0x1FC30] =	vst v1;
	v1 =	vor.u32 v2, v19;
	v2 =	vadd.s32 s17, v5;
	v5 =	vor.u32 v38, v34  }
0x3ec: {  	v42 =	vor.u32 v43, v53;
	[tilespmem:$0x1FC40] =	vst v5;
	v2 =	vor.u32 v58, v2;
	v18 =	vshll.u32 v18, $0x5  }
0x3ed: {  	v5 =	vimm.s32 $0xB;
	[tilespmem:$0x1FCF0] =	vst v2;
	v2 =	vor.u32 v3, v13;
	v18 =	vand.u32 $0x60, v18  }
0x3ee: {  	v19 =	vperm.xlane v18, v62;
	v48 =	vperm.xlane v18, v5;
	v5 =	vimm.s32 $0xC  }
0x3ef: {  	v13 =	vor.u32 v60, v28;
	v49 =	vperm.xlane v18, v5;
	v5 =	vor.u32 v47, v44  }
0x3f0: {  	v36 =	vadd.s32 v26, v19;
	v19 =	vadd.s32 v4, v19;
	v44 =	vadd.s32 v26, v48  }
0x3f1: {  	v34 =	vadd.s32 v4, v48;
	v59 =	vand.u32 $0xFFFFFFF8, v36;
	v62 =	vand.u32 $0xFFFFFFF8, v19  }
0x3f2: {  	v45 =	vadd.s32 v26, v49;
	v46 =	vadd.s32 v4, v49;
	v53 =	vand.u32 $0xFFFFFFF8, v34  }
0x3f3: {  	v37 =	vadd.s32 s12, v59;
	v40 =	vadd.s32 s12, v62;
	v50 =	vand.u32 $0xFFFFFFF8, v45  }
0x3f4: {  	v59 =	vand.u32 $0xFFFFFFF8, v46;
	v62 =	vand.u32 $0xFFFFFFF8, v44;
	v47 =	vadd.s32 s13, v53  }
0x3f5: {  	v48 =	vadd.s32 s14, v50;
	v49 =	vadd.s32 s14, v59;
	v50 =	vadd.s32 s13, v62;
	s14 =	simm.s32 $0x980;
	s13 =	simm.s32 $0x800  }
0x3f6: {  	v30 =	vadd.s32 s14, v30;
	v15 =	vadd.s32 s14, v15;
	v28 =	vadd.s32 s13, v31  }
0x3f7: {  	v31 =	vor.u32 v61, v12;
	v12 =	vor.u32 v0, v30;
	v0 =	vor.u32 v63, v15  }
0x3f8: {  	v51 =	vand.u32 $0x7, v23;
	v52 =	vand.u32 $0x7, v8;
	[tilespmem:$0x1FD10] =	vst v0;
	v0 =	vor.u32 v6, v29  }
0x3f9: {  	v54 =	vand.u32 $0x7, v25;
	v55 =	vand.u32 $0x7, v11;
	[tilespmem:$0x1FD20] =	vst v0;
	v0 =	vimm.s32 $0xF  }
0x3fa: {  	v23 =	vand.u32 $0xFFFFFFF8, v23;
	v8 =	vand.u32 $0xFFFFFFF8, v8;
	v6 =	vperm.xlane v18, v0;
	v0 =	vld [tilespmem:$0x1FC60]  }
0x3fb: {  	s15 =	simm.s32 $0xC00;
	s9 =	simm.s32 $0xB80;
	v57 =	vand.u32 $0x7, v10;
	v25 =	vand.u32 $0xFFFFFFF8, v25;
	v11 =	vand.u32 $0xFFFFFFF8, v11  }
0x3fc: {  	v14 =	vand.u32 $0xFFFFFFF8, v14;
	v23 =	vadd.s32 s15, v23;
	v25 =	vadd.s32 s9, v25  }
0x3fd: {  	v11 =	vadd.s32 s9, v11;
	v8 =	vadd.s32 s15, v8;
	v14 =	vadd.s32 s11, v14  }
0x3fe: {  	v23 =	vor.u32 v51, v23;
	[tilespmem:$0x1FC50] =	vst v5;
	v5 =	vimm.s32 $0x9;
	v53 =	vor.u32 v54, v25  }
0x3ff: {  	v25 =	vperm.xlane v18, v5;
	v5 =	vimm.s32 $0x8;
	v0 =	vor.u32 v0, v14  }
0x400: {  	v43 =	vor.u32 v55, v11;
	v11 =	vperm.xlane v18, v5;
	[tilespmem:$0x1FC70] =	vst v0;
	v0 =	vimm.s32 $0xD  }
0x401: {  	v59 =	vor.u32 v52, v8;
	v51 =	vadd.s32 v26, v25;
	v14 =	vperm.xlane v18, v0;
	v0 =	vld [tilespmem:$0x1FC80]  }
0x402: {  	v52 =	vadd.s32 v4, v25;
	v54 =	vadd.s32 v26, v11;
	v25 =	vand.u32 $0xFFFFFFF8, v51  }
0x403: {  	[tilespmem:$0x1FD00] =	vst v2;
	v2 =	vimm.s32 $0x6;
	v55 =	vadd.s32 s16, v25;
	v25 =	vand.u32 $0xFFFFFFF8, v54  }
0x404: {  	s20 =	simm.s32 $0xB00;
	v10 =	vand.u32 $0xFFFFFFF8, v10;
	v3 =	vadd.s32 s15, v25;
	v25 =	vperm.xlane v18, v2  }
0x405: {  	v10 =	vadd.s32 s20, v10;
	v32 =	vand.u32 $0xFFFFFFF8, v32  }
0x406: {  	v62 =	vor.u32 v57, v10;
	v61 =	vadd.s32 v4, v25;
	v0 =	vor.u32 v0, v28  }
0x407: {  	s12 =	simm.s32 $0x880;
	v60 =	vadd.s32 v26, v25;
	v25 =	vand.u32 $0xFFFFFFF8, v61;
	[tilespmem:$0x1FC90] =	vst v0;
	v0 =	vimm.s32 $0xA  }
0x408: {  	v10 =	vadd.s32 s20, v25;
	v25 =	vadd.s32 s12, v32;
	v32 =	vperm.xlane v18, v0;
	v0 =	vld [tilespmem:$0x1FCA0];
	_ =	sdelay $0x2  }
0x409: {  	v16 =	vand.u32 $0xFFFFFFF8, v16  }
0x40a: {  	v16 =	vadd.s32 s13, v16  }
0x40b: {  	v56 =	vand.u32 $0x7, v27;
	v27 =	vand.u32 $0xFFFFFFF8, v27;
	v0 =	vor.u32 v0, v16  }
0x40c: {  	v27 =	vadd.s32 s20, v27;
	[tilespmem:$0x1FCB0] =	vst v0;
	v0 =	vimm.s32 $0x7  }
0x40d: {  	v39 =	vor.u32 v41, v39;
	v41 =	vor.u32 v56, v27;
	v56 =	vperm.xlane v18, v0;
	v0 =	vld [tilespmem:$0x1FCC0];
	_ =	sdelay $0x2  }
0x40e: {  	v33 =	vand.u32 $0xFFFFFFF8, v33;
	v19 =	vand.u32 $0x7, v19;
	v28 =	vld.idx.msk [tilespmem:v1+s28+$0x0], $0xffff;
	v1 =	vand.u32 $0x7, v36  }
0x40f: {  	v57 =	vand.u32 $0xFFFFFFF8, v52;
	v11 =	vadd.s32 v4, v11;
	v1 =	vor.u32 v1, v37  }
0x410: {  	v30 =	vadd.s32 s12, v33;
	v37 =	vld.idx.msk [tilespmem:v39+s28+$0x0], $0xffff;
	v39 =	vor.u32 v19, v40;
	v0 =	vor.u32 v0, v25  }
0x411: {  	v27 =	vld.idx.msk [tilespmem:v42+s28+$0x0], $0xffff;
	v8 =	vadd.s32 s16, v57;
	v58 =	vand.u32 $0xFFFFFFF8, v11;
	[tilespmem:$0x1FCD0] =	vst v0;
	v0 =	vimm.s32 $0x4  }
0x412: {  	v29 =	vimm.s32 $0x1;
	v2 =	vimm.s32 $0x2;
	v63 =	vperm.xlane v18, v0;
	v0 =	vld [tilespmem:$0x1FCE0]  }
0x413: {  	v57 =	vld.idx.msk [tilespmem:v24+s28+$0x0], $0xffff;
	v7 =	vadd.s32 s15, v58;
	v5 =	vperm.xlane v18, v2;
	v2 =	vimm.s32 $0x3  }
0x414: {  	v36 =	vadd.s32 v26, v6;
	v19 =	vperm.xlane v18, v2;
	v2 =	vimm.s32 $0x0;
	v24 =	vld.idx.msk [tilespmem:v1+s30+$0x0], $0xffff  }
0x415: {  	v2 =	vperm.xlane v18, v2;
	v1 =	vand.u32 $0x7, v51;
	v42 =	vld.idx.msk [tilespmem:v39+s30+$0x0], $0xffff;
	v39 =	vadd.s32 v4, v32  }
0x416: {  	v16 =	vld.idx.msk [tilespmem:v35+s28+$0x0], $0xffff;
	v35 =	vadd.s32 v4, v14;
	v40 =	vadd.s32 v26, v56;
	v25 =	vand.u32 $0x7, v45  }
0x417: {  	v58 =	vor.u32 v25, v48;
	v25 =	vand.u32 $0x7, v46;
	v38 =	vor.u32 v0, v30  }
0x418: {  	v0 =	vimm.s32 $0x5;
	v30 =	vld.idx.msk [tilespmem:v22+s28+$0x0], $0xffff;
	v22 =	vor.u32 v25, v49;
	v25 =	vadd.s32 v4, v6  }
0x419: {  	v0 =	vperm.xlane v18, v0;
	v18 =	vperm.xlane v18, v29;
	v29 =	vand.u32 $0x7, v44  }
0x41a: {  	v17 =	vld.idx.msk [tilespmem:v17+s28+$0x0], $0xffff;
	v6 =	vor.u32 v29, v50;
	v29 =	vadd.s32 v26, v14;
	v14 =	vand.u32 $0x7, v34  }
0x41b: {  	v33 =	vadd.s32 v4, v56;
	v14 =	vor.u32 v14, v47;
	v47 =	vadd.s32 v26, v32;
	v32 =	vld.idx.msk [tilespmem:v53+s28+$0x0], $0xffff  }
0x41c: {  	v56 =	vand.u32 $0x7, v52;
	v52 =	vadd.s32 v4, v2;
	v53 =	vadd.s32 v26, v2;
	v2 =	vld [tilespmem:$0x1FCF0]  }
0x41d: {  	v51 =	vor.u32 v1, v55;
	v1 =	vld.idx.msk [tilespmem:v9+s28+$0x0], $0xffff;
	v9 =	vand.u32 $0x7, v54  }
0x41e: {  	v48 =	vld.idx.msk [tilespmem:v23+s28+$0x0], $0xffff;
	v23 =	vor.u32 v56, v8;
	v8 =	vor.u32 v9, v3  }
0x41f: {  	v34 =	vadd.s32 v26, v0;
	v9 =	vadd.s32 v4, v0;
	v0 =	vmul.f32 v24, v17;
	v17 =	vld.idx.msk [tilespmem:v22+s30+$0x0], $0xffff;
	_ =	sdelay $0x2  }
0x420: {  	v11 =	vand.u32 $0x7, v11;
	v16 =	vmul.f32 v42, v16  }
0x421: {  	v21 =	vld.idx.msk [tilespmem:v21+s28+$0x0], $0xffff;
	v11 =	vor.u32 v11, v7;
	v15 =	vand.u32 $0xFFFFFFF8, v60  }
0x422: {  	v7 =	vadd.f32 v16, v0;
	v16 =	vmul.f32 v17, v37;
	v17 =	vand.u32 $0x7, v60;
	v60 =	vld.idx.msk [tilespmem:v2+s28+$0x0], $0xffff  }
0x423: {  	v2 =	vld [tilespmem:$0x1FD00]  }
0x424: {  	v46 =	vadd.s32 v26, v63;
	v56 =	vadd.s32 v4, v63;
	v63 =	vld.idx.msk [tilespmem:v58+s30+$0x0], $0xffff;
	_ =	sdelay $0x1  }
0x425: {  	v20 =	vld.idx.msk [tilespmem:v20+s28+$0x0], $0xffff  }
0x426: {  	v14 =	vld.idx.msk [tilespmem:v14+s30+$0x0], $0xffff  }
0x427: {  	v59 =	vld.idx.msk [tilespmem:v59+s28+$0x0], $0xffff;
	v15 =	vadd.s32 s20, v15;
	v54 =	vadd.s32 v26, v5  }
0x428: {  	v55 =	vadd.s32 v4, v5;
	v3 =	vadd.s32 v4, v19;
	v24 =	vld.idx.msk [tilespmem:v23+s30+$0x0], $0xffff;
	v5 =	vmul.f32 v63, v21  }
0x429: {  	v22 =	vadd.s32 v26, v19;
	v6 =	vld.idx.msk [tilespmem:v6+s30+$0x0], $0xffff;
	v15 =	vor.u32 v17, v15;
	v17 =	vand.u32 $0x7, v61  }
0x42a: {  	v23 =	vand.u32 $0xFFFFFFF8, v22;
	v17 =	vor.u32 v17, v10;
	v10 =	vand.u32 $0xFFFFFFF8, v34;
	v63 =	vld.idx.msk [tilespmem:v2+s28+$0x0], $0xffff  }
0x42b: {  	v27 =	vmul.f32 v14, v27;
	v2 =	vadd.f32 v16, v5;
	v5 =	vand.u32 $0x7, v34;
	v34 =	vmovc v33;
	v33 =	vld.idx.msk [tilespmem:v13+s28+$0x0], $0xffff  }
0x42c: {  	(xrf2) =	vadd.scan.msk.f32 $0xffff, v7;
	v14 =	vand.u32 $0x7, v22;
	v22 =	vand.u32 $0xFFFFFFF8, v3;
	v13 =	vand.u32 $0x7, v3;
	v3 =	vld [tilespmem:$0x1FD10]  }
0x42d: {  	(xrf2) =	vadd.scan.msk.f32 $0xffff, v2;
	v2 =	vld [tilespmem:$0x1FD20]  }
0x42e: {  	v45 =	vand.u32 $0x7, v40;
	v58 =	vld.idx.msk [tilespmem:v41+s28+$0x0], $0xffff;
	v41 =	vand.u32 $0x7, v39  }
0x42f: {  	v49 =	vadd.s32 v26, v18;
	v50 =	vadd.s32 v4, v18;
	v42 =	vand.u32 $0x7, v29;
	v18 =	vld.idx.msk [tilespmem:v8+s30+$0x0], $0xffff  }
0x430: {  	v8 =	vand.u32 $0x7, v55;
	v44 =	vand.u32 $0x7, v47;
	v21 =	vld.idx.msk [tilespmem:v11+s30+$0x0], $0xffff;
	v11 =	vand.u32 $0x7, v54  }
0x431: {  	v0 =	vld.idx.msk [tilespmem:v62+s28+$0x0], $0xffff;
	v62 =	vand.u32 $0x7, v46;
	v7 =	vand.u32 $0x7, v50;
	v10 =	vadd.s32 s17, v10  }
0x432: {  	v26 =	vmul.f32 v6, v20;
	v20 =	vld.idx.msk [tilespmem:v51+s30+$0x0], $0xffff;
	v16 =	vor.u32 v5, v10;
	v10 =	vand.u32 $0xFFFFFFF8, v9  }
0x433: {  	v37 =	vand.u32 $0x7, v35;
	v6 =	vand.u32 $0x7, v9;
	v5 =	vld.idx.msk [tilespmem:v12+s28+$0x0], $0xffff;
	v9 =	vadd.s32 s17, v10  }
0x434: {  	v61 =	vand.u32 $0x7, v56;
	v51 =	vand.u32 $0x7, v34;
	v19 =	vor.u32 v6, v9;
	v6 =	vld.idx.msk [tilespmem:v3+s28+$0x0], $0xffff  }
0x435: {  	s7 =	simm.s32 $0x2F;
	v12 =	vand.u32 $0x7, v53;
	v10 =	vand.u32 $0x7, v52;
	v9 =	vand.u32 $0x7, v49;
	v3 =	vld.idx.msk [tilespmem:v2+s28+$0x0], $0xffff  }
.LBB2_4:
0x436: {  	v4 =	vld [tilespmem:$0x1FC70];
	_ =	sdelay $0x5  }
0x437: {  	v2 =	vadd.s32 s14, v23  }
0x438: {  	v2 =	vor.u32 v14, v2;
	v14 =	vld.idx.msk [tilespmem:v17+s30+$0x0], $0xffff  }
0x439: {  	v17 =	vmul.f32 v20, v57;
	v20 =	vld.idx.msk [tilespmem:v4+s28+$0x0], $0xffff  }
0x43a: {  	v4 =	vld [tilespmem:$0x1FC90];
	_ =	sdelay $0x4  }
0x43b: {  	v23 =	vadd.f32 v27, v26;
	v1 =	vmul.f32 v24, v1  }
0x43c: {  	v26 =	vand.u32 $0xFFFFFFF8, v55  }
0x43d: {  	(xrf2) =	vadd.scan.msk.f32 $0xffff, v23;
	v23 =	vadd.s32 s11, v26;
	v26 =	vadd.f32 v1, v17;
	v17 =	vld.idx.msk [tilespmem:v19+s30+$0x0], $0xffff  }
0x43e: {  	v19 =	vmul.f32 v21, v59;
	v21 =	vld.idx.msk [tilespmem:v4+s28+$0x0], $0xffff  }
0x43f: {  	v4 =	vld [tilespmem:$0x1FCB0];
	_ =	sdelay $0x5  }
0x440: {  	v22 =	vadd.s32 s14, v22;
	v15 =	vld.idx.msk [tilespmem:v15+s30+$0x0], $0xffff;
	v24 =	vand.u32 $0xFFFFFFF8, v54  }
0x441: {  	v16 =	vld.idx.msk [tilespmem:v16+s30+$0x0], $0xffff;
	v13 =	vor.u32 v13, v22;
	v22 =	vadd.s32 s11, v24;
	v24 =	vand.u32 $0xFFFFFFF8, v52  }
0x442: {  	v8 =	vor.u32 v8, v23;
	v23 =	vadd.s32 s13, v24;
	v24 =	vmul.f32 v14, v0;
	v14 =	vld.idx.msk [tilespmem:v4+s28+$0x0], $0xffff  }
0x443: {  	v4 =	vld [tilespmem:$0x1FCD0]  }
0x444: {  	v11 =	vor.u32 v11, v22  }
0x445: {  	v18 =	vmul.f32 v18, v48;
	v22 =	vand.u32 $0xFFFFFFF8, v53;
	v10 =	vor.u32 v10, v23  }
0x446: {  	v2 =	vld.idx.msk [tilespmem:v2+s30+$0x0], $0xffff;
	v22 =	vadd.s32 s13, v22  }
0x447: {  	v13 =	vld.idx.msk [tilespmem:v13+s30+$0x0], $0xffff;
	(xrf2) =	vadd.scan.msk.f32 $0xffff, v26;
	v18 =	vadd.f32 v19, v18;
	v12 =	vor.u32 v12, v22  }
0x448: {  	v15 =	vmul.f32 v15, v58;
	v16 =	vmul.f32 v16, v60;
	v19 =	vand.u32 $0xFFFFFFF8, v49;
	v8 =	vld.idx.msk [tilespmem:v8+s30+$0x0], $0xffff  }
0x449: {  	v1, _, _ =	vpop (xrf2);
	v22 =	vand.u32 $0xFFFFFFF8, v50;
	(xrf2) =	vadd.scan.msk.f32 $0xffff, v18;
	v18 =	vadd.s32 s12, v19;
	v11 =	vld.idx.msk [tilespmem:v11+s30+$0x0], $0xffff;
	v17 =	vmul.f32 v17, v63  }
0x44a: {  	v15 =	vadd.f32 v24, v15;
	v19 =	vadd.s32 s12, v22;
	v9 =	vor.u32 v9, v18;
	v10 =	vld.idx.msk [tilespmem:v10+s30+$0x0], $0xffff  }
0x44b: {  	v19 =	vor.u32 v7, v19;
	v16 =	vadd.f32 v17, v16;
	v18 =	vld.idx.msk [tilespmem:v4+s28+$0x0], $0xffff;
	v4 =	vand.u32 $0xFFFFFFF8, v46  }
0x44c: {  	v0, _, _ =	vpop (xrf2);
	(xrf2) =	vadd.scan.msk.f32 $0xffff, v15;
	v2 =	vmul.f32 v2, v5;
	v12 =	vld.idx.msk [tilespmem:v12+s30+$0x0], $0xffff;
	v17 =	vand.u32 $0xFFFFFFF8, v40;
	v15 =	vadd.s32 s10, v4  }
0x44d: {  	v7, _, _ =	vpop (xrf2);
	(xrf2) =	vadd.scan.msk.f32 $0xffff, v16;
	v16 =	vadd.s32 s9, v17;
	v4 =	vmul.f32 v13, v6;
	v6 =	vor.u32 v62, v15  }
0x44e: {  	v3 =	vmul.f32 v11, v3;
	v11 =	vor.u32 v45, v16  }
0x44f: {  	v8 =	vmul.f32 v8, v20;
	v2 =	vadd.f32 v4, v2  }
0x450: {  	v9 =	vld.idx.msk [tilespmem:v9+s30+$0x0], $0xffff  }
0x451: {  	v5, _, _ =	vpop (xrf2);
	v12 =	vmul.f32 v12, v21;
	v10 =	vmul.f32 v10, v14;
	(xrf2) =	vadd.scan.msk.f32 $0xffff, v2;
	v2 =	vadd.f32 v8, v3  }
0x452: {  	v4 =	vand.u32 $0xFFFFFFF8, v47;
	v3 =	vld.idx.msk [tilespmem:v6+s30+$0x0], $0xffff  }
0x453: {  	v20, _, _ =	vpop (xrf2);
	v6 =	vadd.s32 s8, v4;
	v4 =	vand.u32 $0xFFFFFFF8, v29;
	(xrf2) =	vadd.scan.msk.f32 $0xffff, v2;
	v2 =	vadd.f32 v10, v12;
	v10 =	vld.idx.msk [tilespmem:v11+s30+$0x0], $0xffff  }
0x454: {  	v11 =	vadd.s32 s25, v4;
	v4 =	vld [tilespmem:$0x1FC50]  }
0x455: {  	v19 =	vld.idx.msk [tilespmem:v19+s30+$0x0], $0xffff  }
0x456: {  	v13 =	vld.idx.msk [tilespmem:v38+s28+$0x0], $0xffff;
	_ =	sdelay $0x2  }
0x457: {  	v22 =	vand.u32 $0xFFFFFFF8, v56  }
0x458: {  	v22 =	vadd.s32 s10, v22  }
0x459: {  	v15 =	vor.u32 v61, v22;
	v9 =	vmul.f32 v9, v18;
	v13 =	vmul.f32 v19, v13  }
0x45a: {  	v18 =	vld.idx.msk [tilespmem:v4+s28+$0x0], $0xffff;
	v4 =	vand.u32 $0xFFFFFFF8, v36  }
0x45b: {  	v21, _, _ =	vpop (xrf2);
	(xrf2) =	vadd.scan.msk.f32 $0xffff, v2;
	v2 =	vadd.f32 v13, v9;
	v9 =	vadd.s32 s0, v4;
	v4 =	vld [tilespmem:$0x1FC40];
	_ =	sdelay $0x1  }
0x45c: {  	v16 =	vld.idx.msk [tilespmem:v31+s28+$0x0], $0xffff  }
0x45d: {  	v22 =	vand.u32 $0xFFFFFFF8, v34;
	v14 =	vld.idx.msk [tilespmem:v15+s30+$0x0], $0xffff  }
0x45e: {  	v17 =	vadd.s32 s9, v22;
	v22 =	vand.u32 $0xFFFFFFF8, v39  }
0x45f: {  	v8 =	vadd.s32 s8, v22;
	v22 =	vand.u32 $0xFFFFFFF8, v35  }
0x460: {  	v12 =	vadd.s32 s25, v22;
	v22 =	vand.u32 $0x7, v36  }
0x461: {  	v9 =	vor.u32 v22, v9;
	v22 =	vld [tilespmem:$0x1FC30]  }
0x462: {  	v17 =	vor.u32 v51, v17;
	v14 =	vmul.f32 v14, v16;
	v16 =	vld.idx.msk [tilespmem:v4+s28+$0x0], $0xffff  }
0x463: {  	v11 =	vor.u32 v42, v11;
	v4 =	vld [tilespmem:$0x1FC10];
	_ =	sdelay $0x2  }
0x464: {  	v8 =	vor.u32 v41, v8;
	v15 =	vld.idx.msk [tilespmem:v43+s28+$0x0], $0xffff;
	v3 =	vmul.f32 v3, v33  }
0x465: {  	v23 =	vand.u32 $0x7, v25;
	v6 =	vor.u32 v44, v6;
	v17 =	vld.idx.msk [tilespmem:v17+s30+$0x0], $0xffff;
	v13 =	vand.u32 $0xFFFFFFF8, v25  }
0x466: {  	v19, _, _ =	vpop (xrf2);
	(xrf2) =	vadd.scan.msk.f32 $0xffff, v2;
	v2 =	vadd.f32 v14, v3;
	v3 =	vld.idx.msk [tilespmem:v11+s30+$0x0], $0xffff;
	v22 =	vor.u32 v4, v22;
	v4 =	vadd.s32 s0, v13  }
0x467: {  	v11 =	vor.u32 v23, v4;
	v4 =	vld [tilespmem:$0x1FC20]  }
0x468: {  	v12 =	vor.u32 v37, v12  }
0x469: {  	v8 =	vld.idx.msk [tilespmem:v8+s30+$0x0], $0xffff  }
0x46a: {  	v6 =	vld.idx.msk [tilespmem:v6+s30+$0x0], $0xffff;
	_ =	sdelay $0x1  }
0x46b: {  	v14 =	vmul.f32 v17, v15;
	v23 =	vmul.f32 v10, v32  }
0x46c: {  	v12 =	vld.idx.msk [tilespmem:v12+s30+$0x0], $0xffff;
	v13, _, _ =	vpop (xrf2);
	(xrf2) =	vadd.scan.msk.f32 $0xffff, v2  }
0x46d: {  	v9 =	vld.idx.msk [tilespmem:v9+s30+$0x0], $0xffff;
	v2 =	vadd.f32 v14, v23  }
0x46e: {  	v8 =	vmul.f32 v8, v18;
	v15 =	vld.idx.msk [tilespmem:v4+s28+$0x0], $0xffff;
	v4 =	vmul.f32 v6, v30  }
0x46f: {  	v10, _, _ =	vpop (xrf2);
	v14 =	vld.idx.msk [tilespmem:v22+s28+$0x0], $0xffff;
	(xrf2) =	vadd.scan.msk.f32 $0xffff, v2  }
0x470: {  	v11 =	vld.idx.msk [tilespmem:v11+s30+$0x0], $0xffff;
	v2 =	vadd.f32 v8, v4  }
0x471: {  	v3 =	vmul.f32 v3, v28;
	v4 =	vmul.f32 v12, v16  }
0x472: {  	v6, _, _ =	vpop (xrf2);
	(xrf2) =	vadd.scan.msk.f32 $0xffff, v2  }
0x473: {  	v6 =	vbroadcast v6, $0xF;
	v8, _, _ =	vpop (xrf2);
	v2 =	vadd.f32 v4, v3  }
0x474: {  	v4 =	vbroadcast v8, $0xF;
	v3 =	vmul.f32 v9, v15  }
0x475: {  	v9 =	vbroadcast v10, $0xF;
	v10 =	vmul.f32 v11, v14;
	(xrf2) =	vadd.scan.msk.f32 $0xffff, v2  }
0x476: {  	v8, _, _ =	vpop (xrf2);
	v2 =	vsel vm0, v6, v4;
	v6 =	vbroadcast v13, $0xF  }
0x477: {  	v8 =	vbroadcast v8, $0xF;
	v2 =	vsel vm1, v2, v9;
	v3 =	vadd.f32 v10, v3  }
0x478: {  	v2 =	vsel vm2, v2, v6;
	v6 =	vbroadcast v19, $0xF  }
0x479: {  	v2 =	vsel vm3, v2, v8;
	v8 =	vbroadcast v21, $0xF;
	v9, _, _ =	vpop (xrf2);
	(xrf2) =	vadd.scan.msk.f32 $0xffff, v3  }
0x47a: {  	v2 =	vsel vm4, v2, v6;
	v3 =	vbroadcast v9, $0xF  }
0x47b: {  	v6 =	vbroadcast v20, $0xF;
	v2 =	vsel vm5, v2, v8  }
0x47c: {  	v2 =	vsel vm6, v2, v3;
	v3 =	vbroadcast v5, $0xF;
	v5, _, _ =	vpop (xrf2)  }
0x47d: {  	v2 =	vsel vm7, v2, v6;
	v4 =	vbroadcast v5, $0xF  }
0x47e: {  	v2 =	vsel vm8, v2, v3;
	v3 =	vbroadcast v7, $0xF  }
0x47f: {  	v0 =	vbroadcast v0, $0xF;
	v5, _, _ =	vpop (xrf2);
	v2 =	vsel vm9, v2, v4  }
0x480: {  	v2 =	vsel vm10, v2, v3;
	v3 =	vbroadcast v5, $0xF  }
0x481: {  	v0 =	vsel vm11, v2, v0;
	v2 =	vbroadcast v1, $0xF  }
0x482: {  	v0 =	vsel vm12, v0, v3  }
0x483: {  	v1, _, _ =	vpop (xrf2);
	v0 =	vsel vm13, v0, v2  }
0x484: {  	s22 =	sadd.s32 $0x10, s22;
	v0 =	vsel vm14, v0, v1  }
0x485: {  	s23 =	sadd.s32 $0x10, s23;
	[tilespmem:s22+$0x0] =	vst v0  }
0x486: {  	v0 =	vld [tilespmem:s23+$0x0];
	_ =	sdelay $0x4  }
0x487: {  	v0 =	vshll.u32 v0, $0x5  }
0x488: {  	v4 =	vimm.s32 $0xD;
	v0 =	vand.u32 $0x60, v0  }
0x489: {  	v5 =	vperm.xlane v0, v4;
	v4 =	vimm.s32 $0xA  }
0x48a: {  	v6 =	vperm.xlane v0, v4;
	v4 =	vimm.s32 $0xB  }
0x48b: {  	v7 =	vperm.xlane v0, v4;
	v4 =	vimm.s32 $0x8  }
0x48c: {  	v8 =	vperm.xlane v0, v4;
	v4 =	vimm.s32 $0x9  }
0x48d: {  	v9 =	vperm.xlane v0, v4;
	v4 =	vimm.s32 $0x6  }
0x48e: {  	v10 =	vperm.xlane v0, v4;
	v4 =	vimm.s32 $0x7  }
0x48f: {  	v11 =	vperm.xlane v0, v4;
	v4 =	vimm.s32 $0x4  }
0x490: {  	v3 =	vimm.s32 $0xC;
	v12 =	vperm.xlane v0, v4;
	v4 =	vimm.s32 $0x5  }
0x491: {  	v2 =	vimm.s32 $0xF;
	v13 =	vperm.xlane v0, v4;
	v4 =	vimm.s32 $0x2  }
0x492: {  	v1 =	vimm.s32 $0xE;
	v14 =	vperm.xlane v0, v4;
	v4 =	vimm.s32 $0x3  }
0x493: {  	v1 =	vperm.xlane v0, v1;
	v15 =	vperm.xlane v0, v4;
	v4 =	vimm.s32 $0x0  }
0x494: {  	v2 =	vperm.xlane v0, v2;
	v16 =	vperm.xlane v0, v4;
	v4 =	vimm.s32 $0x1  }
0x495: {  	v3 =	vperm.xlane v0, v3;
	v22 =	vperm.xlane v0, v4;
	v4 =	vlaneseq.u32  }
0x496: {  	v17 =	vadd.s32 v4, v1;
	v18 =	vadd.s32 v4, v2  }
0x497: {  	v19 =	vadd.s32 v4, v5;
	v25 =	vadd.s32 v4, v7;
	v24 =	vadd.s32 v4, v3  }
0x498: {  	v28 =	vadd.s32 v4, v6;
	v55 =	vadd.s32 v4, v8;
	v60 =	vadd.s32 v4, v9  }
0x499: {  	v61 =	vadd.s32 v4, v11;
	v62 =	vadd.s32 v4, v13;
	v63 =	vadd.s32 v4, v10  }
0x49a: {  	v37 =	vadd.s32 v4, v12;
	v38 =	vadd.s32 v4, v14;
	v39 =	vadd.s32 v4, v15  }
0x49b: {  	v40 =	vadd.s32 v4, v16;
	v41 =	vadd.s32 v4, v22;
	v58 =	vand.u32 $0x7, v18  }
0x49c: {  	v18 =	vand.u32 $0xFFFFFFF8, v18;
	v26 =	vand.u32 $0x7, v28;
	v44 =	vand.u32 $0xFFFFFFF8, v24  }
0x49d: {  	v46 =	vand.u32 $0xFFFFFFF8, v25;
	v48 =	vand.u32 $0xFFFFFFF8, v28;
	v50 =	vand.u32 $0x7, v61  }
0x49e: {  	v0 =	vld [tilespmem:$0x1FFF0];
	v33 =	vand.u32 $0xFFFFFFF8, v60;
	v32 =	vand.u32 $0xFFFFFFF8, v55;
	v52 =	vand.u32 $0x7, v63  }
0x49f: {  	v34 =	vand.u32 $0xFFFFFFF8, v61;
	v54 =	vand.u32 $0x7, v62;
	v56 =	vand.u32 $0x7, v37  }
0x4a0: {  	s0 =	sshll.u32 s7, $0x7;
	v36 =	vand.u32 $0xFFFFFFF8, v63;
	v35 =	vand.u32 $0xFFFFFFF8, v62;
	v59 =	vand.u32 $0x7, v39  }
0x4a1: {  	s2 =	sadd.s32 $0xFFFFFE80, s0;
	v37 =	vand.u32 $0xFFFFFFF8, v37;
	v62 =	vand.u32 $0x7, v38;
	v39 =	vand.u32 $0xFFFFFFF8, v39  }
0x4a2: {  	v38 =	vand.u32 $0xFFFFFFF8, v38;
	v18 =	vadd.s32 s0, v18;
	v44 =	vadd.s32 s2, v44  }
0x4a3: {  	v18 =	vor.u32 v58, v18;
	v2 =	vadd.s32 v0, v2;
	v20 =	vadd.s32 v0, v5  }
0x4a4: {  	v21 =	vadd.s32 v0, v1;
	v27 =	vadd.s32 v0, v3;
	v31 =	vadd.s32 v0, v6  }
0x4a5: {  	v29 =	vadd.s32 v0, v7;
	v9 =	vadd.s32 v0, v9;
	v11 =	vadd.s32 v0, v11  }
0x4a6: {  	v8 =	vadd.s32 v0, v8;
	v10 =	vadd.s32 v0, v10;
	v12 =	vadd.s32 v0, v12  }
0x4a7: {  	v13 =	vadd.s32 v0, v13;
	v15 =	vadd.s32 v0, v15;
	v16 =	vadd.s32 v0, v16  }
0x4a8: {  	v14 =	vadd.s32 v0, v14;
	v42 =	vadd.s32 v0, v22;
	v3 =	vand.u32 $0x7, v19  }
0x4a9: {  	v5 =	vand.u32 $0x7, v17;
	v19 =	vand.u32 $0xFFFFFFF8, v19;
	v7 =	vand.u32 $0x7, v25  }
0x4aa: {  	v43 =	vand.u32 $0xFFFFFFF8, v2;
	v1 =	vand.u32 $0x7, v2;
	v6 =	vand.u32 $0x7, v21  }
0x4ab: {  	v2 =	vand.u32 $0xFFFFFFF8, v17;
	v17 =	vand.u32 $0xFFFFFFF8, v21;
	v21 =	vand.u32 $0x7, v24  }
0x4ac: {  	v23 =	vand.u32 $0x7, v27;
	v22 =	vand.u32 $0x7, v29;
	v45 =	vand.u32 $0xFFFFFFF8, v27  }
0x4ad: {  	v24 =	vand.u32 $0x7, v31;
	v47 =	vand.u32 $0xFFFFFFF8, v29;
	v29 =	vand.u32 $0x7, v60  }
0x4ae: {  	v30 =	vand.u32 $0x7, v9;
	v27 =	vand.u32 $0x7, v55;
	v28 =	vand.u32 $0x7, v8  }
0x4af: {  	v49 =	vand.u32 $0xFFFFFFF8, v31;
	v9 =	vand.u32 $0xFFFFFFF8, v9;
	v51 =	vand.u32 $0x7, v11  }
0x4b0: {  	v8 =	vand.u32 $0xFFFFFFF8, v8;
	v53 =	vand.u32 $0x7, v10;
	v55 =	vand.u32 $0x7, v13  }
0x4b1: {  	v11 =	vand.u32 $0xFFFFFFF8, v11;
	v10 =	vand.u32 $0xFFFFFFF8, v10;
	v57 =	vand.u32 $0x7, v12  }
0x4b2: {  	v13 =	vand.u32 $0xFFFFFFF8, v13;
	v61 =	vand.u32 $0x7, v15;
	v63 =	vand.u32 $0x7, v14  }
0x4b3: {  	v12 =	vand.u32 $0xFFFFFFF8, v12;
	v15 =	vand.u32 $0xFFFFFFF8, v15;
	v60 =	vand.u32 $0x7, v16  }
0x4b4: {  	v31 =	vand.u32 $0x7, v41;
	v25 =	vand.u32 $0x7, v42;
	v14 =	vand.u32 $0xFFFFFFF8, v14  }
0x4b5: {  	s25 =	sadd.s32 $0xFFFFFF00, s0;
	v16 =	vand.u32 $0xFFFFFFF8, v16;
	v41 =	vand.u32 $0xFFFFFFF8, v41;
	v42 =	vand.u32 $0xFFFFFFF8, v42  }
0x4b6: {  	s3 =	sadd.s32 $0xFFFFFF80, s0;
	v19 =	vadd.s32 s25, v19;
	[tilespmem:$0x1FC10] =	vst v1;
	v1 =	vand.u32 $0x7, v20;
	v20 =	vand.u32 $0xFFFFFFF8, v20  }
0x4b7: {  	s1 =	sadd.s32 $0xFFFFFE00, s0;
	s20 =	sadd.s32 $0xFFFFFD00, s0;
	v2 =	vadd.s32 s3, v2;
	v43 =	vadd.s32 s0, v43;
	v17 =	vadd.s32 s3, v17  }
0x4b8: {  	s17 =	sadd.s32 $0xFFFFFC80, s0;
	s9 =	sadd.s32 $0xFFFFFC00, s0;
	s16 =	sadd.s32 $0xFFFFFB80, s0;
	v45 =	vadd.s32 s2, v45;
	v47 =	vadd.s32 s1, v47;
	v9 =	vadd.s32 s20, v9  }
0x4b9: {  	s15 =	sadd.s32 $0xFFFFFB00, s0;
	s10 =	sadd.s32 $0xFFFFFA80, s0;
	s14 =	sadd.s32 $0xFFFFFA00, s0;
	v11 =	vadd.s32 s9, v11;
	v8 =	vadd.s32 s17, v8;
	v10 =	vadd.s32 s16, v10  }
0x4ba: {  	s11 =	sadd.s32 $0xFFFFF980, s0;
	s13 =	sadd.s32 $0xFFFFF880, s0;
	s12 =	sadd.s32 $0xFFFFF900, s0;
	v12 =	vadd.s32 s10, v12;
	v13 =	vadd.s32 s15, v13;
	v15 =	vadd.s32 s14, v15  }
0x4bb: {  	v16 =	vadd.s32 s13, v16;
	v14 =	vadd.s32 s11, v14;
	v42 =	vadd.s32 s12, v42;
	[tilespmem:$0x1FAB0] =	vst v1  }
0x4bc: {  	[tilespmem:$0x1FC20] =	vst v18;
	v18 =	vor.u32 v3, v19;
	v21 =	vor.u32 v21, v44;
	v1 =	vand.u32 $0x7, v40;
	v3 =	vld [tilespmem:$0x1FAB0]  }
0x4bd: {  	s8 =	sadd.s32 $0xFFFFFD80, s0;
	v40 =	vand.u32 $0xFFFFFFF8, v40;
	[tilespmem:$0x1FC30] =	vst v43;
	v20 =	vadd.s32 s25, v20;
	v43 =	vadd.s32 s1, v46  }
0x4be: {  	s24 =	sadd.s32 $0x10, s24;
	v46 =	vadd.s32 s8, v48;
	v48 =	vadd.s32 s8, v49;
	v49 =	vadd.s32 s17, v32  }
0x4bf: {  	v32 =	vadd.s32 s20, v33;
	v33 =	vadd.s32 s9, v34;
	v19 =	vor.u32 v5, v2;
	v2 =	vld [tilespmem:s24+$0x0]  }
0x4c0: {  	v34 =	vadd.s32 s15, v35;
	v35 =	vadd.s32 s16, v36;
	v36 =	vadd.s32 s10, v37  }
0x4c1: {  	v37 =	vadd.s32 s11, v38;
	v38 =	vadd.s32 s14, v39;
	v3 =	vor.u32 v3, v20  }
0x4c2: {  	v17 =	vor.u32 v6, v17;
	v23 =	vor.u32 v23, v45;
	[tilespmem:$0x1FC40] =	vst v3;
	v3 =	vor.u32 v24, v48  }
0x4c3: {  	v22 =	vor.u32 v22, v47;
	v9 =	vor.u32 v30, v9;
	[tilespmem:$0x1FC50] =	vst v3;
	v3 =	vor.u32 v51, v11  }
0x4c4: {  	v30 =	vor.u32 v28, v8;
	v39 =	vadd.s32 s13, v40;
	[tilespmem:$0x1FAC0] =	vst v3;
	v3 =	vshll.u32 v2, $0x5  }
0x4c5: {  	v40 =	vadd.s32 s12, v41;
	v8 =	vand.u32 $0x60, v3;
	v3 =	vor.u32 v57, v12  }
0x4c6: {  	v44 =	vor.u32 v29, v32;
	v32 =	vor.u32 v50, v33;
	[tilespmem:$0x1FB10] =	vst v3;
	v3 =	vor.u32 v59, v38  }
0x4c7: {  	v58 =	vor.u32 v52, v35;
	v41 =	vor.u32 v53, v10;
	[tilespmem:$0x1FAD0] =	vst v3;
	v3 =	vimm.s32 $0xE  }
0x4c8: {  	v1 =	vor.u32 v1, v39;
	v10 =	vperm.xlane v8, v3;
	v3 =	vimm.s32 $0xF  }
0x4c9: {  	v5 =	vor.u32 v56, v36;
	[tilespmem:$0x1FC90] =	vst v1;
	v11 =	vperm.xlane v8, v3;
	v3 =	vor.u32 v61, v15  }
0x4ca: {  	v1 =	vimm.s32 $0x6;
	v20 =	vor.u32 v26, v46;
	[tilespmem:$0x1FB00] =	vst v3;
	v3 =	vimm.s32 $0xC  }
0x4cb: {  	v26 =	vor.u32 v7, v43;
	v12 =	vperm.xlane v8, v3;
	v3 =	vimm.s32 $0xD  }
0x4cc: {  	v7 =	vor.u32 v55, v13;
	v13 =	vperm.xlane v8, v3;
	v3 =	vor.u32 v62, v37  }
0x4cd: {  	v24 =	vor.u32 v27, v49;
	v1 =	vperm.xlane v8, v1;
	[tilespmem:$0x1FB50] =	vst v3;
	v3 =	vimm.s32 $0xA  }
0x4ce: {  	v2 =	vor.u32 v54, v34;
	v15 =	vperm.xlane v8, v3;
	v3 =	vimm.s32 $0xB  }
0x4cf: {  	v61 =	vadd.s32 v4, v1;
	v27 =	vperm.xlane v8, v3;
	v3 =	vor.u32 v63, v14  }
0x4d0: {  	v38 =	vadd.s32 v4, v10;
	v10 =	vadd.s32 v0, v10;
	[tilespmem:$0x1FC70] =	vst v3;
	v3 =	vimm.s32 $0x8  }
0x4d1: {  	v62 =	vadd.s32 v0, v1;
	v14 =	vperm.xlane v8, v3;
	v3 =	vimm.s32 $0x9  }
0x4d2: {  	v28 =	vadd.s32 v4, v13;
	v34 =	vperm.xlane v8, v3;
	v3 =	vimm.s32 $0x7  }
0x4d3: {  	v47 =	vadd.s32 v4, v15;
	v35 =	vperm.xlane v8, v3;
	v3 =	vor.u32 v60, v16  }
0x4d4: {  	v6 =	vadd.s32 v0, v15;
	v15 =	vadd.s32 v0, v27;
	[tilespmem:$0x1FCB0] =	vst v3;
	v3 =	vimm.s32 $0x4  }
0x4d5: {  	v59 =	vadd.s32 v4, v34;
	v16 =	vperm.xlane v8, v3;
	v3 =	vimm.s32 $0x5  }
0x4d6: {  	v60 =	vadd.s32 v0, v34;
	v49 =	vperm.xlane v8, v3;
	v3 =	vor.u32 v31, v40  }
0x4d7: {  	v19 =	vld.idx.msk [tilespmem:v19+s28+$0x0], $0xffff;
	v34 =	vadd.s32 v0, v35;
	v40 =	vadd.s32 v4, v35;
	[tilespmem:$0x1FCD0] =	vst v3;
	v3 =	vimm.s32 $0x2  }
0x4d8: {  	v17 =	vld.idx.msk [tilespmem:v17+s28+$0x0], $0xffff;
	v46 =	vadd.s32 v4, v16;
	v50 =	vperm.xlane v8, v3;
	v3 =	vimm.s32 $0x3  }
0x4d9: {  	v39 =	vld.idx.msk [tilespmem:v32+s28+$0x0], $0xffff;
	v56 =	vadd.s32 v0, v16;
	v51 =	vperm.xlane v8, v3;
	v3 =	vimm.s32 $0x0  }
0x4da: {  	v33 =	vld.idx.msk [tilespmem:v5+s28+$0x0], $0xffff;
	v16 =	vadd.s32 v0, v49;
	v48 =	vperm.xlane v8, v3;
	v3 =	vimm.s32 $0x1  }
0x4db: {  	v1 =	vld.idx.msk [tilespmem:v18+s28+$0x0], $0xffff;
	v54 =	vadd.s32 v4, v50;
	v8 =	vperm.xlane v8, v3;
	v3 =	vor.u32 v25, v42  }
0x4dc: {  	v55 =	vadd.s32 v0, v50;
	v35 =	vadd.s32 v0, v51;
	[tilespmem:$0x1FB20] =	vst v3;
	v3 =	vadd.s32 v4, v11  }
0x4dd: {  	v52 =	vadd.s32 v0, v48;
	[tilespmem:$0x1FB80] =	vst v3;
	v3 =	vadd.s32 v0, v11;
	v11 =	vadd.s32 v4, v27  }
0x4de: {  	v27 =	vadd.s32 v4, v14;
	v14 =	vadd.s32 v0, v14;
	v50 =	vadd.s32 v0, v8;
	[tilespmem:$0x1FB60] =	vst v3  }
0x4df: {  	v3 =	vadd.s32 v0, v13;
	v13 =	vadd.s32 v4, v12;
	v12 =	vadd.s32 v0, v12;
	v0 =	vld.idx.msk [tilespmem:v21+s28+$0x0], $0xffff  }
0x4e0: {  	v5 =	vld [tilespmem:$0x1FAD0]  }
0x4e1: {  	v58 =	vld.idx.msk [tilespmem:v58+s28+$0x0], $0xffff  }
0x4e2: {  	v45 =	vand.u32 $0xFFFFFFF8, v38;
	[tilespmem:$0x1FB70] =	vst v1;
	v1 =	vld.idx.msk [tilespmem:v9+s28+$0x0], $0xffff;
	v9 =	vand.u32 $0x7, v59  }
0x4e3: {  	v29 =	vand.u32 $0xFFFFFFF8, v59;
	v59 =	vld.idx.msk [tilespmem:v30+s28+$0x0], $0xffff;
	v30 =	vand.u32 $0xFFFFFFF8, v60;
	v31 =	vadd.s32 v4, v49  }
0x4e4: {  	v25 =	vadd.s32 v4, v51;
	v51 =	vadd.s32 s3, v45;
	v53 =	vadd.s32 v4, v48;
	[tilespmem:$0x1FAE0] =	vst v0;
	v0 =	vld.idx.msk [tilespmem:v23+s28+$0x0], $0xffff  }
0x4e5: {  	v57 =	vld.idx.msk [tilespmem:v44+s28+$0x0], $0xffff;
	v49 =	vadd.s32 v4, v8;
	v8 =	vand.u32 $0x7, v38;
	v21 =	vand.u32 $0x7, v28  }
0x4e6: {  	v26 =	vld.idx.msk [tilespmem:v26+s28+$0x0], $0xffff;
	v8 =	vor.u32 v8, v51;
	v43 =	vand.u32 $0x7, v13;
	v13 =	vand.u32 $0xFFFFFFF8, v13  }
0x4e7: {  	[tilespmem:$0x1FB90] =	vst v28;
	v63 =	vld.idx.msk [tilespmem:v7+s28+$0x0], $0xffff;
	v28 =	vand.u32 $0x7, v12;
	v12 =	vand.u32 $0xFFFFFFF8, v12;
	v13 =	vadd.s32 s2, v13  }
0x4e8: {  	v5 =	vld.idx.msk [tilespmem:v5+s28+$0x0], $0xffff;
	v12 =	vadd.s32 s2, v12;
	v23 =	vand.u32 $0x7, v10;
	v10 =	vand.u32 $0xFFFFFFF8, v10  }
0x4e9: {  	v48 =	vld.idx.msk [tilespmem:v24+s28+$0x0], $0xffff;
	v13 =	vor.u32 v43, v13;
	v10 =	vadd.s32 s3, v10;
	[tilespmem:$0x1FAF0] =	vst v0;
	v0 =	vand.u32 $0x7, v3  }
0x4ea: {  	v10 =	vor.u32 v23, v10;
	[tilespmem:$0x1FB30] =	vst v0;
	v0 =	vld.idx.msk [tilespmem:v22+s28+$0x0], $0xffff;
	v22 =	vand.u32 $0x7, v11;
	v11 =	vand.u32 $0xFFFFFFF8, v11  }
0x4eb: {  	v38 =	vand.u32 $0x7, v60;
	v60 =	vld.idx.msk [tilespmem:v2+s28+$0x0], $0xffff;
	v12 =	vor.u32 v28, v12;
	v11 =	vadd.s32 s1, v11  }
0x4ec: {  	v37 =	vand.u32 $0x7, v15;
	v15 =	vand.u32 $0xFFFFFFF8, v15;
	v4 =	vld.idx.msk [tilespmem:v20+s28+$0x0], $0xffff;
	v22 =	vor.u32 v22, v11  }
0x4ed: {  	v32 =	vand.u32 $0x7, v61;
	v43 =	vld.idx.msk [tilespmem:v8+s30+$0x0], $0xffff;
	v8 =	vadd.s32 s1, v15  }
0x4ee: {  	v44 =	vand.u32 $0xFFFFFFF8, v62;
	v7 =	vor.u32 v37, v8;
	v8 =	vadd.s32 s20, v29;
	v29 =	vld.idx.msk [tilespmem:v13+s30+$0x0], $0xffff  }
0x4ef: {  	v36 =	vand.u32 $0x7, v47;
	v42 =	vand.u32 $0xFFFFFFF8, v61;
	v20 =	vand.u32 $0x7, v27;
	v10 =	vld.idx.msk [tilespmem:v10+s30+$0x0], $0xffff  }
0x4f0: {  	v24 =	vand.u32 $0x7, v14;
	v23 =	vand.u32 $0xFFFFFFF8, v27;
	v27 =	vand.u32 $0xFFFFFFF8, v14;
	v12 =	vld.idx.msk [tilespmem:v12+s30+$0x0], $0xffff  }
0x4f1: {  	v14 =	vand.u32 $0x7, v25;
	v9 =	vor.u32 v9, v8;
	v8 =	vadd.s32 s20, v30;
	v37 =	vld.idx.msk [tilespmem:v22+s30+$0x0], $0xffff  }
0x4f2: {  	v13 =	vand.u32 $0x7, v35;
	v30 =	vor.u32 v38, v8;
	v22 =	vand.u32 $0xFFFFFFF8, v35;
	v35 =	vmovc v3;
	v3 =	vld [tilespmem:$0x1FAE0]  }
0x4f3: {  	v15 =	vadd.s32 s17, v23;
	v23 =	vand.u32 $0xFFFFFFF8, v25;
	v25 =	vadd.s32 s16, v44;
	v44 =	vmovc v36;
	v36 =	vld [tilespmem:$0x1FB80]  }
0x4f4: {  	v38 =	vor.u32 v20, v15;
	v15 =	vmul.f32 v43, v19;
	v43 =	vld [tilespmem:$0x1FAC0];
	v10 =	vmul.f32 v10, v17  }
0x4f5: {  	v2 =	vand.u32 $0x7, v31;
	v31 =	vand.u32 $0xFFFFFFF8, v31;
	v28 =	vand.u32 $0x7, v16;
	v7 =	vld.idx.msk [tilespmem:v7+s30+$0x0], $0xffff  }
0x4f6: {  	v16 =	vand.u32 $0xFFFFFFF8, v16;
	v27 =	vadd.s32 s17, v27;
	v20 =	vld.idx.msk [tilespmem:v9+s30+$0x0], $0xffff;
	v9 =	vadd.f32 v10, v15  }
0x4f7: {  	v19 =	vor.u32 v24, v27;
	[tilespmem:$0x1FB40] =	vst v0;
	v17 =	vadd.s32 s16, v42;
	v27 =	vmul.f32 v29, v3;
	v3 =	vld [tilespmem:$0x1FAF0]  }
0x4f8: {  	v0 =	vld.idx.msk [tilespmem:v41+s28+$0x0], $0xffff;
	v41 =	vand.u32 $0x7, v62;
	v15 =	vor.u32 v32, v17;
	(xrf2) =	vadd.scan.msk.f32 $0xffff, v9;
	v9 =	vadd.s32 s15, v31  }
0x4f9: {  	v17 =	vor.u32 v41, v25;
	v25 =	vadd.s32 s15, v16;
	v16 =	vor.u32 v2, v9;
	v2 =	vld [tilespmem:$0x1FB40]  }
0x4fa: {  	v18 =	vand.u32 $0x7, v6;
	v24 =	vld.idx.msk [tilespmem:v30+s30+$0x0], $0xffff  }
0x4fb: {  	v41 =	vmov v18;
	v18 =	vld.idx.msk [tilespmem:v38+s30+$0x0], $0xffff  }
0x4fc: {  	v42 =	vmov v21;
	v38 =	vld [tilespmem:$0x1FB20];
	v21 =	vmul.f32 v12, v3  }
0x4fd: {  	v3 =	vld [tilespmem:$0x1FB00]  }
0x4fe: {  	v29 =	vadd.f32 v21, v27;
	v27 =	vmul.f32 v7, v2;
	v2 =	vld [tilespmem:$0x1FB50]  }
0x4ff: {  	v31 =	vld [tilespmem:$0x1FB10]  }
0x500: {  	v26 =	vmul.f32 v37, v26;
	v37 =	vld [tilespmem:$0x1FB30]  }
0x501: {  	p0 =	sne.s32 s7, $0xFF;
	v21 =	vld.idx.msk [tilespmem:v19+s30+$0x0], $0xffff  }
.Ltmp1:
0x502: {  	v19 =	vor.u32 v28, v25;
	v25 =	vld [tilespmem:$0x1FB60];
	(pc) =	sbr.rel @p0 .LBB2_4-.Ltmp1, $4  }
0x503: {  	v45 =	vand.u32 $0x7, v40;
	v28 =	vld [tilespmem:$0x1FB70]  }
0x504: {  	v61 =	vand.u32 $0x7, v56;
	v51 =	vand.u32 $0x7, v34;
	v8 =	vand.u32 $0x7, v55;
	(xrf2) =	vadd.scan.msk.f32 $0xffff, v29;
	v29 =	vld [tilespmem:$0x1FB90]  }
0x505: {  	v11 =	vand.u32 $0x7, v54;
	v62 =	vand.u32 $0x7, v46;
	v32 =	vmovc v39;
	v39 =	vmovc v6;
	v10 =	vand.u32 $0x7, v52;
	v6 =	vld.idx.msk [tilespmem:v3+s28+$0x0], $0xffff  }
0x506: {  	s7 =	sadd.s32 $0x10, s7;
	v30 =	vmovc v4;
	v9 =	vand.u32 $0x7, v49;
	v12 =	vand.u32 $0x7, v53;
	v7 =	vand.u32 $0x7, v50;
	v3 =	vld.idx.msk [tilespmem:v2+s28+$0x0], $0xffff  }
0x507: {  	_ =	sdelay $0x2  }
0x508: {  	v2 =	vadd.f32 v27, v26;
	v20 =	vmul.f32 v20, v57  }
0x509: {  	v1 =	vmul.f32 v24, v1;
	v23 =	vadd.s32 s14, v23;
	v15 =	vld.idx.msk [tilespmem:v15+s30+$0x0], $0xffff;
	v22 =	vadd.s32 s14, v22  }
0x50a: {  	v17 =	vld.idx.msk [tilespmem:v17+s30+$0x0], $0xffff;
	v24 =	vand.u32 $0xFFFFFFF8, v54;
	v18 =	vmul.f32 v18, v48;
	v54 =	vand.u32 $0xFFFFFFF8, v55  }
0x50b: {  	v26 =	vld [tilespmem:$0x1FC70];
	v21 =	vmul.f32 v21, v59;
	v55 =	vand.u32 $0xFFFFFFF8, v53;
	v59 =	vand.u32 $0xFFFFFFF8, v52  }
0x50c: {  	v16 =	vld.idx.msk [tilespmem:v16+s30+$0x0], $0xffff;
	v52 =	vand.u32 $0xFFFFFFF8, v49;
	v53 =	vand.u32 $0xFFFFFFF8, v50;
	v14 =	vor.u32 v14, v23  }
0x50d: {  	v19 =	vld.idx.msk [tilespmem:v19+s30+$0x0], $0xffff;
	v13 =	vor.u32 v13, v22;
	v27 =	vadd.s32 s11, v24;
	v22 =	vadd.s32 s11, v54  }
0x50e: {  	v57 =	vld [tilespmem:$0x1FC90];
	v23 =	vadd.s32 s13, v55;
	v11 =	vor.u32 v11, v27;
	v8 =	vor.u32 v8, v22  }
0x50f: {  	v48 =	vld [tilespmem:$0x1FCB0];
	v18 =	vadd.f32 v21, v18;
	v12 =	vor.u32 v12, v23;
	v23 =	vadd.s32 s12, v53  }
0x510: {  	v55 =	vld [tilespmem:$0x1FCD0];
	v27 =	vadd.s32 s13, v59;
	v7 =	vor.u32 v7, v23;
	v23 =	vand.u32 $0xFFFFFFF8, v34  }
0x511: {  	v21 =	vadd.s32 s12, v52;
	v52 =	vld [tilespmem:$0x1FC30];
	v10 =	vor.u32 v10, v27;
	v27 =	vadd.s32 s9, v23  }
0x512: {  	v34 =	vor.u32 v51, v27;
	v51 =	vld [tilespmem:$0x1FC10]  }
0x513: {  	v14 =	vld.idx.msk [tilespmem:v14+s30+$0x0], $0xffff  }
0x514: {  	v9 =	vor.u32 v9, v21;
	v13 =	vld.idx.msk [tilespmem:v13+s30+$0x0], $0xffff  }
0x515: {  	v11 =	vld.idx.msk [tilespmem:v11+s30+$0x0], $0xffff  }
0x516: {  	v8 =	vld.idx.msk [tilespmem:v8+s30+$0x0], $0xffff  }
0x517: {  	v12 =	vld.idx.msk [tilespmem:v12+s30+$0x0], $0xffff  }
0x518: {  	v1 =	vadd.f32 v1, v20;
	v20 =	vld.idx.msk [tilespmem:v26+s28+$0x0], $0xffff  }
0x519: {  	v16 =	vmul.f32 v16, v60;
	v19 =	vmul.f32 v19, v63;
	v24 =	vld.idx.msk [tilespmem:v9+s30+$0x0], $0xffff  }
0x51a: {  	v15 =	vmul.f32 v15, v58;
	v7 =	vld.idx.msk [tilespmem:v7+s30+$0x0], $0xffff  }
0x51b: {  	v0 =	vmul.f32 v17, v0;
	v58 =	vand.u32 $0xFFFFFFF8, v56;
	v54 =	vadd.f32 v19, v16;
	v16 =	vld.idx.msk [tilespmem:v55+s28+$0x0], $0xffff  }
0x51c: {  	(xrf2) =	vadd.scan.msk.f32 $0xffff, v2;
	v60 =	vadd.s32 s10, v58;
	v2 =	vmul.f32 v11, v3;
	v3 =	vld.idx.msk [tilespmem:v38+s28+$0x0], $0xffff  }
0x51d: {  	v0 =	vadd.f32 v0, v15;
	v63 =	vor.u32 v61, v60;
	v22 =	vld.idx.msk [tilespmem:v57+s28+$0x0], $0xffff  }
0x51e: {  	(xrf2) =	vadd.scan.msk.f32 $0xffff, v1;
	v17 =	vld.idx.msk [tilespmem:v48+s28+$0x0], $0xffff;
	v57 =	vand.u32 $0xFFFFFFF8, v46;
	v5 =	vmul.f32 v14, v5;
	v6 =	vmul.f32 v13, v6  }
0x51f: {  	(xrf2) =	vadd.scan.msk.f32 $0xffff, v18;
	v10 =	vld.idx.msk [tilespmem:v10+s30+$0x0], $0xffff;
	v59 =	vadd.s32 s10, v57;
	v1 =	vmul.f32 v8, v20  }
0x520: {  	v21 =	vand.u32 $0xFFFFFFF8, v40;
	v46 =	vld.idx.msk [tilespmem:v43+s28+$0x0], $0xffff;
	(xrf2) =	vadd.scan.msk.f32 $0xffff, v0;
	v62 =	vor.u32 v62, v59;
	v5 =	vadd.f32 v6, v5  }
0x521: {  	v55 =	vld [tilespmem:$0x1FC40];
	(xrf2) =	vadd.scan.msk.f32 $0xffff, v54;
	v8 =	vmul.f32 v24, v16;
	v1 =	vadd.f32 v1, v2;
	v3 =	vmul.f32 v7, v3  }
0x522: {  	v39 =	vand.u32 $0xFFFFFFF8, v39;
	v26 =	vadd.s32 s9, v21;
	v38 =	vand.u32 $0xFFFFFFF8, v47;
	v14 =	vld.idx.msk [tilespmem:v63+s30+$0x0], $0xffff;
	(xrf2) =	vadd.scan.msk.f32 $0xffff, v5  }
0x523: {  	v6 =	vor.u32 v45, v26;
	v11 =	vadd.s32 s8, v38;
	(xrf2) =	vadd.scan.msk.f32 $0xffff, v1;
	v1 =	vadd.f32 v3, v8;
	v3 =	vld [tilespmem:$0x1FC50]  }
0x524: {  	v45 =	vadd.s32 s8, v39;
	v11 =	vor.u32 v44, v11;
	v2 =	vld.idx.msk [tilespmem:v31+s28+$0x0], $0xffff  }
0x525: {  	v13 =	vor.u32 v41, v45;
	v40 =	vld.idx.msk [tilespmem:v62+s30+$0x0], $0xffff  }
0x526: {  	v9 =	vld.idx.msk [tilespmem:v34+s30+$0x0], $0xffff;
	v0 =	vmul.f32 v12, v22;
	v10 =	vmul.f32 v10, v17  }
0x527: {  	v48 =	vand.u32 $0xFFFFFFF8, v35;
	v59 =	vld [tilespmem:$0x1FC20]  }
0x528: {  	v0 =	vadd.f32 v10, v0;
	v7 =	vadd.s32 s25, v48;
	v5 =	vld.idx.msk [tilespmem:v6+s30+$0x0], $0xffff  }
0x529: {  	v50 =	vand.u32 $0xFFFFFFF8, v36;
	v47 =	vand.u32 $0xFFFFFFF8, v29;
	v7 =	vor.u32 v37, v7;
	v11 =	vld.idx.msk [tilespmem:v11+s30+$0x0], $0xffff  }
0x52a: {  	v6 =	vadd.s32 s25, v47;
	(xrf2) =	vadd.scan.msk.f32 $0xffff, v0;
	v13 =	vld.idx.msk [tilespmem:v13+s30+$0x0], $0xffff;
	v49 =	vmul.f32 v40, v33;
	v0 =	vmul.f32 v14, v2  }
0x52b: {  	v10 =	vadd.s32 s0, v50;
	v6 =	vor.u32 v42, v6;
	v3 =	vld.idx.msk [tilespmem:v3+s28+$0x0], $0xffff  }
0x52c: {  	v9 =	vmul.f32 v9, v46;
	v2 =	vand.u32 $0x7, v36;
	v0 =	vadd.f32 v0, v49  }
0x52d: {  	v53, _, _ =	vpop (xrf2);
	v14 =	vld.idx.msk [tilespmem:v55+s28+$0x0], $0xffff;
	v2 =	vor.u32 v2, v10;
	(xrf2) =	vadd.scan.msk.f32 $0xffff, v1;
	v1 =	vand.u32 $0xFFFFFFF8, v25;
	v5 =	vmul.f32 v5, v32  }
0x52e: {  	v56 =	vand.u32 $0x7, v25;
	v54, _, _ =	vpop (xrf2);
	v10 =	vor.u32 v51, v52;
	v1 =	vadd.s32 s0, v1;
	v7 =	vld.idx.msk [tilespmem:v7+s30+$0x0], $0xffff  }
0x52f: {  	v57, _, _ =	vpop (xrf2);
	v1 =	vor.u32 v56, v1;
	v5 =	vadd.f32 v9, v5  }
0x530: {  	v6 =	vld.idx.msk [tilespmem:v6+s30+$0x0], $0xffff;
	(xrf2) =	vadd.scan.msk.f32 $0xffff, v0;
	v11 =	vmul.f32 v11, v30;
	v0, _, _ =	vpop (xrf2);
	v3 =	vmul.f32 v13, v3  }
0x531: {  	v16 =	vld.idx.msk [tilespmem:v59+s28+$0x0], $0xffff;
	v58, _, _ =	vpop (xrf2)  }
0x532: {  	v2 =	vld.idx.msk [tilespmem:v2+s30+$0x0], $0xffff;
	v60, _, _ =	vpop (xrf2);
	v3 =	vadd.f32 v3, v11  }
0x533: {  	v10 =	vld.idx.msk [tilespmem:v10+s28+$0x0], $0xffff;
	(xrf2) =	vadd.scan.msk.f32 $0xffff, v5;
	v7 =	vmul.f32 v7, v14;
	v5, _, _ =	vpop (xrf2)  }
0x534: {  	v1 =	vld.idx.msk [tilespmem:v1+s30+$0x0], $0xffff;
	v61, _, _ =	vpop (xrf2)  }
0x535: {  	v6 =	vmul.f32 v6, v28;
	v62, _, _ =	vpop (xrf2)  }
0x536: {  	(xrf2) =	vadd.scan.msk.f32 $0xffff, v3;
	v3, _, _ =	vpop (xrf2)  }
0x537: {  	v6 =	vadd.f32 v7, v6;
	v2 =	vmul.f32 v2, v16;
	v7, _, _ =	vpop (xrf2)  }
0x538: {  	v3 =	vbroadcast v3, $0xF;
	v7 =	vbroadcast v7, $0xF  }
0x539: {  	v1 =	vmul.f32 v1, v10;
	(xrf2) =	vadd.scan.msk.f32 $0xffff, v6;
	v6 =	vbroadcast v62, $0xF  }
0x53a: {  	v63, _, _ =	vpop (xrf2);
	v3 =	vsel vm0, v3, v7;
	v7 =	vbroadcast v61, $0xF  }
0x53b: {  	v1 =	vadd.f32 v1, v2;
	v2 =	vbroadcast v63, $0xF;
	v3 =	vsel vm1, v3, v6  }
0x53c: {  	v5 =	vbroadcast v5, $0xF;
	v3 =	vsel vm2, v3, v7  }
0x53d: {  	v2 =	vsel vm3, v3, v2;
	v3 =	vbroadcast v60, $0xF  }
0x53e: {  	v2 =	vsel vm4, v2, v5  }
0x53f: {  	(xrf2) =	vadd.scan.msk.f32 $0xffff, v1;
	v1, _, _ =	vpop (xrf2);
	v2 =	vsel vm5, v2, v3  }
0x540: {  	v1 =	vbroadcast v1, $0xF  }
0x541: {  	v3 =	vbroadcast v58, $0xF  }
0x542: {  	v0 =	vbroadcast v0, $0xF;
	v1 =	vsel vm6, v2, v1;
	v2, _, _ =	vpop (xrf2)  }
0x543: {  	v1 =	vsel vm7, v1, v3;
	v2 =	vbroadcast v2, $0xF  }
0x544: {  	v0 =	vsel vm8, v1, v0;
	v1 =	vbroadcast v57, $0xF  }
0x545: {  	v3, _, _ =	vpop (xrf2);
	v0 =	vsel vm9, v0, v2  }
0x546: {  	v2 =	vbroadcast v54, $0xF;
	v0 =	vsel vm10, v0, v1;
	v1 =	vbroadcast v3, $0xF;
	_ =	sdelay $0x1  }
0x547: {  	v0 =	vsel vm11, v0, v2;
	v2 =	vbroadcast v53, $0xF  }
0x548: {  	v0 =	vsel vm12, v0, v1  }
0x549: {  	v0 =	vsel vm13, v0, v2;
	v1, _, _ =	vpop (xrf2)  }
0x54a: {  	s25 =	sadd.s32 $0x10, s22;
	v0 =	vsel vm14, v0, v1  }
0x54b: {  	[tilespmem:s25+$0x0] =	vst v0  }
0x54c: {  	v4 =	vld [tilespmem:$0x1FFF0];
	_ =	swait.ge [sflag:s31], $0x80  }
0x54d: {  	[sflag:s31] =	ssyncset.done $0x0  }
0x54e: {  	[sflag:s31] =	ssyncadd.s32 $0xFFFFFF80  }
0x54f: {  	_ =	swait.ge [sflag:s5], $0x80  }
0x550: {  	[sflag:s5] =	ssyncset.done $0x0  }
0x551: {  	[sflag:s5] =	ssyncadd.s32 $0xFFFFFF80  }
0x552: {  	_ =	swait.ge [sflag:s31], $0x80  }
0x553: {  	[sflag:s31] =	ssyncset.done $0x0  }
0x554: {  	[sflag:s31] =	ssyncadd.s32 $0xFFFFFF80  }
0x555: {  	_ =	swait.ge [sflag:s5], $0x80  }
0x556: {  	[sflag:s5] =	ssyncset.done $0x0  }
0x557: {  	[sflag:s5] =	ssyncadd.s32 $0xFFFFFF80  }
0x558: {  	_ =	swait.ge [sflag:s31], $0x80  }
0x559: {  	[sflag:s31] =	ssyncset.done $0x0  }
0x55a: {  	[sflag:s31] =	ssyncadd.s32 $0xFFFFFF80  }
0x55b: {  	_ =	swait.ge [sflag:s5], $0x80  }
0x55c: {  	[sflag:s5] =	ssyncset.done $0x0  }
0x55d: {  	[sflag:s5] =	ssyncadd.s32 $0xFFFFFF80  }
0x55e: {  	_ =	swait.ge [sflag:s31], $0x80  }
0x55f: {  	[sflag:s31] =	ssyncset.done $0x0  }
0x560: {  	[sflag:s31] =	ssyncadd.s32 $0xFFFFFF80  }
0x561: {  	_ =	swait.ge [sflag:s5], $0x80  }
0x562: {  	[sflag:s5] =	ssyncset.done $0x0  }
0x563: {  	s0 =	simm.s32 $0x0;
	[sflag:s5] =	ssyncadd.s32 $0xFFFFFF80  }
0x564: {  	s1 =	simm.s32 $0x40;
	s16 =	simm.s32 $0x10E00;
	v0 =	vld [tilespmem:s0+$0x800]  }
.LBB2_6:
0x565: {  	p0 =	sne.s32 s1, $0x7C0;
	v1 =	vld [tilespmem:s0+$0x10E00];
	_ =	sdelay $0x1  }
0x566: {  	v2 =	vld [tilespmem:s0+$0x10A00];
	_ =	sdelay $0x1  }
0x567: {  	v3 =	vld [tilespmem:s0+$0x10C00]  }
0x568: {  	v0 =	vadd.f32 v0, v1;
	_ =	sdelay $0x1  }
.Ltmp2:
0x569: {  	v0 =	vadd.f32 v2, v0;
	(pc) =	sbr.rel @p0 .LBB2_6-.Ltmp2, $4  }
0x56a: {  	_ = 	snop  }
0x56b: {  	v1 =	vadd.f32 v3, v0  }
0x56c: {  	s2 =	sshra.s32 s1, $0x2  }
0x56d: {  	s1 =	sadd.s32 $0x40, s1;
	v0 =	vld [tilespmem:s2+$0x800];
	[tilespmem:s0+$0x10E00] =	vst v1;
	s0 =	smov.u32 s2  }
0x56e: {  	v1 =	vld [tilespmem:s0+$0x10E00];
	_ =	sdelay $0x1  }
0x56f: {  	v2 =	vld [tilespmem:s0+$0x10A00];
	_ =	sdelay $0x1  }
0x570: {  	v3 =	vld [tilespmem:s0+$0x10C00]  }
0x571: {  	v0 =	vadd.f32 v0, v1;
	_ =	sdelay $0x1  }
0x572: {  	v0 =	vadd.f32 v2, v0;
	_ =	sdelay $0x1  }
0x573: {  	v0 =	vadd.f32 v3, v0;
	_ =	sdelay $0x1  }
0x574: {  	s24 =	rddreg [dreg:$0x12];
	[tilespmem:s0+$0x10E00] =	vst v0  }
0x575: {  	[hbm4b:s24+s6] =	stream.linear.scatter [tilespmem:s16], [sflag:$0x5], $0x200, $0x38;
	[tilespmem:$0x11000] =	vst v63  }
0x576: {  	_ =	swait.ge [sflag:s18], $0x200  }
0x577: {  	s21 =	sadd.s32 $0x1, s21;
	s25 =	rddreg [dreg:$0x13]  }
0x578: {  	p0 =	sne.s32 s21, s25  }
.Ltmp3:
0x579: {  	_ = 	snop;
	(pc) =	sbr.rel @p0 .LBB2_1-.Ltmp3, $4  }
0x57a: {  	_ = 	snop  }
0x57b: {  	v18 =	vimm.s32 $0x1;
	v8 =	vimm.s32 $0xA  }
0x57c: {  	v9 =	vimm.s32 $0xB;
	v10 =	vimm.s32 $0xC;
	v11 =	vimm.s32 $0xD;
	[sflag:s18] =	ssyncset.done $0x0  }
0x57d: {  	v12 =	vimm.s32 $0xE;
	v13 =	vimm.s32 $0xF;
	v2 =	vlaneseq.u32;
	[sflag:s18] =	ssyncadd.s32 $0xFFFFFE00  }
0x57e: {  	_ =	sfence.sel $0x180000  }
0x57f: {  	[bflag:$0x0] =	sbarrier.arrive $0xFFFF  }
0x580: {  	_ =	strace $0x90000047  }
0x581: {  	s0 =	stileid.u32;
	[bflag:$0x2] =	sbarrier.arrive $0xFFFF  }
0x582: {  	p0 =	sne.s32 s0, $0x0;
	s0 =	rddreg [dreg:$0x8]  }
0x583: {  	s0 =	sadd.s32 @!p0 $0x100000, s0  }
0x584: {  	[sflag:s0] =	ssyncadd.tile.s32 @!p0 $0x1;
	_ =	shalt  }
.Lfunc_end2:
_tile_overlayer_lowered:
.L_overlay_start_2:
0x585: {  	(tag) =	ssettag $0x2  }
0x586: {  	s0 =	rddreg [dreg:$0x0];
	s2 =	stileid.u32  }
0x587: {  	s1 =	rddreg [dreg:$0x1];
	p0 =	sne.s32 s2, $0x0  }
0x588: {  	s3 =	rddreg [dreg:$0x2];
	[bflag:$0x3] =	sbarrier.arrive $0xFFFF;
	s2 =	simm.s32 @!p0 $0x1C05  }
0x589: {  	[timem:s3], [sflag:s2] =	dma.local @!p0 [hbm:s0], s1  }
0x58a: {  	s0 =	simm.s32 @!p0 $0x5  }
0x58b: {  	_ =	swait.ge @!p0 [sflag:s0], s1  }
0x58c: {  	s1 =	ssub.s32 @!p0 $0x0, s1;
	[sflag:s0] =	ssyncset.done @!p0 $0x0  }
0x58d: {  	[sflag:s0] =	ssyncadd.s32 @!p0 s1  }
0x58e: {  	[bflag:$0x3] =	sbarrier.arrive $0xFFFF  }
0x58f: {  	_ =	shalt  }

</sc_bundles>
